<compile_context>
chip_gen: v7x
topology: tpu7x:2x2x1
jax: 0.10.2.dev20260603
libtpu: 0.0.44.dev20260713+nightly
codegen_flags: <defaults>
</compile_context>

<pallas_src>
import functools

import jax
import jax.numpy as jnp
from jax import lax
from jax.experimental import pallas as pl
from jax.experimental.pallas import tpu as pltpu, tpu_sc as plsc

NUM_EMBED = 8192
EMBED_DIM = 64

_info = plsc.get_sparse_core_info()
_NC, _NS = _info.num_cores, _info.num_subcores
_NW = _NC * _NS

_B = 256 * 32 * 32
_BPW = _B // _NW
_C = 128
_NCHUNK = _BPW // _C


def _gather_sc(table_padded, idx):
    mesh = plsc.VectorSubcoreMesh(core_axis_name="c", subcore_axis_name="s")

    @functools.partial(
        pl.kernel,
        mesh=mesh,
        out_type=jax.ShapeDtypeStruct((_B, 2 * EMBED_DIM), jnp.float32),
        scratch_types=[
            pltpu.VMEM((_BPW,), jnp.int32),
            pltpu.VMEM((_C, 2 * EMBED_DIM), jnp.float32),
            pltpu.VMEM((_C, 2 * EMBED_DIM), jnp.float32),
            pltpu.VMEM_SHARED((NUM_EMBED, 2 * EMBED_DIM), jnp.float32),
            pltpu.SemaphoreType.DMA,
            pltpu.SemaphoreType.DMA,
            pltpu.SemaphoreType.DMA,
            pltpu.SemaphoreType.DMA,
        ],
    )
    def k(table_hbm, idx_hbm, out_hbm, idx_all, rows0, rows1, spt, sg0, sg1,
          ss0, ss1):
        sid = lax.axis_index("s")
        wid = sid * _NC + lax.axis_index("c")
        base = wid * _BPW

        rpw = NUM_EMBED // _NS
        pltpu.sync_copy(table_hbm.at[pl.ds(sid * rpw, rpw)],
                        spt.at[pl.ds(sid * rpw, rpw)])
        pltpu.sync_copy(idx_hbm.at[pl.ds(base, _BPW)], idx_all)
        plsc.subcore_barrier()

        rows, sg, ss = [rows0, rows1], [sg0, sg1], [ss0, ss1]
        gathers = [None] * _NCHUNK
        stores = [None] * _NCHUNK
        for i in range(_NCHUNK):
            b = i % 2
            if i >= 2:
                stores[i - 2].wait()
            gathers[i] = pltpu.async_copy(
                spt.at[idx_all.at[pl.ds(i * _C, _C)]], rows[b], sg[b])
            if i >= 1:
                gathers[i - 1].wait()
                stores[i - 1] = pltpu.async_copy(
                    rows[1 - b],
                    out_hbm.at[pl.ds(base + (i - 1) * _C, _C)],
                    ss[1 - b])
        last = _NCHUNK - 1
        gathers[last].wait()
        stores[last] = pltpu.async_copy(
            rows[last % 2],
            out_hbm.at[pl.ds(base + last * _C, _C)],
            ss[last % 2])
        stores[last - 1].wait()
        stores[last].wait()

    return k(table_padded, idx)


def kernel(templat, input):
    idx = input.reshape(-1).astype(jnp.int32)
    table_padded = jnp.pad(templat, ((0, 0), (0, EMBED_DIM)))
    out = _gather_sc(table_padded, idx)
    return out[:, :EMBED_DIM].reshape(input.shape + (EMBED_DIM,))

# --- scband reference (transcript-rebuilt; emitter-appended) ---
"""Pipeline reference for scband-codebook-20890720928596 (READ-ONLY COPY).

The authoritative reference and input builder live on the scoring server;
editing this copy changes nothing except your own understanding.
"""

import jax, jax.numpy as jnp
import numpy as np

NUM_EMBED = 8192
EMBED_DIM = 64

def setup_inputs(seed: int = 0) -> dict:
    key = jax.random.key(seed)
    k1, k2 = jax.random.split(key)
    # nn.Embedding weight initialized uniform(-1/n, 1/n) as in Codebook.__init__
    templat = jax.random.uniform(
        k1, (NUM_EMBED, EMBED_DIM), dtype=jnp.float32,
        minval=-1.0 / NUM_EMBED, maxval=1.0 / NUM_EMBED)
    # indices in shape (b, h, w)
    input = jax.random.randint(k2, (256, 32, 32), 0, NUM_EMBED)
    return {"templat": templat, "input": input}

def reference(templat, input):
    # Codebook.forward: output = self.templat(input) -> embedding gather
    # input: (b, h, w) int -> output: (b, h, w, c)
    output = jnp.take(templat, input, axis=0)
    return output

if __name__ == "__main__":
    import jax
    _d = setup_inputs()
    print(jax.jit(kernel)(*tuple(_d.values())))

</pallas_src>

<mosaic_0001>
#map = affine_map<(d0, d1) -> (0, 0)>
#map1 = affine_map<(d0, d1) -> (0)>
module attributes {stable_mosaic.version = 14 : i64} {
  func.func @k(%arg0: i32, %arg1: i32, %arg2: memref<8192x128xf32, #tpu.memory_space<hbm>>, %arg3: memref<262144xi32, #tpu.memory_space<hbm>>, %arg4: memref<262144x128xf32, #tpu.memory_space<hbm>>, %arg5: memref<8192xi32, #tpu.memory_space<vmem>>, %arg6: memref<128x128xf32, #tpu.memory_space<vmem>>, %arg7: memref<128x128xf32, #tpu.memory_space<vmem>>, %arg8: memref<8192x128xf32, #tpu.memory_space<vmem_shared>>, %arg9: memref<!tpu.dma_semaphore, #tpu.memory_space<semaphore_mem>>, %arg10: memref<!tpu.dma_semaphore, #tpu.memory_space<semaphore_mem>>, %arg11: memref<!tpu.dma_semaphore, #tpu.memory_space<semaphore_mem>>, %arg12: memref<!tpu.dma_semaphore, #tpu.memory_space<semaphore_mem>>) attributes {dimension_semantics = [#tpu.dimension_semantics<core_parallel>, #tpu.dimension_semantics<subcore_parallel>], iteration_bounds = array<i64: 2, 16>, scalar_prefetch = 0 : i64, scratch_operands = 8 : i64, tpu.core_type = #tpu.core_type<sc_vector_subcore>, window_params = [{transform_indices = #map}, {transform_indices = #map1}, {transform_indices = #map}]} {
    %mul3A = arith.constant 2 : i32
    %mul3A_0 = arith.muli %arg1, %mul3A : i32
    %add3A = arith.addi %mul3A_0, %arg0 : i32
    %mul3A_1 = arith.constant 8192 : i32
    %mul3A_2 = arith.muli %add3A, %mul3A_1 : i32
    %mul3A_3 = arith.constant 512 : i32
    %mul3A_4 = arith.muli %arg1, %mul3A_3 : i32
    %mul3A_5 = arith.constant 512 : i32
    %mul3A_6 = arith.muli %arg1, %mul3A_5 : i32
    "tpu.region"() ({
      %run_scoped3A = tpu.sem_alloc : memref<!tpu.dma_semaphore, #tpu.memory_space<semaphore_mem>>
      %dma_start3A_1285 = arith.constant 0 : i32
      %dma_start3A_1286 = tpu.memref_slice %arg8[%mul3A_6, %dma_start3A_1285] : memref<8192x128xf32, #tpu.memory_space<vmem_shared>> -> memref<512x128xf32, #tpu.memory_space<vmem_shared>>
      %dma_start3A_1287 = arith.constant 0 : i32
      %dma_start3A_1288 = tpu.memref_slice %arg2[%mul3A_4, %dma_start3A_1287] : memref<8192x128xf32, #tpu.memory_space<hbm>> -> memref<512x128xf32, #tpu.memory_space<hbm>>
      tpu.enqueue_dma source(%dma_start3A_1288 : memref<512x128xf32, #tpu.memory_space<hbm>>) target(%dma_start3A_1286 : memref<512x128xf32, #tpu.memory_space<vmem_shared>>) target_semaphore(%run_scoped3A : memref<!tpu.dma_semaphore, #tpu.memory_space<semaphore_mem>>)
      %dma_wait3A_1289 = arith.constant 0 : i32
      %dma_wait3A_1290 = tpu.memref_slice %arg8[%mul3A_6, %dma_wait3A_1289] : memref<8192x128xf32, #tpu.memory_space<vmem_shared>> -> memref<512x128xf32, #tpu.memory_space<vmem_shared>>
      %dma_wait3A_1291 = arith.constant 0 : i32
      %dma_wait3A_1292 = tpu.memref_slice %arg2[%mul3A_4, %dma_wait3A_1291] : memref<8192x128xf32, #tpu.memory_space<hbm>> -> memref<512x128xf32, #tpu.memory_space<hbm>>
      tpu.wait_dma2 semaphore(%run_scoped3A : memref<!tpu.dma_semaphore, #tpu.memory_space<semaphore_mem>>) src(%dma_wait3A_1292 : memref<512x128xf32, #tpu.memory_space<hbm>>) dst(%dma_wait3A_1290 : memref<512x128xf32, #tpu.memory_space<vmem_shared>>)
      tpu.yield
    }) : () -> ()
    "tpu.region"() ({
      %run_scoped3A = tpu.sem_alloc : memref<!tpu.dma_semaphore, #tpu.memory_space<semaphore_mem>>
      %dma_start3A_1285 = tpu.memref_slice %arg3[%mul3A_2] : memref<262144xi32, #tpu.memory_space<hbm>> -> memref<8192xi32, #tpu.memory_space<hbm>>
      %dma_start3A_1286 = tpu.memref_slice %arg3[%mul3A_2] : memref<262144xi32, #tpu.memory_space<hbm>> -> memref<8192xi32, #tpu.memory_space<hbm>>
      tpu.enqueue_dma source(%dma_start3A_1286 : memref<8192xi32, #tpu.memory_space<hbm>>) target(%arg5 : memref<8192xi32, #tpu.memory_space<vmem>>) target_semaphore(%run_scoped3A : memref<!tpu.dma_semaphore, #tpu.memory_space<semaphore_mem>>)
      %dma_wait3A_1287 = tpu.memref_slice %arg3[%mul3A_2] : memref<262144xi32, #tpu.memory_space<hbm>> -> memref<8192xi32, #tpu.memory_space<hbm>>
      %dma_wait3A_1288 = tpu.memref_slice %arg3[%mul3A_2] : memref<262144xi32, #tpu.memory_space<hbm>> -> memref<8192xi32, #tpu.memory_space<hbm>>
      tpu.wait_dma2 semaphore(%run_scoped3A : memref<!tpu.dma_semaphore, #tpu.memory_space<semaphore_mem>>) src(%dma_wait3A_1288 : memref<8192xi32, #tpu.memory_space<hbm>>) dst(%arg5 : memref<8192xi32, #tpu.memory_space<vmem>>)
      tpu.yield
    }) : () -> ()
    %barrier3A = arith.constant 0 : index
    tpu.barrier barrier_id(%barrier3A)
    %dma_start3A = arith.constant 0 : i32
    %dma_start3A_7 = tpu.memref_slice %arg5[%dma_start3A] : memref<8192xi32, #tpu.memory_space<vmem>> -> memref<128xi32, #tpu.memory_space<vmem>>
    %dma_start3A_8 = arith.constant 0 : i32
    %dma_start3A_9 = arith.constant 0 : i32
    %dma_start3A_10 = tpu.memref_slice %arg8[%dma_start3A_8, %dma_start3A_9] : memref<8192x128xf32, #tpu.memory_space<vmem_shared>> -> memref<8192x128xf32, #tpu.memory_space<vmem_shared>>
    tpu.enqueue_indirect_dma source(%dma_start3A_10 : memref<8192x128xf32, #tpu.memory_space<vmem_shared>>) target(%arg6 : memref<128x128xf32, #tpu.memory_space<vmem>>) offsets(%dma_start3A_7 : memref<128xi32, #tpu.memory_space<vmem>>) semaphore(%arg9 : memref<!tpu.dma_semaphore, #tpu.memory_space<semaphore_mem>>)
    %dma_start3A_11 = arith.constant 128 : i32
    %dma_start3A_12 = tpu.memref_slice %arg5[%dma_start3A_11] : memref<8192xi32, #tpu.memory_space<vmem>> -> memref<128xi32, #tpu.memory_space<vmem>>
    %dma_start3A_13 = arith.constant 0 : i32
    %dma_start3A_14 = arith.constant 0 : i32
    %dma_start3A_15 = tpu.memref_slice %arg8[%dma_start3A_13, %dma_start3A_14] : memref<8192x128xf32, #tpu.memory_space<vmem_shared>> -> memref<8192x128xf32, #tpu.memory_space<vmem_shared>>
    tpu.enqueue_indirect_dma source(%dma_start3A_15 : memref<8192x128xf32, #tpu.memory_space<vmem_shared>>) target(%arg7 : memref<128x128xf32, #tpu.memory_space<vmem>>) offsets(%dma_start3A_12 : memref<128xi32, #tpu.memory_space<vmem>>) semaphore(%arg10 : memref<!tpu.dma_semaphore, #tpu.memory_space<semaphore_mem>>)
    %dma_wait3A = arith.constant 0 : i32
    %dma_wait3A_16 = tpu.memref_slice %arg5[%dma_wait3A] : memref<8192xi32, #tpu.memory_space<vmem>> -> memref<128xi32, #tpu.memory_space<vmem>>
    %dma_wait3A_17 = arith.constant 0 : i32
    %dma_wait3A_18 = arith.constant 0 : i32
    %dma_wait3A_19 = tpu.memref_slice %arg8[%dma_wait3A_17, %dma_wait3A_18] : memref<8192x128xf32, #tpu.memory_space<vmem_shared>> -> memref<8192x128xf32, #tpu.memory_space<vmem_shared>>
    tpu.wait_indirect_dma semaphore(%arg9 : memref<!tpu.dma_semaphore, #tpu.memory_space<semaphore_mem>>) src(%dma_wait3A_19 : memref<8192x128xf32, #tpu.memory_space<vmem_shared>>) dst(%arg6 : memref<128x128xf32, #tpu.memory_space<vmem>>)
    %add3A_20 = arith.constant 0 : i32
    %add3A_21 = arith.addi %mul3A_2, %add3A_20 : i32
    %dma_start3A_22 = arith.constant 0 : i32
    %dma_start3A_23 = tpu.memref_slice %arg4[%add3A_21, %dma_start3A_22] : memref<262144x128xf32, #tpu.memory_space<hbm>> -> memref<128x128xf32, #tpu.memory_space<hbm>>
    %dma_start3A_24 = arith.constant 0 : i32
    %dma_start3A_25 = tpu.memref_slice %arg4[%add3A_21, %dma_start3A_24] : memref<262144x128xf32, #tpu.memory_space<hbm>> -> memref<128x128xf32, #tpu.memory_space<hbm>>
    tpu.enqueue_dma source(%arg6 : memref<128x128xf32, #tpu.memory_space<vmem>>) target(%dma_start3A_25 : memref<128x128xf32, #tpu.memory_space<hbm>>) target_semaphore(%arg11 : memref<!tpu.dma_semaphore, #tpu.memory_space<semaphore_mem>>)
    %dma_wait3A_26 = arith.constant 0 : i32
    %dma_wait3A_27 = tpu.memref_slice %arg4[%add3A_21, %dma_wait3A_26] : memref<262144x128xf32, #tpu.memory_space<hbm>> -> memref<128x128xf32, #tpu.memory_space<hbm>>
    %dma_wait3A_28 = arith.constant 0 : i32
    %dma_wait3A_29 = tpu.memref_slice %arg4[%add3A_21, %dma_wait3A_28] : memref<262144x128xf32, #tpu.memory_space<hbm>> -> memref<128x128xf32, #tpu.memory_space<hbm>>
    tpu.wait_dma2 semaphore(%arg11 : memref<!tpu.dma_semaphore, #tpu.memory_space<semaphore_mem>>) src(%arg6 : memref<128x128xf32, #tpu.memory_space<vmem>>) dst(%dma_wait3A_29 : memref<128x128xf32, #tpu.memory_space<hbm>>)
    %dma_start3A_30 = arith.constant 256 : i32
    %dma_start3A_31 = tpu.memref_slice %arg5[%dma_start3A_30] : memref<8192xi32, #tpu.memory_space<vmem>> -> memref<128xi32, #tpu.memory_space<vmem>>
    %dma_start3A_32 = arith.constant 0 : i32
    %dma_start3A_33 = arith.constant 0 : i32
    %dma_start3A_34 = tpu.memref_slice %arg8[%dma_start3A_32, %dma_start3A_33] : memref<8192x128xf32, #tpu.memory_space<vmem_shared>> -> memref<8192x128xf32, #tpu.memory_space<vmem_shared>>
    tpu.enqueue_indirect_dma source(%dma_start3A_34 : memref<8192x128xf32, #tpu.memory_space<vmem_shared>>) target(%arg6 : memref<128x128xf32, #tpu.memory_space<vmem>>) offsets(%dma_start3A_31 : memref<128xi32, #tpu.memory_space<vmem>>) semaphore(%arg9 : memref<!tpu.dma_semaphore, #tpu.memory_space<semaphore_mem>>)
    %dma_wait3A_35 = arith.constant 128 : i32
    %dma_wait3A_36 = tpu.memref_slice %arg5[%dma_wait3A_35] : memref<8192xi32, #tpu.memory_space<vmem>> -> memref<128xi32, #tpu.memory_space<vmem>>
    %dma_wait3A_37 = arith.constant 0 : i32
    %dma_wait3A_38 = arith.constant 0 : i32
    %dma_wait3A_39 = tpu.memref_slice %arg8[%dma_wait3A_37, %dma_wait3A_38] : memref<8192x128xf32, #tpu.memory_space<vmem_shared>> -> memref<8192x128xf32, #tpu.memory_space<vmem_shared>>
    tpu.wait_indirect_dma semaphore(%arg10 : memref<!tpu.dma_semaphore, #tpu.memory_space<semaphore_mem>>) src(%dma_wait3A_39 : memref<8192x128xf32, #tpu.memory_space<vmem_shared>>) dst(%arg7 : memref<128x128xf32, #tpu.memory_space<vmem>>)
    %add3A_40 = arith.constant 128 : i32
    %add3A_41 = arith.addi %mul3A_2, %add3A_40 : i32
    %dma_start3A_42 = arith.constant 0 : i32
    %dma_start3A_43 = tpu.memref_slice %arg4[%add3A_41, %dma_start3A_42] : memref<262144x128xf32, #tpu.memory_space<hbm>> -> memref<128x128xf32, #tpu.memory_space<hbm>>
    %dma_start3A_44 = arith.constant 0 : i32
    %dma_start3A_45 = tpu.memref_slice %arg4[%add3A_41, %dma_start3A_44] : memref<262144x128xf32, #tpu.memory_space<hbm>> -> memref<128x128xf32, #tpu.memory_space<hbm>>
    tpu.enqueue_dma source(%arg7 : memref<128x128xf32, #tpu.memory_space<vmem>>) target(%dma_start3A_45 : memref<128x128xf32, #tpu.memory_space<hbm>>) target_semaphore(%arg12 : memref<!tpu.dma_semaphore, #tpu.memory_space<semaphore_mem>>)
    %dma_wait3A_46 = arith.constant 0 : i32
    %dma_wait3A_47 = tpu.memref_slice %arg4[%add3A_41, %dma_wait3A_46] : memref<262144x128xf32, #tpu.memory_space<hbm>> -> memref<128x128xf32, #tpu.memory_space<hbm>>
    %dma_wait3A_48 = arith.constant 0 : i32
    %dma_wait3A_49 = tpu.memref_slice %arg4[%add3A_41, %dma_wait3A_48] : memref<262144x128xf32, #tpu.memory_space<hbm>> -> memref<128x128xf32, #tpu.memory_space<hbm>>
    tpu.wait_dma2 semaphore(%arg12 : memref<!tpu.dma_semaphore, #tpu.memory_space<semaphore_mem>>) src(%arg7 : memref<128x128xf32, #tpu.memory_space<vmem>>) dst(%dma_wait3A_49 : memref<128x128xf32, #tpu.memory_space<hbm>>)
    %dma_start3A_50 = arith.constant 384 : i32
    %dma_start3A_51 = tpu.memref_slice %arg5[%dma_start3A_50] : memref<8192xi32, #tpu.memory_space<vmem>> -> memref<128xi32, #tpu.memory_space<vmem>>
    %dma_start3A_52 = arith.constant 0 : i32
    %dma_start3A_53 = arith.constant 0 : i32
    %dma_start3A_54 = tpu.memref_slice %arg8[%dma_start3A_52, %dma_start3A_53] : memref<8192x128xf32, #tpu.memory_space<vmem_shared>> -> memref<8192x128xf32, #tpu.memory_space<vmem_shared>>
    tpu.enqueue_indirect_dma source(%dma_start3A_54 : memref<8192x128xf32, #tpu.memory_space<vmem_shared>>) target(%arg7 : memref<128x128xf32, #tpu.memory_space<vmem>>) offsets(%dma_start3A_51 : memref<128xi32, #tpu.memory_space<vmem>>) semaphore(%arg10 : memref<!tpu.dma_semaphore, #tpu.memory_space<semaphore_mem>>)
    %dma_wait3A_55 = arith.constant 256 : i32
    %dma_wait3A_56 = tpu.memref_slice %arg5[%dma_wait3A_55] : memref<8192xi32, #tpu.memory_space<vmem>> -> memref<128xi32, #tpu.memory_space<vmem>>
    %dma_wait3A_57 = arith.constant 0 : i32
    %dma_wait3A_58 = arith.constant 0 : i32
    %dma_wait3A_59 = tpu.memref_slice %arg8[%dma_wait3A_57, %dma_wait3A_58] : memref<8192x128xf32, #tpu.memory_space<vmem_shared>> -> memref<8192x128xf32, #tpu.memory_space<vmem_shared>>
    tpu.wait_indirect_dma semaphore(%arg9 : memref<!tpu.dma_semaphore, #tpu.memory_space<semaphore_mem>>) src(%dma_wait3A_59 : memref<8192x128xf32, #tpu.memory_space<vmem_shared>>) dst(%arg6 : memref<128x128xf32, #tpu.memory_space<vmem>>)
    %add3A_60 = arith.constant 256 : i32
    %add3A_61 = arith.addi %mul3A_2, %add3A_60 : i32
    %dma_start3A_62 = arith.constant 0 : i32
    %dma_start3A_63 = tpu.memref_slice %arg4[%add3A_61, %dma_start3A_62] : memref<262144x128xf32, #tpu.memory_space<hbm>> -> memref<128x128xf32, #tpu.memory_space<hbm>>
    %dma_start3A_64 = arith.constant 0 : i32
    %dma_start3A_65 = tpu.memref_slice %arg4[%add3A_61, %dma_start3A_64] : memref<262144x128xf32, #tpu.memory_space<hbm>> -> memref<128x128xf32, #tpu.memory_space<hbm>>
    tpu.enqueue_dma source(%arg6 : memref<128x128xf32, #tpu.memory_space<vmem>>) target(%dma_start3A_65 : memref<128x128xf32, #tpu.memory_space<hbm>>) target_semaphore(%arg11 : memref<!tpu.dma_semaphore, #tpu.memory_space<semaphore_mem>>)
    %dma_wait3A_66 = arith.constant 0 : i32
    %dma_wait3A_67 = tpu.memref_slice %arg4[%add3A_61, %dma_wait3A_66] : memref<262144x128xf32, #tpu.memory_space<hbm>> -> memref<128x128xf32, #tpu.memory_space<hbm>>
    %dma_wait3A_68 = arith.constant 0 : i32
    %dma_wait3A_69 = tpu.memref_slice %arg4[%add3A_61, %dma_wait3A_68] : memref<262144x128xf32, #tpu.memory_space<hbm>> -> memref<128x128xf32, #tpu.memory_space<hbm>>
    tpu.wait_dma2 semaphore(%arg11 : memref<!tpu.dma_semaphore, #tpu.memory_space<semaphore_mem>>) src(%arg6 : memref<128x128xf32, #tpu.memory_space<vmem>>) dst(%dma_wait3A_69 : memref<128x128xf32, #tpu.memory_space<hbm>>)
    %dma_start3A_70 = arith.constant 512 : i32
    %dma_start3A_71 = tpu.memref_slice %arg5[%dma_start3A_70] : memref<8192xi32, #tpu.memory_space<vmem>> -> memref<128xi32, #tpu.memory_space<vmem>>
    %dma_start3A_72 = arith.constant 0 : i32
    %dma_start3A_73 = arith.constant 0 : i32
    %dma_start3A_74 = tpu.memref_slice %arg8[%dma_start3A_72, %dma_start3A_73] : memref<8192x128xf32, #tpu.memory_space<vmem_shared>> -> memref<8192x128xf32, #tpu.memory_space<vmem_shared>>
    tpu.enqueue_indirect_dma source(%dma_start3A_74 : memref<8192x128xf32, #tpu.memory_space<vmem_shared>>) target(%arg6 : memref<128x128xf32, #tpu.memory_space<vmem>>) offsets(%dma_start3A_71 : memref<128xi32, #tpu.memory_space<vmem>>) semaphore(%arg9 : memref<!tpu.dma_semaphore, #tpu.memory_space<semaphore_mem>>)
    %dma_wait3A_75 = arith.constant 384 : i32
    %dma_wait3A_76 = tpu.memref_slice %arg5[%dma_wait3A_75] : memref<8192xi32, #tpu.memory_space<vmem>> -> memref<128xi32, #tpu.memory_space<vmem>>
    %dma_wait3A_77 = arith.constant 0 : i32
    %dma_wait3A_78 = arith.constant 0 : i32
    %dma_wait3A_79 = tpu.memref_slice %arg8[%dma_wait3A_77, %dma_wait3A_78] : memref<8192x128xf32, #tpu.memory_space<vmem_shared>> -> memref<8192x128xf32, #tpu.memory_space<vmem_shared>>
    tpu.wait_indirect_dma semaphore(%arg10 : memref<!tpu.dma_semaphore, #tpu.memory_space<semaphore_mem>>) src(%dma_wait3A_79 : memref<8192x128xf32, #tpu.memory_space<vmem_shared>>) dst(%arg7 : memref<128x128xf32, #tpu.memory_space<vmem>>)
    %add3A_80 = arith.constant 384 : i32
    %add3A_81 = arith.addi %mul3A_2, %add3A_80 : i32
    %dma_start3A_82 = arith.constant 0 : i32
    %dma_start3A_83 = tpu.memref_slice %arg4[%add3A_81, %dma_start3A_82] : memref<262144x128xf32, #tpu.memory_space<hbm>> -> memref<128x128xf32, #tpu.memory_space<hbm>>
    %dma_start3A_84 = arith.constant 0 : i32
    %dma_start3A_85 = tpu.memref_slice %arg4[%add3A_81, %dma_start3A_84] : memref<262144x128xf32, #tpu.memory_space<hbm>> -> memref<128x128xf32, #tpu.memory_space<hbm>>
    tpu.enqueue_dma source(%arg7 : memref<128x128xf32, #tpu.memory_space<vmem>>) target(%dma_start3A_85 : memref<128x128xf32, #tpu.memory_space<hbm>>) target_semaphore(%arg12 : memref<!tpu.dma_semaphore, #tpu.memory_space<semaphore_mem>>)
    %dma_wait3A_86 = arith.constant 0 : i32
    %dma_wait3A_87 = tpu.memref_slice %arg4[%add3A_81, %dma_wait3A_86] : memref<262144x128xf32, #tpu.memory_space<hbm>> -> memref<128x128xf32, #tpu.memory_space<hbm>>
    %dma_wait3A_88 = arith.constant 0 : i32
    %dma_wait3A_89 = tpu.memref_slice %arg4[%add3A_81, %dma_wait3A_88] : memref<262144x128xf32, #tpu.memory_space<hbm>> -> memref<128x128xf32, #tpu.memory_space<hbm>>
    tpu.wait_dma2 semaphore(%arg12 : memref<!tpu.dma_semaphore, #tpu.memory_space<semaphore_mem>>) src(%arg7 : memref<128x128xf32, #tpu.memory_space<vmem>>) dst(%dma_wait3A_89 : memref<128x128xf32, #tpu.memory_space<hbm>>)
    %dma_start3A_90 = arith.constant 640 : i32
    %dma_start3A_91 = tpu.memref_slice %arg5[%dma_start3A_90] : memref<8192xi32, #tpu.memory_space<vmem>> -> memref<128xi32, #tpu.memory_space<vmem>>
    %dma_start3A_92 = arith.constant 0 : i32
    %dma_start3A_93 = arith.constant 0 : i32
    %dma_start3A_94 = tpu.memref_slice %arg8[%dma_start3A_92, %dma_start3A_93] : memref<8192x128xf32, #tpu.memory_space<vmem_shared>> -> memref<8192x128xf32, #tpu.memory_space<vmem_shared>>
    tpu.enqueue_indirect_dma source(%dma_start3A_94 : memref<8192x128xf32, #tpu.memory_space<vmem_shared>>) target(%arg7 : memref<128x128xf32, #tpu.memory_space<vmem>>) offsets(%dma_start3A_91 : memref<128xi32, #tpu.memory_space<vmem>>) semaphore(%arg10 : memref<!tpu.dma_semaphore, #tpu.memory_space<semaphore_mem>>)
    %dma_wait3A_95 = arith.constant 512 : i32
    %dma_wait3A_96 = tpu.memref_slice %arg5[%dma_wait3A_95] : memref<8192xi32, #tpu.memory_space<vmem>> -> memref<128xi32, #tpu.memory_space<vmem>>
    %dma_wait3A_97 = arith.constant 0 : i32
    %dma_wait3A_98 = arith.constant 0 : i32
    %dma_wait3A_99 = tpu.memref_slice %arg8[%dma_wait3A_97, %dma_wait3A_98] : memref<8192x128xf32, #tpu.memory_space<vmem_shared>> -> memref<8192x128xf32, #tpu.memory_space<vmem_shared>>
    tpu.wait_indirect_dma semaphore(%arg9 : memref<!tpu.dma_semaphore, #tpu.memory_space<semaphore_mem>>) src(%dma_wait3A_99 : memref<8192x128xf32, #tpu.memory_space<vmem_shared>>) dst(%arg6 : memref<128x128xf32, #tpu.memory_space<vmem>>)
    %add3A_100 = arith.constant 512 : i32
    %add3A_101 = arith.addi %mul3A_2, %add3A_100 : i32
    %dma_start3A_102 = arith.constant 0 : i32
    %dma_start3A_103 = tpu.memref_slice %arg4[%add3A_101, %dma_start3A_102] : memref<262144x128xf32, #tpu.memory_space<hbm>> -> memref<128x128xf32, #tpu.memory_space<hbm>>
    %dma_start3A_104 = arith.constant 0 : i32
    %dma_start3A_105 = tpu.memref_slice %arg4[%add3A_101, %dma_start3A_104] : memref<262144x128xf32, #tpu.memory_space<hbm>> -> memref<128x128xf32, #tpu.memory_space<hbm>>
    tpu.enqueue_dma source(%arg6 : memref<128x128xf32, #tpu.memory_space<vmem>>) target(%dma_start3A_105 : memref<128x128xf32, #tpu.memory_space<hbm>>) target_semaphore(%arg11 : memref<!tpu.dma_semaphore, #tpu.memory_space<semaphore_mem>>)
    %dma_wait3A_106 = arith.constant 0 : i32
    %dma_wait3A_107 = tpu.memref_slice %arg4[%add3A_101, %dma_wait3A_106] : memref<262144x128xf32, #tpu.memory_space<hbm>> -> memref<128x128xf32, #tpu.memory_space<hbm>>
    %dma_wait3A_108 = arith.constant 0 : i32
    %dma_wait3A_109 = tpu.memref_slice %arg4[%add3A_101, %dma_wait3A_108] : memref<262144x128xf32, #tpu.memory_space<hbm>> -> memref<128x128xf32, #tpu.memory_space<hbm>>
    tpu.wait_dma2 semaphore(%arg11 : memref<!tpu.dma_semaphore, #tpu.memory_space<semaphore_mem>>) src(%arg6 : memref<128x128xf32, #tpu.memory_space<vmem>>) dst(%dma_wait3A_109 : memref<128x128xf32, #tpu.memory_space<hbm>>)
    %dma_start3A_110 = arith.constant 768 : i32
    %dma_start3A_111 = tpu.memref_slice %arg5[%dma_start3A_110] : memref<8192xi32, #tpu.memory_space<vmem>> -> memref<128xi32, #tpu.memory_space<vmem>>
    %dma_start3A_112 = arith.constant 0 : i32
    %dma_start3A_113 = arith.constant 0 : i32
    %dma_start3A_114 = tpu.memref_slice %arg8[%dma_start3A_112, %dma_start3A_113] : memref<8192x128xf32, #tpu.memory_space<vmem_shared>> -> memref<8192x128xf32, #tpu.memory_space<vmem_shared>>
    tpu.enqueue_indirect_dma source(%dma_start3A_114 : memref<8192x128xf32, #tpu.memory_space<vmem_shared>>) target(%arg6 : memref<128x128xf32, #tpu.memory_space<vmem>>) offsets(%dma_start3A_111 : memref<128xi32, #tpu.memory_space<vmem>>) semaphore(%arg9 : memref<!tpu.dma_semaphore, #tpu.memory_space<semaphore_mem>>)
    %dma_wait3A_115 = arith.constant 640 : i32
    %dma_wait3A_116 = tpu.memref_slice %arg5[%dma_wait3A_115] : memref<8192xi32, #tpu.memory_space<vmem>> -> memref<128xi32, #tpu.memory_space<vmem>>
    %dma_wait3A_117 = arith.constant 0 : i32
    %dma_wait3A_118 = arith.constant 0 : i32
    %dma_wait3A_119 = tpu.memref_slice %arg8[%dma_wait3A_117, %dma_wait3A_118] : memref<8192x128xf32, #tpu.memory_space<vmem_shared>> -> memref<8192x128xf32, #tpu.memory_space<vmem_shared>>
    tpu.wait_indirect_dma semaphore(%arg10 : memref<!tpu.dma_semaphore, #tpu.memory_space<semaphore_mem>>) src(%dma_wait3A_119 : memref<8192x128xf32, #tpu.memory_space<vmem_shared>>) dst(%arg7 : memref<128x128xf32, #tpu.memory_space<vmem>>)
    %add3A_120 = arith.constant 640 : i32
    %add3A_121 = arith.addi %mul3A_2, %add3A_120 : i32
    %dma_start3A_122 = arith.constant 0 : i32
    %dma_start3A_123 = tpu.memref_slice %arg4[%add3A_121, %dma_start3A_122] : memref<262144x128xf32, #tpu.memory_space<hbm>> -> memref<128x128xf32, #tpu.memory_space<hbm>>
    %dma_start3A_124 = arith.constant 0 : i32
    %dma_start3A_125 = tpu.memref_slice %arg4[%add3A_121, %dma_start3A_124] : memref<262144x128xf32, #tpu.memory_space<hbm>> -> memref<128x128xf32, #tpu.memory_space<hbm>>
    tpu.enqueue_dma source(%arg7 : memref<128x128xf32, #tpu.memory_space<vmem>>) target(%dma_start3A_125 : memref<128x128xf32, #tpu.memory_space<hbm>>) target_semaphore(%arg12 : memref<!tpu.dma_semaphore, #tpu.memory_space<semaphore_mem>>)
    %dma_wait3A_126 = arith.constant 0 : i32
    %dma_wait3A_127 = tpu.memref_slice %arg4[%add3A_121, %dma_wait3A_126] : memref<262144x128xf32, #tpu.memory_space<hbm>> -> memref<128x128xf32, #tpu.memory_space<hbm>>
    %dma_wait3A_128 = arith.constant 0 : i32
    %dma_wait3A_129 = tpu.memref_slice %arg4[%add3A_121, %dma_wait3A_128] : memref<262144x128xf32, #tpu.memory_space<hbm>> -> memref<128x128xf32, #tpu.memory_space<hbm>>
    tpu.wait_dma2 semaphore(%arg12 : memref<!tpu.dma_semaphore, #tpu.memory_space<semaphore_mem>>) src(%arg7 : memref<128x128xf32, #tpu.memory_space<vmem>>) dst(%dma_wait3A_129 : memref<128x128xf32, #tpu.memory_space<hbm>>)
    %dma_start3A_130 = arith.constant 896 : i32
    %dma_start3A_131 = tpu.memref_slice %arg5[%dma_start3A_130] : memref<8192xi32, #tpu.memory_space<vmem>> -> memref<128xi32, #tpu.memory_space<vmem>>
    %dma_start3A_132 = arith.constant 0 : i32
    %dma_start3A_133 = arith.constant 0 : i32
    %dma_start3A_134 = tpu.memref_slice %arg8[%dma_start3A_132, %dma_start3A_133] : memref<8192x128xf32, #tpu.memory_space<vmem_shared>> -> memref<8192x128xf32, #tpu.memory_space<vmem_shared>>
    tpu.enqueue_indirect_dma source(%dma_start3A_134 : memref<8192x128xf32, #tpu.memory_space<vmem_shared>>) target(%arg7 : memref<128x128xf32, #tpu.memory_space<vmem>>) offsets(%dma_start3A_131 : memref<128xi32, #tpu.memory_space<vmem>>) semaphore(%arg10 : memref<!tpu.dma_semaphore, #tpu.memory_space<semaphore_mem>>)
    %dma_wait3A_135 = arith.constant 768 : i32
    %dma_wait3A_136 = tpu.memref_slice %arg5[%dma_wait3A_135] : memref<8192xi32, #tpu.memory_space<vmem>> -> memref<128xi32, #tpu.memory_space<vmem>>
    %dma_wait3A_137 = arith.constant 0 : i32
    %dma_wait3A_138 = arith.constant 0 : i32
    %dma_wait3A_139 = tpu.memref_slice %arg8[%dma_wait3A_137, %dma_wait3A_138] : memref<8192x128xf32, #tpu.memory_space<vmem_shared>> -> memref<8192x128xf32, #tpu.memory_space<vmem_shared>>
    tpu.wait_indirect_dma semaphore(%arg9 : memref<!tpu.dma_semaphore, #tpu.memory_space<semaphore_mem>>) src(%dma_wait3A_139 : memref<8192x128xf32, #tpu.memory_space<vmem_shared>>) dst(%arg6 : memref<128x128xf32, #tpu.memory_space<vmem>>)
    %add3A_140 = arith.constant 768 : i32
    %add3A_141 = arith.addi %mul3A_2, %add3A_140 : i32
    %dma_start3A_142 = arith.constant 0 : i32
    %dma_start3A_143 = tpu.memref_slice %arg4[%add3A_141, %dma_start3A_142] : memref<262144x128xf32, #tpu.memory_space<hbm>> -> memref<128x128xf32, #tpu.memory_space<hbm>>
    %dma_start3A_144 = arith.constant 0 : i32
    %dma_start3A_145 = tpu.memref_slice %arg4[%add3A_141, %dma_start3A_144] : memref<262144x128xf32, #tpu.memory_space<hbm>> -> memref<128x128xf32, #tpu.memory_space<hbm>>
    tpu.enqueue_dma source(%arg6 : memref<128x128xf32, #tpu.memory_space<vmem>>) target(%dma_start3A_145 : memref<128x128xf32, #tpu.memory_space<hbm>>) target_semaphore(%arg11 : memref<!tpu.dma_semaphore, #tpu.memory_space<semaphore_mem>>)
    %dma_wait3A_146 = arith.constant 0 : i32
    %dma_wait3A_147 = tpu.memref_slice %arg4[%add3A_141, %dma_wait3A_146] : memref<262144x128xf32, #tpu.memory_space<hbm>> -> memref<128x128xf32, #tpu.memory_space<hbm>>
    %dma_wait3A_148 = arith.constant 0 : i32
    %dma_wait3A_149 = tpu.memref_slice %arg4[%add3A_141, %dma_wait3A_148] : memref<262144x128xf32, #tpu.memory_space<hbm>> -> memref<128x128xf32, #tpu.memory_space<hbm>>
    tpu.wait_dma2 semaphore(%arg11 : memref<!tpu.dma_semaphore, #tpu.memory_space<semaphore_mem>>) src(%arg6 : memref<128x128xf32, #tpu.memory_space<vmem>>) dst(%dma_wait3A_149 : memref<128x128xf32, #tpu.memory_space<hbm>>)
    %dma_start3A_150 = arith.constant 1024 : i32
    %dma_start3A_151 = tpu.memref_slice %arg5[%dma_start3A_150] : memref<8192xi32, #tpu.memory_space<vmem>> -> memref<128xi32, #tpu.memory_space<vmem>>
    %dma_start3A_152 = arith.constant 0 : i32
    %dma_start3A_153 = arith.constant 0 : i32
    %dma_start3A_154 = tpu.memref_slice %arg8[%dma_start3A_152, %dma_start3A_153] : memref<8192x128xf32, #tpu.memory_space<vmem_shared>> -> memref<8192x128xf32, #tpu.memory_space<vmem_shared>>
    tpu.enqueue_indirect_dma source(%dma_start3A_154 : memref<8192x128xf32, #tpu.memory_space<vmem_shared>>) target(%arg6 : memref<128x128xf32, #tpu.memory_space<vmem>>) offsets(%dma_start3A_151 : memref<128xi32, #tpu.memory_space<vmem>>) semaphore(%arg9 : memref<!tpu.dma_semaphore, #tpu.memory_space<semaphore_mem>>)
    %dma_wait3A_155 = arith.constant 896 : i32
    %dma_wait3A_156 = tpu.memref_slice %arg5[%dma_wait3A_155] : memref<8192xi32, #tpu.memory_space<vmem>> -> memref<128xi32, #tpu.memory_space<vmem>>
    %dma_wait3A_157 = arith.constant 0 : i32
    %dma_wait3A_158 = arith.constant 0 : i32
    %dma_wait3A_159 = tpu.memref_slice %arg8[%dma_wait3A_157, %dma_wait3A_158] : memref<8192x128xf32, #tpu.memory_space<vmem_shared>> -> memref<8192x128xf32, #tpu.memory_space<vmem_shared>>
    tpu.wait_indirect_dma semaphore(%arg10 : memref<!tpu.dma_semaphore, #tpu.memory_space<semaphore_mem>>) src(%dma_wait3A_159 : memref<8192x128xf32, #tpu.memory_space<vmem_shared>>) dst(%arg7 : memref<128x128xf32, #tpu.memory_space<vmem>>)
    %add3A_160 = arith.constant 896 : i32
    %add3A_161 = arith.addi %mul3A_2, %add3A_160 : i32
    %dma_start3A_162 = arith.constant 0 : i32
    %dma_start3A_163 = tpu.memref_slice %arg4[%add3A_161, %dma_start3A_162] : memref<262144x128xf32, #tpu.memory_space<hbm>> -> memref<128x128xf32, #tpu.memory_space<hbm>>
    %dma_start3A_164 = arith.constant 0 : i32
    %dma_start3A_165 = tpu.memref_slice %arg4[%add3A_161, %dma_start3A_164] : memref<262144x128xf32, #tpu.memory_space<hbm>> -> memref<128x128xf32, #tpu.memory_space<hbm>>
    tpu.enqueue_dma source(%arg7 : memref<128x128xf32, #tpu.memory_space<vmem>>) target(%dma_start3A_165 : memref<128x128xf32, #tpu.memory_space<hbm>>) target_semaphore(%arg12 : memref<!tpu.dma_semaphore, #tpu.memory_space<semaphore_mem>>)
    %dma_wait3A_166 = arith.constant 0 : i32
    %dma_wait3A_167 = tpu.memref_slice %arg4[%add3A_161, %dma_wait3A_166] : memref<262144x128xf32, #tpu.memory_space<hbm>> -> memref<128x128xf32, #tpu.memory_space<hbm>>
    %dma_wait3A_168 = arith.constant 0 : i32
    %dma_wait3A_169 = tpu.memref_slice %arg4[%add3A_161, %dma_wait3A_168] : memref<262144x128xf32, #tpu.memory_space<hbm>> -> memref<128x128xf32, #tpu.memory_space<hbm>>
    tpu.wait_dma2 semaphore(%arg12 : memref<!tpu.dma_semaphore, #tpu.memory_space<semaphore_mem>>) src(%arg7 : memref<128x128xf32, #tpu.memory_space<vmem>>) dst(%dma_wait3A_169 : memref<128x128xf32, #tpu.memory_space<hbm>>)
    %dma_start3A_170 = arith.constant 1152 : i32
    %dma_start3A_171 = tpu.memref_slice %arg5[%dma_start3A_170] : memref<8192xi32, #tpu.memory_space<vmem>> -> memref<128xi32, #tpu.memory_space<vmem>>
    %dma_start3A_172 = arith.constant 0 : i32
    %dma_start3A_173 = arith.constant 0 : i32
    %dma_start3A_174 = tpu.memref_slice %arg8[%dma_start3A_172, %dma_start3A_173] : memref<8192x128xf32, #tpu.memory_space<vmem_shared>> -> memref<8192x128xf32, #tpu.memory_space<vmem_shared>>
    tpu.enqueue_indirect_dma source(%dma_start3A_174 : memref<8192x128xf32, #tpu.memory_space<vmem_shared>>) target(%arg7 : memref<128x128xf32, #tpu.memory_space<vmem>>) offsets(%dma_start3A_171 : memref<128xi32, #tpu.memory_space<vmem>>) semaphore(%arg10 : memref<!tpu.dma_semaphore, #tpu.memory_space<semaphore_mem>>)
    %dma_wait3A_175 = arith.constant 1024 : i32
    %dma_wait3A_176 = tpu.memref_slice %arg5[%dma_wait3A_175] : memref<8192xi32, #tpu.memory_space<vmem>> -> memref<128xi32, #tpu.memory_space<vmem>>
    %dma_wait3A_177 = arith.constant 0 : i32
    %dma_wait3A_178 = arith.constant 0 : i32
    %dma_wait3A_179 = tpu.memref_slice %arg8[%dma_wait3A_177, %dma_wait3A_178] : memref<8192x128xf32, #tpu.memory_space<vmem_shared>> -> memref<8192x128xf32, #tpu.memory_space<vmem_shared>>
    tpu.wait_indirect_dma semaphore(%arg9 : memref<!tpu.dma_semaphore, #tpu.memory_space<semaphore_mem>>) src(%dma_wait3A_179 : memref<8192x128xf32, #tpu.memory_space<vmem_shared>>) dst(%arg6 : memref<128x128xf32, #tpu.memory_space<vmem>>)
    %add3A_180 = arith.constant 1024 : i32
    %add3A_181 = arith.addi %mul3A_2, %add3A_180 : i32
    %dma_start3A_182 = arith.constant 0 : i32
    %dma_start3A_183 = tpu.memref_slice %arg4[%add3A_181, %dma_start3A_182] : memref<262144x128xf32, #tpu.memory_space<hbm>> -> memref<128x128xf32, #tpu.memory_space<hbm>>
    %dma_start3A_184 = arith.constant 0 : i32
    %dma_start3A_185 = tpu.memref_slice %arg4[%add3A_181, %dma_start3A_184] : memref<262144x128xf32, #tpu.memory_space<hbm>> -> memref<128x128xf32, #tpu.memory_space<hbm>>
    tpu.enqueue_dma source(%arg6 : memref<128x128xf32, #tpu.memory_space<vmem>>) target(%dma_start3A_185 : memref<128x128xf32, #tpu.memory_space<hbm>>) target_semaphore(%arg11 : memref<!tpu.dma_semaphore, #tpu.memory_space<semaphore_mem>>)
    %dma_wait3A_186 = arith.constant 0 : i32
    %dma_wait3A_187 = tpu.memref_slice %arg4[%add3A_181, %dma_wait3A_186] : memref<262144x128xf32, #tpu.memory_space<hbm>> -> memref<128x128xf32, #tpu.memory_space<hbm>>
    %dma_wait3A_188 = arith.constant 0 : i32
    %dma_wait3A_189 = tpu.memref_slice %arg4[%add3A_181, %dma_wait3A_188] : memref<262144x128xf32, #tpu.memory_space<hbm>> -> memref<128x128xf32, #tpu.memory_space<hbm>>
    tpu.wait_dma2 semaphore(%arg11 : memref<!tpu.dma_semaphore, #tpu.memory_space<semaphore_mem>>) src(%arg6 : memref<128x128xf32, #tpu.memory_space<vmem>>) dst(%dma_wait3A_189 : memref<128x128xf32, #tpu.memory_space<hbm>>)
    %dma_start3A_190 = arith.constant 1280 : i32
    %dma_start3A_191 = tpu.memref_slice %arg5[%dma_start3A_190] : memref<8192xi32, #tpu.memory_space<vmem>> -> memref<128xi32, #tpu.memory_space<vmem>>
    %dma_start3A_192 = arith.constant 0 : i32
    %dma_start3A_193 = arith.constant 0 : i32
    %dma_start3A_194 = tpu.memref_slice %arg8[%dma_start3A_192, %dma_start3A_193] : memref<8192x128xf32, #tpu.memory_space<vmem_shared>> -> memref<8192x128xf32, #tpu.memory_space<vmem_shared>>
    tpu.enqueue_indirect_dma source(%dma_start3A_194 : memref<8192x128xf32, #tpu.memory_space<vmem_shared>>) target(%arg6 : memref<128x128xf32, #tpu.memory_space<vmem>>) offsets(%dma_start3A_191 : memref<128xi32, #tpu.memory_space<vmem>>) semaphore(%arg9 : memref<!tpu.dma_semaphore, #tpu.memory_space<semaphore_mem>>)
    %dma_wait3A_195 = arith.constant 1152 : i32
    %dma_wait3A_196 = tpu.memref_slice %arg5[%dma_wait3A_195] : memref<8192xi32, #tpu.memory_space<vmem>> -> memref<128xi32, #tpu.memory_space<vmem>>
    %dma_wait3A_197 = arith.constant 0 : i32
    %dma_wait3A_198 = arith.constant 0 : i32
    %dma_wait3A_199 = tpu.memref_slice %arg8[%dma_wait3A_197, %dma_wait3A_198] : memref<8192x128xf32, #tpu.memory_space<vmem_shared>> -> memref<8192x128xf32, #tpu.memory_space<vmem_shared>>
    tpu.wait_indirect_dma semaphore(%arg10 : memref<!tpu.dma_semaphore, #tpu.memory_space<semaphore_mem>>) src(%dma_wait3A_199 : memref<8192x128xf32, #tpu.memory_space<vmem_shared>>) dst(%arg7 : memref<128x128xf32, #tpu.memory_space<vmem>>)
    %add3A_200 = arith.constant 1152 : i32
    %add3A_201 = arith.addi %mul3A_2, %add3A_200 : i32
    %dma_start3A_202 = arith.constant 0 : i32
    %dma_start3A_203 = tpu.memref_slice %arg4[%add3A_201, %dma_start3A_202] : memref<262144x128xf32, #tpu.memory_space<hbm>> -> memref<128x128xf32, #tpu.memory_space<hbm>>
    %dma_start3A_204 = arith.constant 0 : i32
    %dma_start3A_205 = tpu.memref_slice %arg4[%add3A_201, %dma_start3A_204] : memref<262144x128xf32, #tpu.memory_space<hbm>> -> memref<128x128xf32, #tpu.memory_space<hbm>>
    tpu.enqueue_dma source(%arg7 : memref<128x128xf32, #tpu.memory_space<vmem>>) target(%dma_start3A_205 : memref<128x128xf32, #tpu.memory_space<hbm>>) target_semaphore(%arg12 : memref<!tpu.dma_semaphore, #tpu.memory_space<semaphore_mem>>)
    %dma_wait3A_206 = arith.constant 0 : i32
    %dma_wait3A_207 = tpu.memref_slice %arg4[%add3A_201, %dma_wait3A_206] : memref<262144x128xf32, #tpu.memory_space<hbm>> -> memref<128x128xf32, #tpu.memory_space<hbm>>
    %dma_wait3A_208 = arith.constant 0 : i32
    %dma_wait3A_209 = tpu.memref_slice %arg4[%add3A_201, %dma_wait3A_208] : memref<262144x128xf32, #tpu.memory_space<hbm>> -> memref<128x128xf32, #tpu.memory_space<hbm>>
    tpu.wait_dma2 semaphore(%arg12 : memref<!tpu.dma_semaphore, #tpu.memory_space<semaphore_mem>>) src(%arg7 : memref<128x128xf32, #tpu.memory_space<vmem>>) dst(%dma_wait3A_209 : memref<128x128xf32, #tpu.memory_space<hbm>>)
    %dma_start3A_210 = arith.constant 1408 : i32
    %dma_start3A_211 = tpu.memref_slice %arg5[%dma_start3A_210] : memref<8192xi32, #tpu.memory_space<vmem>> -> memref<128xi32, #tpu.memory_space<vmem>>
    %dma_start3A_212 = arith.constant 0 : i32
    %dma_start3A_213 = arith.constant 0 : i32
    %dma_start3A_214 = tpu.memref_slice %arg8[%dma_start3A_212, %dma_start3A_213] : memref<8192x128xf32, #tpu.memory_space<vmem_shared>> -> memref<8192x128xf32, #tpu.memory_space<vmem_shared>>
    tpu.enqueue_indirect_dma source(%dma_start3A_214 : memref<8192x128xf32, #tpu.memory_space<vmem_shared>>) target(%arg7 : memref<128x128xf32, #tpu.memory_space<vmem>>) offsets(%dma_start3A_211 : memref<128xi32, #tpu.memory_space<vmem>>) semaphore(%arg10 : memref<!tpu.dma_semaphore, #tpu.memory_space<semaphore_mem>>)
    %dma_wait3A_215 = arith.constant 1280 : i32
    %dma_wait3A_216 = tpu.memref_slice %arg5[%dma_wait3A_215] : memref<8192xi32, #tpu.memory_space<vmem>> -> memref<128xi32, #tpu.memory_space<vmem>>
    %dma_wait3A_217 = arith.constant 0 : i32
    %dma_wait3A_218 = arith.constant 0 : i32
    %dma_wait3A_219 = tpu.memref_slice %arg8[%dma_wait3A_217, %dma_wait3A_218] : memref<8192x128xf32, #tpu.memory_space<vmem_shared>> -> memref<8192x128xf32, #tpu.memory_space<vmem_shared>>
    tpu.wait_indirect_dma semaphore(%arg9 : memref<!tpu.dma_semaphore, #tpu.memory_space<semaphore_mem>>) src(%dma_wait3A_219 : memref<8192x128xf32, #tpu.memory_space<vmem_shared>>) dst(%arg6 : memref<128x128xf32, #tpu.memory_space<vmem>>)
    %add3A_220 = arith.constant 1280 : i32
    %add3A_221 = arith.addi %mul3A_2, %add3A_220 : i32
    %dma_start3A_222 = arith.constant 0 : i32
    %dma_start3A_223 = tpu.memref_slice %arg4[%add3A_221, %dma_start3A_222] : memref<262144x128xf32, #tpu.memory_space<hbm>> -> memref<128x128xf32, #tpu.memory_space<hbm>>
    %dma_start3A_224 = arith.constant 0 : i32
    %dma_start3A_225 = tpu.memref_slice %arg4[%add3A_221, %dma_start3A_224] : memref<262144x128xf32, #tpu.memory_space<hbm>> -> memref<128x128xf32, #tpu.memory_space<hbm>>
    tpu.enqueue_dma source(%arg6 : memref<128x128xf32, #tpu.memory_space<vmem>>) target(%dma_start3A_225 : memref<128x128xf32, #tpu.memory_space<hbm>>) target_semaphore(%arg11 : memref<!tpu.dma_semaphore, #tpu.memory_space<semaphore_mem>>)
    %dma_wait3A_226 = arith.constant 0 : i32
    %dma_wait3A_227 = tpu.memref_slice %arg4[%add3A_221, %dma_wait3A_226] : memref<262144x128xf32, #tpu.memory_space<hbm>> -> memref<128x128xf32, #tpu.memory_space<hbm>>
    %dma_wait3A_228 = arith.constant 0 : i32
    %dma_wait3A_229 = tpu.memref_slice %arg4[%add3A_221, %dma_wait3A_228] : memref<262144x128xf32, #tpu.memory_space<hbm>> -> memref<128x128xf32, #tpu.memory_space<hbm>>
    tpu.wait_dma2 semaphore(%arg11 : memref<!tpu.dma_semaphore, #tpu.memory_space<semaphore_mem>>) src(%arg6 : memref<128x128xf32, #tpu.memory_space<vmem>>) dst(%dma_wait3A_229 : memref<128x128xf32, #tpu.memory_space<hbm>>)
    %dma_start3A_230 = arith.constant 1536 : i32
    %dma_start3A_231 = tpu.memref_slice %arg5[%dma_start3A_230] : memref<8192xi32, #tpu.memory_space<vmem>> -> memref<128xi32, #tpu.memory_space<vmem>>
    %dma_start3A_232 = arith.constant 0 : i32
    %dma_start3A_233 = arith.constant 0 : i32
    %dma_start3A_234 = tpu.memref_slice %arg8[%dma_start3A_232, %dma_start3A_233] : memref<8192x128xf32, #tpu.memory_space<vmem_shared>> -> memref<8192x128xf32, #tpu.memory_space<vmem_shared>>
    tpu.enqueue_indirect_dma source(%dma_start3A_234 : memref<8192x128xf32, #tpu.memory_space<vmem_shared>>) target(%arg6 : memref<128x128xf32, #tpu.memory_space<vmem>>) offsets(%dma_start3A_231 : memref<128xi32, #tpu.memory_space<vmem>>) semaphore(%arg9 : memref<!tpu.dma_semaphore, #tpu.memory_space<semaphore_mem>>)
    %dma_wait3A_235 = arith.constant 1408 : i32
    %dma_wait3A_236 = tpu.memref_slice %arg5[%dma_wait3A_235] : memref<8192xi32, #tpu.memory_space<vmem>> -> memref<128xi32, #tpu.memory_space<vmem>>
    %dma_wait3A_237 = arith.constant 0 : i32
    %dma_wait3A_238 = arith.constant 0 : i32
    %dma_wait3A_239 = tpu.memref_slice %arg8[%dma_wait3A_237, %dma_wait3A_238] : memref<8192x128xf32, #tpu.memory_space<vmem_shared>> -> memref<8192x128xf32, #tpu.memory_space<vmem_shared>>
    tpu.wait_indirect_dma semaphore(%arg10 : memref<!tpu.dma_semaphore, #tpu.memory_space<semaphore_mem>>) src(%dma_wait3A_239 : memref<8192x128xf32, #tpu.memory_space<vmem_shared>>) dst(%arg7 : memref<128x128xf32, #tpu.memory_space<vmem>>)
    %add3A_240 = arith.constant 1408 : i32
    %add3A_241 = arith.addi %mul3A_2, %add3A_240 : i32
    %dma_start3A_242 = arith.constant 0 : i32
    %dma_start3A_243 = tpu.memref_slice %arg4[%add3A_241, %dma_start3A_242] : memref<262144x128xf32, #tpu.memory_space<hbm>> -> memref<128x128xf32, #tpu.memory_space<hbm>>
    %dma_start3A_244 = arith.constant 0 : i32
    %dma_start3A_245 = tpu.memref_slice %arg4[%add3A_241, %dma_start3A_244] : memref<262144x128xf32, #tpu.memory_space<hbm>> -> memref<128x128xf32, #tpu.memory_space<hbm>>
    tpu.enqueue_dma source(%arg7 : memref<128x128xf32, #tpu.memory_space<vmem>>) target(%dma_start3A_245 : memref<128x128xf32, #tpu.memory_space<hbm>>) target_semaphore(%arg12 : memref<!tpu.dma_semaphore, #tpu.memory_space<semaphore_mem>>)
    %dma_wait3A_246 = arith.constant 0 : i32
    %dma_wait3A_247 = tpu.memref_slice %arg4[%add3A_241, %dma_wait3A_246] : memref<262144x128xf32, #tpu.memory_space<hbm>> -> memref<128x128xf32, #tpu.memory_space<hbm>>
    %dma_wait3A_248 = arith.constant 0 : i32
    %dma_wait3A_249 = tpu.memref_slice %arg4[%add3A_241, %dma_wait3A_248] : memref<262144x128xf32, #tpu.memory_space<hbm>> -> memref<128x128xf32, #tpu.memory_space<hbm>>
    tpu.wait_dma2 semaphore(%arg12 : memref<!tpu.dma_semaphore, #tpu.memory_space<semaphore_mem>>) src(%arg7 : memref<128x128xf32, #tpu.memory_space<vmem>>) dst(%dma_wait3A_249 : memref<128x128xf32, #tpu.memory_space<hbm>>)
    %dma_start3A_250 = arith.constant 1664 : i32
    %dma_start3A_251 = tpu.memref_slice %arg5[%dma_start3A_250] : memref<8192xi32, #tpu.memory_space<vmem>> -> memref<128xi32, #tpu.memory_space<vmem>>
    %dma_start3A_252 = arith.constant 0 : i32
    %dma_start3A_253 = arith.constant 0 : i32
    %dma_start3A_254 = tpu.memref_slice %arg8[%dma_start3A_252, %dma_start3A_253] : memref<8192x128xf32, #tpu.memory_space<vmem_shared>> -> memref<8192x128xf32, #tpu.memory_space<vmem_shared>>
    tpu.enqueue_indirect_dma source(%dma_start3A_254 : memref<8192x128xf32, #tpu.memory_space<vmem_shared>>) target(%arg7 : memref<128x128xf32, #tpu.memory_space<vmem>>) offsets(%dma_start3A_251 : memref<128xi32, #tpu.memory_space<vmem>>) semaphore(%arg10 : memref<!tpu.dma_semaphore, #tpu.memory_space<semaphore_mem>>)
    %dma_wait3A_255 = arith.constant 1536 : i32
    %dma_wait3A_256 = tpu.memref_slice %arg5[%dma_wait3A_255] : memref<8192xi32, #tpu.memory_space<vmem>> -> memref<128xi32, #tpu.memory_space<vmem>>
    %dma_wait3A_257 = arith.constant 0 : i32
    %dma_wait3A_258 = arith.constant 0 : i32
    %dma_wait3A_259 = tpu.memref_slice %arg8[%dma_wait3A_257, %dma_wait3A_258] : memref<8192x128xf32, #tpu.memory_space<vmem_shared>> -> memref<8192x128xf32, #tpu.memory_space<vmem_shared>>
    tpu.wait_indirect_dma semaphore(%arg9 : memref<!tpu.dma_semaphore, #tpu.memory_space<semaphore_mem>>) src(%dma_wait3A_259 : memref<8192x128xf32, #tpu.memory_space<vmem_shared>>) dst(%arg6 : memref<128x128xf32, #tpu.memory_space<vmem>>)
    %add3A_260 = arith.constant 1536 : i32
    %add3A_261 = arith.addi %mul3A_2, %add3A_260 : i32
    %dma_start3A_262 = arith.constant 0 : i32
    %dma_start3A_263 = tpu.memref_slice %arg4[%add3A_261, %dma_start3A_262] : memref<262144x128xf32, #tpu.memory_space<hbm>> -> memref<128x128xf32, #tpu.memory_space<hbm>>
    %dma_start3A_264 = arith.constant 0 : i32
    %dma_start3A_265 = tpu.memref_slice %arg4[%add3A_261, %dma_start3A_264] : memref<262144x128xf32, #tpu.memory_space<hbm>> -> memref<128x128xf32, #tpu.memory_space<hbm>>
    tpu.enqueue_dma source(%arg6 : memref<128x128xf32, #tpu.memory_space<vmem>>) target(%dma_start3A_265 : memref<128x128xf32, #tpu.memory_space<hbm>>) target_semaphore(%arg11 : memref<!tpu.dma_semaphore, #tpu.memory_space<semaphore_mem>>)
    %dma_wait3A_266 = arith.constant 0 : i32
    %dma_wait3A_267 = tpu.memref_slice %arg4[%add3A_261, %dma_wait3A_266] : memref<262144x128xf32, #tpu.memory_space<hbm>> -> memref<128x128xf32, #tpu.memory_space<hbm>>
    %dma_wait3A_268 = arith.constant 0 : i32
    %dma_wait3A_269 = tpu.memref_slice %arg4[%add3A_261, %dma_wait3A_268] : memref<262144x128xf32, #tpu.memory_space<hbm>> -> memref<128x128xf32, #tpu.memory_space<hbm>>
    tpu.wait_dma2 semaphore(%arg11 : memref<!tpu.dma_semaphore, #tpu.memory_space<semaphore_mem>>) src(%arg6 : memref<128x128xf32, #tpu.memory_space<vmem>>) dst(%dma_wait3A_269 : memref<128x128xf32, #tpu.memory_space<hbm>>)
    %dma_start3A_270 = arith.constant 1792 : i32
    %dma_start3A_271 = tpu.memref_slice %arg5[%dma_start3A_270] : memref<8192xi32, #tpu.memory_space<vmem>> -> memref<128xi32, #tpu.memory_space<vmem>>
    %dma_start3A_272 = arith.constant 0 : i32
    %dma_start3A_273 = arith.constant 0 : i32
    %dma_start3A_274 = tpu.memref_slice %arg8[%dma_start3A_272, %dma_start3A_273] : memref<8192x128xf32, #tpu.memory_space<vmem_shared>> -> memref<8192x128xf32, #tpu.memory_space<vmem_shared>>
    tpu.enqueue_indirect_dma source(%dma_start3A_274 : memref<8192x128xf32, #tpu.memory_space<vmem_shared>>) target(%arg6 : memref<128x128xf32, #tpu.memory_space<vmem>>) offsets(%dma_start3A_271 : memref<128xi32, #tpu.memory_space<vmem>>) semaphore(%arg9 : memref<!tpu.dma_semaphore, #tpu.memory_space<semaphore_mem>>)
    %dma_wait3A_275 = arith.constant 1664 : i32
    %dma_wait3A_276 = tpu.memref_slice %arg5[%dma_wait3A_275] : memref<8192xi32, #tpu.memory_space<vmem>> -> memref<128xi32, #tpu.memory_space<vmem>>
    %dma_wait3A_277 = arith.constant 0 : i32
    %dma_wait3A_278 = arith.constant 0 : i32
    %dma_wait3A_279 = tpu.memref_slice %arg8[%dma_wait3A_277, %dma_wait3A_278] : memref<8192x128xf32, #tpu.memory_space<vmem_shared>> -> memref<8192x128xf32, #tpu.memory_space<vmem_shared>>
    tpu.wait_indirect_dma semaphore(%arg10 : memref<!tpu.dma_semaphore, #tpu.memory_space<semaphore_mem>>) src(%dma_wait3A_279 : memref<8192x128xf32, #tpu.memory_space<vmem_shared>>) dst(%arg7 : memref<128x128xf32, #tpu.memory_space<vmem>>)
    %add3A_280 = arith.constant 1664 : i32
    %add3A_281 = arith.addi %mul3A_2, %add3A_280 : i32
    %dma_start3A_282 = arith.constant 0 : i32
    %dma_start3A_283 = tpu.memref_slice %arg4[%add3A_281, %dma_start3A_282] : memref<262144x128xf32, #tpu.memory_space<hbm>> -> memref<128x128xf32, #tpu.memory_space<hbm>>
    %dma_start3A_284 = arith.constant 0 : i32
    %dma_start3A_285 = tpu.memref_slice %arg4[%add3A_281, %dma_start3A_284] : memref<262144x128xf32, #tpu.memory_space<hbm>> -> memref<128x128xf32, #tpu.memory_space<hbm>>
    tpu.enqueue_dma source(%arg7 : memref<128x128xf32, #tpu.memory_space<vmem>>) target(%dma_start3A_285 : memref<128x128xf32, #tpu.memory_space<hbm>>) target_semaphore(%arg12 : memref<!tpu.dma_semaphore, #tpu.memory_space<semaphore_mem>>)
    %dma_wait3A_286 = arith.constant 0 : i32
    %dma_wait3A_287 = tpu.memref_slice %arg4[%add3A_281, %dma_wait3A_286] : memref<262144x128xf32, #tpu.memory_space<hbm>> -> memref<128x128xf32, #tpu.memory_space<hbm>>
    %dma_wait3A_288 = arith.constant 0 : i32
    %dma_wait3A_289 = tpu.memref_slice %arg4[%add3A_281, %dma_wait3A_288] : memref<262144x128xf32, #tpu.memory_space<hbm>> -> memref<128x128xf32, #tpu.memory_space<hbm>>
    tpu.wait_dma2 semaphore(%arg12 : memref<!tpu.dma_semaphore, #tpu.memory_space<semaphore_mem>>) src(%arg7 : memref<128x128xf32, #tpu.memory_space<vmem>>) dst(%dma_wait3A_289 : memref<128x128xf32, #tpu.memory_space<hbm>>)
    %dma_start3A_290 = arith.constant 1920 : i32
    %dma_start3A_291 = tpu.memref_slice %arg5[%dma_start3A_290] : memref<8192xi32, #tpu.memory_space<vmem>> -> memref<128xi32, #tpu.memory_space<vmem>>
    %dma_start3A_292 = arith.constant 0 : i32
    %dma_start3A_293 = arith.constant 0 : i32
    %dma_start3A_294 = tpu.memref_slice %arg8[%dma_start3A_292, %dma_start3A_293] : memref<8192x128xf32, #tpu.memory_space<vmem_shared>> -> memref<8192x128xf32, #tpu.memory_space<vmem_shared>>
    tpu.enqueue_indirect_dma source(%dma_start3A_294 : memref<8192x128xf32, #tpu.memory_space<vmem_shared>>) target(%arg7 : memref<128x128xf32, #tpu.memory_space<vmem>>) offsets(%dma_start3A_291 : memref<128xi32, #tpu.memory_space<vmem>>) semaphore(%arg10 : memref<!tpu.dma_semaphore, #tpu.memory_space<semaphore_mem>>)
    %dma_wait3A_295 = arith.constant 1792 : i32
    %dma_wait3A_296 = tpu.memref_slice %arg5[%dma_wait3A_295] : memref<8192xi32, #tpu.memory_space<vmem>> -> memref<128xi32, #tpu.memory_space<vmem>>
    %dma_wait3A_297 = arith.constant 0 : i32
    %dma_wait3A_298 = arith.constant 0 : i32
    %dma_wait3A_299 = tpu.memref_slice %arg8[%dma_wait3A_297, %dma_wait3A_298] : memref<8192x128xf32, #tpu.memory_space<vmem_shared>> -> memref<8192x128xf32, #tpu.memory_space<vmem_shared>>
    tpu.wait_indirect_dma semaphore(%arg9 : memref<!tpu.dma_semaphore, #tpu.memory_space<semaphore_mem>>) src(%dma_wait3A_299 : memref<8192x128xf32, #tpu.memory_space<vmem_shared>>) dst(%arg6 : memref<128x128xf32, #tpu.memory_space<vmem>>)
    %add3A_300 = arith.constant 1792 : i32
    %add3A_301 = arith.addi %mul3A_2, %add3A_300 : i32
    %dma_start3A_302 = arith.constant 0 : i32
    %dma_start3A_303 = tpu.memref_slice %arg4[%add3A_301, %dma_start3A_302] : memref<262144x128xf32, #tpu.memory_space<hbm>> -> memref<128x128xf32, #tpu.memory_space<hbm>>
    %dma_start3A_304 = arith.constant 0 : i32
    %dma_start3A_305 = tpu.memref_slice %arg4[%add3A_301, %dma_start3A_304] : memref<262144x128xf32, #tpu.memory_space<hbm>> -> memref<128x128xf32, #tpu.memory_space<hbm>>
    tpu.enqueue_dma source(%arg6 : memref<128x128xf32, #tpu.memory_space<vmem>>) target(%dma_start3A_305 : memref<128x128xf32, #tpu.memory_space<hbm>>) target_semaphore(%arg11 : memref<!tpu.dma_semaphore, #tpu.memory_space<semaphore_mem>>)
    %dma_wait3A_306 = arith.constant 0 : i32
    %dma_wait3A_307 = tpu.memref_slice %arg4[%add3A_301, %dma_wait3A_306] : memref<262144x128xf32, #tpu.memory_space<hbm>> -> memref<128x128xf32, #tpu.memory_space<hbm>>
    %dma_wait3A_308 = arith.constant 0 : i32
    %dma_wait3A_309 = tpu.memref_slice %arg4[%add3A_301, %dma_wait3A_308] : memref<262144x128xf32, #tpu.memory_space<hbm>> -> memref<128x128xf32, #tpu.memory_space<hbm>>
    tpu.wait_dma2 semaphore(%arg11 : memref<!tpu.dma_semaphore, #tpu.memory_space<semaphore_mem>>) src(%arg6 : memref<128x128xf32, #tpu.memory_space<vmem>>) dst(%dma_wait3A_309 : memref<128x128xf32, #tpu.memory_space<hbm>>)
    %dma_start3A_310 = arith.constant 2048 : i32
    %dma_start3A_311 = tpu.memref_slice %arg5[%dma_start3A_310] : memref<8192xi32, #tpu.memory_space<vmem>> -> memref<128xi32, #tpu.memory_space<vmem>>
    %dma_start3A_312 = arith.constant 0 : i32
    %dma_start3A_313 = arith.constant 0 : i32
    %dma_start3A_314 = tpu.memref_slice %arg8[%dma_start3A_312, %dma_start3A_313] : memref<8192x128xf32, #tpu.memory_space<vmem_shared>> -> memref<8192x128xf32, #tpu.memory_space<vmem_shared>>
    tpu.enqueue_indirect_dma source(%dma_start3A_314 : memref<8192x128xf32, #tpu.memory_space<vmem_shared>>) target(%arg6 : memref<128x128xf32, #tpu.memory_space<vmem>>) offsets(%dma_start3A_311 : memref<128xi32, #tpu.memory_space<vmem>>) semaphore(%arg9 : memref<!tpu.dma_semaphore, #tpu.memory_space<semaphore_mem>>)
    %dma_wait3A_315 = arith.constant 1920 : i32
    %dma_wait3A_316 = tpu.memref_slice %arg5[%dma_wait3A_315] : memref<8192xi32, #tpu.memory_space<vmem>> -> memref<128xi32, #tpu.memory_space<vmem>>
    %dma_wait3A_317 = arith.constant 0 : i32
    %dma_wait3A_318 = arith.constant 0 : i32
    %dma_wait3A_319 = tpu.memref_slice %arg8[%dma_wait3A_317, %dma_wait3A_318] : memref<8192x128xf32, #tpu.memory_space<vmem_shared>> -> memref<8192x128xf32, #tpu.memory_space<vmem_shared>>
    tpu.wait_indirect_dma semaphore(%arg10 : memref<!tpu.dma_semaphore, #tpu.memory_space<semaphore_mem>>) src(%dma_wait3A_319 : memref<8192x128xf32, #tpu.memory_space<vmem_shared>>) dst(%arg7 : memref<128x128xf32, #tpu.memory_space<vmem>>)
    %add3A_320 = arith.constant 1920 : i32
    %add3A_321 = arith.addi %mul3A_2, %add3A_320 : i32
    %dma_start3A_322 = arith.constant 0 : i32
    %dma_start3A_323 = tpu.memref_slice %arg4[%add3A_321, %dma_start3A_322] : memref<262144x128xf32, #tpu.memory_space<hbm>> -> memref<128x128xf32, #tpu.memory_space<hbm>>
    %dma_start3A_324 = arith.constant 0 : i32
    %dma_start3A_325 = tpu.memref_slice %arg4[%add3A_321, %dma_start3A_324] : memref<262144x128xf32, #tpu.memory_space<hbm>> -> memref<128x128xf32, #tpu.memory_space<hbm>>
    tpu.enqueue_dma source(%arg7 : memref<128x128xf32, #tpu.memory_space<vmem>>) target(%dma_start3A_325 : memref<128x128xf32, #tpu.memory_space<hbm>>) target_semaphore(%arg12 : memref<!tpu.dma_semaphore, #tpu.memory_space<semaphore_mem>>)
    %dma_wait3A_326 = arith.constant 0 : i32
    %dma_wait3A_327 = tpu.memref_slice %arg4[%add3A_321, %dma_wait3A_326] : memref<262144x128xf32, #tpu.memory_space<hbm>> -> memref<128x128xf32, #tpu.memory_space<hbm>>
    %dma_wait3A_328 = arith.constant 0 : i32
    %dma_wait3A_329 = tpu.memref_slice %arg4[%add3A_321, %dma_wait3A_328] : memref<262144x128xf32, #tpu.memory_space<hbm>> -> memref<128x128xf32, #tpu.memory_space<hbm>>
    tpu.wait_dma2 semaphore(%arg12 : memref<!tpu.dma_semaphore, #tpu.memory_space<semaphore_mem>>) src(%arg7 : memref<128x128xf32, #tpu.memory_space<vmem>>) dst(%dma_wait3A_329 : memref<128x128xf32, #tpu.memory_space<hbm>>)
    %dma_start3A_330 = arith.constant 2176 : i32
    %dma_start3A_331 = tpu.memref_slice %arg5[%dma_start3A_330] : memref<8192xi32, #tpu.memory_space<vmem>> -> memref<128xi32, #tpu.memory_space<vmem>>
    %dma_start3A_332 = arith.constant 0 : i32
    %dma_start3A_333 = arith.constant 0 : i32
    %dma_start3A_334 = tpu.memref_slice %arg8[%dma_start3A_332, %dma_start3A_333] : memref<8192x128xf32, #tpu.memory_space<vmem_shared>> -> memref<8192x128xf32, #tpu.memory_space<vmem_shared>>
    tpu.enqueue_indirect_dma source(%dma_start3A_334 : memref<8192x128xf32, #tpu.memory_space<vmem_shared>>) target(%arg7 : memref<128x128xf32, #tpu.memory_space<vmem>>) offsets(%dma_start3A_331 : memref<128xi32, #tpu.memory_space<vmem>>) semaphore(%arg10 : memref<!tpu.dma_semaphore, #tpu.memory_space<semaphore_mem>>)
    %dma_wait3A_335 = arith.constant 2048 : i32
    %dma_wait3A_336 = tpu.memref_slice %arg5[%dma_wait3A_335] : memref<8192xi32, #tpu.memory_space<vmem>> -> memref<128xi32, #tpu.memory_space<vmem>>
    %dma_wait3A_337 = arith.constant 0 : i32
    %dma_wait3A_338 = arith.constant 0 : i32
    %dma_wait3A_339 = tpu.memref_slice %arg8[%dma_wait3A_337, %dma_wait3A_338] : memref<8192x128xf32, #tpu.memory_space<vmem_shared>> -> memref<8192x128xf32, #tpu.memory_space<vmem_shared>>
    tpu.wait_indirect_dma semaphore(%arg9 : memref<!tpu.dma_semaphore, #tpu.memory_space<semaphore_mem>>) src(%dma_wait3A_339 : memref<8192x128xf32, #tpu.memory_space<vmem_shared>>) dst(%arg6 : memref<128x128xf32, #tpu.memory_space<vmem>>)
    %add3A_340 = arith.constant 2048 : i32
    %add3A_341 = arith.addi %mul3A_2, %add3A_340 : i32
    %dma_start3A_342 = arith.constant 0 : i32
    %dma_start3A_343 = tpu.memref_slice %arg4[%add3A_341, %dma_start3A_342] : memref<262144x128xf32, #tpu.memory_space<hbm>> -> memref<128x128xf32, #tpu.memory_space<hbm>>
    %dma_start3A_344 = arith.constant 0 : i32
    %dma_start3A_345 = tpu.memref_slice %arg4[%add3A_341, %dma_start3A_344] : memref<262144x128xf32, #tpu.memory_space<hbm>> -> memref<128x128xf32, #tpu.memory_space<hbm>>
    tpu.enqueue_dma source(%arg6 : memref<128x128xf32, #tpu.memory_space<vmem>>) target(%dma_start3A_345 : memref<128x128xf32, #tpu.memory_space<hbm>>) target_semaphore(%arg11 : memref<!tpu.dma_semaphore, #tpu.memory_space<semaphore_mem>>)
    %dma_wait3A_346 = arith.constant 0 : i32
    %dma_wait3A_347 = tpu.memref_slice %arg4[%add3A_341, %dma_wait3A_346] : memref<262144x128xf32, #tpu.memory_space<hbm>> -> memref<128x128xf32, #tpu.memory_space<hbm>>
    %dma_wait3A_348 = arith.constant 0 : i32
    %dma_wait3A_349 = tpu.memref_slice %arg4[%add3A_341, %dma_wait3A_348] : memref<262144x128xf32, #tpu.memory_space<hbm>> -> memref<128x128xf32, #tpu.memory_space<hbm>>
    tpu.wait_dma2 semaphore(%arg11 : memref<!tpu.dma_semaphore, #tpu.memory_space<semaphore_mem>>) src(%arg6 : memref<128x128xf32, #tpu.memory_space<vmem>>) dst(%dma_wait3A_349 : memref<128x128xf32, #tpu.memory_space<hbm>>)
    %dma_start3A_350 = arith.constant 2304 : i32
    %dma_start3A_351 = tpu.memref_slice %arg5[%dma_start3A_350] : memref<8192xi32, #tpu.memory_space<vmem>> -> memref<128xi32, #tpu.memory_space<vmem>>
    %dma_start3A_352 = arith.constant 0 : i32
    %dma_start3A_353 = arith.constant 0 : i32
    %dma_start3A_354 = tpu.memref_slice %arg8[%dma_start3A_352, %dma_start3A_353] : memref<8192x128xf32, #tpu.memory_space<vmem_shared>> -> memref<8192x128xf32, #tpu.memory_space<vmem_shared>>
    tpu.enqueue_indirect_dma source(%dma_start3A_354 : memref<8192x128xf32, #tpu.memory_space<vmem_shared>>) target(%arg6 : memref<128x128xf32, #tpu.memory_space<vmem>>) offsets(%dma_start3A_351 : memref<128xi32, #tpu.memory_space<vmem>>) semaphore(%arg9 : memref<!tpu.dma_semaphore, #tpu.memory_space<semaphore_mem>>)
    %dma_wait3A_355 = arith.constant 2176 : i32
    %dma_wait3A_356 = tpu.memref_slice %arg5[%dma_wait3A_355] : memref<8192xi32, #tpu.memory_space<vmem>> -> memref<128xi32, #tpu.memory_space<vmem>>
    %dma_wait3A_357 = arith.constant 0 : i32
    %dma_wait3A_358 = arith.constant 0 : i32
    %dma_wait3A_359 = tpu.memref_slice %arg8[%dma_wait3A_357, %dma_wait3A_358] : memref<8192x128xf32, #tpu.memory_space<vmem_shared>> -> memref<8192x128xf32, #tpu.memory_space<vmem_shared>>
    tpu.wait_indirect_dma semaphore(%arg10 : memref<!tpu.dma_semaphore, #tpu.memory_space<semaphore_mem>>) src(%dma_wait3A_359 : memref<8192x128xf32, #tpu.memory_space<vmem_shared>>) dst(%arg7 : memref<128x128xf32, #tpu.memory_space<vmem>>)
    %add3A_360 = arith.constant 2176 : i32
    %add3A_361 = arith.addi %mul3A_2, %add3A_360 : i32
    %dma_start3A_362 = arith.constant 0 : i32
    %dma_start3A_363 = tpu.memref_slice %arg4[%add3A_361, %dma_start3A_362] : memref<262144x128xf32, #tpu.memory_space<hbm>> -> memref<128x128xf32, #tpu.memory_space<hbm>>
    %dma_start3A_364 = arith.constant 0 : i32
    %dma_start3A_365 = tpu.memref_slice %arg4[%add3A_361, %dma_start3A_364] : memref<262144x128xf32, #tpu.memory_space<hbm>> -> memref<128x128xf32, #tpu.memory_space<hbm>>
    tpu.enqueue_dma source(%arg7 : memref<128x128xf32, #tpu.memory_space<vmem>>) target(%dma_start3A_365 : memref<128x128xf32, #tpu.memory_space<hbm>>) target_semaphore(%arg12 : memref<!tpu.dma_semaphore, #tpu.memory_space<semaphore_mem>>)
    %dma_wait3A_366 = arith.constant 0 : i32
    %dma_wait3A_367 = tpu.memref_slice %arg4[%add3A_361, %dma_wait3A_366] : memref<262144x128xf32, #tpu.memory_space<hbm>> -> memref<128x128xf32, #tpu.memory_space<hbm>>
    %dma_wait3A_368 = arith.constant 0 : i32
    %dma_wait3A_369 = tpu.memref_slice %arg4[%add3A_361, %dma_wait3A_368] : memref<262144x128xf32, #tpu.memory_space<hbm>> -> memref<128x128xf32, #tpu.memory_space<hbm>>
    tpu.wait_dma2 semaphore(%arg12 : memref<!tpu.dma_semaphore, #tpu.memory_space<semaphore_mem>>) src(%arg7 : memref<128x128xf32, #tpu.memory_space<vmem>>) dst(%dma_wait3A_369 : memref<128x128xf32, #tpu.memory_space<hbm>>)
    %dma_start3A_370 = arith.constant 2432 : i32
    %dma_start3A_371 = tpu.memref_slice %arg5[%dma_start3A_370] : memref<8192xi32, #tpu.memory_space<vmem>> -> memref<128xi32, #tpu.memory_space<vmem>>
    %dma_start3A_372 = arith.constant 0 : i32
    %dma_start3A_373 = arith.constant 0 : i32
    %dma_start3A_374 = tpu.memref_slice %arg8[%dma_start3A_372, %dma_start3A_373] : memref<8192x128xf32, #tpu.memory_space<vmem_shared>> -> memref<8192x128xf32, #tpu.memory_space<vmem_shared>>
    tpu.enqueue_indirect_dma source(%dma_start3A_374 : memref<8192x128xf32, #tpu.memory_space<vmem_shared>>) target(%arg7 : memref<128x128xf32, #tpu.memory_space<vmem>>) offsets(%dma_start3A_371 : memref<128xi32, #tpu.memory_space<vmem>>) semaphore(%arg10 : memref<!tpu.dma_semaphore, #tpu.memory_space<semaphore_mem>>)
    %dma_wait3A_375 = arith.constant 2304 : i32
    %dma_wait3A_376 = tpu.memref_slice %arg5[%dma_wait3A_375] : memref<8192xi32, #tpu.memory_space<vmem>> -> memref<128xi32, #tpu.memory_space<vmem>>
    %dma_wait3A_377 = arith.constant 0 : i32
    %dma_wait3A_378 = arith.constant 0 : i32
    %dma_wait3A_379 = tpu.memref_slice %arg8[%dma_wait3A_377, %dma_wait3A_378] : memref<8192x128xf32, #tpu.memory_space<vmem_shared>> -> memref<8192x128xf32, #tpu.memory_space<vmem_shared>>
    tpu.wait_indirect_dma semaphore(%arg9 : memref<!tpu.dma_semaphore, #tpu.memory_space<semaphore_mem>>) src(%dma_wait3A_379 : memref<8192x128xf32, #tpu.memory_space<vmem_shared>>) dst(%arg6 : memref<128x128xf32, #tpu.memory_space<vmem>>)
    %add3A_380 = arith.constant 2304 : i32
    %add3A_381 = arith.addi %mul3A_2, %add3A_380 : i32
    %dma_start3A_382 = arith.constant 0 : i32
    %dma_start3A_383 = tpu.memref_slice %arg4[%add3A_381, %dma_start3A_382] : memref<262144x128xf32, #tpu.memory_space<hbm>> -> memref<128x128xf32, #tpu.memory_space<hbm>>
    %dma_start3A_384 = arith.constant 0 : i32
    %dma_start3A_385 = tpu.memref_slice %arg4[%add3A_381, %dma_start3A_384] : memref<262144x128xf32, #tpu.memory_space<hbm>> -> memref<128x128xf32, #tpu.memory_space<hbm>>
    tpu.enqueue_dma source(%arg6 : memref<128x128xf32, #tpu.memory_space<vmem>>) target(%dma_start3A_385 : memref<128x128xf32, #tpu.memory_space<hbm>>) target_semaphore(%arg11 : memref<!tpu.dma_semaphore, #tpu.memory_space<semaphore_mem>>)
    %dma_wait3A_386 = arith.constant 0 : i32
    %dma_wait3A_387 = tpu.memref_slice %arg4[%add3A_381, %dma_wait3A_386] : memref<262144x128xf32, #tpu.memory_space<hbm>> -> memref<128x128xf32, #tpu.memory_space<hbm>>
    %dma_wait3A_388 = arith.constant 0 : i32
    %dma_wait3A_389 = tpu.memref_slice %arg4[%add3A_381, %dma_wait3A_388] : memref<262144x128xf32, #tpu.memory_space<hbm>> -> memref<128x128xf32, #tpu.memory_space<hbm>>
    tpu.wait_dma2 semaphore(%arg11 : memref<!tpu.dma_semaphore, #tpu.memory_space<semaphore_mem>>) src(%arg6 : memref<128x128xf32, #tpu.memory_space<vmem>>) dst(%dma_wait3A_389 : memref<128x128xf32, #tpu.memory_space<hbm>>)
    %dma_start3A_390 = arith.constant 2560 : i32
    %dma_start3A_391 = tpu.memref_slice %arg5[%dma_start3A_390] : memref<8192xi32, #tpu.memory_space<vmem>> -> memref<128xi32, #tpu.memory_space<vmem>>
    %dma_start3A_392 = arith.constant 0 : i32
    %dma_start3A_393 = arith.constant 0 : i32
    %dma_start3A_394 = tpu.memref_slice %arg8[%dma_start3A_392, %dma_start3A_393] : memref<8192x128xf32, #tpu.memory_space<vmem_shared>> -> memref<8192x128xf32, #tpu.memory_space<vmem_shared>>
    tpu.enqueue_indirect_dma source(%dma_start3A_394 : memref<8192x128xf32, #tpu.memory_space<vmem_shared>>) target(%arg6 : memref<128x128xf32, #tpu.memory_space<vmem>>) offsets(%dma_start3A_391 : memref<128xi32, #tpu.memory_space<vmem>>) semaphore(%arg9 : memref<!tpu.dma_semaphore, #tpu.memory_space<semaphore_mem>>)
    %dma_wait3A_395 = arith.constant 2432 : i32
    %dma_wait3A_396 = tpu.memref_slice %arg5[%dma_wait3A_395] : memref<8192xi32, #tpu.memory_space<vmem>> -> memref<128xi32, #tpu.memory_space<vmem>>
    %dma_wait3A_397 = arith.constant 0 : i32
    %dma_wait3A_398 = arith.constant 0 : i32
    %dma_wait3A_399 = tpu.memref_slice %arg8[%dma_wait3A_397, %dma_wait3A_398] : memref<8192x128xf32, #tpu.memory_space<vmem_shared>> -> memref<8192x128xf32, #tpu.memory_space<vmem_shared>>
    tpu.wait_indirect_dma semaphore(%arg10 : memref<!tpu.dma_semaphore, #tpu.memory_space<semaphore_mem>>) src(%dma_wait3A_399 : memref<8192x128xf32, #tpu.memory_space<vmem_shared>>) dst(%arg7 : memref<128x128xf32, #tpu.memory_space<vmem>>)
    %add3A_400 = arith.constant 2432 : i32
    %add3A_401 = arith.addi %mul3A_2, %add3A_400 : i32
    %dma_start3A_402 = arith.constant 0 : i32
    %dma_start3A_403 = tpu.memref_slice %arg4[%add3A_401, %dma_start3A_402] : memref<262144x128xf32, #tpu.memory_space<hbm>> -> memref<128x128xf32, #tpu.memory_space<hbm>>
    %dma_start3A_404 = arith.constant 0 : i32
    %dma_start3A_405 = tpu.memref_slice %arg4[%add3A_401, %dma_start3A_404] : memref<262144x128xf32, #tpu.memory_space<hbm>> -> memref<128x128xf32, #tpu.memory_space<hbm>>
    tpu.enqueue_dma source(%arg7 : memref<128x128xf32, #tpu.memory_space<vmem>>) target(%dma_start3A_405 : memref<128x128xf32, #tpu.memory_space<hbm>>) target_semaphore(%arg12 : memref<!tpu.dma_semaphore, #tpu.memory_space<semaphore_mem>>)
    %dma_wait3A_406 = arith.constant 0 : i32
    %dma_wait3A_407 = tpu.memref_slice %arg4[%add3A_401, %dma_wait3A_406] : memref<262144x128xf32, #tpu.memory_space<hbm>> -> memref<128x128xf32, #tpu.memory_space<hbm>>
    %dma_wait3A_408 = arith.constant 0 : i32
    %dma_wait3A_409 = tpu.memref_slice %arg4[%add3A_401, %dma_wait3A_408] : memref<262144x128xf32, #tpu.memory_space<hbm>> -> memref<128x128xf32, #tpu.memory_space<hbm>>
    tpu.wait_dma2 semaphore(%arg12 : memref<!tpu.dma_semaphore, #tpu.memory_space<semaphore_mem>>) src(%arg7 : memref<128x128xf32, #tpu.memory_space<vmem>>) dst(%dma_wait3A_409 : memref<128x128xf32, #tpu.memory_space<hbm>>)
    %dma_start3A_410 = arith.constant 2688 : i32
    %dma_start3A_411 = tpu.memref_slice %arg5[%dma_start3A_410] : memref<8192xi32, #tpu.memory_space<vmem>> -> memref<128xi32, #tpu.memory_space<vmem>>
    %dma_start3A_412 = arith.constant 0 : i32
    %dma_start3A_413 = arith.constant 0 : i32
    %dma_start3A_414 = tpu.memref_slice %arg8[%dma_start3A_412, %dma_start3A_413] : memref<8192x128xf32, #tpu.memory_space<vmem_shared>> -> memref<8192x128xf32, #tpu.memory_space<vmem_shared>>
    tpu.enqueue_indirect_dma source(%dma_start3A_414 : memref<8192x128xf32, #tpu.memory_space<vmem_shared>>) target(%arg7 : memref<128x128xf32, #tpu.memory_space<vmem>>) offsets(%dma_start3A_411 : memref<128xi32, #tpu.memory_space<vmem>>) semaphore(%arg10 : memref<!tpu.dma_semaphore, #tpu.memory_space<semaphore_mem>>)
    %dma_wait3A_415 = arith.constant 2560 : i32
    %dma_wait3A_416 = tpu.memref_slice %arg5[%dma_wait3A_415] : memref<8192xi32, #tpu.memory_space<vmem>> -> memref<128xi32, #tpu.memory_space<vmem>>
    %dma_wait3A_417 = arith.constant 0 : i32
    %dma_wait3A_418 = arith.constant 0 : i32
    %dma_wait3A_419 = tpu.memref_slice %arg8[%dma_wait3A_417, %dma_wait3A_418] : memref<8192x128xf32, #tpu.memory_space<vmem_shared>> -> memref<8192x128xf32, #tpu.memory_space<vmem_shared>>
    tpu.wait_indirect_dma semaphore(%arg9 : memref<!tpu.dma_semaphore, #tpu.memory_space<semaphore_mem>>) src(%dma_wait3A_419 : memref<8192x128xf32, #tpu.memory_space<vmem_shared>>) dst(%arg6 : memref<128x128xf32, #tpu.memory_space<vmem>>)
    %add3A_420 = arith.constant 2560 : i32
    %add3A_421 = arith.addi %mul3A_2, %add3A_420 : i32
    %dma_start3A_422 = arith.constant 0 : i32
    %dma_start3A_423 = tpu.memref_slice %arg4[%add3A_421, %dma_start3A_422] : memref<262144x128xf32, #tpu.memory_space<hbm>> -> memref<128x128xf32, #tpu.memory_space<hbm>>
    %dma_start3A_424 = arith.constant 0 : i32
    %dma_start3A_425 = tpu.memref_slice %arg4[%add3A_421, %dma_start3A_424] : memref<262144x128xf32, #tpu.memory_space<hbm>> -> memref<128x128xf32, #tpu.memory_space<hbm>>
    tpu.enqueue_dma source(%arg6 : memref<128x128xf32, #tpu.memory_space<vmem>>) target(%dma_start3A_425 : memref<128x128xf32, #tpu.memory_space<hbm>>) target_semaphore(%arg11 : memref<!tpu.dma_semaphore, #tpu.memory_space<semaphore_mem>>)
    %dma_wait3A_426 = arith.constant 0 : i32
    %dma_wait3A_427 = tpu.memref_slice %arg4[%add3A_421, %dma_wait3A_426] : memref<262144x128xf32, #tpu.memory_space<hbm>> -> memref<128x128xf32, #tpu.memory_space<hbm>>
    %dma_wait3A_428 = arith.constant 0 : i32
    %dma_wait3A_429 = tpu.memref_slice %arg4[%add3A_421, %dma_wait3A_428] : memref<262144x128xf32, #tpu.memory_space<hbm>> -> memref<128x128xf32, #tpu.memory_space<hbm>>
    tpu.wait_dma2 semaphore(%arg11 : memref<!tpu.dma_semaphore, #tpu.memory_space<semaphore_mem>>) src(%arg6 : memref<128x128xf32, #tpu.memory_space<vmem>>) dst(%dma_wait3A_429 : memref<128x128xf32, #tpu.memory_space<hbm>>)
    %dma_start3A_430 = arith.constant 2816 : i32
    %dma_start3A_431 = tpu.memref_slice %arg5[%dma_start3A_430] : memref<8192xi32, #tpu.memory_space<vmem>> -> memref<128xi32, #tpu.memory_space<vmem>>
    %dma_start3A_432 = arith.constant 0 : i32
    %dma_start3A_433 = arith.constant 0 : i32
    %dma_start3A_434 = tpu.memref_slice %arg8[%dma_start3A_432, %dma_start3A_433] : memref<8192x128xf32, #tpu.memory_space<vmem_shared>> -> memref<8192x128xf32, #tpu.memory_space<vmem_shared>>
    tpu.enqueue_indirect_dma source(%dma_start3A_434 : memref<8192x128xf32, #tpu.memory_space<vmem_shared>>) target(%arg6 : memref<128x128xf32, #tpu.memory_space<vmem>>) offsets(%dma_start3A_431 : memref<128xi32, #tpu.memory_space<vmem>>) semaphore(%arg9 : memref<!tpu.dma_semaphore, #tpu.memory_space<semaphore_mem>>)
    %dma_wait3A_435 = arith.constant 2688 : i32
    %dma_wait3A_436 = tpu.memref_slice %arg5[%dma_wait3A_435] : memref<8192xi32, #tpu.memory_space<vmem>> -> memref<128xi32, #tpu.memory_space<vmem>>
    %dma_wait3A_437 = arith.constant 0 : i32
    %dma_wait3A_438 = arith.constant 0 : i32
    %dma_wait3A_439 = tpu.memref_slice %arg8[%dma_wait3A_437, %dma_wait3A_438] : memref<8192x128xf32, #tpu.memory_space<vmem_shared>> -> memref<8192x128xf32, #tpu.memory_space<vmem_shared>>
    tpu.wait_indirect_dma semaphore(%arg10 : memref<!tpu.dma_semaphore, #tpu.memory_space<semaphore_mem>>) src(%dma_wait3A_439 : memref<8192x128xf32, #tpu.memory_space<vmem_shared>>) dst(%arg7 : memref<128x128xf32, #tpu.memory_space<vmem>>)
    %add3A_440 = arith.constant 2688 : i32
    %add3A_441 = arith.addi %mul3A_2, %add3A_440 : i32
    %dma_start3A_442 = arith.constant 0 : i32
    %dma_start3A_443 = tpu.memref_slice %arg4[%add3A_441, %dma_start3A_442] : memref<262144x128xf32, #tpu.memory_space<hbm>> -> memref<128x128xf32, #tpu.memory_space<hbm>>
    %dma_start3A_444 = arith.constant 0 : i32
    %dma_start3A_445 = tpu.memref_slice %arg4[%add3A_441, %dma_start3A_444] : memref<262144x128xf32, #tpu.memory_space<hbm>> -> memref<128x128xf32, #tpu.memory_space<hbm>>
    tpu.enqueue_dma source(%arg7 : memref<128x128xf32, #tpu.memory_space<vmem>>) target(%dma_start3A_445 : memref<128x128xf32, #tpu.memory_space<hbm>>) target_semaphore(%arg12 : memref<!tpu.dma_semaphore, #tpu.memory_space<semaphore_mem>>)
    %dma_wait3A_446 = arith.constant 0 : i32
    %dma_wait3A_447 = tpu.memref_slice %arg4[%add3A_441, %dma_wait3A_446] : memref<262144x128xf32, #tpu.memory_space<hbm>> -> memref<128x128xf32, #tpu.memory_space<hbm>>
    %dma_wait3A_448 = arith.constant 0 : i32
    %dma_wait3A_449 = tpu.memref_slice %arg4[%add3A_441, %dma_wait3A_448] : memref<262144x128xf32, #tpu.memory_space<hbm>> -> memref<128x128xf32, #tpu.memory_space<hbm>>
    tpu.wait_dma2 semaphore(%arg12 : memref<!tpu.dma_semaphore, #tpu.memory_space<semaphore_mem>>) src(%arg7 : memref<128x128xf32, #tpu.memory_space<vmem>>) dst(%dma_wait3A_449 : memref<128x128xf32, #tpu.memory_space<hbm>>)
    %dma_start3A_450 = arith.constant 2944 : i32
    %dma_start3A_451 = tpu.memref_slice %arg5[%dma_start3A_450] : memref<8192xi32, #tpu.memory_space<vmem>> -> memref<128xi32, #tpu.memory_space<vmem>>
    %dma_start3A_452 = arith.constant 0 : i32
    %dma_start3A_453 = arith.constant 0 : i32
    %dma_start3A_454 = tpu.memref_slice %arg8[%dma_start3A_452, %dma_start3A_453] : memref<8192x128xf32, #tpu.memory_space<vmem_shared>> -> memref<8192x128xf32, #tpu.memory_space<vmem_shared>>
    tpu.enqueue_indirect_dma source(%dma_start3A_454 : memref<8192x128xf32, #tpu.memory_space<vmem_shared>>) target(%arg7 : memref<128x128xf32, #tpu.memory_space<vmem>>) offsets(%dma_start3A_451 : memref<128xi32, #tpu.memory_space<vmem>>) semaphore(%arg10 : memref<!tpu.dma_semaphore, #tpu.memory_space<semaphore_mem>>)
    %dma_wait3A_455 = arith.constant 2816 : i32
    %dma_wait3A_456 = tpu.memref_slice %arg5[%dma_wait3A_455] : memref<8192xi32, #tpu.memory_space<vmem>> -> memref<128xi32, #tpu.memory_space<vmem>>
    %dma_wait3A_457 = arith.constant 0 : i32
    %dma_wait3A_458 = arith.constant 0 : i32
    %dma_wait3A_459 = tpu.memref_slice %arg8[%dma_wait3A_457, %dma_wait3A_458] : memref<8192x128xf32, #tpu.memory_space<vmem_shared>> -> memref<8192x128xf32, #tpu.memory_space<vmem_shared>>
    tpu.wait_indirect_dma semaphore(%arg9 : memref<!tpu.dma_semaphore, #tpu.memory_space<semaphore_mem>>) src(%dma_wait3A_459 : memref<8192x128xf32, #tpu.memory_space<vmem_shared>>) dst(%arg6 : memref<128x128xf32, #tpu.memory_space<vmem>>)
    %add3A_460 = arith.constant 2816 : i32
    %add3A_461 = arith.addi %mul3A_2, %add3A_460 : i32
    %dma_start3A_462 = arith.constant 0 : i32
    %dma_start3A_463 = tpu.memref_slice %arg4[%add3A_461, %dma_start3A_462] : memref<262144x128xf32, #tpu.memory_space<hbm>> -> memref<128x128xf32, #tpu.memory_space<hbm>>
    %dma_start3A_464 = arith.constant 0 : i32
    %dma_start3A_465 = tpu.memref_slice %arg4[%add3A_461, %dma_start3A_464] : memref<262144x128xf32, #tpu.memory_space<hbm>> -> memref<128x128xf32, #tpu.memory_space<hbm>>
    tpu.enqueue_dma source(%arg6 : memref<128x128xf32, #tpu.memory_space<vmem>>) target(%dma_start3A_465 : memref<128x128xf32, #tpu.memory_space<hbm>>) target_semaphore(%arg11 : memref<!tpu.dma_semaphore, #tpu.memory_space<semaphore_mem>>)
    %dma_wait3A_466 = arith.constant 0 : i32
    %dma_wait3A_467 = tpu.memref_slice %arg4[%add3A_461, %dma_wait3A_466] : memref<262144x128xf32, #tpu.memory_space<hbm>> -> memref<128x128xf32, #tpu.memory_space<hbm>>
    %dma_wait3A_468 = arith.constant 0 : i32
    %dma_wait3A_469 = tpu.memref_slice %arg4[%add3A_461, %dma_wait3A_468] : memref<262144x128xf32, #tpu.memory_space<hbm>> -> memref<128x128xf32, #tpu.memory_space<hbm>>
    tpu.wait_dma2 semaphore(%arg11 : memref<!tpu.dma_semaphore, #tpu.memory_space<semaphore_mem>>) src(%arg6 : memref<128x128xf32, #tpu.memory_space<vmem>>) dst(%dma_wait3A_469 : memref<128x128xf32, #tpu.memory_space<hbm>>)
    %dma_start3A_470 = arith.constant 3072 : i32
    %dma_start3A_471 = tpu.memref_slice %arg5[%dma_start3A_470] : memref<8192xi32, #tpu.memory_space<vmem>> -> memref<128xi32, #tpu.memory_space<vmem>>
    %dma_start3A_472 = arith.constant 0 : i32
    %dma_start3A_473 = arith.constant 0 : i32
    %dma_start3A_474 = tpu.memref_slice %arg8[%dma_start3A_472, %dma_start3A_473] : memref<8192x128xf32, #tpu.memory_space<vmem_shared>> -> memref<8192x128xf32, #tpu.memory_space<vmem_shared>>
    tpu.enqueue_indirect_dma source(%dma_start3A_474 : memref<8192x128xf32, #tpu.memory_space<vmem_shared>>) target(%arg6 : memref<128x128xf32, #tpu.memory_space<vmem>>) offsets(%dma_start3A_471 : memref<128xi32, #tpu.memory_space<vmem>>) semaphore(%arg9 : memref<!tpu.dma_semaphore, #tpu.memory_space<semaphore_mem>>)
    %dma_wait3A_475 = arith.constant 2944 : i32
    %dma_wait3A_476 = tpu.memref_slice %arg5[%dma_wait3A_475] : memref<8192xi32, #tpu.memory_space<vmem>> -> memref<128xi32, #tpu.memory_space<vmem>>
    %dma_wait3A_477 = arith.constant 0 : i32
    %dma_wait3A_478 = arith.constant 0 : i32
    %dma_wait3A_479 = tpu.memref_slice %arg8[%dma_wait3A_477, %dma_wait3A_478] : memref<8192x128xf32, #tpu.memory_space<vmem_shared>> -> memref<8192x128xf32, #tpu.memory_space<vmem_shared>>
    tpu.wait_indirect_dma semaphore(%arg10 : memref<!tpu.dma_semaphore, #tpu.memory_space<semaphore_mem>>) src(%dma_wait3A_479 : memref<8192x128xf32, #tpu.memory_space<vmem_shared>>) dst(%arg7 : memref<128x128xf32, #tpu.memory_space<vmem>>)
    %add3A_480 = arith.constant 2944 : i32
    %add3A_481 = arith.addi %mul3A_2, %add3A_480 : i32
    %dma_start3A_482 = arith.constant 0 : i32
    %dma_start3A_483 = tpu.memref_slice %arg4[%add3A_481, %dma_start3A_482] : memref<262144x128xf32, #tpu.memory_space<hbm>> -> memref<128x128xf32, #tpu.memory_space<hbm>>
    %dma_start3A_484 = arith.constant 0 : i32
    %dma_start3A_485 = tpu.memref_slice %arg4[%add3A_481, %dma_start3A_484] : memref<262144x128xf32, #tpu.memory_space<hbm>> -> memref<128x128xf32, #tpu.memory_space<hbm>>
    tpu.enqueue_dma source(%arg7 : memref<128x128xf32, #tpu.memory_space<vmem>>) target(%dma_start3A_485 : memref<128x128xf32, #tpu.memory_space<hbm>>) target_semaphore(%arg12 : memref<!tpu.dma_semaphore, #tpu.memory_space<semaphore_mem>>)
    %dma_wait3A_486 = arith.constant 0 : i32
    %dma_wait3A_487 = tpu.memref_slice %arg4[%add3A_481, %dma_wait3A_486] : memref<262144x128xf32, #tpu.memory_space<hbm>> -> memref<128x128xf32, #tpu.memory_space<hbm>>
    %dma_wait3A_488 = arith.constant 0 : i32
    %dma_wait3A_489 = tpu.memref_slice %arg4[%add3A_481, %dma_wait3A_488] : memref<262144x128xf32, #tpu.memory_space<hbm>> -> memref<128x128xf32, #tpu.memory_space<hbm>>
    tpu.wait_dma2 semaphore(%arg12 : memref<!tpu.dma_semaphore, #tpu.memory_space<semaphore_mem>>) src(%arg7 : memref<128x128xf32, #tpu.memory_space<vmem>>) dst(%dma_wait3A_489 : memref<128x128xf32, #tpu.memory_space<hbm>>)
    %dma_start3A_490 = arith.constant 3200 : i32
    %dma_start3A_491 = tpu.memref_slice %arg5[%dma_start3A_490] : memref<8192xi32, #tpu.memory_space<vmem>> -> memref<128xi32, #tpu.memory_space<vmem>>
    %dma_start3A_492 = arith.constant 0 : i32
    %dma_start3A_493 = arith.constant 0 : i32
    %dma_start3A_494 = tpu.memref_slice %arg8[%dma_start3A_492, %dma_start3A_493] : memref<8192x128xf32, #tpu.memory_space<vmem_shared>> -> memref<8192x128xf32, #tpu.memory_space<vmem_shared>>
    tpu.enqueue_indirect_dma source(%dma_start3A_494 : memref<8192x128xf32, #tpu.memory_space<vmem_shared>>) target(%arg7 : memref<128x128xf32, #tpu.memory_space<vmem>>) offsets(%dma_start3A_491 : memref<128xi32, #tpu.memory_space<vmem>>) semaphore(%arg10 : memref<!tpu.dma_semaphore, #tpu.memory_space<semaphore_mem>>)
    %dma_wait3A_495 = arith.constant 3072 : i32
    %dma_wait3A_496 = tpu.memref_slice %arg5[%dma_wait3A_495] : memref<8192xi32, #tpu.memory_space<vmem>> -> memref<128xi32, #tpu.memory_space<vmem>>
    %dma_wait3A_497 = arith.constant 0 : i32
    %dma_wait3A_498 = arith.constant 0 : i32
    %dma_wait3A_499 = tpu.memref_slice %arg8[%dma_wait3A_497, %dma_wait3A_498] : memref<8192x128xf32, #tpu.memory_space<vmem_shared>> -> memref<8192x128xf32, #tpu.memory_space<vmem_shared>>
    tpu.wait_indirect_dma semaphore(%arg9 : memref<!tpu.dma_semaphore, #tpu.memory_space<semaphore_mem>>) src(%dma_wait3A_499 : memref<8192x128xf32, #tpu.memory_space<vmem_shared>>) dst(%arg6 : memref<128x128xf32, #tpu.memory_space<vmem>>)
    %add3A_500 = arith.constant 3072 : i32
    %add3A_501 = arith.addi %mul3A_2, %add3A_500 : i32
    %dma_start3A_502 = arith.constant 0 : i32
    %dma_start3A_503 = tpu.memref_slice %arg4[%add3A_501, %dma_start3A_502] : memref<262144x128xf32, #tpu.memory_space<hbm>> -> memref<128x128xf32, #tpu.memory_space<hbm>>
    %dma_start3A_504 = arith.constant 0 : i32
    %dma_start3A_505 = tpu.memref_slice %arg4[%add3A_501, %dma_start3A_504] : memref<262144x128xf32, #tpu.memory_space<hbm>> -> memref<128x128xf32, #tpu.memory_space<hbm>>
    tpu.enqueue_dma source(%arg6 : memref<128x128xf32, #tpu.memory_space<vmem>>) target(%dma_start3A_505 : memref<128x128xf32, #tpu.memory_space<hbm>>) target_semaphore(%arg11 : memref<!tpu.dma_semaphore, #tpu.memory_space<semaphore_mem>>)
    %dma_wait3A_506 = arith.constant 0 : i32
    %dma_wait3A_507 = tpu.memref_slice %arg4[%add3A_501, %dma_wait3A_506] : memref<262144x128xf32, #tpu.memory_space<hbm>> -> memref<128x128xf32, #tpu.memory_space<hbm>>
    %dma_wait3A_508 = arith.constant 0 : i32
    %dma_wait3A_509 = tpu.memref_slice %arg4[%add3A_501, %dma_wait3A_508] : memref<262144x128xf32, #tpu.memory_space<hbm>> -> memref<128x128xf32, #tpu.memory_space<hbm>>
    tpu.wait_dma2 semaphore(%arg11 : memref<!tpu.dma_semaphore, #tpu.memory_space<semaphore_mem>>) src(%arg6 : memref<128x128xf32, #tpu.memory_space<vmem>>) dst(%dma_wait3A_509 : memref<128x128xf32, #tpu.memory_space<hbm>>)
    %dma_start3A_510 = arith.constant 3328 : i32
    %dma_start3A_511 = tpu.memref_slice %arg5[%dma_start3A_510] : memref<8192xi32, #tpu.memory_space<vmem>> -> memref<128xi32, #tpu.memory_space<vmem>>
    %dma_start3A_512 = arith.constant 0 : i32
    %dma_start3A_513 = arith.constant 0 : i32
    %dma_start3A_514 = tpu.memref_slice %arg8[%dma_start3A_512, %dma_start3A_513] : memref<8192x128xf32, #tpu.memory_space<vmem_shared>> -> memref<8192x128xf32, #tpu.memory_space<vmem_shared>>
    tpu.enqueue_indirect_dma source(%dma_start3A_514 : memref<8192x128xf32, #tpu.memory_space<vmem_shared>>) target(%arg6 : memref<128x128xf32, #tpu.memory_space<vmem>>) offsets(%dma_start3A_511 : memref<128xi32, #tpu.memory_space<vmem>>) semaphore(%arg9 : memref<!tpu.dma_semaphore, #tpu.memory_space<semaphore_mem>>)
    %dma_wait3A_515 = arith.constant 3200 : i32
    %dma_wait3A_516 = tpu.memref_slice %arg5[%dma_wait3A_515] : memref<8192xi32, #tpu.memory_space<vmem>> -> memref<128xi32, #tpu.memory_space<vmem>>
    %dma_wait3A_517 = arith.constant 0 : i32
    %dma_wait3A_518 = arith.constant 0 : i32
    %dma_wait3A_519 = tpu.memref_slice %arg8[%dma_wait3A_517, %dma_wait3A_518] : memref<8192x128xf32, #tpu.memory_space<vmem_shared>> -> memref<8192x128xf32, #tpu.memory_space<vmem_shared>>
    tpu.wait_indirect_dma semaphore(%arg10 : memref<!tpu.dma_semaphore, #tpu.memory_space<semaphore_mem>>) src(%dma_wait3A_519 : memref<8192x128xf32, #tpu.memory_space<vmem_shared>>) dst(%arg7 : memref<128x128xf32, #tpu.memory_space<vmem>>)
    %add3A_520 = arith.constant 3200 : i32
    %add3A_521 = arith.addi %mul3A_2, %add3A_520 : i32
    %dma_start3A_522 = arith.constant 0 : i32
    %dma_start3A_523 = tpu.memref_slice %arg4[%add3A_521, %dma_start3A_522] : memref<262144x128xf32, #tpu.memory_space<hbm>> -> memref<128x128xf32, #tpu.memory_space<hbm>>
    %dma_start3A_524 = arith.constant 0 : i32
    %dma_start3A_525 = tpu.memref_slice %arg4[%add3A_521, %dma_start3A_524] : memref<262144x128xf32, #tpu.memory_space<hbm>> -> memref<128x128xf32, #tpu.memory_space<hbm>>
    tpu.enqueue_dma source(%arg7 : memref<128x128xf32, #tpu.memory_space<vmem>>) target(%dma_start3A_525 : memref<128x128xf32, #tpu.memory_space<hbm>>) target_semaphore(%arg12 : memref<!tpu.dma_semaphore, #tpu.memory_space<semaphore_mem>>)
    %dma_wait3A_526 = arith.constant 0 : i32
    %dma_wait3A_527 = tpu.memref_slice %arg4[%add3A_521, %dma_wait3A_526] : memref<262144x128xf32, #tpu.memory_space<hbm>> -> memref<128x128xf32, #tpu.memory_space<hbm>>
    %dma_wait3A_528 = arith.constant 0 : i32
    %dma_wait3A_529 = tpu.memref_slice %arg4[%add3A_521, %dma_wait3A_528] : memref<262144x128xf32, #tpu.memory_space<hbm>> -> memref<128x128xf32, #tpu.memory_space<hbm>>
    tpu.wait_dma2 semaphore(%arg12 : memref<!tpu.dma_semaphore, #tpu.memory_space<semaphore_mem>>) src(%arg7 : memref<128x128xf32, #tpu.memory_space<vmem>>) dst(%dma_wait3A_529 : memref<128x128xf32, #tpu.memory_space<hbm>>)
    %dma_start3A_530 = arith.constant 3456 : i32
    %dma_start3A_531 = tpu.memref_slice %arg5[%dma_start3A_530] : memref<8192xi32, #tpu.memory_space<vmem>> -> memref<128xi32, #tpu.memory_space<vmem>>
    %dma_start3A_532 = arith.constant 0 : i32
    %dma_start3A_533 = arith.constant 0 : i32
    %dma_start3A_534 = tpu.memref_slice %arg8[%dma_start3A_532, %dma_start3A_533] : memref<8192x128xf32, #tpu.memory_space<vmem_shared>> -> memref<8192x128xf32, #tpu.memory_space<vmem_shared>>
    tpu.enqueue_indirect_dma source(%dma_start3A_534 : memref<8192x128xf32, #tpu.memory_space<vmem_shared>>) target(%arg7 : memref<128x128xf32, #tpu.memory_space<vmem>>) offsets(%dma_start3A_531 : memref<128xi32, #tpu.memory_space<vmem>>) semaphore(%arg10 : memref<!tpu.dma_semaphore, #tpu.memory_space<semaphore_mem>>)
    %dma_wait3A_535 = arith.constant 3328 : i32
    %dma_wait3A_536 = tpu.memref_slice %arg5[%dma_wait3A_535] : memref<8192xi32, #tpu.memory_space<vmem>> -> memref<128xi32, #tpu.memory_space<vmem>>
    %dma_wait3A_537 = arith.constant 0 : i32
    %dma_wait3A_538 = arith.constant 0 : i32
    %dma_wait3A_539 = tpu.memref_slice %arg8[%dma_wait3A_537, %dma_wait3A_538] : memref<8192x128xf32, #tpu.memory_space<vmem_shared>> -> memref<8192x128xf32, #tpu.memory_space<vmem_shared>>
    tpu.wait_indirect_dma semaphore(%arg9 : memref<!tpu.dma_semaphore, #tpu.memory_space<semaphore_mem>>) src(%dma_wait3A_539 : memref<8192x128xf32, #tpu.memory_space<vmem_shared>>) dst(%arg6 : memref<128x128xf32, #tpu.memory_space<vmem>>)
    %add3A_540 = arith.constant 3328 : i32
    %add3A_541 = arith.addi %mul3A_2, %add3A_540 : i32
    %dma_start3A_542 = arith.constant 0 : i32
    %dma_start3A_543 = tpu.memref_slice %arg4[%add3A_541, %dma_start3A_542] : memref<262144x128xf32, #tpu.memory_space<hbm>> -> memref<128x128xf32, #tpu.memory_space<hbm>>
    %dma_start3A_544 = arith.constant 0 : i32
    %dma_start3A_545 = tpu.memref_slice %arg4[%add3A_541, %dma_start3A_544] : memref<262144x128xf32, #tpu.memory_space<hbm>> -> memref<128x128xf32, #tpu.memory_space<hbm>>
    tpu.enqueue_dma source(%arg6 : memref<128x128xf32, #tpu.memory_space<vmem>>) target(%dma_start3A_545 : memref<128x128xf32, #tpu.memory_space<hbm>>) target_semaphore(%arg11 : memref<!tpu.dma_semaphore, #tpu.memory_space<semaphore_mem>>)
    %dma_wait3A_546 = arith.constant 0 : i32
    %dma_wait3A_547 = tpu.memref_slice %arg4[%add3A_541, %dma_wait3A_546] : memref<262144x128xf32, #tpu.memory_space<hbm>> -> memref<128x128xf32, #tpu.memory_space<hbm>>
    %dma_wait3A_548 = arith.constant 0 : i32
    %dma_wait3A_549 = tpu.memref_slice %arg4[%add3A_541, %dma_wait3A_548] : memref<262144x128xf32, #tpu.memory_space<hbm>> -> memref<128x128xf32, #tpu.memory_space<hbm>>
    tpu.wait_dma2 semaphore(%arg11 : memref<!tpu.dma_semaphore, #tpu.memory_space<semaphore_mem>>) src(%arg6 : memref<128x128xf32, #tpu.memory_space<vmem>>) dst(%dma_wait3A_549 : memref<128x128xf32, #tpu.memory_space<hbm>>)
    %dma_start3A_550 = arith.constant 3584 : i32
    %dma_start3A_551 = tpu.memref_slice %arg5[%dma_start3A_550] : memref<8192xi32, #tpu.memory_space<vmem>> -> memref<128xi32, #tpu.memory_space<vmem>>
    %dma_start3A_552 = arith.constant 0 : i32
    %dma_start3A_553 = arith.constant 0 : i32
    %dma_start3A_554 = tpu.memref_slice %arg8[%dma_start3A_552, %dma_start3A_553] : memref<8192x128xf32, #tpu.memory_space<vmem_shared>> -> memref<8192x128xf32, #tpu.memory_space<vmem_shared>>
    tpu.enqueue_indirect_dma source(%dma_start3A_554 : memref<8192x128xf32, #tpu.memory_space<vmem_shared>>) target(%arg6 : memref<128x128xf32, #tpu.memory_space<vmem>>) offsets(%dma_start3A_551 : memref<128xi32, #tpu.memory_space<vmem>>) semaphore(%arg9 : memref<!tpu.dma_semaphore, #tpu.memory_space<semaphore_mem>>)
    %dma_wait3A_555 = arith.constant 3456 : i32
    %dma_wait3A_556 = tpu.memref_slice %arg5[%dma_wait3A_555] : memref<8192xi32, #tpu.memory_space<vmem>> -> memref<128xi32, #tpu.memory_space<vmem>>
    %dma_wait3A_557 = arith.constant 0 : i32
    %dma_wait3A_558 = arith.constant 0 : i32
    %dma_wait3A_559 = tpu.memref_slice %arg8[%dma_wait3A_557, %dma_wait3A_558] : memref<8192x128xf32, #tpu.memory_space<vmem_shared>> -> memref<8192x128xf32, #tpu.memory_space<vmem_shared>>
    tpu.wait_indirect_dma semaphore(%arg10 : memref<!tpu.dma_semaphore, #tpu.memory_space<semaphore_mem>>) src(%dma_wait3A_559 : memref<8192x128xf32, #tpu.memory_space<vmem_shared>>) dst(%arg7 : memref<128x128xf32, #tpu.memory_space<vmem>>)
    %add3A_560 = arith.constant 3456 : i32
    %add3A_561 = arith.addi %mul3A_2, %add3A_560 : i32
    %dma_start3A_562 = arith.constant 0 : i32
    %dma_start3A_563 = tpu.memref_slice %arg4[%add3A_561, %dma_start3A_562] : memref<262144x128xf32, #tpu.memory_space<hbm>> -> memref<128x128xf32, #tpu.memory_space<hbm>>
    %dma_start3A_564 = arith.constant 0 : i32
    %dma_start3A_565 = tpu.memref_slice %arg4[%add3A_561, %dma_start3A_564] : memref<262144x128xf32, #tpu.memory_space<hbm>> -> memref<128x128xf32, #tpu.memory_space<hbm>>
    tpu.enqueue_dma source(%arg7 : memref<128x128xf32, #tpu.memory_space<vmem>>) target(%dma_start3A_565 : memref<128x128xf32, #tpu.memory_space<hbm>>) target_semaphore(%arg12 : memref<!tpu.dma_semaphore, #tpu.memory_space<semaphore_mem>>)
    %dma_wait3A_566 = arith.constant 0 : i32
    %dma_wait3A_567 = tpu.memref_slice %arg4[%add3A_561, %dma_wait3A_566] : memref<262144x128xf32, #tpu.memory_space<hbm>> -> memref<128x128xf32, #tpu.memory_space<hbm>>
    %dma_wait3A_568 = arith.constant 0 : i32
    %dma_wait3A_569 = tpu.memref_slice %arg4[%add3A_561, %dma_wait3A_568] : memref<262144x128xf32, #tpu.memory_space<hbm>> -> memref<128x128xf32, #tpu.memory_space<hbm>>
    tpu.wait_dma2 semaphore(%arg12 : memref<!tpu.dma_semaphore, #tpu.memory_space<semaphore_mem>>) src(%arg7 : memref<128x128xf32, #tpu.memory_space<vmem>>) dst(%dma_wait3A_569 : memref<128x128xf32, #tpu.memory_space<hbm>>)
    %dma_start3A_570 = arith.constant 3712 : i32
    %dma_start3A_571 = tpu.memref_slice %arg5[%dma_start3A_570] : memref<8192xi32, #tpu.memory_space<vmem>> -> memref<128xi32, #tpu.memory_space<vmem>>
    %dma_start3A_572 = arith.constant 0 : i32
    %dma_start3A_573 = arith.constant 0 : i32
    %dma_start3A_574 = tpu.memref_slice %arg8[%dma_start3A_572, %dma_start3A_573] : memref<8192x128xf32, #tpu.memory_space<vmem_shared>> -> memref<8192x128xf32, #tpu.memory_space<vmem_shared>>
    tpu.enqueue_indirect_dma source(%dma_start3A_574 : memref<8192x128xf32, #tpu.memory_space<vmem_shared>>) target(%arg7 : memref<128x128xf32, #tpu.memory_space<vmem>>) offsets(%dma_start3A_571 : memref<128xi32, #tpu.memory_space<vmem>>) semaphore(%arg10 : memref<!tpu.dma_semaphore, #tpu.memory_space<semaphore_mem>>)
    %dma_wait3A_575 = arith.constant 3584 : i32
    %dma_wait3A_576 = tpu.memref_slice %arg5[%dma_wait3A_575] : memref<8192xi32, #tpu.memory_space<vmem>> -> memref<128xi32, #tpu.memory_space<vmem>>
    %dma_wait3A_577 = arith.constant 0 : i32
    %dma_wait3A_578 = arith.constant 0 : i32
    %dma_wait3A_579 = tpu.memref_slice %arg8[%dma_wait3A_577, %dma_wait3A_578] : memref<8192x128xf32, #tpu.memory_space<vmem_shared>> -> memref<8192x128xf32, #tpu.memory_space<vmem_shared>>
    tpu.wait_indirect_dma semaphore(%arg9 : memref<!tpu.dma_semaphore, #tpu.memory_space<semaphore_mem>>) src(%dma_wait3A_579 : memref<8192x128xf32, #tpu.memory_space<vmem_shared>>) dst(%arg6 : memref<128x128xf32, #tpu.memory_space<vmem>>)
    %add3A_580 = arith.constant 3584 : i32
    %add3A_581 = arith.addi %mul3A_2, %add3A_580 : i32
    %dma_start3A_582 = arith.constant 0 : i32
    %dma_start3A_583 = tpu.memref_slice %arg4[%add3A_581, %dma_start3A_582] : memref<262144x128xf32, #tpu.memory_space<hbm>> -> memref<128x128xf32, #tpu.memory_space<hbm>>
    %dma_start3A_584 = arith.constant 0 : i32
    %dma_start3A_585 = tpu.memref_slice %arg4[%add3A_581, %dma_start3A_584] : memref<262144x128xf32, #tpu.memory_space<hbm>> -> memref<128x128xf32, #tpu.memory_space<hbm>>
    tpu.enqueue_dma source(%arg6 : memref<128x128xf32, #tpu.memory_space<vmem>>) target(%dma_start3A_585 : memref<128x128xf32, #tpu.memory_space<hbm>>) target_semaphore(%arg11 : memref<!tpu.dma_semaphore, #tpu.memory_space<semaphore_mem>>)
    %dma_wait3A_586 = arith.constant 0 : i32
    %dma_wait3A_587 = tpu.memref_slice %arg4[%add3A_581, %dma_wait3A_586] : memref<262144x128xf32, #tpu.memory_space<hbm>> -> memref<128x128xf32, #tpu.memory_space<hbm>>
    %dma_wait3A_588 = arith.constant 0 : i32
    %dma_wait3A_589 = tpu.memref_slice %arg4[%add3A_581, %dma_wait3A_588] : memref<262144x128xf32, #tpu.memory_space<hbm>> -> memref<128x128xf32, #tpu.memory_space<hbm>>
    tpu.wait_dma2 semaphore(%arg11 : memref<!tpu.dma_semaphore, #tpu.memory_space<semaphore_mem>>) src(%arg6 : memref<128x128xf32, #tpu.memory_space<vmem>>) dst(%dma_wait3A_589 : memref<128x128xf32, #tpu.memory_space<hbm>>)
    %dma_start3A_590 = arith.constant 3840 : i32
    %dma_start3A_591 = tpu.memref_slice %arg5[%dma_start3A_590] : memref<8192xi32, #tpu.memory_space<vmem>> -> memref<128xi32, #tpu.memory_space<vmem>>
    %dma_start3A_592 = arith.constant 0 : i32
    %dma_start3A_593 = arith.constant 0 : i32
    %dma_start3A_594 = tpu.memref_slice %arg8[%dma_start3A_592, %dma_start3A_593] : memref<8192x128xf32, #tpu.memory_space<vmem_shared>> -> memref<8192x128xf32, #tpu.memory_space<vmem_shared>>
    tpu.enqueue_indirect_dma source(%dma_start3A_594 : memref<8192x128xf32, #tpu.memory_space<vmem_shared>>) target(%arg6 : memref<128x128xf32, #tpu.memory_space<vmem>>) offsets(%dma_start3A_591 : memref<128xi32, #tpu.memory_space<vmem>>) semaphore(%arg9 : memref<!tpu.dma_semaphore, #tpu.memory_space<semaphore_mem>>)
    %dma_wait3A_595 = arith.constant 3712 : i32
    %dma_wait3A_596 = tpu.memref_slice %arg5[%dma_wait3A_595] : memref<8192xi32, #tpu.memory_space<vmem>> -> memref<128xi32, #tpu.memory_space<vmem>>
    %dma_wait3A_597 = arith.constant 0 : i32
    %dma_wait3A_598 = arith.constant 0 : i32
    %dma_wait3A_599 = tpu.memref_slice %arg8[%dma_wait3A_597, %dma_wait3A_598] : memref<8192x128xf32, #tpu.memory_space<vmem_shared>> -> memref<8192x128xf32, #tpu.memory_space<vmem_shared>>
    tpu.wait_indirect_dma semaphore(%arg10 : memref<!tpu.dma_semaphore, #tpu.memory_space<semaphore_mem>>) src(%dma_wait3A_599 : memref<8192x128xf32, #tpu.memory_space<vmem_shared>>) dst(%arg7 : memref<128x128xf32, #tpu.memory_space<vmem>>)
    %add3A_600 = arith.constant 3712 : i32
    %add3A_601 = arith.addi %mul3A_2, %add3A_600 : i32
    %dma_start3A_602 = arith.constant 0 : i32
    %dma_start3A_603 = tpu.memref_slice %arg4[%add3A_601, %dma_start3A_602] : memref<262144x128xf32, #tpu.memory_space<hbm>> -> memref<128x128xf32, #tpu.memory_space<hbm>>
    %dma_start3A_604 = arith.constant 0 : i32
    %dma_start3A_605 = tpu.memref_slice %arg4[%add3A_601, %dma_start3A_604] : memref<262144x128xf32, #tpu.memory_space<hbm>> -> memref<128x128xf32, #tpu.memory_space<hbm>>
    tpu.enqueue_dma source(%arg7 : memref<128x128xf32, #tpu.memory_space<vmem>>) target(%dma_start3A_605 : memref<128x128xf32, #tpu.memory_space<hbm>>) target_semaphore(%arg12 : memref<!tpu.dma_semaphore, #tpu.memory_space<semaphore_mem>>)
    %dma_wait3A_606 = arith.constant 0 : i32
    %dma_wait3A_607 = tpu.memref_slice %arg4[%add3A_601, %dma_wait3A_606] : memref<262144x128xf32, #tpu.memory_space<hbm>> -> memref<128x128xf32, #tpu.memory_space<hbm>>
    %dma_wait3A_608 = arith.constant 0 : i32
    %dma_wait3A_609 = tpu.memref_slice %arg4[%add3A_601, %dma_wait3A_608] : memref<262144x128xf32, #tpu.memory_space<hbm>> -> memref<128x128xf32, #tpu.memory_space<hbm>>
    tpu.wait_dma2 semaphore(%arg12 : memref<!tpu.dma_semaphore, #tpu.memory_space<semaphore_mem>>) src(%arg7 : memref<128x128xf32, #tpu.memory_space<vmem>>) dst(%dma_wait3A_609 : memref<128x128xf32, #tpu.memory_space<hbm>>)
    %dma_start3A_610 = arith.constant 3968 : i32
    %dma_start3A_611 = tpu.memref_slice %arg5[%dma_start3A_610] : memref<8192xi32, #tpu.memory_space<vmem>> -> memref<128xi32, #tpu.memory_space<vmem>>
    %dma_start3A_612 = arith.constant 0 : i32
    %dma_start3A_613 = arith.constant 0 : i32
    %dma_start3A_614 = tpu.memref_slice %arg8[%dma_start3A_612, %dma_start3A_613] : memref<8192x128xf32, #tpu.memory_space<vmem_shared>> -> memref<8192x128xf32, #tpu.memory_space<vmem_shared>>
    tpu.enqueue_indirect_dma source(%dma_start3A_614 : memref<8192x128xf32, #tpu.memory_space<vmem_shared>>) target(%arg7 : memref<128x128xf32, #tpu.memory_space<vmem>>) offsets(%dma_start3A_611 : memref<128xi32, #tpu.memory_space<vmem>>) semaphore(%arg10 : memref<!tpu.dma_semaphore, #tpu.memory_space<semaphore_mem>>)
    %dma_wait3A_615 = arith.constant 3840 : i32
    %dma_wait3A_616 = tpu.memref_slice %arg5[%dma_wait3A_615] : memref<8192xi32, #tpu.memory_space<vmem>> -> memref<128xi32, #tpu.memory_space<vmem>>
    %dma_wait3A_617 = arith.constant 0 : i32
    %dma_wait3A_618 = arith.constant 0 : i32
    %dma_wait3A_619 = tpu.memref_slice %arg8[%dma_wait3A_617, %dma_wait3A_618] : memref<8192x128xf32, #tpu.memory_space<vmem_shared>> -> memref<8192x128xf32, #tpu.memory_space<vmem_shared>>
    tpu.wait_indirect_dma semaphore(%arg9 : memref<!tpu.dma_semaphore, #tpu.memory_space<semaphore_mem>>) src(%dma_wait3A_619 : memref<8192x128xf32, #tpu.memory_space<vmem_shared>>) dst(%arg6 : memref<128x128xf32, #tpu.memory_space<vmem>>)
    %add3A_620 = arith.constant 3840 : i32
    %add3A_621 = arith.addi %mul3A_2, %add3A_620 : i32
    %dma_start3A_622 = arith.constant 0 : i32
    %dma_start3A_623 = tpu.memref_slice %arg4[%add3A_621, %dma_start3A_622] : memref<262144x128xf32, #tpu.memory_space<hbm>> -> memref<128x128xf32, #tpu.memory_space<hbm>>
    %dma_start3A_624 = arith.constant 0 : i32
    %dma_start3A_625 = tpu.memref_slice %arg4[%add3A_621, %dma_start3A_624] : memref<262144x128xf32, #tpu.memory_space<hbm>> -> memref<128x128xf32, #tpu.memory_space<hbm>>
    tpu.enqueue_dma source(%arg6 : memref<128x128xf32, #tpu.memory_space<vmem>>) target(%dma_start3A_625 : memref<128x128xf32, #tpu.memory_space<hbm>>) target_semaphore(%arg11 : memref<!tpu.dma_semaphore, #tpu.memory_space<semaphore_mem>>)
    %dma_wait3A_626 = arith.constant 0 : i32
    %dma_wait3A_627 = tpu.memref_slice %arg4[%add3A_621, %dma_wait3A_626] : memref<262144x128xf32, #tpu.memory_space<hbm>> -> memref<128x128xf32, #tpu.memory_space<hbm>>
    %dma_wait3A_628 = arith.constant 0 : i32
    %dma_wait3A_629 = tpu.memref_slice %arg4[%add3A_621, %dma_wait3A_628] : memref<262144x128xf32, #tpu.memory_space<hbm>> -> memref<128x128xf32, #tpu.memory_space<hbm>>
    tpu.wait_dma2 semaphore(%arg11 : memref<!tpu.dma_semaphore, #tpu.memory_space<semaphore_mem>>) src(%arg6 : memref<128x128xf32, #tpu.memory_space<vmem>>) dst(%dma_wait3A_629 : memref<128x128xf32, #tpu.memory_space<hbm>>)
    %dma_start3A_630 = arith.constant 4096 : i32
    %dma_start3A_631 = tpu.memref_slice %arg5[%dma_start3A_630] : memref<8192xi32, #tpu.memory_space<vmem>> -> memref<128xi32, #tpu.memory_space<vmem>>
    %dma_start3A_632 = arith.constant 0 : i32
    %dma_start3A_633 = arith.constant 0 : i32
    %dma_start3A_634 = tpu.memref_slice %arg8[%dma_start3A_632, %dma_start3A_633] : memref<8192x128xf32, #tpu.memory_space<vmem_shared>> -> memref<8192x128xf32, #tpu.memory_space<vmem_shared>>
    tpu.enqueue_indirect_dma source(%dma_start3A_634 : memref<8192x128xf32, #tpu.memory_space<vmem_shared>>) target(%arg6 : memref<128x128xf32, #tpu.memory_space<vmem>>) offsets(%dma_start3A_631 : memref<128xi32, #tpu.memory_space<vmem>>) semaphore(%arg9 : memref<!tpu.dma_semaphore, #tpu.memory_space<semaphore_mem>>)
    %dma_wait3A_635 = arith.constant 3968 : i32
    %dma_wait3A_636 = tpu.memref_slice %arg5[%dma_wait3A_635] : memref<8192xi32, #tpu.memory_space<vmem>> -> memref<128xi32, #tpu.memory_space<vmem>>
    %dma_wait3A_637 = arith.constant 0 : i32
    %dma_wait3A_638 = arith.constant 0 : i32
    %dma_wait3A_639 = tpu.memref_slice %arg8[%dma_wait3A_637, %dma_wait3A_638] : memref<8192x128xf32, #tpu.memory_space<vmem_shared>> -> memref<8192x128xf32, #tpu.memory_space<vmem_shared>>
    tpu.wait_indirect_dma semaphore(%arg10 : memref<!tpu.dma_semaphore, #tpu.memory_space<semaphore_mem>>) src(%dma_wait3A_639 : memref<8192x128xf32, #tpu.memory_space<vmem_shared>>) dst(%arg7 : memref<128x128xf32, #tpu.memory_space<vmem>>)
    %add3A_640 = arith.constant 3968 : i32
    %add3A_641 = arith.addi %mul3A_2, %add3A_640 : i32
    %dma_start3A_642 = arith.constant 0 : i32
    %dma_start3A_643 = tpu.memref_slice %arg4[%add3A_641, %dma_start3A_642] : memref<262144x128xf32, #tpu.memory_space<hbm>> -> memref<128x128xf32, #tpu.memory_space<hbm>>
    %dma_start3A_644 = arith.constant 0 : i32
    %dma_start3A_645 = tpu.memref_slice %arg4[%add3A_641, %dma_start3A_644] : memref<262144x128xf32, #tpu.memory_space<hbm>> -> memref<128x128xf32, #tpu.memory_space<hbm>>
    tpu.enqueue_dma source(%arg7 : memref<128x128xf32, #tpu.memory_space<vmem>>) target(%dma_start3A_645 : memref<128x128xf32, #tpu.memory_space<hbm>>) target_semaphore(%arg12 : memref<!tpu.dma_semaphore, #tpu.memory_space<semaphore_mem>>)
    %dma_wait3A_646 = arith.constant 0 : i32
    %dma_wait3A_647 = tpu.memref_slice %arg4[%add3A_641, %dma_wait3A_646] : memref<262144x128xf32, #tpu.memory_space<hbm>> -> memref<128x128xf32, #tpu.memory_space<hbm>>
    %dma_wait3A_648 = arith.constant 0 : i32
    %dma_wait3A_649 = tpu.memref_slice %arg4[%add3A_641, %dma_wait3A_648] : memref<262144x128xf32, #tpu.memory_space<hbm>> -> memref<128x128xf32, #tpu.memory_space<hbm>>
    tpu.wait_dma2 semaphore(%arg12 : memref<!tpu.dma_semaphore, #tpu.memory_space<semaphore_mem>>) src(%arg7 : memref<128x128xf32, #tpu.memory_space<vmem>>) dst(%dma_wait3A_649 : memref<128x128xf32, #tpu.memory_space<hbm>>)
    %dma_start3A_650 = arith.constant 4224 : i32
    %dma_start3A_651 = tpu.memref_slice %arg5[%dma_start3A_650] : memref<8192xi32, #tpu.memory_space<vmem>> -> memref<128xi32, #tpu.memory_space<vmem>>
    %dma_start3A_652 = arith.constant 0 : i32
    %dma_start3A_653 = arith.constant 0 : i32
    %dma_start3A_654 = tpu.memref_slice %arg8[%dma_start3A_652, %dma_start3A_653] : memref<8192x128xf32, #tpu.memory_space<vmem_shared>> -> memref<8192x128xf32, #tpu.memory_space<vmem_shared>>
    tpu.enqueue_indirect_dma source(%dma_start3A_654 : memref<8192x128xf32, #tpu.memory_space<vmem_shared>>) target(%arg7 : memref<128x128xf32, #tpu.memory_space<vmem>>) offsets(%dma_start3A_651 : memref<128xi32, #tpu.memory_space<vmem>>) semaphore(%arg10 : memref<!tpu.dma_semaphore, #tpu.memory_space<semaphore_mem>>)
    %dma_wait3A_655 = arith.constant 4096 : i32
    %dma_wait3A_656 = tpu.memref_slice %arg5[%dma_wait3A_655] : memref<8192xi32, #tpu.memory_space<vmem>> -> memref<128xi32, #tpu.memory_space<vmem>>
    %dma_wait3A_657 = arith.constant 0 : i32
    %dma_wait3A_658 = arith.constant 0 : i32
    %dma_wait3A_659 = tpu.memref_slice %arg8[%dma_wait3A_657, %dma_wait3A_658] : memref<8192x128xf32, #tpu.memory_space<vmem_shared>> -> memref<8192x128xf32, #tpu.memory_space<vmem_shared>>
    tpu.wait_indirect_dma semaphore(%arg9 : memref<!tpu.dma_semaphore, #tpu.memory_space<semaphore_mem>>) src(%dma_wait3A_659 : memref<8192x128xf32, #tpu.memory_space<vmem_shared>>) dst(%arg6 : memref<128x128xf32, #tpu.memory_space<vmem>>)
    %add3A_660 = arith.constant 4096 : i32
    %add3A_661 = arith.addi %mul3A_2, %add3A_660 : i32
    %dma_start3A_662 = arith.constant 0 : i32
    %dma_start3A_663 = tpu.memref_slice %arg4[%add3A_661, %dma_start3A_662] : memref<262144x128xf32, #tpu.memory_space<hbm>> -> memref<128x128xf32, #tpu.memory_space<hbm>>
    %dma_start3A_664 = arith.constant 0 : i32
    %dma_start3A_665 = tpu.memref_slice %arg4[%add3A_661, %dma_start3A_664] : memref<262144x128xf32, #tpu.memory_space<hbm>> -> memref<128x128xf32, #tpu.memory_space<hbm>>
    tpu.enqueue_dma source(%arg6 : memref<128x128xf32, #tpu.memory_space<vmem>>) target(%dma_start3A_665 : memref<128x128xf32, #tpu.memory_space<hbm>>) target_semaphore(%arg11 : memref<!tpu.dma_semaphore, #tpu.memory_space<semaphore_mem>>)
    %dma_wait3A_666 = arith.constant 0 : i32
    %dma_wait3A_667 = tpu.memref_slice %arg4[%add3A_661, %dma_wait3A_666] : memref<262144x128xf32, #tpu.memory_space<hbm>> -> memref<128x128xf32, #tpu.memory_space<hbm>>
    %dma_wait3A_668 = arith.constant 0 : i32
    %dma_wait3A_669 = tpu.memref_slice %arg4[%add3A_661, %dma_wait3A_668] : memref<262144x128xf32, #tpu.memory_space<hbm>> -> memref<128x128xf32, #tpu.memory_space<hbm>>
    tpu.wait_dma2 semaphore(%arg11 : memref<!tpu.dma_semaphore, #tpu.memory_space<semaphore_mem>>) src(%arg6 : memref<128x128xf32, #tpu.memory_space<vmem>>) dst(%dma_wait3A_669 : memref<128x128xf32, #tpu.memory_space<hbm>>)
    %dma_start3A_670 = arith.constant 4352 : i32
    %dma_start3A_671 = tpu.memref_slice %arg5[%dma_start3A_670] : memref<8192xi32, #tpu.memory_space<vmem>> -> memref<128xi32, #tpu.memory_space<vmem>>
    %dma_start3A_672 = arith.constant 0 : i32
    %dma_start3A_673 = arith.constant 0 : i32
    %dma_start3A_674 = tpu.memref_slice %arg8[%dma_start3A_672, %dma_start3A_673] : memref<8192x128xf32, #tpu.memory_space<vmem_shared>> -> memref<8192x128xf32, #tpu.memory_space<vmem_shared>>
    tpu.enqueue_indirect_dma source(%dma_start3A_674 : memref<8192x128xf32, #tpu.memory_space<vmem_shared>>) target(%arg6 : memref<128x128xf32, #tpu.memory_space<vmem>>) offsets(%dma_start3A_671 : memref<128xi32, #tpu.memory_space<vmem>>) semaphore(%arg9 : memref<!tpu.dma_semaphore, #tpu.memory_space<semaphore_mem>>)
    %dma_wait3A_675 = arith.constant 4224 : i32
    %dma_wait3A_676 = tpu.memref_slice %arg5[%dma_wait3A_675] : memref<8192xi32, #tpu.memory_space<vmem>> -> memref<128xi32, #tpu.memory_space<vmem>>
    %dma_wait3A_677 = arith.constant 0 : i32
    %dma_wait3A_678 = arith.constant 0 : i32
    %dma_wait3A_679 = tpu.memref_slice %arg8[%dma_wait3A_677, %dma_wait3A_678] : memref<8192x128xf32, #tpu.memory_space<vmem_shared>> -> memref<8192x128xf32, #tpu.memory_space<vmem_shared>>
    tpu.wait_indirect_dma semaphore(%arg10 : memref<!tpu.dma_semaphore, #tpu.memory_space<semaphore_mem>>) src(%dma_wait3A_679 : memref<8192x128xf32, #tpu.memory_space<vmem_shared>>) dst(%arg7 : memref<128x128xf32, #tpu.memory_space<vmem>>)
    %add3A_680 = arith.constant 4224 : i32
    %add3A_681 = arith.addi %mul3A_2, %add3A_680 : i32
    %dma_start3A_682 = arith.constant 0 : i32
    %dma_start3A_683 = tpu.memref_slice %arg4[%add3A_681, %dma_start3A_682] : memref<262144x128xf32, #tpu.memory_space<hbm>> -> memref<128x128xf32, #tpu.memory_space<hbm>>
    %dma_start3A_684 = arith.constant 0 : i32
    %dma_start3A_685 = tpu.memref_slice %arg4[%add3A_681, %dma_start3A_684] : memref<262144x128xf32, #tpu.memory_space<hbm>> -> memref<128x128xf32, #tpu.memory_space<hbm>>
    tpu.enqueue_dma source(%arg7 : memref<128x128xf32, #tpu.memory_space<vmem>>) target(%dma_start3A_685 : memref<128x128xf32, #tpu.memory_space<hbm>>) target_semaphore(%arg12 : memref<!tpu.dma_semaphore, #tpu.memory_space<semaphore_mem>>)
    %dma_wait3A_686 = arith.constant 0 : i32
    %dma_wait3A_687 = tpu.memref_slice %arg4[%add3A_681, %dma_wait3A_686] : memref<262144x128xf32, #tpu.memory_space<hbm>> -> memref<128x128xf32, #tpu.memory_space<hbm>>
    %dma_wait3A_688 = arith.constant 0 : i32
    %dma_wait3A_689 = tpu.memref_slice %arg4[%add3A_681, %dma_wait3A_688] : memref<262144x128xf32, #tpu.memory_space<hbm>> -> memref<128x128xf32, #tpu.memory_space<hbm>>
    tpu.wait_dma2 semaphore(%arg12 : memref<!tpu.dma_semaphore, #tpu.memory_space<semaphore_mem>>) src(%arg7 : memref<128x128xf32, #tpu.memory_space<vmem>>) dst(%dma_wait3A_689 : memref<128x128xf32, #tpu.memory_space<hbm>>)
    %dma_start3A_690 = arith.constant 4480 : i32
    %dma_start3A_691 = tpu.memref_slice %arg5[%dma_start3A_690] : memref<8192xi32, #tpu.memory_space<vmem>> -> memref<128xi32, #tpu.memory_space<vmem>>
    %dma_start3A_692 = arith.constant 0 : i32
    %dma_start3A_693 = arith.constant 0 : i32
    %dma_start3A_694 = tpu.memref_slice %arg8[%dma_start3A_692, %dma_start3A_693] : memref<8192x128xf32, #tpu.memory_space<vmem_shared>> -> memref<8192x128xf32, #tpu.memory_space<vmem_shared>>
    tpu.enqueue_indirect_dma source(%dma_start3A_694 : memref<8192x128xf32, #tpu.memory_space<vmem_shared>>) target(%arg7 : memref<128x128xf32, #tpu.memory_space<vmem>>) offsets(%dma_start3A_691 : memref<128xi32, #tpu.memory_space<vmem>>) semaphore(%arg10 : memref<!tpu.dma_semaphore, #tpu.memory_space<semaphore_mem>>)
    %dma_wait3A_695 = arith.constant 4352 : i32
    %dma_wait3A_696 = tpu.memref_slice %arg5[%dma_wait3A_695] : memref<8192xi32, #tpu.memory_space<vmem>> -> memref<128xi32, #tpu.memory_space<vmem>>
    %dma_wait3A_697 = arith.constant 0 : i32
    %dma_wait3A_698 = arith.constant 0 : i32
    %dma_wait3A_699 = tpu.memref_slice %arg8[%dma_wait3A_697, %dma_wait3A_698] : memref<8192x128xf32, #tpu.memory_space<vmem_shared>> -> memref<8192x128xf32, #tpu.memory_space<vmem_shared>>
    tpu.wait_indirect_dma semaphore(%arg9 : memref<!tpu.dma_semaphore, #tpu.memory_space<semaphore_mem>>) src(%dma_wait3A_699 : memref<8192x128xf32, #tpu.memory_space<vmem_shared>>) dst(%arg6 : memref<128x128xf32, #tpu.memory_space<vmem>>)
    %add3A_700 = arith.constant 4352 : i32
    %add3A_701 = arith.addi %mul3A_2, %add3A_700 : i32
    %dma_start3A_702 = arith.constant 0 : i32
    %dma_start3A_703 = tpu.memref_slice %arg4[%add3A_701, %dma_start3A_702] : memref<262144x128xf32, #tpu.memory_space<hbm>> -> memref<128x128xf32, #tpu.memory_space<hbm>>
    %dma_start3A_704 = arith.constant 0 : i32
    %dma_start3A_705 = tpu.memref_slice %arg4[%add3A_701, %dma_start3A_704] : memref<262144x128xf32, #tpu.memory_space<hbm>> -> memref<128x128xf32, #tpu.memory_space<hbm>>
    tpu.enqueue_dma source(%arg6 : memref<128x128xf32, #tpu.memory_space<vmem>>) target(%dma_start3A_705 : memref<128x128xf32, #tpu.memory_space<hbm>>) target_semaphore(%arg11 : memref<!tpu.dma_semaphore, #tpu.memory_space<semaphore_mem>>)
    %dma_wait3A_706 = arith.constant 0 : i32
    %dma_wait3A_707 = tpu.memref_slice %arg4[%add3A_701, %dma_wait3A_706] : memref<262144x128xf32, #tpu.memory_space<hbm>> -> memref<128x128xf32, #tpu.memory_space<hbm>>
    %dma_wait3A_708 = arith.constant 0 : i32
    %dma_wait3A_709 = tpu.memref_slice %arg4[%add3A_701, %dma_wait3A_708] : memref<262144x128xf32, #tpu.memory_space<hbm>> -> memref<128x128xf32, #tpu.memory_space<hbm>>
    tpu.wait_dma2 semaphore(%arg11 : memref<!tpu.dma_semaphore, #tpu.memory_space<semaphore_mem>>) src(%arg6 : memref<128x128xf32, #tpu.memory_space<vmem>>) dst(%dma_wait3A_709 : memref<128x128xf32, #tpu.memory_space<hbm>>)
    %dma_start3A_710 = arith.constant 4608 : i32
    %dma_start3A_711 = tpu.memref_slice %arg5[%dma_start3A_710] : memref<8192xi32, #tpu.memory_space<vmem>> -> memref<128xi32, #tpu.memory_space<vmem>>
    %dma_start3A_712 = arith.constant 0 : i32
    %dma_start3A_713 = arith.constant 0 : i32
    %dma_start3A_714 = tpu.memref_slice %arg8[%dma_start3A_712, %dma_start3A_713] : memref<8192x128xf32, #tpu.memory_space<vmem_shared>> -> memref<8192x128xf32, #tpu.memory_space<vmem_shared>>
    tpu.enqueue_indirect_dma source(%dma_start3A_714 : memref<8192x128xf32, #tpu.memory_space<vmem_shared>>) target(%arg6 : memref<128x128xf32, #tpu.memory_space<vmem>>) offsets(%dma_start3A_711 : memref<128xi32, #tpu.memory_space<vmem>>) semaphore(%arg9 : memref<!tpu.dma_semaphore, #tpu.memory_space<semaphore_mem>>)
    %dma_wait3A_715 = arith.constant 4480 : i32
    %dma_wait3A_716 = tpu.memref_slice %arg5[%dma_wait3A_715] : memref<8192xi32, #tpu.memory_space<vmem>> -> memref<128xi32, #tpu.memory_space<vmem>>
    %dma_wait3A_717 = arith.constant 0 : i32
    %dma_wait3A_718 = arith.constant 0 : i32
    %dma_wait3A_719 = tpu.memref_slice %arg8[%dma_wait3A_717, %dma_wait3A_718] : memref<8192x128xf32, #tpu.memory_space<vmem_shared>> -> memref<8192x128xf32, #tpu.memory_space<vmem_shared>>
    tpu.wait_indirect_dma semaphore(%arg10 : memref<!tpu.dma_semaphore, #tpu.memory_space<semaphore_mem>>) src(%dma_wait3A_719 : memref<8192x128xf32, #tpu.memory_space<vmem_shared>>) dst(%arg7 : memref<128x128xf32, #tpu.memory_space<vmem>>)
    %add3A_720 = arith.constant 4480 : i32
    %add3A_721 = arith.addi %mul3A_2, %add3A_720 : i32
    %dma_start3A_722 = arith.constant 0 : i32
    %dma_start3A_723 = tpu.memref_slice %arg4[%add3A_721, %dma_start3A_722] : memref<262144x128xf32, #tpu.memory_space<hbm>> -> memref<128x128xf32, #tpu.memory_space<hbm>>
    %dma_start3A_724 = arith.constant 0 : i32
    %dma_start3A_725 = tpu.memref_slice %arg4[%add3A_721, %dma_start3A_724] : memref<262144x128xf32, #tpu.memory_space<hbm>> -> memref<128x128xf32, #tpu.memory_space<hbm>>
    tpu.enqueue_dma source(%arg7 : memref<128x128xf32, #tpu.memory_space<vmem>>) target(%dma_start3A_725 : memref<128x128xf32, #tpu.memory_space<hbm>>) target_semaphore(%arg12 : memref<!tpu.dma_semaphore, #tpu.memory_space<semaphore_mem>>)
    %dma_wait3A_726 = arith.constant 0 : i32
    %dma_wait3A_727 = tpu.memref_slice %arg4[%add3A_721, %dma_wait3A_726] : memref<262144x128xf32, #tpu.memory_space<hbm>> -> memref<128x128xf32, #tpu.memory_space<hbm>>
    %dma_wait3A_728 = arith.constant 0 : i32
    %dma_wait3A_729 = tpu.memref_slice %arg4[%add3A_721, %dma_wait3A_728] : memref<262144x128xf32, #tpu.memory_space<hbm>> -> memref<128x128xf32, #tpu.memory_space<hbm>>
    tpu.wait_dma2 semaphore(%arg12 : memref<!tpu.dma_semaphore, #tpu.memory_space<semaphore_mem>>) src(%arg7 : memref<128x128xf32, #tpu.memory_space<vmem>>) dst(%dma_wait3A_729 : memref<128x128xf32, #tpu.memory_space<hbm>>)
    %dma_start3A_730 = arith.constant 4736 : i32
    %dma_start3A_731 = tpu.memref_slice %arg5[%dma_start3A_730] : memref<8192xi32, #tpu.memory_space<vmem>> -> memref<128xi32, #tpu.memory_space<vmem>>
    %dma_start3A_732 = arith.constant 0 : i32
    %dma_start3A_733 = arith.constant 0 : i32
    %dma_start3A_734 = tpu.memref_slice %arg8[%dma_start3A_732, %dma_start3A_733] : memref<8192x128xf32, #tpu.memory_space<vmem_shared>> -> memref<8192x128xf32, #tpu.memory_space<vmem_shared>>
    tpu.enqueue_indirect_dma source(%dma_start3A_734 : memref<8192x128xf32, #tpu.memory_space<vmem_shared>>) target(%arg7 : memref<128x128xf32, #tpu.memory_space<vmem>>) offsets(%dma_start3A_731 : memref<128xi32, #tpu.memory_space<vmem>>) semaphore(%arg10 : memref<!tpu.dma_semaphore, #tpu.memory_space<semaphore_mem>>)
    %dma_wait3A_735 = arith.constant 4608 : i32
    %dma_wait3A_736 = tpu.memref_slice %arg5[%dma_wait3A_735] : memref<8192xi32, #tpu.memory_space<vmem>> -> memref<128xi32, #tpu.memory_space<vmem>>
    %dma_wait3A_737 = arith.constant 0 : i32
    %dma_wait3A_738 = arith.constant 0 : i32
    %dma_wait3A_739 = tpu.memref_slice %arg8[%dma_wait3A_737, %dma_wait3A_738] : memref<8192x128xf32, #tpu.memory_space<vmem_shared>> -> memref<8192x128xf32, #tpu.memory_space<vmem_shared>>
    tpu.wait_indirect_dma semaphore(%arg9 : memref<!tpu.dma_semaphore, #tpu.memory_space<semaphore_mem>>) src(%dma_wait3A_739 : memref<8192x128xf32, #tpu.memory_space<vmem_shared>>) dst(%arg6 : memref<128x128xf32, #tpu.memory_space<vmem>>)
    %add3A_740 = arith.constant 4608 : i32
    %add3A_741 = arith.addi %mul3A_2, %add3A_740 : i32
    %dma_start3A_742 = arith.constant 0 : i32
    %dma_start3A_743 = tpu.memref_slice %arg4[%add3A_741, %dma_start3A_742] : memref<262144x128xf32, #tpu.memory_space<hbm>> -> memref<128x128xf32, #tpu.memory_space<hbm>>
    %dma_start3A_744 = arith.constant 0 : i32
    %dma_start3A_745 = tpu.memref_slice %arg4[%add3A_741, %dma_start3A_744] : memref<262144x128xf32, #tpu.memory_space<hbm>> -> memref<128x128xf32, #tpu.memory_space<hbm>>
    tpu.enqueue_dma source(%arg6 : memref<128x128xf32, #tpu.memory_space<vmem>>) target(%dma_start3A_745 : memref<128x128xf32, #tpu.memory_space<hbm>>) target_semaphore(%arg11 : memref<!tpu.dma_semaphore, #tpu.memory_space<semaphore_mem>>)
    %dma_wait3A_746 = arith.constant 0 : i32
    %dma_wait3A_747 = tpu.memref_slice %arg4[%add3A_741, %dma_wait3A_746] : memref<262144x128xf32, #tpu.memory_space<hbm>> -> memref<128x128xf32, #tpu.memory_space<hbm>>
    %dma_wait3A_748 = arith.constant 0 : i32
    %dma_wait3A_749 = tpu.memref_slice %arg4[%add3A_741, %dma_wait3A_748] : memref<262144x128xf32, #tpu.memory_space<hbm>> -> memref<128x128xf32, #tpu.memory_space<hbm>>
    tpu.wait_dma2 semaphore(%arg11 : memref<!tpu.dma_semaphore, #tpu.memory_space<semaphore_mem>>) src(%arg6 : memref<128x128xf32, #tpu.memory_space<vmem>>) dst(%dma_wait3A_749 : memref<128x128xf32, #tpu.memory_space<hbm>>)
    %dma_start3A_750 = arith.constant 4864 : i32
    %dma_start3A_751 = tpu.memref_slice %arg5[%dma_start3A_750] : memref<8192xi32, #tpu.memory_space<vmem>> -> memref<128xi32, #tpu.memory_space<vmem>>
    %dma_start3A_752 = arith.constant 0 : i32
    %dma_start3A_753 = arith.constant 0 : i32
    %dma_start3A_754 = tpu.memref_slice %arg8[%dma_start3A_752, %dma_start3A_753] : memref<8192x128xf32, #tpu.memory_space<vmem_shared>> -> memref<8192x128xf32, #tpu.memory_space<vmem_shared>>
    tpu.enqueue_indirect_dma source(%dma_start3A_754 : memref<8192x128xf32, #tpu.memory_space<vmem_shared>>) target(%arg6 : memref<128x128xf32, #tpu.memory_space<vmem>>) offsets(%dma_start3A_751 : memref<128xi32, #tpu.memory_space<vmem>>) semaphore(%arg9 : memref<!tpu.dma_semaphore, #tpu.memory_space<semaphore_mem>>)
    %dma_wait3A_755 = arith.constant 4736 : i32
    %dma_wait3A_756 = tpu.memref_slice %arg5[%dma_wait3A_755] : memref<8192xi32, #tpu.memory_space<vmem>> -> memref<128xi32, #tpu.memory_space<vmem>>
    %dma_wait3A_757 = arith.constant 0 : i32
    %dma_wait3A_758 = arith.constant 0 : i32
    %dma_wait3A_759 = tpu.memref_slice %arg8[%dma_wait3A_757, %dma_wait3A_758] : memref<8192x128xf32, #tpu.memory_space<vmem_shared>> -> memref<8192x128xf32, #tpu.memory_space<vmem_shared>>
    tpu.wait_indirect_dma semaphore(%arg10 : memref<!tpu.dma_semaphore, #tpu.memory_space<semaphore_mem>>) src(%dma_wait3A_759 : memref<8192x128xf32, #tpu.memory_space<vmem_shared>>) dst(%arg7 : memref<128x128xf32, #tpu.memory_space<vmem>>)
    %add3A_760 = arith.constant 4736 : i32
    %add3A_761 = arith.addi %mul3A_2, %add3A_760 : i32
    %dma_start3A_762 = arith.constant 0 : i32
    %dma_start3A_763 = tpu.memref_slice %arg4[%add3A_761, %dma_start3A_762] : memref<262144x128xf32, #tpu.memory_space<hbm>> -> memref<128x128xf32, #tpu.memory_space<hbm>>
    %dma_start3A_764 = arith.constant 0 : i32
    %dma_start3A_765 = tpu.memref_slice %arg4[%add3A_761, %dma_start3A_764] : memref<262144x128xf32, #tpu.memory_space<hbm>> -> memref<128x128xf32, #tpu.memory_space<hbm>>
    tpu.enqueue_dma source(%arg7 : memref<128x128xf32, #tpu.memory_space<vmem>>) target(%dma_start3A_765 : memref<128x128xf32, #tpu.memory_space<hbm>>) target_semaphore(%arg12 : memref<!tpu.dma_semaphore, #tpu.memory_space<semaphore_mem>>)
    %dma_wait3A_766 = arith.constant 0 : i32
    %dma_wait3A_767 = tpu.memref_slice %arg4[%add3A_761, %dma_wait3A_766] : memref<262144x128xf32, #tpu.memory_space<hbm>> -> memref<128x128xf32, #tpu.memory_space<hbm>>
    %dma_wait3A_768 = arith.constant 0 : i32
    %dma_wait3A_769 = tpu.memref_slice %arg4[%add3A_761, %dma_wait3A_768] : memref<262144x128xf32, #tpu.memory_space<hbm>> -> memref<128x128xf32, #tpu.memory_space<hbm>>
    tpu.wait_dma2 semaphore(%arg12 : memref<!tpu.dma_semaphore, #tpu.memory_space<semaphore_mem>>) src(%arg7 : memref<128x128xf32, #tpu.memory_space<vmem>>) dst(%dma_wait3A_769 : memref<128x128xf32, #tpu.memory_space<hbm>>)
    %dma_start3A_770 = arith.constant 4992 : i32
    %dma_start3A_771 = tpu.memref_slice %arg5[%dma_start3A_770] : memref<8192xi32, #tpu.memory_space<vmem>> -> memref<128xi32, #tpu.memory_space<vmem>>
    %dma_start3A_772 = arith.constant 0 : i32
    %dma_start3A_773 = arith.constant 0 : i32
    %dma_start3A_774 = tpu.memref_slice %arg8[%dma_start3A_772, %dma_start3A_773] : memref<8192x128xf32, #tpu.memory_space<vmem_shared>> -> memref<8192x128xf32, #tpu.memory_space<vmem_shared>>
    tpu.enqueue_indirect_dma source(%dma_start3A_774 : memref<8192x128xf32, #tpu.memory_space<vmem_shared>>) target(%arg7 : memref<128x128xf32, #tpu.memory_space<vmem>>) offsets(%dma_start3A_771 : memref<128xi32, #tpu.memory_space<vmem>>) semaphore(%arg10 : memref<!tpu.dma_semaphore, #tpu.memory_space<semaphore_mem>>)
    %dma_wait3A_775 = arith.constant 4864 : i32
    %dma_wait3A_776 = tpu.memref_slice %arg5[%dma_wait3A_775] : memref<8192xi32, #tpu.memory_space<vmem>> -> memref<128xi32, #tpu.memory_space<vmem>>
    %dma_wait3A_777 = arith.constant 0 : i32
    %dma_wait3A_778 = arith.constant 0 : i32
    %dma_wait3A_779 = tpu.memref_slice %arg8[%dma_wait3A_777, %dma_wait3A_778] : memref<8192x128xf32, #tpu.memory_space<vmem_shared>> -> memref<8192x128xf32, #tpu.memory_space<vmem_shared>>
    tpu.wait_indirect_dma semaphore(%arg9 : memref<!tpu.dma_semaphore, #tpu.memory_space<semaphore_mem>>) src(%dma_wait3A_779 : memref<8192x128xf32, #tpu.memory_space<vmem_shared>>) dst(%arg6 : memref<128x128xf32, #tpu.memory_space<vmem>>)
    %add3A_780 = arith.constant 4864 : i32
    %add3A_781 = arith.addi %mul3A_2, %add3A_780 : i32
    %dma_start3A_782 = arith.constant 0 : i32
    %dma_start3A_783 = tpu.memref_slice %arg4[%add3A_781, %dma_start3A_782] : memref<262144x128xf32, #tpu.memory_space<hbm>> -> memref<128x128xf32, #tpu.memory_space<hbm>>
    %dma_start3A_784 = arith.constant 0 : i32
    %dma_start3A_785 = tpu.memref_slice %arg4[%add3A_781, %dma_start3A_784] : memref<262144x128xf32, #tpu.memory_space<hbm>> -> memref<128x128xf32, #tpu.memory_space<hbm>>
    tpu.enqueue_dma source(%arg6 : memref<128x128xf32, #tpu.memory_space<vmem>>) target(%dma_start3A_785 : memref<128x128xf32, #tpu.memory_space<hbm>>) target_semaphore(%arg11 : memref<!tpu.dma_semaphore, #tpu.memory_space<semaphore_mem>>)
    %dma_wait3A_786 = arith.constant 0 : i32
    %dma_wait3A_787 = tpu.memref_slice %arg4[%add3A_781, %dma_wait3A_786] : memref<262144x128xf32, #tpu.memory_space<hbm>> -> memref<128x128xf32, #tpu.memory_space<hbm>>
    %dma_wait3A_788 = arith.constant 0 : i32
    %dma_wait3A_789 = tpu.memref_slice %arg4[%add3A_781, %dma_wait3A_788] : memref<262144x128xf32, #tpu.memory_space<hbm>> -> memref<128x128xf32, #tpu.memory_space<hbm>>
    tpu.wait_dma2 semaphore(%arg11 : memref<!tpu.dma_semaphore, #tpu.memory_space<semaphore_mem>>) src(%arg6 : memref<128x128xf32, #tpu.memory_space<vmem>>) dst(%dma_wait3A_789 : memref<128x128xf32, #tpu.memory_space<hbm>>)
    %dma_start3A_790 = arith.constant 5120 : i32
    %dma_start3A_791 = tpu.memref_slice %arg5[%dma_start3A_790] : memref<8192xi32, #tpu.memory_space<vmem>> -> memref<128xi32, #tpu.memory_space<vmem>>
    %dma_start3A_792 = arith.constant 0 : i32
    %dma_start3A_793 = arith.constant 0 : i32
    %dma_start3A_794 = tpu.memref_slice %arg8[%dma_start3A_792, %dma_start3A_793] : memref<8192x128xf32, #tpu.memory_space<vmem_shared>> -> memref<8192x128xf32, #tpu.memory_space<vmem_shared>>
    tpu.enqueue_indirect_dma source(%dma_start3A_794 : memref<8192x128xf32, #tpu.memory_space<vmem_shared>>) target(%arg6 : memref<128x128xf32, #tpu.memory_space<vmem>>) offsets(%dma_start3A_791 : memref<128xi32, #tpu.memory_space<vmem>>) semaphore(%arg9 : memref<!tpu.dma_semaphore, #tpu.memory_space<semaphore_mem>>)
    %dma_wait3A_795 = arith.constant 4992 : i32
    %dma_wait3A_796 = tpu.memref_slice %arg5[%dma_wait3A_795] : memref<8192xi32, #tpu.memory_space<vmem>> -> memref<128xi32, #tpu.memory_space<vmem>>
    %dma_wait3A_797 = arith.constant 0 : i32
    %dma_wait3A_798 = arith.constant 0 : i32
    %dma_wait3A_799 = tpu.memref_slice %arg8[%dma_wait3A_797, %dma_wait3A_798] : memref<8192x128xf32, #tpu.memory_space<vmem_shared>> -> memref<8192x128xf32, #tpu.memory_space<vmem_shared>>
    tpu.wait_indirect_dma semaphore(%arg10 : memref<!tpu.dma_semaphore, #tpu.memory_space<semaphore_mem>>) src(%dma_wait3A_799 : memref<8192x128xf32, #tpu.memory_space<vmem_shared>>) dst(%arg7 : memref<128x128xf32, #tpu.memory_space<vmem>>)
    %add3A_800 = arith.constant 4992 : i32
    %add3A_801 = arith.addi %mul3A_2, %add3A_800 : i32
    %dma_start3A_802 = arith.constant 0 : i32
    %dma_start3A_803 = tpu.memref_slice %arg4[%add3A_801, %dma_start3A_802] : memref<262144x128xf32, #tpu.memory_space<hbm>> -> memref<128x128xf32, #tpu.memory_space<hbm>>
    %dma_start3A_804 = arith.constant 0 : i32
    %dma_start3A_805 = tpu.memref_slice %arg4[%add3A_801, %dma_start3A_804] : memref<262144x128xf32, #tpu.memory_space<hbm>> -> memref<128x128xf32, #tpu.memory_space<hbm>>
    tpu.enqueue_dma source(%arg7 : memref<128x128xf32, #tpu.memory_space<vmem>>) target(%dma_start3A_805 : memref<128x128xf32, #tpu.memory_space<hbm>>) target_semaphore(%arg12 : memref<!tpu.dma_semaphore, #tpu.memory_space<semaphore_mem>>)
    %dma_wait3A_806 = arith.constant 0 : i32
    %dma_wait3A_807 = tpu.memref_slice %arg4[%add3A_801, %dma_wait3A_806] : memref<262144x128xf32, #tpu.memory_space<hbm>> -> memref<128x128xf32, #tpu.memory_space<hbm>>
    %dma_wait3A_808 = arith.constant 0 : i32
    %dma_wait3A_809 = tpu.memref_slice %arg4[%add3A_801, %dma_wait3A_808] : memref<262144x128xf32, #tpu.memory_space<hbm>> -> memref<128x128xf32, #tpu.memory_space<hbm>>
    tpu.wait_dma2 semaphore(%arg12 : memref<!tpu.dma_semaphore, #tpu.memory_space<semaphore_mem>>) src(%arg7 : memref<128x128xf32, #tpu.memory_space<vmem>>) dst(%dma_wait3A_809 : memref<128x128xf32, #tpu.memory_space<hbm>>)
    %dma_start3A_810 = arith.constant 5248 : i32
    %dma_start3A_811 = tpu.memref_slice %arg5[%dma_start3A_810] : memref<8192xi32, #tpu.memory_space<vmem>> -> memref<128xi32, #tpu.memory_space<vmem>>
    %dma_start3A_812 = arith.constant 0 : i32
    %dma_start3A_813 = arith.constant 0 : i32
    %dma_start3A_814 = tpu.memref_slice %arg8[%dma_start3A_812, %dma_start3A_813] : memref<8192x128xf32, #tpu.memory_space<vmem_shared>> -> memref<8192x128xf32, #tpu.memory_space<vmem_shared>>
    tpu.enqueue_indirect_dma source(%dma_start3A_814 : memref<8192x128xf32, #tpu.memory_space<vmem_shared>>) target(%arg7 : memref<128x128xf32, #tpu.memory_space<vmem>>) offsets(%dma_start3A_811 : memref<128xi32, #tpu.memory_space<vmem>>) semaphore(%arg10 : memref<!tpu.dma_semaphore, #tpu.memory_space<semaphore_mem>>)
    %dma_wait3A_815 = arith.constant 5120 : i32
    %dma_wait3A_816 = tpu.memref_slice %arg5[%dma_wait3A_815] : memref<8192xi32, #tpu.memory_space<vmem>> -> memref<128xi32, #tpu.memory_space<vmem>>
    %dma_wait3A_817 = arith.constant 0 : i32
    %dma_wait3A_818 = arith.constant 0 : i32
    %dma_wait3A_819 = tpu.memref_slice %arg8[%dma_wait3A_817, %dma_wait3A_818] : memref<8192x128xf32, #tpu.memory_space<vmem_shared>> -> memref<8192x128xf32, #tpu.memory_space<vmem_shared>>
    tpu.wait_indirect_dma semaphore(%arg9 : memref<!tpu.dma_semaphore, #tpu.memory_space<semaphore_mem>>) src(%dma_wait3A_819 : memref<8192x128xf32, #tpu.memory_space<vmem_shared>>) dst(%arg6 : memref<128x128xf32, #tpu.memory_space<vmem>>)
    %add3A_820 = arith.constant 5120 : i32
    %add3A_821 = arith.addi %mul3A_2, %add3A_820 : i32
    %dma_start3A_822 = arith.constant 0 : i32
    %dma_start3A_823 = tpu.memref_slice %arg4[%add3A_821, %dma_start3A_822] : memref<262144x128xf32, #tpu.memory_space<hbm>> -> memref<128x128xf32, #tpu.memory_space<hbm>>
    %dma_start3A_824 = arith.constant 0 : i32
    %dma_start3A_825 = tpu.memref_slice %arg4[%add3A_821, %dma_start3A_824] : memref<262144x128xf32, #tpu.memory_space<hbm>> -> memref<128x128xf32, #tpu.memory_space<hbm>>
    tpu.enqueue_dma source(%arg6 : memref<128x128xf32, #tpu.memory_space<vmem>>) target(%dma_start3A_825 : memref<128x128xf32, #tpu.memory_space<hbm>>) target_semaphore(%arg11 : memref<!tpu.dma_semaphore, #tpu.memory_space<semaphore_mem>>)
    %dma_wait3A_826 = arith.constant 0 : i32
    %dma_wait3A_827 = tpu.memref_slice %arg4[%add3A_821, %dma_wait3A_826] : memref<262144x128xf32, #tpu.memory_space<hbm>> -> memref<128x128xf32, #tpu.memory_space<hbm>>
    %dma_wait3A_828 = arith.constant 0 : i32
    %dma_wait3A_829 = tpu.memref_slice %arg4[%add3A_821, %dma_wait3A_828] : memref<262144x128xf32, #tpu.memory_space<hbm>> -> memref<128x128xf32, #tpu.memory_space<hbm>>
    tpu.wait_dma2 semaphore(%arg11 : memref<!tpu.dma_semaphore, #tpu.memory_space<semaphore_mem>>) src(%arg6 : memref<128x128xf32, #tpu.memory_space<vmem>>) dst(%dma_wait3A_829 : memref<128x128xf32, #tpu.memory_space<hbm>>)
    %dma_start3A_830 = arith.constant 5376 : i32
    %dma_start3A_831 = tpu.memref_slice %arg5[%dma_start3A_830] : memref<8192xi32, #tpu.memory_space<vmem>> -> memref<128xi32, #tpu.memory_space<vmem>>
    %dma_start3A_832 = arith.constant 0 : i32
    %dma_start3A_833 = arith.constant 0 : i32
    %dma_start3A_834 = tpu.memref_slice %arg8[%dma_start3A_832, %dma_start3A_833] : memref<8192x128xf32, #tpu.memory_space<vmem_shared>> -> memref<8192x128xf32, #tpu.memory_space<vmem_shared>>
    tpu.enqueue_indirect_dma source(%dma_start3A_834 : memref<8192x128xf32, #tpu.memory_space<vmem_shared>>) target(%arg6 : memref<128x128xf32, #tpu.memory_space<vmem>>) offsets(%dma_start3A_831 : memref<128xi32, #tpu.memory_space<vmem>>) semaphore(%arg9 : memref<!tpu.dma_semaphore, #tpu.memory_space<semaphore_mem>>)
    %dma_wait3A_835 = arith.constant 5248 : i32
    %dma_wait3A_836 = tpu.memref_slice %arg5[%dma_wait3A_835] : memref<8192xi32, #tpu.memory_space<vmem>> -> memref<128xi32, #tpu.memory_space<vmem>>
    %dma_wait3A_837 = arith.constant 0 : i32
    %dma_wait3A_838 = arith.constant 0 : i32
    %dma_wait3A_839 = tpu.memref_slice %arg8[%dma_wait3A_837, %dma_wait3A_838] : memref<8192x128xf32, #tpu.memory_space<vmem_shared>> -> memref<8192x128xf32, #tpu.memory_space<vmem_shared>>
    tpu.wait_indirect_dma semaphore(%arg10 : memref<!tpu.dma_semaphore, #tpu.memory_space<semaphore_mem>>) src(%dma_wait3A_839 : memref<8192x128xf32, #tpu.memory_space<vmem_shared>>) dst(%arg7 : memref<128x128xf32, #tpu.memory_space<vmem>>)
    %add3A_840 = arith.constant 5248 : i32
    %add3A_841 = arith.addi %mul3A_2, %add3A_840 : i32
    %dma_start3A_842 = arith.constant 0 : i32
    %dma_start3A_843 = tpu.memref_slice %arg4[%add3A_841, %dma_start3A_842] : memref<262144x128xf32, #tpu.memory_space<hbm>> -> memref<128x128xf32, #tpu.memory_space<hbm>>
    %dma_start3A_844 = arith.constant 0 : i32
    %dma_start3A_845 = tpu.memref_slice %arg4[%add3A_841, %dma_start3A_844] : memref<262144x128xf32, #tpu.memory_space<hbm>> -> memref<128x128xf32, #tpu.memory_space<hbm>>
    tpu.enqueue_dma source(%arg7 : memref<128x128xf32, #tpu.memory_space<vmem>>) target(%dma_start3A_845 : memref<128x128xf32, #tpu.memory_space<hbm>>) target_semaphore(%arg12 : memref<!tpu.dma_semaphore, #tpu.memory_space<semaphore_mem>>)
    %dma_wait3A_846 = arith.constant 0 : i32
    %dma_wait3A_847 = tpu.memref_slice %arg4[%add3A_841, %dma_wait3A_846] : memref<262144x128xf32, #tpu.memory_space<hbm>> -> memref<128x128xf32, #tpu.memory_space<hbm>>
    %dma_wait3A_848 = arith.constant 0 : i32
    %dma_wait3A_849 = tpu.memref_slice %arg4[%add3A_841, %dma_wait3A_848] : memref<262144x128xf32, #tpu.memory_space<hbm>> -> memref<128x128xf32, #tpu.memory_space<hbm>>
    tpu.wait_dma2 semaphore(%arg12 : memref<!tpu.dma_semaphore, #tpu.memory_space<semaphore_mem>>) src(%arg7 : memref<128x128xf32, #tpu.memory_space<vmem>>) dst(%dma_wait3A_849 : memref<128x128xf32, #tpu.memory_space<hbm>>)
    %dma_start3A_850 = arith.constant 5504 : i32
    %dma_start3A_851 = tpu.memref_slice %arg5[%dma_start3A_850] : memref<8192xi32, #tpu.memory_space<vmem>> -> memref<128xi32, #tpu.memory_space<vmem>>
    %dma_start3A_852 = arith.constant 0 : i32
    %dma_start3A_853 = arith.constant 0 : i32
    %dma_start3A_854 = tpu.memref_slice %arg8[%dma_start3A_852, %dma_start3A_853] : memref<8192x128xf32, #tpu.memory_space<vmem_shared>> -> memref<8192x128xf32, #tpu.memory_space<vmem_shared>>
    tpu.enqueue_indirect_dma source(%dma_start3A_854 : memref<8192x128xf32, #tpu.memory_space<vmem_shared>>) target(%arg7 : memref<128x128xf32, #tpu.memory_space<vmem>>) offsets(%dma_start3A_851 : memref<128xi32, #tpu.memory_space<vmem>>) semaphore(%arg10 : memref<!tpu.dma_semaphore, #tpu.memory_space<semaphore_mem>>)
    %dma_wait3A_855 = arith.constant 5376 : i32
    %dma_wait3A_856 = tpu.memref_slice %arg5[%dma_wait3A_855] : memref<8192xi32, #tpu.memory_space<vmem>> -> memref<128xi32, #tpu.memory_space<vmem>>
    %dma_wait3A_857 = arith.constant 0 : i32
    %dma_wait3A_858 = arith.constant 0 : i32
    %dma_wait3A_859 = tpu.memref_slice %arg8[%dma_wait3A_857, %dma_wait3A_858] : memref<8192x128xf32, #tpu.memory_space<vmem_shared>> -> memref<8192x128xf32, #tpu.memory_space<vmem_shared>>
    tpu.wait_indirect_dma semaphore(%arg9 : memref<!tpu.dma_semaphore, #tpu.memory_space<semaphore_mem>>) src(%dma_wait3A_859 : memref<8192x128xf32, #tpu.memory_space<vmem_shared>>) dst(%arg6 : memref<128x128xf32, #tpu.memory_space<vmem>>)
    %add3A_860 = arith.constant 5376 : i32
    %add3A_861 = arith.addi %mul3A_2, %add3A_860 : i32
    %dma_start3A_862 = arith.constant 0 : i32
    %dma_start3A_863 = tpu.memref_slice %arg4[%add3A_861, %dma_start3A_862] : memref<262144x128xf32, #tpu.memory_space<hbm>> -> memref<128x128xf32, #tpu.memory_space<hbm>>
    %dma_start3A_864 = arith.constant 0 : i32
    %dma_start3A_865 = tpu.memref_slice %arg4[%add3A_861, %dma_start3A_864] : memref<262144x128xf32, #tpu.memory_space<hbm>> -> memref<128x128xf32, #tpu.memory_space<hbm>>
    tpu.enqueue_dma source(%arg6 : memref<128x128xf32, #tpu.memory_space<vmem>>) target(%dma_start3A_865 : memref<128x128xf32, #tpu.memory_space<hbm>>) target_semaphore(%arg11 : memref<!tpu.dma_semaphore, #tpu.memory_space<semaphore_mem>>)
    %dma_wait3A_866 = arith.constant 0 : i32
    %dma_wait3A_867 = tpu.memref_slice %arg4[%add3A_861, %dma_wait3A_866] : memref<262144x128xf32, #tpu.memory_space<hbm>> -> memref<128x128xf32, #tpu.memory_space<hbm>>
    %dma_wait3A_868 = arith.constant 0 : i32
    %dma_wait3A_869 = tpu.memref_slice %arg4[%add3A_861, %dma_wait3A_868] : memref<262144x128xf32, #tpu.memory_space<hbm>> -> memref<128x128xf32, #tpu.memory_space<hbm>>
    tpu.wait_dma2 semaphore(%arg11 : memref<!tpu.dma_semaphore, #tpu.memory_space<semaphore_mem>>) src(%arg6 : memref<128x128xf32, #tpu.memory_space<vmem>>) dst(%dma_wait3A_869 : memref<128x128xf32, #tpu.memory_space<hbm>>)
    %dma_start3A_870 = arith.constant 5632 : i32
    %dma_start3A_871 = tpu.memref_slice %arg5[%dma_start3A_870] : memref<8192xi32, #tpu.memory_space<vmem>> -> memref<128xi32, #tpu.memory_space<vmem>>
    %dma_start3A_872 = arith.constant 0 : i32
    %dma_start3A_873 = arith.constant 0 : i32
    %dma_start3A_874 = tpu.memref_slice %arg8[%dma_start3A_872, %dma_start3A_873] : memref<8192x128xf32, #tpu.memory_space<vmem_shared>> -> memref<8192x128xf32, #tpu.memory_space<vmem_shared>>
    tpu.enqueue_indirect_dma source(%dma_start3A_874 : memref<8192x128xf32, #tpu.memory_space<vmem_shared>>) target(%arg6 : memref<128x128xf32, #tpu.memory_space<vmem>>) offsets(%dma_start3A_871 : memref<128xi32, #tpu.memory_space<vmem>>) semaphore(%arg9 : memref<!tpu.dma_semaphore, #tpu.memory_space<semaphore_mem>>)
    %dma_wait3A_875 = arith.constant 5504 : i32
    %dma_wait3A_876 = tpu.memref_slice %arg5[%dma_wait3A_875] : memref<8192xi32, #tpu.memory_space<vmem>> -> memref<128xi32, #tpu.memory_space<vmem>>
    %dma_wait3A_877 = arith.constant 0 : i32
    %dma_wait3A_878 = arith.constant 0 : i32
    %dma_wait3A_879 = tpu.memref_slice %arg8[%dma_wait3A_877, %dma_wait3A_878] : memref<8192x128xf32, #tpu.memory_space<vmem_shared>> -> memref<8192x128xf32, #tpu.memory_space<vmem_shared>>
    tpu.wait_indirect_dma semaphore(%arg10 : memref<!tpu.dma_semaphore, #tpu.memory_space<semaphore_mem>>) src(%dma_wait3A_879 : memref<8192x128xf32, #tpu.memory_space<vmem_shared>>) dst(%arg7 : memref<128x128xf32, #tpu.memory_space<vmem>>)
    %add3A_880 = arith.constant 5504 : i32
    %add3A_881 = arith.addi %mul3A_2, %add3A_880 : i32
    %dma_start3A_882 = arith.constant 0 : i32
    %dma_start3A_883 = tpu.memref_slice %arg4[%add3A_881, %dma_start3A_882] : memref<262144x128xf32, #tpu.memory_space<hbm>> -> memref<128x128xf32, #tpu.memory_space<hbm>>
    %dma_start3A_884 = arith.constant 0 : i32
    %dma_start3A_885 = tpu.memref_slice %arg4[%add3A_881, %dma_start3A_884] : memref<262144x128xf32, #tpu.memory_space<hbm>> -> memref<128x128xf32, #tpu.memory_space<hbm>>
    tpu.enqueue_dma source(%arg7 : memref<128x128xf32, #tpu.memory_space<vmem>>) target(%dma_start3A_885 : memref<128x128xf32, #tpu.memory_space<hbm>>) target_semaphore(%arg12 : memref<!tpu.dma_semaphore, #tpu.memory_space<semaphore_mem>>)
    %dma_wait3A_886 = arith.constant 0 : i32
    %dma_wait3A_887 = tpu.memref_slice %arg4[%add3A_881, %dma_wait3A_886] : memref<262144x128xf32, #tpu.memory_space<hbm>> -> memref<128x128xf32, #tpu.memory_space<hbm>>
    %dma_wait3A_888 = arith.constant 0 : i32
    %dma_wait3A_889 = tpu.memref_slice %arg4[%add3A_881, %dma_wait3A_888] : memref<262144x128xf32, #tpu.memory_space<hbm>> -> memref<128x128xf32, #tpu.memory_space<hbm>>
    tpu.wait_dma2 semaphore(%arg12 : memref<!tpu.dma_semaphore, #tpu.memory_space<semaphore_mem>>) src(%arg7 : memref<128x128xf32, #tpu.memory_space<vmem>>) dst(%dma_wait3A_889 : memref<128x128xf32, #tpu.memory_space<hbm>>)
    %dma_start3A_890 = arith.constant 5760 : i32
    %dma_start3A_891 = tpu.memref_slice %arg5[%dma_start3A_890] : memref<8192xi32, #tpu.memory_space<vmem>> -> memref<128xi32, #tpu.memory_space<vmem>>
    %dma_start3A_892 = arith.constant 0 : i32
    %dma_start3A_893 = arith.constant 0 : i32
    %dma_start3A_894 = tpu.memref_slice %arg8[%dma_start3A_892, %dma_start3A_893] : memref<8192x128xf32, #tpu.memory_space<vmem_shared>> -> memref<8192x128xf32, #tpu.memory_space<vmem_shared>>
    tpu.enqueue_indirect_dma source(%dma_start3A_894 : memref<8192x128xf32, #tpu.memory_space<vmem_shared>>) target(%arg7 : memref<128x128xf32, #tpu.memory_space<vmem>>) offsets(%dma_start3A_891 : memref<128xi32, #tpu.memory_space<vmem>>) semaphore(%arg10 : memref<!tpu.dma_semaphore, #tpu.memory_space<semaphore_mem>>)
    %dma_wait3A_895 = arith.constant 5632 : i32
    %dma_wait3A_896 = tpu.memref_slice %arg5[%dma_wait3A_895] : memref<8192xi32, #tpu.memory_space<vmem>> -> memref<128xi32, #tpu.memory_space<vmem>>
    %dma_wait3A_897 = arith.constant 0 : i32
    %dma_wait3A_898 = arith.constant 0 : i32
    %dma_wait3A_899 = tpu.memref_slice %arg8[%dma_wait3A_897, %dma_wait3A_898] : memref<8192x128xf32, #tpu.memory_space<vmem_shared>> -> memref<8192x128xf32, #tpu.memory_space<vmem_shared>>
    tpu.wait_indirect_dma semaphore(%arg9 : memref<!tpu.dma_semaphore, #tpu.memory_space<semaphore_mem>>) src(%dma_wait3A_899 : memref<8192x128xf32, #tpu.memory_space<vmem_shared>>) dst(%arg6 : memref<128x128xf32, #tpu.memory_space<vmem>>)
    %add3A_900 = arith.constant 5632 : i32
    %add3A_901 = arith.addi %mul3A_2, %add3A_900 : i32
    %dma_start3A_902 = arith.constant 0 : i32
    %dma_start3A_903 = tpu.memref_slice %arg4[%add3A_901, %dma_start3A_902] : memref<262144x128xf32, #tpu.memory_space<hbm>> -> memref<128x128xf32, #tpu.memory_space<hbm>>
    %dma_start3A_904 = arith.constant 0 : i32
    %dma_start3A_905 = tpu.memref_slice %arg4[%add3A_901, %dma_start3A_904] : memref<262144x128xf32, #tpu.memory_space<hbm>> -> memref<128x128xf32, #tpu.memory_space<hbm>>
    tpu.enqueue_dma source(%arg6 : memref<128x128xf32, #tpu.memory_space<vmem>>) target(%dma_start3A_905 : memref<128x128xf32, #tpu.memory_space<hbm>>) target_semaphore(%arg11 : memref<!tpu.dma_semaphore, #tpu.memory_space<semaphore_mem>>)
    %dma_wait3A_906 = arith.constant 0 : i32
    %dma_wait3A_907 = tpu.memref_slice %arg4[%add3A_901, %dma_wait3A_906] : memref<262144x128xf32, #tpu.memory_space<hbm>> -> memref<128x128xf32, #tpu.memory_space<hbm>>
    %dma_wait3A_908 = arith.constant 0 : i32
    %dma_wait3A_909 = tpu.memref_slice %arg4[%add3A_901, %dma_wait3A_908] : memref<262144x128xf32, #tpu.memory_space<hbm>> -> memref<128x128xf32, #tpu.memory_space<hbm>>
    tpu.wait_dma2 semaphore(%arg11 : memref<!tpu.dma_semaphore, #tpu.memory_space<semaphore_mem>>) src(%arg6 : memref<128x128xf32, #tpu.memory_space<vmem>>) dst(%dma_wait3A_909 : memref<128x128xf32, #tpu.memory_space<hbm>>)
    %dma_start3A_910 = arith.constant 5888 : i32
    %dma_start3A_911 = tpu.memref_slice %arg5[%dma_start3A_910] : memref<8192xi32, #tpu.memory_space<vmem>> -> memref<128xi32, #tpu.memory_space<vmem>>
    %dma_start3A_912 = arith.constant 0 : i32
    %dma_start3A_913 = arith.constant 0 : i32
    %dma_start3A_914 = tpu.memref_slice %arg8[%dma_start3A_912, %dma_start3A_913] : memref<8192x128xf32, #tpu.memory_space<vmem_shared>> -> memref<8192x128xf32, #tpu.memory_space<vmem_shared>>
    tpu.enqueue_indirect_dma source(%dma_start3A_914 : memref<8192x128xf32, #tpu.memory_space<vmem_shared>>) target(%arg6 : memref<128x128xf32, #tpu.memory_space<vmem>>) offsets(%dma_start3A_911 : memref<128xi32, #tpu.memory_space<vmem>>) semaphore(%arg9 : memref<!tpu.dma_semaphore, #tpu.memory_space<semaphore_mem>>)
    %dma_wait3A_915 = arith.constant 5760 : i32
    %dma_wait3A_916 = tpu.memref_slice %arg5[%dma_wait3A_915] : memref<8192xi32, #tpu.memory_space<vmem>> -> memref<128xi32, #tpu.memory_space<vmem>>
    %dma_wait3A_917 = arith.constant 0 : i32
    %dma_wait3A_918 = arith.constant 0 : i32
    %dma_wait3A_919 = tpu.memref_slice %arg8[%dma_wait3A_917, %dma_wait3A_918] : memref<8192x128xf32, #tpu.memory_space<vmem_shared>> -> memref<8192x128xf32, #tpu.memory_space<vmem_shared>>
    tpu.wait_indirect_dma semaphore(%arg10 : memref<!tpu.dma_semaphore, #tpu.memory_space<semaphore_mem>>) src(%dma_wait3A_919 : memref<8192x128xf32, #tpu.memory_space<vmem_shared>>) dst(%arg7 : memref<128x128xf32, #tpu.memory_space<vmem>>)
    %add3A_920 = arith.constant 5760 : i32
    %add3A_921 = arith.addi %mul3A_2, %add3A_920 : i32
    %dma_start3A_922 = arith.constant 0 : i32
    %dma_start3A_923 = tpu.memref_slice %arg4[%add3A_921, %dma_start3A_922] : memref<262144x128xf32, #tpu.memory_space<hbm>> -> memref<128x128xf32, #tpu.memory_space<hbm>>
    %dma_start3A_924 = arith.constant 0 : i32
    %dma_start3A_925 = tpu.memref_slice %arg4[%add3A_921, %dma_start3A_924] : memref<262144x128xf32, #tpu.memory_space<hbm>> -> memref<128x128xf32, #tpu.memory_space<hbm>>
    tpu.enqueue_dma source(%arg7 : memref<128x128xf32, #tpu.memory_space<vmem>>) target(%dma_start3A_925 : memref<128x128xf32, #tpu.memory_space<hbm>>) target_semaphore(%arg12 : memref<!tpu.dma_semaphore, #tpu.memory_space<semaphore_mem>>)
    %dma_wait3A_926 = arith.constant 0 : i32
    %dma_wait3A_927 = tpu.memref_slice %arg4[%add3A_921, %dma_wait3A_926] : memref<262144x128xf32, #tpu.memory_space<hbm>> -> memref<128x128xf32, #tpu.memory_space<hbm>>
    %dma_wait3A_928 = arith.constant 0 : i32
    %dma_wait3A_929 = tpu.memref_slice %arg4[%add3A_921, %dma_wait3A_928] : memref<262144x128xf32, #tpu.memory_space<hbm>> -> memref<128x128xf32, #tpu.memory_space<hbm>>
    tpu.wait_dma2 semaphore(%arg12 : memref<!tpu.dma_semaphore, #tpu.memory_space<semaphore_mem>>) src(%arg7 : memref<128x128xf32, #tpu.memory_space<vmem>>) dst(%dma_wait3A_929 : memref<128x128xf32, #tpu.memory_space<hbm>>)
    %dma_start3A_930 = arith.constant 6016 : i32
    %dma_start3A_931 = tpu.memref_slice %arg5[%dma_start3A_930] : memref<8192xi32, #tpu.memory_space<vmem>> -> memref<128xi32, #tpu.memory_space<vmem>>
    %dma_start3A_932 = arith.constant 0 : i32
    %dma_start3A_933 = arith.constant 0 : i32
    %dma_start3A_934 = tpu.memref_slice %arg8[%dma_start3A_932, %dma_start3A_933] : memref<8192x128xf32, #tpu.memory_space<vmem_shared>> -> memref<8192x128xf32, #tpu.memory_space<vmem_shared>>
    tpu.enqueue_indirect_dma source(%dma_start3A_934 : memref<8192x128xf32, #tpu.memory_space<vmem_shared>>) target(%arg7 : memref<128x128xf32, #tpu.memory_space<vmem>>) offsets(%dma_start3A_931 : memref<128xi32, #tpu.memory_space<vmem>>) semaphore(%arg10 : memref<!tpu.dma_semaphore, #tpu.memory_space<semaphore_mem>>)
    %dma_wait3A_935 = arith.constant 5888 : i32
    %dma_wait3A_936 = tpu.memref_slice %arg5[%dma_wait3A_935] : memref<8192xi32, #tpu.memory_space<vmem>> -> memref<128xi32, #tpu.memory_space<vmem>>
    %dma_wait3A_937 = arith.constant 0 : i32
    %dma_wait3A_938 = arith.constant 0 : i32
    %dma_wait3A_939 = tpu.memref_slice %arg8[%dma_wait3A_937, %dma_wait3A_938] : memref<8192x128xf32, #tpu.memory_space<vmem_shared>> -> memref<8192x128xf32, #tpu.memory_space<vmem_shared>>
    tpu.wait_indirect_dma semaphore(%arg9 : memref<!tpu.dma_semaphore, #tpu.memory_space<semaphore_mem>>) src(%dma_wait3A_939 : memref<8192x128xf32, #tpu.memory_space<vmem_shared>>) dst(%arg6 : memref<128x128xf32, #tpu.memory_space<vmem>>)
    %add3A_940 = arith.constant 5888 : i32
    %add3A_941 = arith.addi %mul3A_2, %add3A_940 : i32
    %dma_start3A_942 = arith.constant 0 : i32
    %dma_start3A_943 = tpu.memref_slice %arg4[%add3A_941, %dma_start3A_942] : memref<262144x128xf32, #tpu.memory_space<hbm>> -> memref<128x128xf32, #tpu.memory_space<hbm>>
    %dma_start3A_944 = arith.constant 0 : i32
    %dma_start3A_945 = tpu.memref_slice %arg4[%add3A_941, %dma_start3A_944] : memref<262144x128xf32, #tpu.memory_space<hbm>> -> memref<128x128xf32, #tpu.memory_space<hbm>>
    tpu.enqueue_dma source(%arg6 : memref<128x128xf32, #tpu.memory_space<vmem>>) target(%dma_start3A_945 : memref<128x128xf32, #tpu.memory_space<hbm>>) target_semaphore(%arg11 : memref<!tpu.dma_semaphore, #tpu.memory_space<semaphore_mem>>)
    %dma_wait3A_946 = arith.constant 0 : i32
    %dma_wait3A_947 = tpu.memref_slice %arg4[%add3A_941, %dma_wait3A_946] : memref<262144x128xf32, #tpu.memory_space<hbm>> -> memref<128x128xf32, #tpu.memory_space<hbm>>
    %dma_wait3A_948 = arith.constant 0 : i32
    %dma_wait3A_949 = tpu.memref_slice %arg4[%add3A_941, %dma_wait3A_948] : memref<262144x128xf32, #tpu.memory_space<hbm>> -> memref<128x128xf32, #tpu.memory_space<hbm>>
    tpu.wait_dma2 semaphore(%arg11 : memref<!tpu.dma_semaphore, #tpu.memory_space<semaphore_mem>>) src(%arg6 : memref<128x128xf32, #tpu.memory_space<vmem>>) dst(%dma_wait3A_949 : memref<128x128xf32, #tpu.memory_space<hbm>>)
    %dma_start3A_950 = arith.constant 6144 : i32
    %dma_start3A_951 = tpu.memref_slice %arg5[%dma_start3A_950] : memref<8192xi32, #tpu.memory_space<vmem>> -> memref<128xi32, #tpu.memory_space<vmem>>
    %dma_start3A_952 = arith.constant 0 : i32
    %dma_start3A_953 = arith.constant 0 : i32
    %dma_start3A_954 = tpu.memref_slice %arg8[%dma_start3A_952, %dma_start3A_953] : memref<8192x128xf32, #tpu.memory_space<vmem_shared>> -> memref<8192x128xf32, #tpu.memory_space<vmem_shared>>
    tpu.enqueue_indirect_dma source(%dma_start3A_954 : memref<8192x128xf32, #tpu.memory_space<vmem_shared>>) target(%arg6 : memref<128x128xf32, #tpu.memory_space<vmem>>) offsets(%dma_start3A_951 : memref<128xi32, #tpu.memory_space<vmem>>) semaphore(%arg9 : memref<!tpu.dma_semaphore, #tpu.memory_space<semaphore_mem>>)
    %dma_wait3A_955 = arith.constant 6016 : i32
    %dma_wait3A_956 = tpu.memref_slice %arg5[%dma_wait3A_955] : memref<8192xi32, #tpu.memory_space<vmem>> -> memref<128xi32, #tpu.memory_space<vmem>>
    %dma_wait3A_957 = arith.constant 0 : i32
    %dma_wait3A_958 = arith.constant 0 : i32
    %dma_wait3A_959 = tpu.memref_slice %arg8[%dma_wait3A_957, %dma_wait3A_958] : memref<8192x128xf32, #tpu.memory_space<vmem_shared>> -> memref<8192x128xf32, #tpu.memory_space<vmem_shared>>
    tpu.wait_indirect_dma semaphore(%arg10 : memref<!tpu.dma_semaphore, #tpu.memory_space<semaphore_mem>>) src(%dma_wait3A_959 : memref<8192x128xf32, #tpu.memory_space<vmem_shared>>) dst(%arg7 : memref<128x128xf32, #tpu.memory_space<vmem>>)
    %add3A_960 = arith.constant 6016 : i32
    %add3A_961 = arith.addi %mul3A_2, %add3A_960 : i32
    %dma_start3A_962 = arith.constant 0 : i32
    %dma_start3A_963 = tpu.memref_slice %arg4[%add3A_961, %dma_start3A_962] : memref<262144x128xf32, #tpu.memory_space<hbm>> -> memref<128x128xf32, #tpu.memory_space<hbm>>
    %dma_start3A_964 = arith.constant 0 : i32
    %dma_start3A_965 = tpu.memref_slice %arg4[%add3A_961, %dma_start3A_964] : memref<262144x128xf32, #tpu.memory_space<hbm>> -> memref<128x128xf32, #tpu.memory_space<hbm>>
    tpu.enqueue_dma source(%arg7 : memref<128x128xf32, #tpu.memory_space<vmem>>) target(%dma_start3A_965 : memref<128x128xf32, #tpu.memory_space<hbm>>) target_semaphore(%arg12 : memref<!tpu.dma_semaphore, #tpu.memory_space<semaphore_mem>>)
    %dma_wait3A_966 = arith.constant 0 : i32
    %dma_wait3A_967 = tpu.memref_slice %arg4[%add3A_961, %dma_wait3A_966] : memref<262144x128xf32, #tpu.memory_space<hbm>> -> memref<128x128xf32, #tpu.memory_space<hbm>>
    %dma_wait3A_968 = arith.constant 0 : i32
    %dma_wait3A_969 = tpu.memref_slice %arg4[%add3A_961, %dma_wait3A_968] : memref<262144x128xf32, #tpu.memory_space<hbm>> -> memref<128x128xf32, #tpu.memory_space<hbm>>
    tpu.wait_dma2 semaphore(%arg12 : memref<!tpu.dma_semaphore, #tpu.memory_space<semaphore_mem>>) src(%arg7 : memref<128x128xf32, #tpu.memory_space<vmem>>) dst(%dma_wait3A_969 : memref<128x128xf32, #tpu.memory_space<hbm>>)
    %dma_start3A_970 = arith.constant 6272 : i32
    %dma_start3A_971 = tpu.memref_slice %arg5[%dma_start3A_970] : memref<8192xi32, #tpu.memory_space<vmem>> -> memref<128xi32, #tpu.memory_space<vmem>>
    %dma_start3A_972 = arith.constant 0 : i32
    %dma_start3A_973 = arith.constant 0 : i32
    %dma_start3A_974 = tpu.memref_slice %arg8[%dma_start3A_972, %dma_start3A_973] : memref<8192x128xf32, #tpu.memory_space<vmem_shared>> -> memref<8192x128xf32, #tpu.memory_space<vmem_shared>>
    tpu.enqueue_indirect_dma source(%dma_start3A_974 : memref<8192x128xf32, #tpu.memory_space<vmem_shared>>) target(%arg7 : memref<128x128xf32, #tpu.memory_space<vmem>>) offsets(%dma_start3A_971 : memref<128xi32, #tpu.memory_space<vmem>>) semaphore(%arg10 : memref<!tpu.dma_semaphore, #tpu.memory_space<semaphore_mem>>)
    %dma_wait3A_975 = arith.constant 6144 : i32
    %dma_wait3A_976 = tpu.memref_slice %arg5[%dma_wait3A_975] : memref<8192xi32, #tpu.memory_space<vmem>> -> memref<128xi32, #tpu.memory_space<vmem>>
    %dma_wait3A_977 = arith.constant 0 : i32
    %dma_wait3A_978 = arith.constant 0 : i32
    %dma_wait3A_979 = tpu.memref_slice %arg8[%dma_wait3A_977, %dma_wait3A_978] : memref<8192x128xf32, #tpu.memory_space<vmem_shared>> -> memref<8192x128xf32, #tpu.memory_space<vmem_shared>>
    tpu.wait_indirect_dma semaphore(%arg9 : memref<!tpu.dma_semaphore, #tpu.memory_space<semaphore_mem>>) src(%dma_wait3A_979 : memref<8192x128xf32, #tpu.memory_space<vmem_shared>>) dst(%arg6 : memref<128x128xf32, #tpu.memory_space<vmem>>)
    %add3A_980 = arith.constant 6144 : i32
    %add3A_981 = arith.addi %mul3A_2, %add3A_980 : i32
    %dma_start3A_982 = arith.constant 0 : i32
    %dma_start3A_983 = tpu.memref_slice %arg4[%add3A_981, %dma_start3A_982] : memref<262144x128xf32, #tpu.memory_space<hbm>> -> memref<128x128xf32, #tpu.memory_space<hbm>>
    %dma_start3A_984 = arith.constant 0 : i32
    %dma_start3A_985 = tpu.memref_slice %arg4[%add3A_981, %dma_start3A_984] : memref<262144x128xf32, #tpu.memory_space<hbm>> -> memref<128x128xf32, #tpu.memory_space<hbm>>
    tpu.enqueue_dma source(%arg6 : memref<128x128xf32, #tpu.memory_space<vmem>>) target(%dma_start3A_985 : memref<128x128xf32, #tpu.memory_space<hbm>>) target_semaphore(%arg11 : memref<!tpu.dma_semaphore, #tpu.memory_space<semaphore_mem>>)
    %dma_wait3A_986 = arith.constant 0 : i32
    %dma_wait3A_987 = tpu.memref_slice %arg4[%add3A_981, %dma_wait3A_986] : memref<262144x128xf32, #tpu.memory_space<hbm>> -> memref<128x128xf32, #tpu.memory_space<hbm>>
    %dma_wait3A_988 = arith.constant 0 : i32
    %dma_wait3A_989 = tpu.memref_slice %arg4[%add3A_981, %dma_wait3A_988] : memref<262144x128xf32, #tpu.memory_space<hbm>> -> memref<128x128xf32, #tpu.memory_space<hbm>>
    tpu.wait_dma2 semaphore(%arg11 : memref<!tpu.dma_semaphore, #tpu.memory_space<semaphore_mem>>) src(%arg6 : memref<128x128xf32, #tpu.memory_space<vmem>>) dst(%dma_wait3A_989 : memref<128x128xf32, #tpu.memory_space<hbm>>)
    %dma_start3A_990 = arith.constant 6400 : i32
    %dma_start3A_991 = tpu.memref_slice %arg5[%dma_start3A_990] : memref<8192xi32, #tpu.memory_space<vmem>> -> memref<128xi32, #tpu.memory_space<vmem>>
    %dma_start3A_992 = arith.constant 0 : i32
    %dma_start3A_993 = arith.constant 0 : i32
    %dma_start3A_994 = tpu.memref_slice %arg8[%dma_start3A_992, %dma_start3A_993] : memref<8192x128xf32, #tpu.memory_space<vmem_shared>> -> memref<8192x128xf32, #tpu.memory_space<vmem_shared>>
    tpu.enqueue_indirect_dma source(%dma_start3A_994 : memref<8192x128xf32, #tpu.memory_space<vmem_shared>>) target(%arg6 : memref<128x128xf32, #tpu.memory_space<vmem>>) offsets(%dma_start3A_991 : memref<128xi32, #tpu.memory_space<vmem>>) semaphore(%arg9 : memref<!tpu.dma_semaphore, #tpu.memory_space<semaphore_mem>>)
    %dma_wait3A_995 = arith.constant 6272 : i32
    %dma_wait3A_996 = tpu.memref_slice %arg5[%dma_wait3A_995] : memref<8192xi32, #tpu.memory_space<vmem>> -> memref<128xi32, #tpu.memory_space<vmem>>
    %dma_wait3A_997 = arith.constant 0 : i32
    %dma_wait3A_998 = arith.constant 0 : i32
    %dma_wait3A_999 = tpu.memref_slice %arg8[%dma_wait3A_997, %dma_wait3A_998] : memref<8192x128xf32, #tpu.memory_space<vmem_shared>> -> memref<8192x128xf32, #tpu.memory_space<vmem_shared>>
    tpu.wait_indirect_dma semaphore(%arg10 : memref<!tpu.dma_semaphore, #tpu.memory_space<semaphore_mem>>) src(%dma_wait3A_999 : memref<8192x128xf32, #tpu.memory_space<vmem_shared>>) dst(%arg7 : memref<128x128xf32, #tpu.memory_space<vmem>>)
    %add3A_1000 = arith.constant 6272 : i32
    %add3A_1001 = arith.addi %mul3A_2, %add3A_1000 : i32
    %dma_start3A_1002 = arith.constant 0 : i32
    %dma_start3A_1003 = tpu.memref_slice %arg4[%add3A_1001, %dma_start3A_1002] : memref<262144x128xf32, #tpu.memory_space<hbm>> -> memref<128x128xf32, #tpu.memory_space<hbm>>
    %dma_start3A_1004 = arith.constant 0 : i32
    %dma_start3A_1005 = tpu.memref_slice %arg4[%add3A_1001, %dma_start3A_1004] : memref<262144x128xf32, #tpu.memory_space<hbm>> -> memref<128x128xf32, #tpu.memory_space<hbm>>
    tpu.enqueue_dma source(%arg7 : memref<128x128xf32, #tpu.memory_space<vmem>>) target(%dma_start3A_1005 : memref<128x128xf32, #tpu.memory_space<hbm>>) target_semaphore(%arg12 : memref<!tpu.dma_semaphore, #tpu.memory_space<semaphore_mem>>)
    %dma_wait3A_1006 = arith.constant 0 : i32
    %dma_wait3A_1007 = tpu.memref_slice %arg4[%add3A_1001, %dma_wait3A_1006] : memref<262144x128xf32, #tpu.memory_space<hbm>> -> memref<128x128xf32, #tpu.memory_space<hbm>>
    %dma_wait3A_1008 = arith.constant 0 : i32
    %dma_wait3A_1009 = tpu.memref_slice %arg4[%add3A_1001, %dma_wait3A_1008] : memref<262144x128xf32, #tpu.memory_space<hbm>> -> memref<128x128xf32, #tpu.memory_space<hbm>>
    tpu.wait_dma2 semaphore(%arg12 : memref<!tpu.dma_semaphore, #tpu.memory_space<semaphore_mem>>) src(%arg7 : memref<128x128xf32, #tpu.memory_space<vmem>>) dst(%dma_wait3A_1009 : memref<128x128xf32, #tpu.memory_space<hbm>>)
    %dma_start3A_1010 = arith.constant 6528 : i32
    %dma_start3A_1011 = tpu.memref_slice %arg5[%dma_start3A_1010] : memref<8192xi32, #tpu.memory_space<vmem>> -> memref<128xi32, #tpu.memory_space<vmem>>
    %dma_start3A_1012 = arith.constant 0 : i32
    %dma_start3A_1013 = arith.constant 0 : i32
    %dma_start3A_1014 = tpu.memref_slice %arg8[%dma_start3A_1012, %dma_start3A_1013] : memref<8192x128xf32, #tpu.memory_space<vmem_shared>> -> memref<8192x128xf32, #tpu.memory_space<vmem_shared>>
    tpu.enqueue_indirect_dma source(%dma_start3A_1014 : memref<8192x128xf32, #tpu.memory_space<vmem_shared>>) target(%arg7 : memref<128x128xf32, #tpu.memory_space<vmem>>) offsets(%dma_start3A_1011 : memref<128xi32, #tpu.memory_space<vmem>>) semaphore(%arg10 : memref<!tpu.dma_semaphore, #tpu.memory_space<semaphore_mem>>)
    %dma_wait3A_1015 = arith.constant 6400 : i32
    %dma_wait3A_1016 = tpu.memref_slice %arg5[%dma_wait3A_1015] : memref<8192xi32, #tpu.memory_space<vmem>> -> memref<128xi32, #tpu.memory_space<vmem>>
    %dma_wait3A_1017 = arith.constant 0 : i32
    %dma_wait3A_1018 = arith.constant 0 : i32
    %dma_wait3A_1019 = tpu.memref_slice %arg8[%dma_wait3A_1017, %dma_wait3A_1018] : memref<8192x128xf32, #tpu.memory_space<vmem_shared>> -> memref<8192x128xf32, #tpu.memory_space<vmem_shared>>
    tpu.wait_indirect_dma semaphore(%arg9 : memref<!tpu.dma_semaphore, #tpu.memory_space<semaphore_mem>>) src(%dma_wait3A_1019 : memref<8192x128xf32, #tpu.memory_space<vmem_shared>>) dst(%arg6 : memref<128x128xf32, #tpu.memory_space<vmem>>)
    %add3A_1020 = arith.constant 6400 : i32
    %add3A_1021 = arith.addi %mul3A_2, %add3A_1020 : i32
    %dma_start3A_1022 = arith.constant 0 : i32
    %dma_start3A_1023 = tpu.memref_slice %arg4[%add3A_1021, %dma_start3A_1022] : memref<262144x128xf32, #tpu.memory_space<hbm>> -> memref<128x128xf32, #tpu.memory_space<hbm>>
    %dma_start3A_1024 = arith.constant 0 : i32
    %dma_start3A_1025 = tpu.memref_slice %arg4[%add3A_1021, %dma_start3A_1024] : memref<262144x128xf32, #tpu.memory_space<hbm>> -> memref<128x128xf32, #tpu.memory_space<hbm>>
    tpu.enqueue_dma source(%arg6 : memref<128x128xf32, #tpu.memory_space<vmem>>) target(%dma_start3A_1025 : memref<128x128xf32, #tpu.memory_space<hbm>>) target_semaphore(%arg11 : memref<!tpu.dma_semaphore, #tpu.memory_space<semaphore_mem>>)
    %dma_wait3A_1026 = arith.constant 0 : i32
    %dma_wait3A_1027 = tpu.memref_slice %arg4[%add3A_1021, %dma_wait3A_1026] : memref<262144x128xf32, #tpu.memory_space<hbm>> -> memref<128x128xf32, #tpu.memory_space<hbm>>
    %dma_wait3A_1028 = arith.constant 0 : i32
    %dma_wait3A_1029 = tpu.memref_slice %arg4[%add3A_1021, %dma_wait3A_1028] : memref<262144x128xf32, #tpu.memory_space<hbm>> -> memref<128x128xf32, #tpu.memory_space<hbm>>
    tpu.wait_dma2 semaphore(%arg11 : memref<!tpu.dma_semaphore, #tpu.memory_space<semaphore_mem>>) src(%arg6 : memref<128x128xf32, #tpu.memory_space<vmem>>) dst(%dma_wait3A_1029 : memref<128x128xf32, #tpu.memory_space<hbm>>)
    %dma_start3A_1030 = arith.constant 6656 : i32
    %dma_start3A_1031 = tpu.memref_slice %arg5[%dma_start3A_1030] : memref<8192xi32, #tpu.memory_space<vmem>> -> memref<128xi32, #tpu.memory_space<vmem>>
    %dma_start3A_1032 = arith.constant 0 : i32
    %dma_start3A_1033 = arith.constant 0 : i32
    %dma_start3A_1034 = tpu.memref_slice %arg8[%dma_start3A_1032, %dma_start3A_1033] : memref<8192x128xf32, #tpu.memory_space<vmem_shared>> -> memref<8192x128xf32, #tpu.memory_space<vmem_shared>>
    tpu.enqueue_indirect_dma source(%dma_start3A_1034 : memref<8192x128xf32, #tpu.memory_space<vmem_shared>>) target(%arg6 : memref<128x128xf32, #tpu.memory_space<vmem>>) offsets(%dma_start3A_1031 : memref<128xi32, #tpu.memory_space<vmem>>) semaphore(%arg9 : memref<!tpu.dma_semaphore, #tpu.memory_space<semaphore_mem>>)
    %dma_wait3A_1035 = arith.constant 6528 : i32
    %dma_wait3A_1036 = tpu.memref_slice %arg5[%dma_wait3A_1035] : memref<8192xi32, #tpu.memory_space<vmem>> -> memref<128xi32, #tpu.memory_space<vmem>>
    %dma_wait3A_1037 = arith.constant 0 : i32
    %dma_wait3A_1038 = arith.constant 0 : i32
    %dma_wait3A_1039 = tpu.memref_slice %arg8[%dma_wait3A_1037, %dma_wait3A_1038] : memref<8192x128xf32, #tpu.memory_space<vmem_shared>> -> memref<8192x128xf32, #tpu.memory_space<vmem_shared>>
    tpu.wait_indirect_dma semaphore(%arg10 : memref<!tpu.dma_semaphore, #tpu.memory_space<semaphore_mem>>) src(%dma_wait3A_1039 : memref<8192x128xf32, #tpu.memory_space<vmem_shared>>) dst(%arg7 : memref<128x128xf32, #tpu.memory_space<vmem>>)
    %add3A_1040 = arith.constant 6528 : i32
    %add3A_1041 = arith.addi %mul3A_2, %add3A_1040 : i32
    %dma_start3A_1042 = arith.constant 0 : i32
    %dma_start3A_1043 = tpu.memref_slice %arg4[%add3A_1041, %dma_start3A_1042] : memref<262144x128xf32, #tpu.memory_space<hbm>> -> memref<128x128xf32, #tpu.memory_space<hbm>>
    %dma_start3A_1044 = arith.constant 0 : i32
    %dma_start3A_1045 = tpu.memref_slice %arg4[%add3A_1041, %dma_start3A_1044] : memref<262144x128xf32, #tpu.memory_space<hbm>> -> memref<128x128xf32, #tpu.memory_space<hbm>>
    tpu.enqueue_dma source(%arg7 : memref<128x128xf32, #tpu.memory_space<vmem>>) target(%dma_start3A_1045 : memref<128x128xf32, #tpu.memory_space<hbm>>) target_semaphore(%arg12 : memref<!tpu.dma_semaphore, #tpu.memory_space<semaphore_mem>>)
    %dma_wait3A_1046 = arith.constant 0 : i32
    %dma_wait3A_1047 = tpu.memref_slice %arg4[%add3A_1041, %dma_wait3A_1046] : memref<262144x128xf32, #tpu.memory_space<hbm>> -> memref<128x128xf32, #tpu.memory_space<hbm>>
    %dma_wait3A_1048 = arith.constant 0 : i32
    %dma_wait3A_1049 = tpu.memref_slice %arg4[%add3A_1041, %dma_wait3A_1048] : memref<262144x128xf32, #tpu.memory_space<hbm>> -> memref<128x128xf32, #tpu.memory_space<hbm>>
    tpu.wait_dma2 semaphore(%arg12 : memref<!tpu.dma_semaphore, #tpu.memory_space<semaphore_mem>>) src(%arg7 : memref<128x128xf32, #tpu.memory_space<vmem>>) dst(%dma_wait3A_1049 : memref<128x128xf32, #tpu.memory_space<hbm>>)
    %dma_start3A_1050 = arith.constant 6784 : i32
    %dma_start3A_1051 = tpu.memref_slice %arg5[%dma_start3A_1050] : memref<8192xi32, #tpu.memory_space<vmem>> -> memref<128xi32, #tpu.memory_space<vmem>>
    %dma_start3A_1052 = arith.constant 0 : i32
    %dma_start3A_1053 = arith.constant 0 : i32
    %dma_start3A_1054 = tpu.memref_slice %arg8[%dma_start3A_1052, %dma_start3A_1053] : memref<8192x128xf32, #tpu.memory_space<vmem_shared>> -> memref<8192x128xf32, #tpu.memory_space<vmem_shared>>
    tpu.enqueue_indirect_dma source(%dma_start3A_1054 : memref<8192x128xf32, #tpu.memory_space<vmem_shared>>) target(%arg7 : memref<128x128xf32, #tpu.memory_space<vmem>>) offsets(%dma_start3A_1051 : memref<128xi32, #tpu.memory_space<vmem>>) semaphore(%arg10 : memref<!tpu.dma_semaphore, #tpu.memory_space<semaphore_mem>>)
    %dma_wait3A_1055 = arith.constant 6656 : i32
    %dma_wait3A_1056 = tpu.memref_slice %arg5[%dma_wait3A_1055] : memref<8192xi32, #tpu.memory_space<vmem>> -> memref<128xi32, #tpu.memory_space<vmem>>
    %dma_wait3A_1057 = arith.constant 0 : i32
    %dma_wait3A_1058 = arith.constant 0 : i32
    %dma_wait3A_1059 = tpu.memref_slice %arg8[%dma_wait3A_1057, %dma_wait3A_1058] : memref<8192x128xf32, #tpu.memory_space<vmem_shared>> -> memref<8192x128xf32, #tpu.memory_space<vmem_shared>>
    tpu.wait_indirect_dma semaphore(%arg9 : memref<!tpu.dma_semaphore, #tpu.memory_space<semaphore_mem>>) src(%dma_wait3A_1059 : memref<8192x128xf32, #tpu.memory_space<vmem_shared>>) dst(%arg6 : memref<128x128xf32, #tpu.memory_space<vmem>>)
    %add3A_1060 = arith.constant 6656 : i32
    %add3A_1061 = arith.addi %mul3A_2, %add3A_1060 : i32
    %dma_start3A_1062 = arith.constant 0 : i32
    %dma_start3A_1063 = tpu.memref_slice %arg4[%add3A_1061, %dma_start3A_1062] : memref<262144x128xf32, #tpu.memory_space<hbm>> -> memref<128x128xf32, #tpu.memory_space<hbm>>
    %dma_start3A_1064 = arith.constant 0 : i32
    %dma_start3A_1065 = tpu.memref_slice %arg4[%add3A_1061, %dma_start3A_1064] : memref<262144x128xf32, #tpu.memory_space<hbm>> -> memref<128x128xf32, #tpu.memory_space<hbm>>
    tpu.enqueue_dma source(%arg6 : memref<128x128xf32, #tpu.memory_space<vmem>>) target(%dma_start3A_1065 : memref<128x128xf32, #tpu.memory_space<hbm>>) target_semaphore(%arg11 : memref<!tpu.dma_semaphore, #tpu.memory_space<semaphore_mem>>)
    %dma_wait3A_1066 = arith.constant 0 : i32
    %dma_wait3A_1067 = tpu.memref_slice %arg4[%add3A_1061, %dma_wait3A_1066] : memref<262144x128xf32, #tpu.memory_space<hbm>> -> memref<128x128xf32, #tpu.memory_space<hbm>>
    %dma_wait3A_1068 = arith.constant 0 : i32
    %dma_wait3A_1069 = tpu.memref_slice %arg4[%add3A_1061, %dma_wait3A_1068] : memref<262144x128xf32, #tpu.memory_space<hbm>> -> memref<128x128xf32, #tpu.memory_space<hbm>>
    tpu.wait_dma2 semaphore(%arg11 : memref<!tpu.dma_semaphore, #tpu.memory_space<semaphore_mem>>) src(%arg6 : memref<128x128xf32, #tpu.memory_space<vmem>>) dst(%dma_wait3A_1069 : memref<128x128xf32, #tpu.memory_space<hbm>>)
    %dma_start3A_1070 = arith.constant 6912 : i32
    %dma_start3A_1071 = tpu.memref_slice %arg5[%dma_start3A_1070] : memref<8192xi32, #tpu.memory_space<vmem>> -> memref<128xi32, #tpu.memory_space<vmem>>
    %dma_start3A_1072 = arith.constant 0 : i32
    %dma_start3A_1073 = arith.constant 0 : i32
    %dma_start3A_1074 = tpu.memref_slice %arg8[%dma_start3A_1072, %dma_start3A_1073] : memref<8192x128xf32, #tpu.memory_space<vmem_shared>> -> memref<8192x128xf32, #tpu.memory_space<vmem_shared>>
    tpu.enqueue_indirect_dma source(%dma_start3A_1074 : memref<8192x128xf32, #tpu.memory_space<vmem_shared>>) target(%arg6 : memref<128x128xf32, #tpu.memory_space<vmem>>) offsets(%dma_start3A_1071 : memref<128xi32, #tpu.memory_space<vmem>>) semaphore(%arg9 : memref<!tpu.dma_semaphore, #tpu.memory_space<semaphore_mem>>)
    %dma_wait3A_1075 = arith.constant 6784 : i32
    %dma_wait3A_1076 = tpu.memref_slice %arg5[%dma_wait3A_1075] : memref<8192xi32, #tpu.memory_space<vmem>> -> memref<128xi32, #tpu.memory_space<vmem>>
    %dma_wait3A_1077 = arith.constant 0 : i32
    %dma_wait3A_1078 = arith.constant 0 : i32
    %dma_wait3A_1079 = tpu.memref_slice %arg8[%dma_wait3A_1077, %dma_wait3A_1078] : memref<8192x128xf32, #tpu.memory_space<vmem_shared>> -> memref<8192x128xf32, #tpu.memory_space<vmem_shared>>
    tpu.wait_indirect_dma semaphore(%arg10 : memref<!tpu.dma_semaphore, #tpu.memory_space<semaphore_mem>>) src(%dma_wait3A_1079 : memref<8192x128xf32, #tpu.memory_space<vmem_shared>>) dst(%arg7 : memref<128x128xf32, #tpu.memory_space<vmem>>)
    %add3A_1080 = arith.constant 6784 : i32
    %add3A_1081 = arith.addi %mul3A_2, %add3A_1080 : i32
    %dma_start3A_1082 = arith.constant 0 : i32
    %dma_start3A_1083 = tpu.memref_slice %arg4[%add3A_1081, %dma_start3A_1082] : memref<262144x128xf32, #tpu.memory_space<hbm>> -> memref<128x128xf32, #tpu.memory_space<hbm>>
    %dma_start3A_1084 = arith.constant 0 : i32
    %dma_start3A_1085 = tpu.memref_slice %arg4[%add3A_1081, %dma_start3A_1084] : memref<262144x128xf32, #tpu.memory_space<hbm>> -> memref<128x128xf32, #tpu.memory_space<hbm>>
    tpu.enqueue_dma source(%arg7 : memref<128x128xf32, #tpu.memory_space<vmem>>) target(%dma_start3A_1085 : memref<128x128xf32, #tpu.memory_space<hbm>>) target_semaphore(%arg12 : memref<!tpu.dma_semaphore, #tpu.memory_space<semaphore_mem>>)
    %dma_wait3A_1086 = arith.constant 0 : i32
    %dma_wait3A_1087 = tpu.memref_slice %arg4[%add3A_1081, %dma_wait3A_1086] : memref<262144x128xf32, #tpu.memory_space<hbm>> -> memref<128x128xf32, #tpu.memory_space<hbm>>
    %dma_wait3A_1088 = arith.constant 0 : i32
    %dma_wait3A_1089 = tpu.memref_slice %arg4[%add3A_1081, %dma_wait3A_1088] : memref<262144x128xf32, #tpu.memory_space<hbm>> -> memref<128x128xf32, #tpu.memory_space<hbm>>
    tpu.wait_dma2 semaphore(%arg12 : memref<!tpu.dma_semaphore, #tpu.memory_space<semaphore_mem>>) src(%arg7 : memref<128x128xf32, #tpu.memory_space<vmem>>) dst(%dma_wait3A_1089 : memref<128x128xf32, #tpu.memory_space<hbm>>)
    %dma_start3A_1090 = arith.constant 7040 : i32
    %dma_start3A_1091 = tpu.memref_slice %arg5[%dma_start3A_1090] : memref<8192xi32, #tpu.memory_space<vmem>> -> memref<128xi32, #tpu.memory_space<vmem>>
    %dma_start3A_1092 = arith.constant 0 : i32
    %dma_start3A_1093 = arith.constant 0 : i32
    %dma_start3A_1094 = tpu.memref_slice %arg8[%dma_start3A_1092, %dma_start3A_1093] : memref<8192x128xf32, #tpu.memory_space<vmem_shared>> -> memref<8192x128xf32, #tpu.memory_space<vmem_shared>>
    tpu.enqueue_indirect_dma source(%dma_start3A_1094 : memref<8192x128xf32, #tpu.memory_space<vmem_shared>>) target(%arg7 : memref<128x128xf32, #tpu.memory_space<vmem>>) offsets(%dma_start3A_1091 : memref<128xi32, #tpu.memory_space<vmem>>) semaphore(%arg10 : memref<!tpu.dma_semaphore, #tpu.memory_space<semaphore_mem>>)
    %dma_wait3A_1095 = arith.constant 6912 : i32
    %dma_wait3A_1096 = tpu.memref_slice %arg5[%dma_wait3A_1095] : memref<8192xi32, #tpu.memory_space<vmem>> -> memref<128xi32, #tpu.memory_space<vmem>>
    %dma_wait3A_1097 = arith.constant 0 : i32
    %dma_wait3A_1098 = arith.constant 0 : i32
    %dma_wait3A_1099 = tpu.memref_slice %arg8[%dma_wait3A_1097, %dma_wait3A_1098] : memref<8192x128xf32, #tpu.memory_space<vmem_shared>> -> memref<8192x128xf32, #tpu.memory_space<vmem_shared>>
    tpu.wait_indirect_dma semaphore(%arg9 : memref<!tpu.dma_semaphore, #tpu.memory_space<semaphore_mem>>) src(%dma_wait3A_1099 : memref<8192x128xf32, #tpu.memory_space<vmem_shared>>) dst(%arg6 : memref<128x128xf32, #tpu.memory_space<vmem>>)
    %add3A_1100 = arith.constant 6912 : i32
    %add3A_1101 = arith.addi %mul3A_2, %add3A_1100 : i32
    %dma_start3A_1102 = arith.constant 0 : i32
    %dma_start3A_1103 = tpu.memref_slice %arg4[%add3A_1101, %dma_start3A_1102] : memref<262144x128xf32, #tpu.memory_space<hbm>> -> memref<128x128xf32, #tpu.memory_space<hbm>>
    %dma_start3A_1104 = arith.constant 0 : i32
    %dma_start3A_1105 = tpu.memref_slice %arg4[%add3A_1101, %dma_start3A_1104] : memref<262144x128xf32, #tpu.memory_space<hbm>> -> memref<128x128xf32, #tpu.memory_space<hbm>>
    tpu.enqueue_dma source(%arg6 : memref<128x128xf32, #tpu.memory_space<vmem>>) target(%dma_start3A_1105 : memref<128x128xf32, #tpu.memory_space<hbm>>) target_semaphore(%arg11 : memref<!tpu.dma_semaphore, #tpu.memory_space<semaphore_mem>>)
    %dma_wait3A_1106 = arith.constant 0 : i32
    %dma_wait3A_1107 = tpu.memref_slice %arg4[%add3A_1101, %dma_wait3A_1106] : memref<262144x128xf32, #tpu.memory_space<hbm>> -> memref<128x128xf32, #tpu.memory_space<hbm>>
    %dma_wait3A_1108 = arith.constant 0 : i32
    %dma_wait3A_1109 = tpu.memref_slice %arg4[%add3A_1101, %dma_wait3A_1108] : memref<262144x128xf32, #tpu.memory_space<hbm>> -> memref<128x128xf32, #tpu.memory_space<hbm>>
    tpu.wait_dma2 semaphore(%arg11 : memref<!tpu.dma_semaphore, #tpu.memory_space<semaphore_mem>>) src(%arg6 : memref<128x128xf32, #tpu.memory_space<vmem>>) dst(%dma_wait3A_1109 : memref<128x128xf32, #tpu.memory_space<hbm>>)
    %dma_start3A_1110 = arith.constant 7168 : i32
    %dma_start3A_1111 = tpu.memref_slice %arg5[%dma_start3A_1110] : memref<8192xi32, #tpu.memory_space<vmem>> -> memref<128xi32, #tpu.memory_space<vmem>>
    %dma_start3A_1112 = arith.constant 0 : i32
    %dma_start3A_1113 = arith.constant 0 : i32
    %dma_start3A_1114 = tpu.memref_slice %arg8[%dma_start3A_1112, %dma_start3A_1113] : memref<8192x128xf32, #tpu.memory_space<vmem_shared>> -> memref<8192x128xf32, #tpu.memory_space<vmem_shared>>
    tpu.enqueue_indirect_dma source(%dma_start3A_1114 : memref<8192x128xf32, #tpu.memory_space<vmem_shared>>) target(%arg6 : memref<128x128xf32, #tpu.memory_space<vmem>>) offsets(%dma_start3A_1111 : memref<128xi32, #tpu.memory_space<vmem>>) semaphore(%arg9 : memref<!tpu.dma_semaphore, #tpu.memory_space<semaphore_mem>>)
    %dma_wait3A_1115 = arith.constant 7040 : i32
    %dma_wait3A_1116 = tpu.memref_slice %arg5[%dma_wait3A_1115] : memref<8192xi32, #tpu.memory_space<vmem>> -> memref<128xi32, #tpu.memory_space<vmem>>
    %dma_wait3A_1117 = arith.constant 0 : i32
    %dma_wait3A_1118 = arith.constant 0 : i32
    %dma_wait3A_1119 = tpu.memref_slice %arg8[%dma_wait3A_1117, %dma_wait3A_1118] : memref<8192x128xf32, #tpu.memory_space<vmem_shared>> -> memref<8192x128xf32, #tpu.memory_space<vmem_shared>>
    tpu.wait_indirect_dma semaphore(%arg10 : memref<!tpu.dma_semaphore, #tpu.memory_space<semaphore_mem>>) src(%dma_wait3A_1119 : memref<8192x128xf32, #tpu.memory_space<vmem_shared>>) dst(%arg7 : memref<128x128xf32, #tpu.memory_space<vmem>>)
    %add3A_1120 = arith.constant 7040 : i32
    %add3A_1121 = arith.addi %mul3A_2, %add3A_1120 : i32
    %dma_start3A_1122 = arith.constant 0 : i32
    %dma_start3A_1123 = tpu.memref_slice %arg4[%add3A_1121, %dma_start3A_1122] : memref<262144x128xf32, #tpu.memory_space<hbm>> -> memref<128x128xf32, #tpu.memory_space<hbm>>
    %dma_start3A_1124 = arith.constant 0 : i32
    %dma_start3A_1125 = tpu.memref_slice %arg4[%add3A_1121, %dma_start3A_1124] : memref<262144x128xf32, #tpu.memory_space<hbm>> -> memref<128x128xf32, #tpu.memory_space<hbm>>
    tpu.enqueue_dma source(%arg7 : memref<128x128xf32, #tpu.memory_space<vmem>>) target(%dma_start3A_1125 : memref<128x128xf32, #tpu.memory_space<hbm>>) target_semaphore(%arg12 : memref<!tpu.dma_semaphore, #tpu.memory_space<semaphore_mem>>)
    %dma_wait3A_1126 = arith.constant 0 : i32
    %dma_wait3A_1127 = tpu.memref_slice %arg4[%add3A_1121, %dma_wait3A_1126] : memref<262144x128xf32, #tpu.memory_space<hbm>> -> memref<128x128xf32, #tpu.memory_space<hbm>>
    %dma_wait3A_1128 = arith.constant 0 : i32
    %dma_wait3A_1129 = tpu.memref_slice %arg4[%add3A_1121, %dma_wait3A_1128] : memref<262144x128xf32, #tpu.memory_space<hbm>> -> memref<128x128xf32, #tpu.memory_space<hbm>>
    tpu.wait_dma2 semaphore(%arg12 : memref<!tpu.dma_semaphore, #tpu.memory_space<semaphore_mem>>) src(%arg7 : memref<128x128xf32, #tpu.memory_space<vmem>>) dst(%dma_wait3A_1129 : memref<128x128xf32, #tpu.memory_space<hbm>>)
    %dma_start3A_1130 = arith.constant 7296 : i32
    %dma_start3A_1131 = tpu.memref_slice %arg5[%dma_start3A_1130] : memref<8192xi32, #tpu.memory_space<vmem>> -> memref<128xi32, #tpu.memory_space<vmem>>
    %dma_start3A_1132 = arith.constant 0 : i32
    %dma_start3A_1133 = arith.constant 0 : i32
    %dma_start3A_1134 = tpu.memref_slice %arg8[%dma_start3A_1132, %dma_start3A_1133] : memref<8192x128xf32, #tpu.memory_space<vmem_shared>> -> memref<8192x128xf32, #tpu.memory_space<vmem_shared>>
    tpu.enqueue_indirect_dma source(%dma_start3A_1134 : memref<8192x128xf32, #tpu.memory_space<vmem_shared>>) target(%arg7 : memref<128x128xf32, #tpu.memory_space<vmem>>) offsets(%dma_start3A_1131 : memref<128xi32, #tpu.memory_space<vmem>>) semaphore(%arg10 : memref<!tpu.dma_semaphore, #tpu.memory_space<semaphore_mem>>)
    %dma_wait3A_1135 = arith.constant 7168 : i32
    %dma_wait3A_1136 = tpu.memref_slice %arg5[%dma_wait3A_1135] : memref<8192xi32, #tpu.memory_space<vmem>> -> memref<128xi32, #tpu.memory_space<vmem>>
    %dma_wait3A_1137 = arith.constant 0 : i32
    %dma_wait3A_1138 = arith.constant 0 : i32
    %dma_wait3A_1139 = tpu.memref_slice %arg8[%dma_wait3A_1137, %dma_wait3A_1138] : memref<8192x128xf32, #tpu.memory_space<vmem_shared>> -> memref<8192x128xf32, #tpu.memory_space<vmem_shared>>
    tpu.wait_indirect_dma semaphore(%arg9 : memref<!tpu.dma_semaphore, #tpu.memory_space<semaphore_mem>>) src(%dma_wait3A_1139 : memref<8192x128xf32, #tpu.memory_space<vmem_shared>>) dst(%arg6 : memref<128x128xf32, #tpu.memory_space<vmem>>)
    %add3A_1140 = arith.constant 7168 : i32
    %add3A_1141 = arith.addi %mul3A_2, %add3A_1140 : i32
    %dma_start3A_1142 = arith.constant 0 : i32
    %dma_start3A_1143 = tpu.memref_slice %arg4[%add3A_1141, %dma_start3A_1142] : memref<262144x128xf32, #tpu.memory_space<hbm>> -> memref<128x128xf32, #tpu.memory_space<hbm>>
    %dma_start3A_1144 = arith.constant 0 : i32
    %dma_start3A_1145 = tpu.memref_slice %arg4[%add3A_1141, %dma_start3A_1144] : memref<262144x128xf32, #tpu.memory_space<hbm>> -> memref<128x128xf32, #tpu.memory_space<hbm>>
    tpu.enqueue_dma source(%arg6 : memref<128x128xf32, #tpu.memory_space<vmem>>) target(%dma_start3A_1145 : memref<128x128xf32, #tpu.memory_space<hbm>>) target_semaphore(%arg11 : memref<!tpu.dma_semaphore, #tpu.memory_space<semaphore_mem>>)
    %dma_wait3A_1146 = arith.constant 0 : i32
    %dma_wait3A_1147 = tpu.memref_slice %arg4[%add3A_1141, %dma_wait3A_1146] : memref<262144x128xf32, #tpu.memory_space<hbm>> -> memref<128x128xf32, #tpu.memory_space<hbm>>
    %dma_wait3A_1148 = arith.constant 0 : i32
    %dma_wait3A_1149 = tpu.memref_slice %arg4[%add3A_1141, %dma_wait3A_1148] : memref<262144x128xf32, #tpu.memory_space<hbm>> -> memref<128x128xf32, #tpu.memory_space<hbm>>
    tpu.wait_dma2 semaphore(%arg11 : memref<!tpu.dma_semaphore, #tpu.memory_space<semaphore_mem>>) src(%arg6 : memref<128x128xf32, #tpu.memory_space<vmem>>) dst(%dma_wait3A_1149 : memref<128x128xf32, #tpu.memory_space<hbm>>)
    %dma_start3A_1150 = arith.constant 7424 : i32
    %dma_start3A_1151 = tpu.memref_slice %arg5[%dma_start3A_1150] : memref<8192xi32, #tpu.memory_space<vmem>> -> memref<128xi32, #tpu.memory_space<vmem>>
    %dma_start3A_1152 = arith.constant 0 : i32
    %dma_start3A_1153 = arith.constant 0 : i32
    %dma_start3A_1154 = tpu.memref_slice %arg8[%dma_start3A_1152, %dma_start3A_1153] : memref<8192x128xf32, #tpu.memory_space<vmem_shared>> -> memref<8192x128xf32, #tpu.memory_space<vmem_shared>>
    tpu.enqueue_indirect_dma source(%dma_start3A_1154 : memref<8192x128xf32, #tpu.memory_space<vmem_shared>>) target(%arg6 : memref<128x128xf32, #tpu.memory_space<vmem>>) offsets(%dma_start3A_1151 : memref<128xi32, #tpu.memory_space<vmem>>) semaphore(%arg9 : memref<!tpu.dma_semaphore, #tpu.memory_space<semaphore_mem>>)
    %dma_wait3A_1155 = arith.constant 7296 : i32
    %dma_wait3A_1156 = tpu.memref_slice %arg5[%dma_wait3A_1155] : memref<8192xi32, #tpu.memory_space<vmem>> -> memref<128xi32, #tpu.memory_space<vmem>>
    %dma_wait3A_1157 = arith.constant 0 : i32
    %dma_wait3A_1158 = arith.constant 0 : i32
    %dma_wait3A_1159 = tpu.memref_slice %arg8[%dma_wait3A_1157, %dma_wait3A_1158] : memref<8192x128xf32, #tpu.memory_space<vmem_shared>> -> memref<8192x128xf32, #tpu.memory_space<vmem_shared>>
    tpu.wait_indirect_dma semaphore(%arg10 : memref<!tpu.dma_semaphore, #tpu.memory_space<semaphore_mem>>) src(%dma_wait3A_1159 : memref<8192x128xf32, #tpu.memory_space<vmem_shared>>) dst(%arg7 : memref<128x128xf32, #tpu.memory_space<vmem>>)
    %add3A_1160 = arith.constant 7296 : i32
    %add3A_1161 = arith.addi %mul3A_2, %add3A_1160 : i32
    %dma_start3A_1162 = arith.constant 0 : i32
    %dma_start3A_1163 = tpu.memref_slice %arg4[%add3A_1161, %dma_start3A_1162] : memref<262144x128xf32, #tpu.memory_space<hbm>> -> memref<128x128xf32, #tpu.memory_space<hbm>>
    %dma_start3A_1164 = arith.constant 0 : i32
    %dma_start3A_1165 = tpu.memref_slice %arg4[%add3A_1161, %dma_start3A_1164] : memref<262144x128xf32, #tpu.memory_space<hbm>> -> memref<128x128xf32, #tpu.memory_space<hbm>>
    tpu.enqueue_dma source(%arg7 : memref<128x128xf32, #tpu.memory_space<vmem>>) target(%dma_start3A_1165 : memref<128x128xf32, #tpu.memory_space<hbm>>) target_semaphore(%arg12 : memref<!tpu.dma_semaphore, #tpu.memory_space<semaphore_mem>>)
    %dma_wait3A_1166 = arith.constant 0 : i32
    %dma_wait3A_1167 = tpu.memref_slice %arg4[%add3A_1161, %dma_wait3A_1166] : memref<262144x128xf32, #tpu.memory_space<hbm>> -> memref<128x128xf32, #tpu.memory_space<hbm>>
    %dma_wait3A_1168 = arith.constant 0 : i32
    %dma_wait3A_1169 = tpu.memref_slice %arg4[%add3A_1161, %dma_wait3A_1168] : memref<262144x128xf32, #tpu.memory_space<hbm>> -> memref<128x128xf32, #tpu.memory_space<hbm>>
    tpu.wait_dma2 semaphore(%arg12 : memref<!tpu.dma_semaphore, #tpu.memory_space<semaphore_mem>>) src(%arg7 : memref<128x128xf32, #tpu.memory_space<vmem>>) dst(%dma_wait3A_1169 : memref<128x128xf32, #tpu.memory_space<hbm>>)
    %dma_start3A_1170 = arith.constant 7552 : i32
    %dma_start3A_1171 = tpu.memref_slice %arg5[%dma_start3A_1170] : memref<8192xi32, #tpu.memory_space<vmem>> -> memref<128xi32, #tpu.memory_space<vmem>>
    %dma_start3A_1172 = arith.constant 0 : i32
    %dma_start3A_1173 = arith.constant 0 : i32
    %dma_start3A_1174 = tpu.memref_slice %arg8[%dma_start3A_1172, %dma_start3A_1173] : memref<8192x128xf32, #tpu.memory_space<vmem_shared>> -> memref<8192x128xf32, #tpu.memory_space<vmem_shared>>
    tpu.enqueue_indirect_dma source(%dma_start3A_1174 : memref<8192x128xf32, #tpu.memory_space<vmem_shared>>) target(%arg7 : memref<128x128xf32, #tpu.memory_space<vmem>>) offsets(%dma_start3A_1171 : memref<128xi32, #tpu.memory_space<vmem>>) semaphore(%arg10 : memref<!tpu.dma_semaphore, #tpu.memory_space<semaphore_mem>>)
    %dma_wait3A_1175 = arith.constant 7424 : i32
    %dma_wait3A_1176 = tpu.memref_slice %arg5[%dma_wait3A_1175] : memref<8192xi32, #tpu.memory_space<vmem>> -> memref<128xi32, #tpu.memory_space<vmem>>
    %dma_wait3A_1177 = arith.constant 0 : i32
    %dma_wait3A_1178 = arith.constant 0 : i32
    %dma_wait3A_1179 = tpu.memref_slice %arg8[%dma_wait3A_1177, %dma_wait3A_1178] : memref<8192x128xf32, #tpu.memory_space<vmem_shared>> -> memref<8192x128xf32, #tpu.memory_space<vmem_shared>>
    tpu.wait_indirect_dma semaphore(%arg9 : memref<!tpu.dma_semaphore, #tpu.memory_space<semaphore_mem>>) src(%dma_wait3A_1179 : memref<8192x128xf32, #tpu.memory_space<vmem_shared>>) dst(%arg6 : memref<128x128xf32, #tpu.memory_space<vmem>>)
    %add3A_1180 = arith.constant 7424 : i32
    %add3A_1181 = arith.addi %mul3A_2, %add3A_1180 : i32
    %dma_start3A_1182 = arith.constant 0 : i32
    %dma_start3A_1183 = tpu.memref_slice %arg4[%add3A_1181, %dma_start3A_1182] : memref<262144x128xf32, #tpu.memory_space<hbm>> -> memref<128x128xf32, #tpu.memory_space<hbm>>
    %dma_start3A_1184 = arith.constant 0 : i32
    %dma_start3A_1185 = tpu.memref_slice %arg4[%add3A_1181, %dma_start3A_1184] : memref<262144x128xf32, #tpu.memory_space<hbm>> -> memref<128x128xf32, #tpu.memory_space<hbm>>
    tpu.enqueue_dma source(%arg6 : memref<128x128xf32, #tpu.memory_space<vmem>>) target(%dma_start3A_1185 : memref<128x128xf32, #tpu.memory_space<hbm>>) target_semaphore(%arg11 : memref<!tpu.dma_semaphore, #tpu.memory_space<semaphore_mem>>)
    %dma_wait3A_1186 = arith.constant 0 : i32
    %dma_wait3A_1187 = tpu.memref_slice %arg4[%add3A_1181, %dma_wait3A_1186] : memref<262144x128xf32, #tpu.memory_space<hbm>> -> memref<128x128xf32, #tpu.memory_space<hbm>>
    %dma_wait3A_1188 = arith.constant 0 : i32
    %dma_wait3A_1189 = tpu.memref_slice %arg4[%add3A_1181, %dma_wait3A_1188] : memref<262144x128xf32, #tpu.memory_space<hbm>> -> memref<128x128xf32, #tpu.memory_space<hbm>>
    tpu.wait_dma2 semaphore(%arg11 : memref<!tpu.dma_semaphore, #tpu.memory_space<semaphore_mem>>) src(%arg6 : memref<128x128xf32, #tpu.memory_space<vmem>>) dst(%dma_wait3A_1189 : memref<128x128xf32, #tpu.memory_space<hbm>>)
    %dma_start3A_1190 = arith.constant 7680 : i32
    %dma_start3A_1191 = tpu.memref_slice %arg5[%dma_start3A_1190] : memref<8192xi32, #tpu.memory_space<vmem>> -> memref<128xi32, #tpu.memory_space<vmem>>
    %dma_start3A_1192 = arith.constant 0 : i32
    %dma_start3A_1193 = arith.constant 0 : i32
    %dma_start3A_1194 = tpu.memref_slice %arg8[%dma_start3A_1192, %dma_start3A_1193] : memref<8192x128xf32, #tpu.memory_space<vmem_shared>> -> memref<8192x128xf32, #tpu.memory_space<vmem_shared>>
    tpu.enqueue_indirect_dma source(%dma_start3A_1194 : memref<8192x128xf32, #tpu.memory_space<vmem_shared>>) target(%arg6 : memref<128x128xf32, #tpu.memory_space<vmem>>) offsets(%dma_start3A_1191 : memref<128xi32, #tpu.memory_space<vmem>>) semaphore(%arg9 : memref<!tpu.dma_semaphore, #tpu.memory_space<semaphore_mem>>)
    %dma_wait3A_1195 = arith.constant 7552 : i32
    %dma_wait3A_1196 = tpu.memref_slice %arg5[%dma_wait3A_1195] : memref<8192xi32, #tpu.memory_space<vmem>> -> memref<128xi32, #tpu.memory_space<vmem>>
    %dma_wait3A_1197 = arith.constant 0 : i32
    %dma_wait3A_1198 = arith.constant 0 : i32
    %dma_wait3A_1199 = tpu.memref_slice %arg8[%dma_wait3A_1197, %dma_wait3A_1198] : memref<8192x128xf32, #tpu.memory_space<vmem_shared>> -> memref<8192x128xf32, #tpu.memory_space<vmem_shared>>
    tpu.wait_indirect_dma semaphore(%arg10 : memref<!tpu.dma_semaphore, #tpu.memory_space<semaphore_mem>>) src(%dma_wait3A_1199 : memref<8192x128xf32, #tpu.memory_space<vmem_shared>>) dst(%arg7 : memref<128x128xf32, #tpu.memory_space<vmem>>)
    %add3A_1200 = arith.constant 7552 : i32
    %add3A_1201 = arith.addi %mul3A_2, %add3A_1200 : i32
    %dma_start3A_1202 = arith.constant 0 : i32
    %dma_start3A_1203 = tpu.memref_slice %arg4[%add3A_1201, %dma_start3A_1202] : memref<262144x128xf32, #tpu.memory_space<hbm>> -> memref<128x128xf32, #tpu.memory_space<hbm>>
    %dma_start3A_1204 = arith.constant 0 : i32
    %dma_start3A_1205 = tpu.memref_slice %arg4[%add3A_1201, %dma_start3A_1204] : memref<262144x128xf32, #tpu.memory_space<hbm>> -> memref<128x128xf32, #tpu.memory_space<hbm>>
    tpu.enqueue_dma source(%arg7 : memref<128x128xf32, #tpu.memory_space<vmem>>) target(%dma_start3A_1205 : memref<128x128xf32, #tpu.memory_space<hbm>>) target_semaphore(%arg12 : memref<!tpu.dma_semaphore, #tpu.memory_space<semaphore_mem>>)
    %dma_wait3A_1206 = arith.constant 0 : i32
    %dma_wait3A_1207 = tpu.memref_slice %arg4[%add3A_1201, %dma_wait3A_1206] : memref<262144x128xf32, #tpu.memory_space<hbm>> -> memref<128x128xf32, #tpu.memory_space<hbm>>
    %dma_wait3A_1208 = arith.constant 0 : i32
    %dma_wait3A_1209 = tpu.memref_slice %arg4[%add3A_1201, %dma_wait3A_1208] : memref<262144x128xf32, #tpu.memory_space<hbm>> -> memref<128x128xf32, #tpu.memory_space<hbm>>
    tpu.wait_dma2 semaphore(%arg12 : memref<!tpu.dma_semaphore, #tpu.memory_space<semaphore_mem>>) src(%arg7 : memref<128x128xf32, #tpu.memory_space<vmem>>) dst(%dma_wait3A_1209 : memref<128x128xf32, #tpu.memory_space<hbm>>)
    %dma_start3A_1210 = arith.constant 7808 : i32
    %dma_start3A_1211 = tpu.memref_slice %arg5[%dma_start3A_1210] : memref<8192xi32, #tpu.memory_space<vmem>> -> memref<128xi32, #tpu.memory_space<vmem>>
    %dma_start3A_1212 = arith.constant 0 : i32
    %dma_start3A_1213 = arith.constant 0 : i32
    %dma_start3A_1214 = tpu.memref_slice %arg8[%dma_start3A_1212, %dma_start3A_1213] : memref<8192x128xf32, #tpu.memory_space<vmem_shared>> -> memref<8192x128xf32, #tpu.memory_space<vmem_shared>>
    tpu.enqueue_indirect_dma source(%dma_start3A_1214 : memref<8192x128xf32, #tpu.memory_space<vmem_shared>>) target(%arg7 : memref<128x128xf32, #tpu.memory_space<vmem>>) offsets(%dma_start3A_1211 : memref<128xi32, #tpu.memory_space<vmem>>) semaphore(%arg10 : memref<!tpu.dma_semaphore, #tpu.memory_space<semaphore_mem>>)
    %dma_wait3A_1215 = arith.constant 7680 : i32
    %dma_wait3A_1216 = tpu.memref_slice %arg5[%dma_wait3A_1215] : memref<8192xi32, #tpu.memory_space<vmem>> -> memref<128xi32, #tpu.memory_space<vmem>>
    %dma_wait3A_1217 = arith.constant 0 : i32
    %dma_wait3A_1218 = arith.constant 0 : i32
    %dma_wait3A_1219 = tpu.memref_slice %arg8[%dma_wait3A_1217, %dma_wait3A_1218] : memref<8192x128xf32, #tpu.memory_space<vmem_shared>> -> memref<8192x128xf32, #tpu.memory_space<vmem_shared>>
    tpu.wait_indirect_dma semaphore(%arg9 : memref<!tpu.dma_semaphore, #tpu.memory_space<semaphore_mem>>) src(%dma_wait3A_1219 : memref<8192x128xf32, #tpu.memory_space<vmem_shared>>) dst(%arg6 : memref<128x128xf32, #tpu.memory_space<vmem>>)
    %add3A_1220 = arith.constant 7680 : i32
    %add3A_1221 = arith.addi %mul3A_2, %add3A_1220 : i32
    %dma_start3A_1222 = arith.constant 0 : i32
    %dma_start3A_1223 = tpu.memref_slice %arg4[%add3A_1221, %dma_start3A_1222] : memref<262144x128xf32, #tpu.memory_space<hbm>> -> memref<128x128xf32, #tpu.memory_space<hbm>>
    %dma_start3A_1224 = arith.constant 0 : i32
    %dma_start3A_1225 = tpu.memref_slice %arg4[%add3A_1221, %dma_start3A_1224] : memref<262144x128xf32, #tpu.memory_space<hbm>> -> memref<128x128xf32, #tpu.memory_space<hbm>>
    tpu.enqueue_dma source(%arg6 : memref<128x128xf32, #tpu.memory_space<vmem>>) target(%dma_start3A_1225 : memref<128x128xf32, #tpu.memory_space<hbm>>) target_semaphore(%arg11 : memref<!tpu.dma_semaphore, #tpu.memory_space<semaphore_mem>>)
    %dma_wait3A_1226 = arith.constant 0 : i32
    %dma_wait3A_1227 = tpu.memref_slice %arg4[%add3A_1221, %dma_wait3A_1226] : memref<262144x128xf32, #tpu.memory_space<hbm>> -> memref<128x128xf32, #tpu.memory_space<hbm>>
    %dma_wait3A_1228 = arith.constant 0 : i32
    %dma_wait3A_1229 = tpu.memref_slice %arg4[%add3A_1221, %dma_wait3A_1228] : memref<262144x128xf32, #tpu.memory_space<hbm>> -> memref<128x128xf32, #tpu.memory_space<hbm>>
    tpu.wait_dma2 semaphore(%arg11 : memref<!tpu.dma_semaphore, #tpu.memory_space<semaphore_mem>>) src(%arg6 : memref<128x128xf32, #tpu.memory_space<vmem>>) dst(%dma_wait3A_1229 : memref<128x128xf32, #tpu.memory_space<hbm>>)
    %dma_start3A_1230 = arith.constant 7936 : i32
    %dma_start3A_1231 = tpu.memref_slice %arg5[%dma_start3A_1230] : memref<8192xi32, #tpu.memory_space<vmem>> -> memref<128xi32, #tpu.memory_space<vmem>>
    %dma_start3A_1232 = arith.constant 0 : i32
    %dma_start3A_1233 = arith.constant 0 : i32
    %dma_start3A_1234 = tpu.memref_slice %arg8[%dma_start3A_1232, %dma_start3A_1233] : memref<8192x128xf32, #tpu.memory_space<vmem_shared>> -> memref<8192x128xf32, #tpu.memory_space<vmem_shared>>
    tpu.enqueue_indirect_dma source(%dma_start3A_1234 : memref<8192x128xf32, #tpu.memory_space<vmem_shared>>) target(%arg6 : memref<128x128xf32, #tpu.memory_space<vmem>>) offsets(%dma_start3A_1231 : memref<128xi32, #tpu.memory_space<vmem>>) semaphore(%arg9 : memref<!tpu.dma_semaphore, #tpu.memory_space<semaphore_mem>>)
    %dma_wait3A_1235 = arith.constant 7808 : i32
    %dma_wait3A_1236 = tpu.memref_slice %arg5[%dma_wait3A_1235] : memref<8192xi32, #tpu.memory_space<vmem>> -> memref<128xi32, #tpu.memory_space<vmem>>
    %dma_wait3A_1237 = arith.constant 0 : i32
    %dma_wait3A_1238 = arith.constant 0 : i32
    %dma_wait3A_1239 = tpu.memref_slice %arg8[%dma_wait3A_1237, %dma_wait3A_1238] : memref<8192x128xf32, #tpu.memory_space<vmem_shared>> -> memref<8192x128xf32, #tpu.memory_space<vmem_shared>>
    tpu.wait_indirect_dma semaphore(%arg10 : memref<!tpu.dma_semaphore, #tpu.memory_space<semaphore_mem>>) src(%dma_wait3A_1239 : memref<8192x128xf32, #tpu.memory_space<vmem_shared>>) dst(%arg7 : memref<128x128xf32, #tpu.memory_space<vmem>>)
    %add3A_1240 = arith.constant 7808 : i32
    %add3A_1241 = arith.addi %mul3A_2, %add3A_1240 : i32
    %dma_start3A_1242 = arith.constant 0 : i32
    %dma_start3A_1243 = tpu.memref_slice %arg4[%add3A_1241, %dma_start3A_1242] : memref<262144x128xf32, #tpu.memory_space<hbm>> -> memref<128x128xf32, #tpu.memory_space<hbm>>
    %dma_start3A_1244 = arith.constant 0 : i32
    %dma_start3A_1245 = tpu.memref_slice %arg4[%add3A_1241, %dma_start3A_1244] : memref<262144x128xf32, #tpu.memory_space<hbm>> -> memref<128x128xf32, #tpu.memory_space<hbm>>
    tpu.enqueue_dma source(%arg7 : memref<128x128xf32, #tpu.memory_space<vmem>>) target(%dma_start3A_1245 : memref<128x128xf32, #tpu.memory_space<hbm>>) target_semaphore(%arg12 : memref<!tpu.dma_semaphore, #tpu.memory_space<semaphore_mem>>)
    %dma_wait3A_1246 = arith.constant 0 : i32
    %dma_wait3A_1247 = tpu.memref_slice %arg4[%add3A_1241, %dma_wait3A_1246] : memref<262144x128xf32, #tpu.memory_space<hbm>> -> memref<128x128xf32, #tpu.memory_space<hbm>>
    %dma_wait3A_1248 = arith.constant 0 : i32
    %dma_wait3A_1249 = tpu.memref_slice %arg4[%add3A_1241, %dma_wait3A_1248] : memref<262144x128xf32, #tpu.memory_space<hbm>> -> memref<128x128xf32, #tpu.memory_space<hbm>>
    tpu.wait_dma2 semaphore(%arg12 : memref<!tpu.dma_semaphore, #tpu.memory_space<semaphore_mem>>) src(%arg7 : memref<128x128xf32, #tpu.memory_space<vmem>>) dst(%dma_wait3A_1249 : memref<128x128xf32, #tpu.memory_space<hbm>>)
    %dma_start3A_1250 = arith.constant 8064 : i32
    %dma_start3A_1251 = tpu.memref_slice %arg5[%dma_start3A_1250] : memref<8192xi32, #tpu.memory_space<vmem>> -> memref<128xi32, #tpu.memory_space<vmem>>
    %dma_start3A_1252 = arith.constant 0 : i32
    %dma_start3A_1253 = arith.constant 0 : i32
    %dma_start3A_1254 = tpu.memref_slice %arg8[%dma_start3A_1252, %dma_start3A_1253] : memref<8192x128xf32, #tpu.memory_space<vmem_shared>> -> memref<8192x128xf32, #tpu.memory_space<vmem_shared>>
    tpu.enqueue_indirect_dma source(%dma_start3A_1254 : memref<8192x128xf32, #tpu.memory_space<vmem_shared>>) target(%arg7 : memref<128x128xf32, #tpu.memory_space<vmem>>) offsets(%dma_start3A_1251 : memref<128xi32, #tpu.memory_space<vmem>>) semaphore(%arg10 : memref<!tpu.dma_semaphore, #tpu.memory_space<semaphore_mem>>)
    %dma_wait3A_1255 = arith.constant 7936 : i32
    %dma_wait3A_1256 = tpu.memref_slice %arg5[%dma_wait3A_1255] : memref<8192xi32, #tpu.memory_space<vmem>> -> memref<128xi32, #tpu.memory_space<vmem>>
    %dma_wait3A_1257 = arith.constant 0 : i32
    %dma_wait3A_1258 = arith.constant 0 : i32
    %dma_wait3A_1259 = tpu.memref_slice %arg8[%dma_wait3A_1257, %dma_wait3A_1258] : memref<8192x128xf32, #tpu.memory_space<vmem_shared>> -> memref<8192x128xf32, #tpu.memory_space<vmem_shared>>
    tpu.wait_indirect_dma semaphore(%arg9 : memref<!tpu.dma_semaphore, #tpu.memory_space<semaphore_mem>>) src(%dma_wait3A_1259 : memref<8192x128xf32, #tpu.memory_space<vmem_shared>>) dst(%arg6 : memref<128x128xf32, #tpu.memory_space<vmem>>)
    %add3A_1260 = arith.constant 7936 : i32
    %add3A_1261 = arith.addi %mul3A_2, %add3A_1260 : i32
    %dma_start3A_1262 = arith.constant 0 : i32
    %dma_start3A_1263 = tpu.memref_slice %arg4[%add3A_1261, %dma_start3A_1262] : memref<262144x128xf32, #tpu.memory_space<hbm>> -> memref<128x128xf32, #tpu.memory_space<hbm>>
    %dma_start3A_1264 = arith.constant 0 : i32
    %dma_start3A_1265 = tpu.memref_slice %arg4[%add3A_1261, %dma_start3A_1264] : memref<262144x128xf32, #tpu.memory_space<hbm>> -> memref<128x128xf32, #tpu.memory_space<hbm>>
    tpu.enqueue_dma source(%arg6 : memref<128x128xf32, #tpu.memory_space<vmem>>) target(%dma_start3A_1265 : memref<128x128xf32, #tpu.memory_space<hbm>>) target_semaphore(%arg11 : memref<!tpu.dma_semaphore, #tpu.memory_space<semaphore_mem>>)
    %dma_wait3A_1266 = arith.constant 8064 : i32
    %dma_wait3A_1267 = tpu.memref_slice %arg5[%dma_wait3A_1266] : memref<8192xi32, #tpu.memory_space<vmem>> -> memref<128xi32, #tpu.memory_space<vmem>>
    %dma_wait3A_1268 = arith.constant 0 : i32
    %dma_wait3A_1269 = arith.constant 0 : i32
    %dma_wait3A_1270 = tpu.memref_slice %arg8[%dma_wait3A_1268, %dma_wait3A_1269] : memref<8192x128xf32, #tpu.memory_space<vmem_shared>> -> memref<8192x128xf32, #tpu.memory_space<vmem_shared>>
    tpu.wait_indirect_dma semaphore(%arg10 : memref<!tpu.dma_semaphore, #tpu.memory_space<semaphore_mem>>) src(%dma_wait3A_1270 : memref<8192x128xf32, #tpu.memory_space<vmem_shared>>) dst(%arg7 : memref<128x128xf32, #tpu.memory_space<vmem>>)
    %add3A_1271 = arith.constant 8064 : i32
    %add3A_1272 = arith.addi %mul3A_2, %add3A_1271 : i32
    %dma_start3A_1273 = arith.constant 0 : i32
    %dma_start3A_1274 = tpu.memref_slice %arg4[%add3A_1272, %dma_start3A_1273] : memref<262144x128xf32, #tpu.memory_space<hbm>> -> memref<128x128xf32, #tpu.memory_space<hbm>>
    %dma_start3A_1275 = arith.constant 0 : i32
    %dma_start3A_1276 = tpu.memref_slice %arg4[%add3A_1272, %dma_start3A_1275] : memref<262144x128xf32, #tpu.memory_space<hbm>> -> memref<128x128xf32, #tpu.memory_space<hbm>>
    tpu.enqueue_dma source(%arg7 : memref<128x128xf32, #tpu.memory_space<vmem>>) target(%dma_start3A_1276 : memref<128x128xf32, #tpu.memory_space<hbm>>) target_semaphore(%arg12 : memref<!tpu.dma_semaphore, #tpu.memory_space<semaphore_mem>>)
    %dma_wait3A_1277 = arith.constant 0 : i32
    %dma_wait3A_1278 = tpu.memref_slice %arg4[%add3A_1261, %dma_wait3A_1277] : memref<262144x128xf32, #tpu.memory_space<hbm>> -> memref<128x128xf32, #tpu.memory_space<hbm>>
    %dma_wait3A_1279 = arith.constant 0 : i32
    %dma_wait3A_1280 = tpu.memref_slice %arg4[%add3A_1261, %dma_wait3A_1279] : memref<262144x128xf32, #tpu.memory_space<hbm>> -> memref<128x128xf32, #tpu.memory_space<hbm>>
    tpu.wait_dma2 semaphore(%arg11 : memref<!tpu.dma_semaphore, #tpu.memory_space<semaphore_mem>>) src(%arg6 : memref<128x128xf32, #tpu.memory_space<vmem>>) dst(%dma_wait3A_1280 : memref<128x128xf32, #tpu.memory_space<hbm>>)
    %dma_wait3A_1281 = arith.constant 0 : i32
    %dma_wait3A_1282 = tpu.memref_slice %arg4[%add3A_1272, %dma_wait3A_1281] : memref<262144x128xf32, #tpu.memory_space<hbm>> -> memref<128x128xf32, #tpu.memory_space<hbm>>
    %dma_wait3A_1283 = arith.constant 0 : i32
    %dma_wait3A_1284 = tpu.memref_slice %arg4[%add3A_1272, %dma_wait3A_1283] : memref<262144x128xf32, #tpu.memory_space<hbm>> -> memref<128x128xf32, #tpu.memory_space<hbm>>
    tpu.wait_dma2 semaphore(%arg12 : memref<!tpu.dma_semaphore, #tpu.memory_space<semaphore_mem>>) src(%arg7 : memref<128x128xf32, #tpu.memory_space<vmem>>) dst(%dma_wait3A_1284 : memref<128x128xf32, #tpu.memory_space<hbm>>)
    return
  }
}

</mosaic_0001>

<sc_bundles>
// kernel: kernel.3.cloned.1.call-start
scs
__scs_entry_jumppad:
0x0: {  	(pc) =	sbr.rel $0x88, $3  }
0x1: {  	(tag) =	ssettag $0x0;
	lr =	simm.s32 $0x1  }
0x2: {  	[smem:$0x3F9F] =	sst lr;
	_ =	strace $0xD0000000  }
0x3: {  	_ = 	snop  }
0x4: {  	_ = 	snop  }
0x5: {  	_ = 	snop  }
0x6: {  	_ = 	snop  }
0x7: {  	_ = 	snop  }
__scs_overlays_trampoline_lowered:
0x8: {  	[smem:$0x3FAE] =	sst s0  }
0x9: {  	[smem:$0x3FAF] =	sst s1  }
0xa: {  	[smem:$0x3FB0] =	sst s2  }
0xb: {  	[smem:$0x3FB1] =	sst s3  }
0xc: {  	[smem:$0x3FB2] =	sst s4  }
0xd: {  	[smem:$0x3FB3] =	sst s5  }
0xe: {  	[smem:$0x3FB4] =	sst s6  }
0xf: {  	[smem:$0x3FB5] =	sst s7  }
0x10: {  	[smem:$0x3FB6] =	sst s8  }
0x11: {  	[smem:$0x3FB7] =	sst s9;
	s0 =	simm.s32 @!p0 $0x0  }
0x12: {  	s1 =	sld [smem:$0x3F9D];
	s0 =	simm.s32 @p0 $0x1  }
0x13: {  	[smem:$0x3FB8] =	sst s0;
	s0 =	simm.s32 @!p1 $0x0  }
0x14: {  	s2 =	sld [smem:$0x3F9C];
	s0 =	simm.s32 @p1 $0x1  }
0x15: {  	[smem:$0x3FB9] =	sst s0;
	s0 =	simm.s32 @!p2 $0x0  }
0x16: {  	s3 =	sld [smem:$0x3FDB];
	s0 =	simm.s32 @p2 $0x1  }
0x17: {  	s4 =	simm.s32 $0x1BF5;
	[smem:$0x3FBB] =	sst s0  }
0x18: {  	s0 =	sld [smem:$0x3F9E];
	_ =	swait.ge [sflag:s4], $0x0  }
0x19: {  	s7 =	sld [smem:$0x3F9F]  }
0x1a: {  	s8 =	sadd.s32 $0xFFFFE003, lr  }
0x1b: {  	s9 =	sadd.s32 $0xFFFFFEF7, lr;
	s5 =	simm.s32 $0xFFFFFFFF;
	p2 =	slt.u32 s8, $0xFFFFF086  }
0x1c: {  	p1 =	slt.u32 s9, $0xF7A;
	s5 =	simm.s32 @!p2 $0x0  }
0x1d: {  	s5 =	simm.s32 @p1 $0x1;
	p0 =	seq.s32 s7, s2  }
0x1e: {  	s7 =	smul.u32 @!p0 $0xF7A, s2;
	p2 =	seq.s32 @!p0 s5, $0x0  }
0x1f: {  	s9 =	smul.u32 $0xF7A, s1;
	s8 =	simm.s32 @!p0 $0x1BF5;
	p2 =	por !p2, p0  }
0x20: {  	[sflag:s8] =	ssyncset.s32 @!p0 $0xFFFFF086;
	s6 =	sadd.s32 @!p0 s3, s7;
	s7 =	simm.s32 @!p0 $0x108  }
0x21: {  	s3 =	sadd.s32 s3, s9;
	s6 =	sadd.s32 @!p0 $0x88, s6;
	s7 =	simm.s32 @p2 $0x1082  }
0x22: {  	[simem:s7], [sflag:s8] =	dma.local @!p0 [hbm:s6], $0xF7A  }
0x23: {  	s9 =	sor.u32 $0xD0000000, s2;
	s6 =	simm.s32 $0x108;
	_ =	swait.ge @!p0 [sflag:s8], $0x0  }
0x24: {  	s3 =	sadd.s32 $0x88, s3;
	s6 =	simm.s32 @!p1 $0x1082;
	[sflag:s4] =	ssyncset.s32 $0xFFFFF086  }
0x25: {  	[simem:s6], [sflag:s4] =	dma.local [hbm:s3], $0xF7A  }
0x26: {  	[smem:$0x3F9F] =	sst s1;
	(tag) =	ssettag s2;
	_ =	strace s9  }
0x27: {  	s1 =	sld [smem:$0x3FAF]  }
0x28: {  	s2 =	sld [smem:$0x3FB0]  }
0x29: {  	s4 =	sld [smem:$0x3FB2]  }
0x2a: {  	p0 =	seq.s32 s5, $0x0;
	s5 =	sld [smem:$0x3FB3]  }
0x2b: {  	s6 =	sld [smem:$0x3FB4]  }
0x2c: {  	s7 =	sld [smem:$0x3FB5]  }
0x2d: {  	s3 =	simm.s32 $0x108;
	s8 =	sld [smem:$0x3FB6]  }
0x2e: {  	s3 =	simm.s32 @!p0 $0x1082;
	s9 =	sld [smem:$0x3FB7]  }
0x2f: {  	lr =	sadd.s32 s0, s3;
	s0 =	sld [smem:$0x3FAE]  }
0x30: {  	s3 =	sld [smem:$0x3FB1]  }
0x31: {  	[smem:$0x3FBA] =	sst s10  }
0x32: {  	s10 =	sld [smem:$0x3FB8];
	_ =	sdelay $0x3  }
0x33: {  	p0 =	seq.s32 s10, $0x1;
	s10 =	sld [smem:$0x3FBA];
	_ =	sdelay $0x3  }
0x34: {  	[smem:$0x3FBA] =	sst s10  }
0x35: {  	s10 =	sld [smem:$0x3FB9];
	_ =	sdelay $0x3  }
0x36: {  	p1 =	seq.s32 s10, $0x1;
	s10 =	sld [smem:$0x3FBA];
	_ =	sdelay $0x3  }
0x37: {  	[smem:$0x3FBA] =	sst s10  }
0x38: {  	s10 =	sld [smem:$0x3FBB]  }
0x39: {  	_ = 	snop;
	(pc) =	sbr.ind lr, $3  }
0x3a: {  	_ = 	snop  }
0x3b: {  	_ = 	snop  }
0x3c: {  	p2 =	seq.s32 s10, $0x1;
	s10 =	sld [smem:$0x3FBA]  }
0x3d: {  	_ =	shalt  }
0x3e: {  	_ =	shalt  }
0x3f: {  	_ =	shalt  }
0x40: {  	_ =	shalt  }
0x41: {  	_ =	shalt  }
0x42: {  	_ =	shalt  }
0x43: {  	_ =	shalt  }
0x44: {  	_ =	shalt  }
0x45: {  	_ =	shalt  }
0x46: {  	_ =	shalt  }
0x47: {  	_ =	shalt  }
0x48: {  	_ =	shalt  }
0x49: {  	_ =	shalt  }
0x4a: {  	_ =	shalt  }
0x4b: {  	_ =	shalt  }
0x4c: {  	_ =	shalt  }
0x4d: {  	_ =	shalt  }
0x4e: {  	_ =	shalt  }
0x4f: {  	_ =	shalt  }
0x50: {  	_ =	shalt  }
0x51: {  	_ =	shalt  }
0x52: {  	_ =	shalt  }
0x53: {  	_ =	shalt  }
0x54: {  	_ =	shalt  }
0x55: {  	_ =	shalt  }
0x56: {  	_ =	shalt  }
0x57: {  	_ =	shalt  }
0x58: {  	_ =	shalt  }
0x59: {  	_ =	shalt  }
0x5a: {  	_ =	shalt  }
0x5b: {  	_ =	shalt  }
0x5c: {  	_ =	shalt  }
0x5d: {  	_ =	shalt  }
0x5e: {  	_ =	shalt  }
0x5f: {  	_ =	shalt  }
0x60: {  	_ =	shalt  }
0x61: {  	_ =	shalt  }
0x62: {  	_ =	shalt  }
0x63: {  	_ =	shalt  }
0x64: {  	_ =	shalt  }
0x65: {  	_ =	shalt  }
0x66: {  	_ =	shalt  }
0x67: {  	_ =	shalt  }
0x68: {  	_ =	shalt  }
0x69: {  	_ =	shalt  }
0x6a: {  	_ =	shalt  }
0x6b: {  	_ =	shalt  }
0x6c: {  	_ =	shalt  }
0x6d: {  	_ =	shalt  }
0x6e: {  	_ =	shalt  }
0x6f: {  	_ =	shalt  }
0x70: {  	_ =	shalt  }
0x71: {  	_ =	shalt  }
0x72: {  	_ =	shalt  }
0x73: {  	_ =	shalt  }
0x74: {  	_ =	shalt  }
0x75: {  	_ =	shalt  }
0x76: {  	_ =	shalt  }
0x77: {  	_ =	shalt  }
0x78: {  	_ =	shalt  }
0x79: {  	_ =	shalt  }
0x7a: {  	_ =	shalt  }
0x7b: {  	_ =	shalt  }
0x7c: {  	_ =	shalt  }
0x7d: {  	_ =	shalt  }
0x7e: {  	_ =	shalt  }
0x7f: {  	_ =	shalt  }
0x80: {  	_ =	shalt  }
0x81: {  	_ =	shalt  }
0x82: {  	_ =	shalt  }
0x83: {  	_ =	shalt  }
0x84: {  	_ =	shalt  }
0x85: {  	_ =	shalt  }
0x86: {  	_ =	shalt  }
0x87: {  	_ =	shalt  }
.Lfunc_end0:
.L_simem_size_0:
called_computation.1_lowered:
.L_overlay_start_0:
0x88: {  	s2 =	sld [smem:$0x3FD9]  }
0x89: {  	s3 =	sld [smem:$0x3FFE];
	_ =	sdelay $0x1  }
0x8a: {  	s1 =	srdreg.scid  }
0x8b: {  	s0 =	sand.u32 $0x1, s1  }
0x8c: {  	s17 =	sshll.u32 s0, $0xA;
	s2 =	sadd.s32 s3, s2  }
0x8d: {  	s2 =	sadd.s32 s2, s17  }
0x8e: {  	[smem:$0x3FC6] =	sst s2  }
0x8f: {  	_ = 	snop  }
0x90: {  	s2 =	sld [smem:$0x3FD0];
	(tm) =	ssettm $0x1  }
0x91: {  	s18 =	sld [smem:$0x3FFB];
	_ =	sdelay $0x3  }
0x92: {  	_ =	strace s18  }
0x93: {  	s3 =	sld [smem:$0x3FFC];
	_ =	sdelay $0x3  }
0x94: {  	_ =	strace s3  }
0x95: {  	s3 =	sld [smem:$0x3FFD];
	_ =	sdelay $0x3  }
0x96: {  	_ =	strace s3  }
0x97: {  	_ =	strace $0x8FFFFFFF  }
0x98: {  	s19 =	sld [smem:$0x3FDB];
	_ =	sdelay $0x1  }
0x99: {  	s4 =	simm.s32 $_scs_section_size  }
0x9a: {  	s5 =	simm.s32 $_size__tile_overlayer_lowered;
	s6 =	simm.s32 $_tile_overlayer_lowered  }
0x9b: {  	s22 =	simm.s32 $0x1BFF;
	s21 =	sshll.u32 s6, $0x1;
	s3 =	sadd.s32 s4, s19  }
0x9c: {  	s7 =	simm.s32 $0x0;
	s20 =	sshll.u32 s5, $0x1;
	s5 =	sadd.s32 s21, s3  }
0x9d: {  	[timem:s7], [sflag:s22] =	dma.local [hbm:s5], s20  }
0x9e: {  	_ =	swait.ge [sflag:s22], s20  }
0x9f: {  	s4 =	ssub.s32 $0x0, s20;
	[sflag:s22] =	ssyncset.done $0x0  }
0xa0: {  	[sflag:s22] =	ssyncadd.s32 s4;
	_ =	sdelay $0x1  }
0xa1: {  	s23 =	simm.s32 $0x1B8B  }
0xa2: {  	_ =	swait.ge [sflag:s23], $0x1  }
0xa3: {  	[sflag:s23] =	ssyncset.done $0x0  }
0xa4: {  	s25 =	simm.s32 $0x1B8E;
	s24 =	sld [smem:$0x3FFE];
	[sflag:s23] =	ssyncadd.s32 $0xFFFFFFFF  }
0xa5: {  	s26 =	simm.s32 $execute0_lowered;
	[smem:$0x3FD2] =	sst s25  }
0xa6: {  	s5 =	sshll.u32 s26, $0x1;
	_ =	strace $0x80000046;
	[dreg:$0x1] =	wrdreg $0xFFFFFFFF  }
0xa7: {  	s28 =	simm.s32 $_size_execute0_lowered;
	s3 =	sadd.s32 s3, s5;
	[dreg:$0x0] =	wrdreg $0x0  }
0xa8: {  	s5 =	sshll.u32 s28, $0x1;
	[dreg:$0x2] =	wrdreg s3  }
0xa9: {  	[dreg:$0x3] =	wrdreg s5  }
0xaa: {  	[dreg:$0x4] =	wrdreg $0xC0  }
0xab: {  	_ =	task [dreg:s7], $0x5FFFF  }
0xac: {  	[dreg:$0x1] =	wrdreg $0xFFFFFFFF  }
0xad: {  	[dreg:$0x0] =	wrdreg $0x60  }
0xae: {  	[dreg:$0x2] =	wrdreg s2  }
0xaf: {  	[dreg:$0x3] =	wrdreg s24  }
0xb0: {  	[dreg:$0x4] =	wrdreg $0xA0000  }
0xb1: {  	[dreg:$0x5] =	wrdreg $0x9  }
0xb2: {  	_ =	task.clear_ibuf [dreg:s7], $0x6FFFF;
	_ =	strace $0x90000046  }
0xb3: {  	s29 =	simm.s32 $0x9;
	_ =	strace $0x80000048  }
0xb4: {  	_ =	swait.ge [sflag:s29], $0x1  }
0xb5: {  	[sflag:s29] =	ssyncadd.s32 $0xFFFFFFFF  }
0xb6: {  	_ =	strace $0x90000048  }
0xb7: {  	_ =	sfence  }
0xb8: {  	s30 =	sld [smem:$0x0];
	_ =	sdelay $0x2  }
0xb9: {  	s31 =	sshll.u32 s1, $0xD;
	s1 =	sshrl.u32 s1, $0x2  }
0xba: {  	s3 =	sand.u32 $0x4000, s31;
	s1 =	sadd.s32 s1, s30  }
0xbb: {  	s0 =	sor.u32 s3, s0;
	s1 =	sshll.u32 s1, $0x11  }
0xbc: {  	s0 =	sor.u32 s1, s0  }
0xbd: {  	s0 =	sadd.s32 $0x8F2B, s0  }
0xbe: {  	[sflag:s0] =	ssyncadd.remote.s32 $0x1  }
0xbf: {  	_ =	sfence.sel $0xFFFF  }
0xc0: {  	[dreg:$0x0] =	wrdreg $0xFFFFFFFF;
	(pc) =	sbr.abs _section_cstart, $3  }
0xc1: {  	[dreg:$0x1] =	wrdreg $0xFFFFFFFF  }
0xc2: {  	_ =	task.clear_ibuf [dreg:s7], $0x2FFFF;
	_ =	strace $0x9FFFFFFF  }
0xc3: {  	(tm) =	ssettm $0x7FFFFFFF  }
tec
execute0_lowered:
.L_overlay_start_1:
0x0: {  	(tag) =	ssettag $0x1  }
0x1: {  	s4 =	rddreg [dreg:$0x0]  }
0x2: {  	s5 =	rddreg [dreg:$0x1]  }
0x3: {  	s2 =	rddreg [dreg:$0x2]  }
0x4: {  	s0 =	srdreg.scid;
	s1 =	stileid.u32  }
0x5: {  	s3 =	simm.s32 $0x0;
	s0 =	sand.u32 $0x1, s0;
	s6 =	sshll.u32 s1, $0xE  }
0x6: {  	[smem:$0x7FF] =	sst s3;
	s8 =	sshll.u32 s1, $0xD;
	s12 =	sshll.u32 s1, $0x6  }
0x7: {  	s7 =	sshll.u32 s0, $0xD;
	_ =	strace $0x80000047;
	s4 =	sadd.s32 s4, s8  }
0x8: {  	s8 =	sor.u32 $0x1C05, s12;
	s6 =	sor.u32 s7, s6;
	[dreg:$0x4] =	wrdreg s4  }
0x9: {  	[dreg:$0x5] =	wrdreg s8;
	s7 =	sshrl.u32 s6, $0x3;
	s6 =	sshll.u32 s6, $0x4  }
0xa: {  	s7 =	sadd.s32 s7, s5;
	s4 =	sadd.s32 s6, s5;
	s5 =	simm.s32 $0x700  }
0xb: {  	s13 =	sadd.s32 $0xA00, s7;
	[smem:$0x7B8] =	sst s5  }
0xc: {  	s14 =	sadd.s32 $0x8A00, s4;
	[dreg:$0x6] =	wrdreg s13  }
0xd: {  	s15 =	sadd.s32 $0x9200, s4;
	[dreg:$0x7] =	wrdreg s14  }
0xe: {  	s16 =	sadd.s32 $0x9A00, s4;
	[dreg:$0x8] =	wrdreg s15  }
0xf: {  	s17 =	sadd.s32 $0xA200, s4;
	[dreg:$0x9] =	wrdreg s16  }
0x10: {  	s18 =	sadd.s32 $0xAA00, s4;
	[dreg:$0xa] =	wrdreg s17  }
0x11: {  	s19 =	sadd.s32 $0xB200, s4;
	[dreg:$0xb] =	wrdreg s18  }
0x12: {  	s20 =	sadd.s32 $0xBA00, s4;
	[dreg:$0xc] =	wrdreg s19  }
0x13: {  	s21 =	sadd.s32 $0xC200, s4;
	[dreg:$0xd] =	wrdreg s20  }
0x14: {  	s22 =	sadd.s32 $0xCA00, s4;
	[dreg:$0xe] =	wrdreg s21  }
0x15: {  	s23 =	sadd.s32 $0xD200, s4;
	[dreg:$0xf] =	wrdreg s22  }
0x16: {  	s24 =	sadd.s32 $0xDA00, s4;
	[dreg:$0x10] =	wrdreg s23  }
0x17: {  	s25 =	sadd.s32 $0xE200, s4;
	[dreg:$0x11] =	wrdreg s24  }
0x18: {  	s26 =	sadd.s32 $0xEA00, s4;
	[dreg:$0x12] =	wrdreg s25  }
0x19: {  	s6 =	sadd.s32 $0xF200, s4;
	[dreg:$0x13] =	wrdreg s26  }
0x1a: {  	s7 =	sadd.s32 $0xFA00, s4;
	[dreg:$0x14] =	wrdreg s6  }
0x1b: {  	s8 =	sadd.s32 $0x10200, s4;
	[dreg:$0x15] =	wrdreg s7  }
0x1c: {  	s9 =	sadd.s32 $0x10A00, s4;
	[dreg:$0x16] =	wrdreg s8  }
0x1d: {  	s10 =	sadd.s32 $0x11200, s4;
	[dreg:$0x17] =	wrdreg s9  }
0x1e: {  	s11 =	sadd.s32 $0x11A00, s4;
	[dreg:$0x18] =	wrdreg s10  }
0x1f: {  	s12 =	sadd.s32 $0x12200, s4;
	[dreg:$0x19] =	wrdreg s11  }
0x20: {  	s5 =	simm.s32 $0x1280;
	[dreg:$0x1a] =	wrdreg s12  }
0x21: {  	s13 =	sadd.s32 $0x12A00, s4;
	[smem:$0x7DA] =	sst s5  }
0x22: {  	s14 =	sadd.s32 $0x13200, s4;
	[dreg:$0x1b] =	wrdreg s13  }
0x23: {  	s15 =	sadd.s32 $0x13A00, s4;
	[dreg:$0x1c] =	wrdreg s14  }
0x24: {  	s16 =	sadd.s32 $0x14200, s4;
	[dreg:$0x1d] =	wrdreg s15  }
0x25: {  	s17 =	sadd.s32 $0x14A00, s4;
	[dreg:$0x1e] =	wrdreg s16  }
0x26: {  	s18 =	sadd.s32 $0x15200, s4;
	[dreg:$0x1f] =	wrdreg s17  }
0x27: {  	s19 =	sadd.s32 $0x15A00, s4;
	[smem:$0x7C5] =	sst s18  }
0x28: {  	s20 =	sadd.s32 $0x16200, s4;
	[smem:$0x7C7] =	sst s19  }
0x29: {  	s21 =	sadd.s32 $0x16A00, s4;
	[smem:$0x7C9] =	sst s20  }
0x2a: {  	s22 =	sadd.s32 $0x17200, s4;
	[smem:$0x7CB] =	sst s21  }
0x2b: {  	s23 =	sadd.s32 $0x17A00, s4;
	[smem:$0x7CD] =	sst s22  }
0x2c: {  	s24 =	sadd.s32 $0x18200, s4;
	[smem:$0x7CF] =	sst s23  }
0x2d: {  	s25 =	sadd.s32 $0x18A00, s4;
	[smem:$0x7D1] =	sst s24  }
0x2e: {  	s26 =	sadd.s32 $0x19200, s4;
	[smem:$0x7D3] =	sst s25  }
0x2f: {  	s6 =	sadd.s32 $0x19A00, s4;
	[smem:$0x7D5] =	sst s26  }
0x30: {  	s7 =	sadd.s32 $0x1A200, s4;
	[smem:$0x7D7] =	sst s6  }
0x31: {  	s8 =	sadd.s32 $0x1AA00, s4;
	[smem:$0x7D9] =	sst s7  }
0x32: {  	s9 =	sadd.s32 $0x1B200, s4;
	[smem:$0x7DB] =	sst s8  }
0x33: {  	s10 =	sadd.s32 $0x1BA00, s4;
	[smem:$0x7DD] =	sst s9  }
0x34: {  	s11 =	sadd.s32 $0x1C200, s4;
	[smem:$0x7DF] =	sst s10  }
0x35: {  	s12 =	sadd.s32 $0x1CA00, s4;
	[smem:$0x7E1] =	sst s11  }
0x36: {  	[smem:$0x7E3] =	sst s12;
	s13 =	sadd.s32 $0x1D200, s4  }
0x37: {  	s14 =	sadd.s32 $0x1DA00, s4;
	[smem:$0x7E5] =	sst s13  }
0x38: {  	s15 =	sadd.s32 $0x1E200, s4;
	[smem:$0x7E7] =	sst s14  }
0x39: {  	s16 =	sadd.s32 $0x1EA00, s4;
	[smem:$0x7E9] =	sst s15  }
0x3a: {  	s17 =	sadd.s32 $0x1F200, s4;
	[smem:$0x7EA] =	sst s16  }
0x3b: {  	s18 =	sadd.s32 $0x1FA00, s4;
	[smem:$0x7EB] =	sst s17  }
0x3c: {  	s19 =	sadd.s32 $0x20200, s4;
	[smem:$0x7EC] =	sst s18  }
0x3d: {  	s20 =	sadd.s32 $0x20A00, s4;
	[smem:$0x7ED] =	sst s19  }
0x3e: {  	s21 =	sadd.s32 $0x21200, s4;
	[smem:$0x7EE] =	sst s20  }
0x3f: {  	s22 =	sadd.s32 $0x21A00, s4;
	[smem:$0x7EF] =	sst s21  }
0x40: {  	s23 =	sadd.s32 $0x22200, s4;
	[smem:$0x7F0] =	sst s22  }
0x41: {  	s24 =	sadd.s32 $0x22A00, s4;
	[smem:$0x7F1] =	sst s23  }
0x42: {  	s25 =	sadd.s32 $0x23200, s4;
	[smem:$0x7F2] =	sst s24  }
0x43: {  	s26 =	sadd.s32 $0x23A00, s4;
	[smem:$0x7F3] =	sst s25  }
0x44: {  	s6 =	sadd.s32 $0x24200, s4;
	[smem:$0x7F4] =	sst s26  }
0x45: {  	s7 =	sadd.s32 $0x24A00, s4;
	[smem:$0x7F5] =	sst s6  }
0x46: {  	s8 =	sadd.s32 $0x25200, s4;
	[smem:$0x7F6] =	sst s7  }
0x47: {  	s9 =	sadd.s32 $0x25A00, s4;
	[smem:$0x7F7] =	sst s8  }
0x48: {  	s10 =	sadd.s32 $0x26200, s4;
	[smem:$0x7F8] =	sst s9  }
0x49: {  	s11 =	sadd.s32 $0x26A00, s4;
	[smem:$0x7F9] =	sst s10  }
0x4a: {  	s12 =	sadd.s32 $0x27200, s4;
	[smem:$0x7FA] =	sst s11  }
0x4b: {  	[smem:$0x7FB] =	sst s12;
	s14 =	sadd.s32 $0x27A00, s4  }
0x4c: {  	s4 =	sadd.s32 $0x28200, s4;
	[smem:$0x7FC] =	sst s14  }
0x4d: {  	s16 =	simm.s32 $0x100;
	[smem:$0x7FD] =	sst s4  }
0x4e: {  	s17 =	simm.s32 $0x180;
	[smem:$0x7AC] =	sst s16  }
0x4f: {  	s18 =	simm.s32 $0x200;
	[smem:$0x7AD] =	sst s17  }
0x50: {  	s19 =	simm.s32 $0x280;
	[smem:$0x7AE] =	sst s18  }
0x51: {  	s20 =	simm.s32 $0x300;
	[smem:$0x7AF] =	sst s19  }
0x52: {  	s21 =	simm.s32 $0x380;
	[smem:$0x7B0] =	sst s20  }
0x53: {  	s22 =	simm.s32 $0x400;
	[smem:$0x7B1] =	sst s21  }
0x54: {  	s23 =	simm.s32 $0x480;
	[smem:$0x7B2] =	sst s22  }
0x55: {  	s24 =	simm.s32 $0x500;
	[smem:$0x7B3] =	sst s23  }
0x56: {  	s25 =	simm.s32 $0x580;
	[smem:$0x7B4] =	sst s24  }
0x57: {  	s26 =	simm.s32 $0x600;
	[smem:$0x7B5] =	sst s25  }
0x58: {  	s13 =	sshll.u32 s1, $0x10;
	s1 =	simm.s32 $0x680;
	[smem:$0x7B6] =	sst s26  }
0x59: {  	s7 =	simm.s32 $0x800;
	[smem:$0x7B7] =	sst s1  }
0x5a: {  	s8 =	simm.s32 $0x880;
	[smem:$0x7BA] =	sst s7  }
0x5b: {  	s9 =	simm.s32 $0x900;
	[smem:$0x7BB] =	sst s8  }
0x5c: {  	s10 =	simm.s32 $0x980;
	[smem:$0x7BC] =	sst s9  }
0x5d: {  	s11 =	simm.s32 $0xA00;
	[smem:$0x7BD] =	sst s10  }
0x5e: {  	s12 =	simm.s32 $0xA80;
	[smem:$0x7BE] =	sst s11  }
0x5f: {  	s6 =	sadd.s32 s13, s2;
	[smem:$0x7BF] =	sst s12;
	s13 =	simm.s32 $0xB00  }
0x60: {  	s14 =	simm.s32 $0xB80;
	[smem:$0x7C0] =	sst s13  }
0x61: {  	s16 =	simm.s32 $0xC80;
	[smem:$0x7C1] =	sst s14  }
0x62: {  	s17 =	simm.s32 $0xD00;
	[smem:$0x7C3] =	sst s16  }
0x63: {  	s18 =	simm.s32 $0xD80;
	[smem:$0x7C4] =	sst s17  }
0x64: {  	s19 =	simm.s32 $0xE00;
	[smem:$0x7C6] =	sst s18  }
0x65: {  	s20 =	simm.s32 $0xE80;
	[smem:$0x7C8] =	sst s19  }
0x66: {  	s21 =	simm.s32 $0xF00;
	[smem:$0x7CA] =	sst s20  }
0x67: {  	s22 =	simm.s32 $0xF80;
	[smem:$0x7CC] =	sst s21  }
0x68: {  	s23 =	simm.s32 $0x1000;
	[smem:$0x7CE] =	sst s22  }
0x69: {  	s24 =	simm.s32 $0x1080;
	[smem:$0x7D0] =	sst s23  }
0x6a: {  	s25 =	simm.s32 $0x1100;
	[smem:$0x7D2] =	sst s24  }
0x6b: {  	s26 =	simm.s32 $0x1180;
	[smem:$0x7D4] =	sst s25  }
0x6c: {  	s1 =	simm.s32 $0x1200;
	[smem:$0x7D6] =	sst s26  }
0x6d: {  	s7 =	simm.s32 $0x1380;
	[smem:$0x7D8] =	sst s1  }
0x6e: {  	s8 =	simm.s32 $0x1400;
	[smem:$0x7DE] =	sst s7  }
0x6f: {  	s9 =	simm.s32 $0x1480;
	[smem:$0x7E0] =	sst s8  }
0x70: {  	s10 =	simm.s32 $0x1500;
	[smem:$0x7E2] =	sst s9  }
0x71: {  	s15 =	sshrl.u32 s6, $0x3;
	[smem:$0x7E4] =	sst s10  }
0x72: {  	s6 =	simm.s32 $0x780;
	[smem:$0x7AB] =	sst s15  }
0x73: {  	[smem:$0x7B9] =	sst s6;
	s15 =	simm.s32 $0xC00  }
0x74: {  	s6 =	simm.s32 $0x1300;
	[smem:$0x7C2] =	sst s15  }
0x75: {  	s11 =	simm.s32 $0x1580;
	[smem:$0x7DC] =	sst s6  }
0x76: {  	[smem:$0x7E6] =	sst s11  }
0x77: {  	s12 =	rddreg [dreg:$0x4]  }
0x78: {  	s14 =	sld [smem:$0x7AB]  }
0x79: {  	s15 =	simm.s32 $0x1600;
	s13 =	rddreg [dreg:$0x5]  }
0x7a: {  	s4 =	simm.s32 $0x5;
	[smem:$0x7E8] =	sst s15  }
0x7b: {  	[spmem:s14], [sflag:s13] =	dma.local [hbm:s12], $0x2000  }
0x7c: {  	_ =	swait.ge [sflag:s4], $0x2000  }
0x7d: {  	[sflag:s4] =	ssyncset.done $0x0  }
0x7e: {  	s16 =	rddreg [dreg:$0x6];
	[sflag:s4] =	ssyncadd.s32 $0xFFFFE000  }
0x7f: {  	[tilespmem:s3], [sflag:$0x5] =	stream.linear.gather [hbm4b:s16+s3], $0x2000, $0x38;
	[tilespmem:$0x1A000] =	vst v63  }
0x80: {  	_ =	swait.ge [sflag:s4], $0x2000  }
0x81: {  	[sflag:s4] =	ssyncset.done $0x0  }
0x82: {  	[sflag:s4] =	ssyncadd.s32 $0xFFFFE000  }
0x83: {  	s5 =	simm.s32 $0x80;
	s6 =	simm.s32 $0x2000;
	[bflag:$0x0] =	sbarrier.arrive $0xFFFF  }
0x84: {  	[tilespmem:s6], [sflag:$0x1] =	stream.indirect.gather [spmem:s2], $0x80, s3, s5, $0xb8;
	[tilespmem:$0x1A000] =	vst v63  }
0x85: {  	s7 =	simm.s32 $0x6000;
	s8 =	simm.s32 $0x1  }
0x86: {  	[tilespmem:s7], [sflag:$0x2] =	stream.indirect.gather [spmem:s2], $0x80, s5, s5, $0xb8;
	[tilespmem:$0x1A000] =	vst v63  }
0x87: {  	_ =	swait.ge [sflag:s8], $0x4000  }
0x88: {  	[sflag:s8] =	ssyncset.done $0x0  }
0x89: {  	s9 =	simm.s32 $0x3;
	s10 =	rddreg [dreg:$0x7];
	[sflag:s8] =	ssyncadd.s32 $0xFFFFC000  }
0x8a: {  	[hbm4b:s10+s3] =	stream.linear.scatter [tilespmem:s6], [sflag:$0x3], $0x4000, $0x38;
	[tilespmem:$0x1A000] =	vst v63  }
0x8b: {  	_ =	swait.ge [sflag:s9], $0x4000  }
0x8c: {  	s11 =	sld [smem:$0x7AC]  }
0x8d: {  	[sflag:s9] =	ssyncset.done $0x0  }
0x8e: {  	s10 =	simm.s32 $0x2;
	[sflag:s9] =	ssyncadd.s32 $0xFFFFC000  }
0x8f: {  	[tilespmem:s6], [sflag:$0x1] =	stream.indirect.gather [spmem:s2], $0x80, s11, s5, $0xb8;
	[tilespmem:$0x1A000] =	vst v63  }
0x90: {  	_ =	swait.ge [sflag:s10], $0x4000  }
0x91: {  	[sflag:s10] =	ssyncset.done $0x0  }
0x92: {  	s11 =	simm.s32 $0x4;
	s12 =	rddreg [dreg:$0x8];
	[sflag:s10] =	ssyncadd.s32 $0xFFFFC000  }
0x93: {  	[hbm4b:s12+s3] =	stream.linear.scatter [tilespmem:s7], [sflag:$0x4], $0x4000, $0x38;
	[tilespmem:$0x1A000] =	vst v63  }
0x94: {  	_ =	swait.ge [sflag:s11], $0x4000  }
0x95: {  	s17 =	sld [smem:$0x7AD]  }
0x96: {  	[sflag:s11] =	ssyncset.done $0x0  }
0x97: {  	[sflag:s11] =	ssyncadd.s32 $0xFFFFC000  }
0x98: {  	[tilespmem:s7], [sflag:$0x2] =	stream.indirect.gather [spmem:s2], $0x80, s17, s5, $0xb8;
	[tilespmem:$0x1A000] =	vst v63  }
0x99: {  	_ =	swait.ge [sflag:s8], $0x4000  }
0x9a: {  	[sflag:s8] =	ssyncset.done $0x0  }
0x9b: {  	s18 =	rddreg [dreg:$0x9];
	[sflag:s8] =	ssyncadd.s32 $0xFFFFC000  }
0x9c: {  	[hbm4b:s18+s3] =	stream.linear.scatter [tilespmem:s6], [sflag:$0x3], $0x4000, $0x38;
	[tilespmem:$0x1A000] =	vst v63  }
0x9d: {  	_ =	swait.ge [sflag:s9], $0x4000  }
0x9e: {  	s19 =	sld [smem:$0x7AE]  }
0x9f: {  	[sflag:s9] =	ssyncset.done $0x0  }
0xa0: {  	[sflag:s9] =	ssyncadd.s32 $0xFFFFC000  }
0xa1: {  	[tilespmem:s6], [sflag:$0x1] =	stream.indirect.gather [spmem:s2], $0x80, s19, s5, $0xb8;
	[tilespmem:$0x1A000] =	vst v63  }
0xa2: {  	_ =	swait.ge [sflag:s10], $0x4000  }
0xa3: {  	[sflag:s10] =	ssyncset.done $0x0  }
0xa4: {  	s20 =	rddreg [dreg:$0xa];
	[sflag:s10] =	ssyncadd.s32 $0xFFFFC000  }
0xa5: {  	[hbm4b:s20+s3] =	stream.linear.scatter [tilespmem:s7], [sflag:$0x4], $0x4000, $0x38;
	[tilespmem:$0x1A000] =	vst v63  }
0xa6: {  	_ =	swait.ge [sflag:s11], $0x4000  }
0xa7: {  	s21 =	sld [smem:$0x7AF]  }
0xa8: {  	[sflag:s11] =	ssyncset.done $0x0  }
0xa9: {  	[sflag:s11] =	ssyncadd.s32 $0xFFFFC000  }
0xaa: {  	[tilespmem:s7], [sflag:$0x2] =	stream.indirect.gather [spmem:s2], $0x80, s21, s5, $0xb8;
	[tilespmem:$0x1A000] =	vst v63  }
0xab: {  	_ =	swait.ge [sflag:s8], $0x4000  }
0xac: {  	[sflag:s8] =	ssyncset.done $0x0  }
0xad: {  	s22 =	rddreg [dreg:$0xb];
	[sflag:s8] =	ssyncadd.s32 $0xFFFFC000  }
0xae: {  	[hbm4b:s22+s3] =	stream.linear.scatter [tilespmem:s6], [sflag:$0x3], $0x4000, $0x38;
	[tilespmem:$0x1A000] =	vst v63  }
0xaf: {  	_ =	swait.ge [sflag:s9], $0x4000  }
0xb0: {  	s23 =	sld [smem:$0x7B0]  }
0xb1: {  	[sflag:s9] =	ssyncset.done $0x0  }
0xb2: {  	[sflag:s9] =	ssyncadd.s32 $0xFFFFC000  }
0xb3: {  	[tilespmem:s6], [sflag:$0x1] =	stream.indirect.gather [spmem:s2], $0x80, s23, s5, $0xb8;
	[tilespmem:$0x1A000] =	vst v63  }
0xb4: {  	_ =	swait.ge [sflag:s10], $0x4000  }
0xb5: {  	[sflag:s10] =	ssyncset.done $0x0  }
0xb6: {  	s24 =	rddreg [dreg:$0xc];
	[sflag:s10] =	ssyncadd.s32 $0xFFFFC000  }
0xb7: {  	[hbm4b:s24+s3] =	stream.linear.scatter [tilespmem:s7], [sflag:$0x4], $0x4000, $0x38;
	[tilespmem:$0x1A000] =	vst v63  }
0xb8: {  	_ =	swait.ge [sflag:s11], $0x4000  }
0xb9: {  	s25 =	sld [smem:$0x7B1]  }
0xba: {  	[sflag:s11] =	ssyncset.done $0x0  }
0xbb: {  	[sflag:s11] =	ssyncadd.s32 $0xFFFFC000  }
0xbc: {  	[tilespmem:s7], [sflag:$0x2] =	stream.indirect.gather [spmem:s2], $0x80, s25, s5, $0xb8;
	[tilespmem:$0x1A000] =	vst v63  }
0xbd: {  	_ =	swait.ge [sflag:s8], $0x4000  }
0xbe: {  	[sflag:s8] =	ssyncset.done $0x0  }
0xbf: {  	s26 =	rddreg [dreg:$0xd];
	[sflag:s8] =	ssyncadd.s32 $0xFFFFC000  }
0xc0: {  	[hbm4b:s26+s3] =	stream.linear.scatter [tilespmem:s6], [sflag:$0x3], $0x4000, $0x38;
	[tilespmem:$0x1A000] =	vst v63  }
0xc1: {  	_ =	swait.ge [sflag:s9], $0x4000  }
0xc2: {  	s1 =	sld [smem:$0x7B2]  }
0xc3: {  	[sflag:s9] =	ssyncset.done $0x0  }
0xc4: {  	[sflag:s9] =	ssyncadd.s32 $0xFFFFC000  }
0xc5: {  	[tilespmem:s6], [sflag:$0x1] =	stream.indirect.gather [spmem:s2], $0x80, s1, s5, $0xb8;
	[tilespmem:$0x1A000] =	vst v63  }
0xc6: {  	_ =	swait.ge [sflag:s10], $0x4000  }
0xc7: {  	[sflag:s10] =	ssyncset.done $0x0  }
0xc8: {  	s13 =	rddreg [dreg:$0xe];
	[sflag:s10] =	ssyncadd.s32 $0xFFFFC000  }
0xc9: {  	[hbm4b:s13+s3] =	stream.linear.scatter [tilespmem:s7], [sflag:$0x4], $0x4000, $0x38;
	[tilespmem:$0x1A000] =	vst v63  }
0xca: {  	_ =	swait.ge [sflag:s11], $0x4000  }
0xcb: {  	s14 =	sld [smem:$0x7B3]  }
0xcc: {  	[sflag:s11] =	ssyncset.done $0x0  }
0xcd: {  	[sflag:s11] =	ssyncadd.s32 $0xFFFFC000  }
0xce: {  	[tilespmem:s7], [sflag:$0x2] =	stream.indirect.gather [spmem:s2], $0x80, s14, s5, $0xb8;
	[tilespmem:$0x1A000] =	vst v63  }
0xcf: {  	_ =	swait.ge [sflag:s8], $0x4000  }
0xd0: {  	[sflag:s8] =	ssyncset.done $0x0  }
0xd1: {  	s15 =	rddreg [dreg:$0xf];
	[sflag:s8] =	ssyncadd.s32 $0xFFFFC000  }
0xd2: {  	[hbm4b:s15+s3] =	stream.linear.scatter [tilespmem:s6], [sflag:$0x3], $0x4000, $0x38;
	[tilespmem:$0x1A000] =	vst v63  }
0xd3: {  	_ =	swait.ge [sflag:s9], $0x4000  }
0xd4: {  	s16 =	sld [smem:$0x7B4]  }
0xd5: {  	[sflag:s9] =	ssyncset.done $0x0  }
0xd6: {  	[sflag:s9] =	ssyncadd.s32 $0xFFFFC000  }
0xd7: {  	[tilespmem:s6], [sflag:$0x1] =	stream.indirect.gather [spmem:s2], $0x80, s16, s5, $0xb8;
	[tilespmem:$0x1A000] =	vst v63  }
0xd8: {  	_ =	swait.ge [sflag:s10], $0x4000  }
0xd9: {  	[sflag:s10] =	ssyncset.done $0x0  }
0xda: {  	s17 =	rddreg [dreg:$0x10];
	[sflag:s10] =	ssyncadd.s32 $0xFFFFC000  }
0xdb: {  	[hbm4b:s17+s3] =	stream.linear.scatter [tilespmem:s7], [sflag:$0x4], $0x4000, $0x38;
	[tilespmem:$0x1A000] =	vst v63  }
0xdc: {  	_ =	swait.ge [sflag:s11], $0x4000  }
0xdd: {  	s18 =	sld [smem:$0x7B5]  }
0xde: {  	[sflag:s11] =	ssyncset.done $0x0  }
0xdf: {  	[sflag:s11] =	ssyncadd.s32 $0xFFFFC000  }
0xe0: {  	[tilespmem:s7], [sflag:$0x2] =	stream.indirect.gather [spmem:s2], $0x80, s18, s5, $0xb8;
	[tilespmem:$0x1A000] =	vst v63  }
0xe1: {  	_ =	swait.ge [sflag:s8], $0x4000  }
0xe2: {  	[sflag:s8] =	ssyncset.done $0x0  }
0xe3: {  	s19 =	rddreg [dreg:$0x11];
	[sflag:s8] =	ssyncadd.s32 $0xFFFFC000  }
0xe4: {  	[hbm4b:s19+s3] =	stream.linear.scatter [tilespmem:s6], [sflag:$0x3], $0x4000, $0x38;
	[tilespmem:$0x1A000] =	vst v63  }
0xe5: {  	_ =	swait.ge [sflag:s9], $0x4000  }
0xe6: {  	s20 =	sld [smem:$0x7B6]  }
0xe7: {  	[sflag:s9] =	ssyncset.done $0x0  }
0xe8: {  	[sflag:s9] =	ssyncadd.s32 $0xFFFFC000  }
0xe9: {  	[tilespmem:s6], [sflag:$0x1] =	stream.indirect.gather [spmem:s2], $0x80, s20, s5, $0xb8;
	[tilespmem:$0x1A000] =	vst v63  }
0xea: {  	_ =	swait.ge [sflag:s10], $0x4000  }
0xeb: {  	[sflag:s10] =	ssyncset.done $0x0  }
0xec: {  	s21 =	rddreg [dreg:$0x12];
	[sflag:s10] =	ssyncadd.s32 $0xFFFFC000  }
0xed: {  	[hbm4b:s21+s3] =	stream.linear.scatter [tilespmem:s7], [sflag:$0x4], $0x4000, $0x38;
	[tilespmem:$0x1A000] =	vst v63  }
0xee: {  	_ =	swait.ge [sflag:s11], $0x4000  }
0xef: {  	s22 =	sld [smem:$0x7B7]  }
0xf0: {  	[sflag:s11] =	ssyncset.done $0x0  }
0xf1: {  	[sflag:s11] =	ssyncadd.s32 $0xFFFFC000  }
0xf2: {  	[tilespmem:s7], [sflag:$0x2] =	stream.indirect.gather [spmem:s2], $0x80, s22, s5, $0xb8;
	[tilespmem:$0x1A000] =	vst v63  }
0xf3: {  	_ =	swait.ge [sflag:s8], $0x4000  }
0xf4: {  	[sflag:s8] =	ssyncset.done $0x0  }
0xf5: {  	s23 =	rddreg [dreg:$0x13];
	[sflag:s8] =	ssyncadd.s32 $0xFFFFC000  }
0xf6: {  	[hbm4b:s23+s3] =	stream.linear.scatter [tilespmem:s6], [sflag:$0x3], $0x4000, $0x38;
	[tilespmem:$0x1A000] =	vst v63  }
0xf7: {  	_ =	swait.ge [sflag:s9], $0x4000  }
0xf8: {  	s24 =	sld [smem:$0x7B8]  }
0xf9: {  	[sflag:s9] =	ssyncset.done $0x0  }
0xfa: {  	[sflag:s9] =	ssyncadd.s32 $0xFFFFC000  }
0xfb: {  	[tilespmem:s6], [sflag:$0x1] =	stream.indirect.gather [spmem:s2], $0x80, s24, s5, $0xb8;
	[tilespmem:$0x1A000] =	vst v63  }
0xfc: {  	_ =	swait.ge [sflag:s10], $0x4000  }
0xfd: {  	[sflag:s10] =	ssyncset.done $0x0  }
0xfe: {  	s25 =	rddreg [dreg:$0x14];
	[sflag:s10] =	ssyncadd.s32 $0xFFFFC000  }
0xff: {  	[hbm4b:s25+s3] =	stream.linear.scatter [tilespmem:s7], [sflag:$0x4], $0x4000, $0x38;
	[tilespmem:$0x1A000] =	vst v63  }
0x100: {  	_ =	swait.ge [sflag:s11], $0x4000  }
0x101: {  	s26 =	sld [smem:$0x7B9]  }
0x102: {  	[sflag:s11] =	ssyncset.done $0x0  }
0x103: {  	[sflag:s11] =	ssyncadd.s32 $0xFFFFC000  }
0x104: {  	[tilespmem:s7], [sflag:$0x2] =	stream.indirect.gather [spmem:s2], $0x80, s26, s5, $0xb8;
	[tilespmem:$0x1A000] =	vst v63  }
0x105: {  	_ =	swait.ge [sflag:s8], $0x4000  }
0x106: {  	[sflag:s8] =	ssyncset.done $0x0  }
0x107: {  	s1 =	rddreg [dreg:$0x15];
	[sflag:s8] =	ssyncadd.s32 $0xFFFFC000  }
0x108: {  	[hbm4b:s1+s3] =	stream.linear.scatter [tilespmem:s6], [sflag:$0x3], $0x4000, $0x38;
	[tilespmem:$0x1A000] =	vst v63  }
0x109: {  	_ =	swait.ge [sflag:s9], $0x4000  }
0x10a: {  	s13 =	sld [smem:$0x7BA]  }
0x10b: {  	[sflag:s9] =	ssyncset.done $0x0  }
0x10c: {  	[sflag:s9] =	ssyncadd.s32 $0xFFFFC000  }
0x10d: {  	[tilespmem:s6], [sflag:$0x1] =	stream.indirect.gather [spmem:s2], $0x80, s13, s5, $0xb8;
	[tilespmem:$0x1A000] =	vst v63  }
0x10e: {  	_ =	swait.ge [sflag:s10], $0x4000  }
0x10f: {  	[sflag:s10] =	ssyncset.done $0x0  }
0x110: {  	s14 =	rddreg [dreg:$0x16];
	[sflag:s10] =	ssyncadd.s32 $0xFFFFC000  }
0x111: {  	[hbm4b:s14+s3] =	stream.linear.scatter [tilespmem:s7], [sflag:$0x4], $0x4000, $0x38;
	[tilespmem:$0x1A000] =	vst v63  }
0x112: {  	_ =	swait.ge [sflag:s11], $0x4000  }
0x113: {  	s15 =	sld [smem:$0x7BB]  }
0x114: {  	[sflag:s11] =	ssyncset.done $0x0  }
0x115: {  	[sflag:s11] =	ssyncadd.s32 $0xFFFFC000  }
0x116: {  	[tilespmem:s7], [sflag:$0x2] =	stream.indirect.gather [spmem:s2], $0x80, s15, s5, $0xb8;
	[tilespmem:$0x1A000] =	vst v63  }
0x117: {  	_ =	swait.ge [sflag:s8], $0x4000  }
0x118: {  	[sflag:s8] =	ssyncset.done $0x0  }
0x119: {  	s16 =	rddreg [dreg:$0x17];
	[sflag:s8] =	ssyncadd.s32 $0xFFFFC000  }
0x11a: {  	[hbm4b:s16+s3] =	stream.linear.scatter [tilespmem:s6], [sflag:$0x3], $0x4000, $0x38;
	[tilespmem:$0x1A000] =	vst v63  }
0x11b: {  	_ =	swait.ge [sflag:s9], $0x4000  }
0x11c: {  	s17 =	sld [smem:$0x7BC]  }
0x11d: {  	[sflag:s9] =	ssyncset.done $0x0  }
0x11e: {  	[sflag:s9] =	ssyncadd.s32 $0xFFFFC000  }
0x11f: {  	[tilespmem:s6], [sflag:$0x1] =	stream.indirect.gather [spmem:s2], $0x80, s17, s5, $0xb8;
	[tilespmem:$0x1A000] =	vst v63  }
0x120: {  	_ =	swait.ge [sflag:s10], $0x4000  }
0x121: {  	[sflag:s10] =	ssyncset.done $0x0  }
0x122: {  	s18 =	rddreg [dreg:$0x18];
	[sflag:s10] =	ssyncadd.s32 $0xFFFFC000  }
0x123: {  	[hbm4b:s18+s3] =	stream.linear.scatter [tilespmem:s7], [sflag:$0x4], $0x4000, $0x38;
	[tilespmem:$0x1A000] =	vst v63  }
0x124: {  	_ =	swait.ge [sflag:s11], $0x4000  }
0x125: {  	s19 =	sld [smem:$0x7BD]  }
0x126: {  	[sflag:s11] =	ssyncset.done $0x0  }
0x127: {  	[sflag:s11] =	ssyncadd.s32 $0xFFFFC000  }
0x128: {  	[tilespmem:s7], [sflag:$0x2] =	stream.indirect.gather [spmem:s2], $0x80, s19, s5, $0xb8;
	[tilespmem:$0x1A000] =	vst v63  }
0x129: {  	_ =	swait.ge [sflag:s8], $0x4000  }
0x12a: {  	[sflag:s8] =	ssyncset.done $0x0  }
0x12b: {  	s20 =	rddreg [dreg:$0x19];
	[sflag:s8] =	ssyncadd.s32 $0xFFFFC000  }
0x12c: {  	[hbm4b:s20+s3] =	stream.linear.scatter [tilespmem:s6], [sflag:$0x3], $0x4000, $0x38;
	[tilespmem:$0x1A000] =	vst v63  }
0x12d: {  	_ =	swait.ge [sflag:s9], $0x4000  }
0x12e: {  	s21 =	sld [smem:$0x7BE]  }
0x12f: {  	[sflag:s9] =	ssyncset.done $0x0  }
0x130: {  	[sflag:s9] =	ssyncadd.s32 $0xFFFFC000  }
0x131: {  	[tilespmem:s6], [sflag:$0x1] =	stream.indirect.gather [spmem:s2], $0x80, s21, s5, $0xb8;
	[tilespmem:$0x1A000] =	vst v63  }
0x132: {  	_ =	swait.ge [sflag:s10], $0x4000  }
0x133: {  	[sflag:s10] =	ssyncset.done $0x0  }
0x134: {  	s22 =	rddreg [dreg:$0x1a];
	[sflag:s10] =	ssyncadd.s32 $0xFFFFC000  }
0x135: {  	[hbm4b:s22+s3] =	stream.linear.scatter [tilespmem:s7], [sflag:$0x4], $0x4000, $0x38;
	[tilespmem:$0x1A000] =	vst v63  }
0x136: {  	_ =	swait.ge [sflag:s11], $0x4000  }
0x137: {  	s23 =	sld [smem:$0x7BF]  }
0x138: {  	[sflag:s11] =	ssyncset.done $0x0  }
0x139: {  	[sflag:s11] =	ssyncadd.s32 $0xFFFFC000  }
0x13a: {  	[tilespmem:s7], [sflag:$0x2] =	stream.indirect.gather [spmem:s2], $0x80, s23, s5, $0xb8;
	[tilespmem:$0x1A000] =	vst v63  }
0x13b: {  	_ =	swait.ge [sflag:s8], $0x4000  }
0x13c: {  	[sflag:s8] =	ssyncset.done $0x0  }
0x13d: {  	s24 =	rddreg [dreg:$0x1b];
	[sflag:s8] =	ssyncadd.s32 $0xFFFFC000  }
0x13e: {  	[hbm4b:s24+s3] =	stream.linear.scatter [tilespmem:s6], [sflag:$0x3], $0x4000, $0x38;
	[tilespmem:$0x1A000] =	vst v63  }
0x13f: {  	_ =	swait.ge [sflag:s9], $0x4000  }
0x140: {  	s25 =	sld [smem:$0x7C0]  }
0x141: {  	[sflag:s9] =	ssyncset.done $0x0  }
0x142: {  	[sflag:s9] =	ssyncadd.s32 $0xFFFFC000  }
0x143: {  	[tilespmem:s6], [sflag:$0x1] =	stream.indirect.gather [spmem:s2], $0x80, s25, s5, $0xb8;
	[tilespmem:$0x1A000] =	vst v63  }
0x144: {  	_ =	swait.ge [sflag:s10], $0x4000  }
0x145: {  	[sflag:s10] =	ssyncset.done $0x0  }
0x146: {  	s26 =	rddreg [dreg:$0x1c];
	[sflag:s10] =	ssyncadd.s32 $0xFFFFC000  }
0x147: {  	[hbm4b:s26+s3] =	stream.linear.scatter [tilespmem:s7], [sflag:$0x4], $0x4000, $0x38;
	[tilespmem:$0x1A000] =	vst v63  }
0x148: {  	_ =	swait.ge [sflag:s11], $0x4000  }
0x149: {  	s1 =	sld [smem:$0x7C1]  }
0x14a: {  	[sflag:s11] =	ssyncset.done $0x0  }
0x14b: {  	[sflag:s11] =	ssyncadd.s32 $0xFFFFC000  }
0x14c: {  	[tilespmem:s7], [sflag:$0x2] =	stream.indirect.gather [spmem:s2], $0x80, s1, s5, $0xb8;
	[tilespmem:$0x1A000] =	vst v63  }
0x14d: {  	_ =	swait.ge [sflag:s8], $0x4000  }
0x14e: {  	[sflag:s8] =	ssyncset.done $0x0  }
0x14f: {  	s13 =	rddreg [dreg:$0x1d];
	[sflag:s8] =	ssyncadd.s32 $0xFFFFC000  }
0x150: {  	[hbm4b:s13+s3] =	stream.linear.scatter [tilespmem:s6], [sflag:$0x3], $0x4000, $0x38;
	[tilespmem:$0x1A000] =	vst v63  }
0x151: {  	_ =	swait.ge [sflag:s9], $0x4000  }
0x152: {  	s14 =	sld [smem:$0x7C2]  }
0x153: {  	[sflag:s9] =	ssyncset.done $0x0  }
0x154: {  	[sflag:s9] =	ssyncadd.s32 $0xFFFFC000  }
0x155: {  	[tilespmem:s6], [sflag:$0x1] =	stream.indirect.gather [spmem:s2], $0x80, s14, s5, $0xb8;
	[tilespmem:$0x1A000] =	vst v63  }
0x156: {  	_ =	swait.ge [sflag:s10], $0x4000  }
0x157: {  	[sflag:s10] =	ssyncset.done $0x0  }
0x158: {  	s15 =	rddreg [dreg:$0x1e];
	[sflag:s10] =	ssyncadd.s32 $0xFFFFC000  }
0x159: {  	[hbm4b:s15+s3] =	stream.linear.scatter [tilespmem:s7], [sflag:$0x4], $0x4000, $0x38;
	[tilespmem:$0x1A000] =	vst v63  }
0x15a: {  	_ =	swait.ge [sflag:s11], $0x4000  }
0x15b: {  	s16 =	sld [smem:$0x7C3]  }
0x15c: {  	[sflag:s11] =	ssyncset.done $0x0  }
0x15d: {  	[sflag:s11] =	ssyncadd.s32 $0xFFFFC000  }
0x15e: {  	[tilespmem:s7], [sflag:$0x2] =	stream.indirect.gather [spmem:s2], $0x80, s16, s5, $0xb8;
	[tilespmem:$0x1A000] =	vst v63  }
0x15f: {  	_ =	swait.ge [sflag:s8], $0x4000  }
0x160: {  	[sflag:s8] =	ssyncset.done $0x0  }
0x161: {  	s17 =	rddreg [dreg:$0x1f];
	[sflag:s8] =	ssyncadd.s32 $0xFFFFC000  }
0x162: {  	[hbm4b:s17+s3] =	stream.linear.scatter [tilespmem:s6], [sflag:$0x3], $0x4000, $0x38;
	[tilespmem:$0x1A000] =	vst v63  }
0x163: {  	_ =	swait.ge [sflag:s9], $0x4000  }
0x164: {  	s18 =	sld [smem:$0x7C4]  }
0x165: {  	[sflag:s9] =	ssyncset.done $0x0  }
0x166: {  	[sflag:s9] =	ssyncadd.s32 $0xFFFFC000  }
0x167: {  	[tilespmem:s6], [sflag:$0x1] =	stream.indirect.gather [spmem:s2], $0x80, s18, s5, $0xb8;
	[tilespmem:$0x1A000] =	vst v63  }
0x168: {  	_ =	swait.ge [sflag:s10], $0x4000  }
0x169: {  	s19 =	sld [smem:$0x7C5]  }
0x16a: {  	[sflag:s10] =	ssyncset.done $0x0  }
0x16b: {  	[sflag:s10] =	ssyncadd.s32 $0xFFFFC000  }
0x16c: {  	[hbm4b:s19+s3] =	stream.linear.scatter [tilespmem:s7], [sflag:$0x4], $0x4000, $0x38;
	[tilespmem:$0x1A000] =	vst v63  }
0x16d: {  	_ =	swait.ge [sflag:s11], $0x4000  }
0x16e: {  	s20 =	sld [smem:$0x7C6]  }
0x16f: {  	[sflag:s11] =	ssyncset.done $0x0  }
0x170: {  	[sflag:s11] =	ssyncadd.s32 $0xFFFFC000  }
0x171: {  	[tilespmem:s7], [sflag:$0x2] =	stream.indirect.gather [spmem:s2], $0x80, s20, s5, $0xb8;
	[tilespmem:$0x1A000] =	vst v63  }
0x172: {  	_ =	swait.ge [sflag:s8], $0x4000  }
0x173: {  	s21 =	sld [smem:$0x7C7]  }
0x174: {  	[sflag:s8] =	ssyncset.done $0x0  }
0x175: {  	[sflag:s8] =	ssyncadd.s32 $0xFFFFC000  }
0x176: {  	[hbm4b:s21+s3] =	stream.linear.scatter [tilespmem:s6], [sflag:$0x3], $0x4000, $0x38;
	[tilespmem:$0x1A000] =	vst v63  }
0x177: {  	_ =	swait.ge [sflag:s9], $0x4000  }
0x178: {  	s22 =	sld [smem:$0x7C8]  }
0x179: {  	[sflag:s9] =	ssyncset.done $0x0  }
0x17a: {  	[sflag:s9] =	ssyncadd.s32 $0xFFFFC000  }
0x17b: {  	[tilespmem:s6], [sflag:$0x1] =	stream.indirect.gather [spmem:s2], $0x80, s22, s5, $0xb8;
	[tilespmem:$0x1A000] =	vst v63  }
0x17c: {  	_ =	swait.ge [sflag:s10], $0x4000  }
0x17d: {  	s23 =	sld [smem:$0x7C9]  }
0x17e: {  	[sflag:s10] =	ssyncset.done $0x0  }
0x17f: {  	[sflag:s10] =	ssyncadd.s32 $0xFFFFC000  }
0x180: {  	[hbm4b:s23+s3] =	stream.linear.scatter [tilespmem:s7], [sflag:$0x4], $0x4000, $0x38;
	[tilespmem:$0x1A000] =	vst v63  }
0x181: {  	_ =	swait.ge [sflag:s11], $0x4000  }
0x182: {  	s24 =	sld [smem:$0x7CA]  }
0x183: {  	[sflag:s11] =	ssyncset.done $0x0  }
0x184: {  	[sflag:s11] =	ssyncadd.s32 $0xFFFFC000  }
0x185: {  	[tilespmem:s7], [sflag:$0x2] =	stream.indirect.gather [spmem:s2], $0x80, s24, s5, $0xb8;
	[tilespmem:$0x1A000] =	vst v63  }
0x186: {  	_ =	swait.ge [sflag:s8], $0x4000  }
0x187: {  	s25 =	sld [smem:$0x7CB]  }
0x188: {  	[sflag:s8] =	ssyncset.done $0x0  }
0x189: {  	[sflag:s8] =	ssyncadd.s32 $0xFFFFC000  }
0x18a: {  	[hbm4b:s25+s3] =	stream.linear.scatter [tilespmem:s6], [sflag:$0x3], $0x4000, $0x38;
	[tilespmem:$0x1A000] =	vst v63  }
0x18b: {  	_ =	swait.ge [sflag:s9], $0x4000  }
0x18c: {  	s26 =	sld [smem:$0x7CC]  }
0x18d: {  	[sflag:s9] =	ssyncset.done $0x0  }
0x18e: {  	[sflag:s9] =	ssyncadd.s32 $0xFFFFC000  }
0x18f: {  	[tilespmem:s6], [sflag:$0x1] =	stream.indirect.gather [spmem:s2], $0x80, s26, s5, $0xb8;
	[tilespmem:$0x1A000] =	vst v63  }
0x190: {  	_ =	swait.ge [sflag:s10], $0x4000  }
0x191: {  	s1 =	sld [smem:$0x7CD]  }
0x192: {  	[sflag:s10] =	ssyncset.done $0x0  }
0x193: {  	[sflag:s10] =	ssyncadd.s32 $0xFFFFC000  }
0x194: {  	[hbm4b:s1+s3] =	stream.linear.scatter [tilespmem:s7], [sflag:$0x4], $0x4000, $0x38;
	[tilespmem:$0x1A000] =	vst v63  }
0x195: {  	_ =	swait.ge [sflag:s11], $0x4000  }
0x196: {  	s13 =	sld [smem:$0x7CE]  }
0x197: {  	[sflag:s11] =	ssyncset.done $0x0  }
0x198: {  	[sflag:s11] =	ssyncadd.s32 $0xFFFFC000  }
0x199: {  	[tilespmem:s7], [sflag:$0x2] =	stream.indirect.gather [spmem:s2], $0x80, s13, s5, $0xb8;
	[tilespmem:$0x1A000] =	vst v63  }
0x19a: {  	_ =	swait.ge [sflag:s8], $0x4000  }
0x19b: {  	s14 =	sld [smem:$0x7CF]  }
0x19c: {  	[sflag:s8] =	ssyncset.done $0x0  }
0x19d: {  	[sflag:s8] =	ssyncadd.s32 $0xFFFFC000  }
0x19e: {  	[hbm4b:s14+s3] =	stream.linear.scatter [tilespmem:s6], [sflag:$0x3], $0x4000, $0x38;
	[tilespmem:$0x1A000] =	vst v63  }
0x19f: {  	_ =	swait.ge [sflag:s9], $0x4000  }
0x1a0: {  	s15 =	sld [smem:$0x7D0]  }
0x1a1: {  	[sflag:s9] =	ssyncset.done $0x0  }
0x1a2: {  	[sflag:s9] =	ssyncadd.s32 $0xFFFFC000  }
0x1a3: {  	[tilespmem:s6], [sflag:$0x1] =	stream.indirect.gather [spmem:s2], $0x80, s15, s5, $0xb8;
	[tilespmem:$0x1A000] =	vst v63  }
0x1a4: {  	_ =	swait.ge [sflag:s10], $0x4000  }
0x1a5: {  	s16 =	sld [smem:$0x7D1]  }
0x1a6: {  	[sflag:s10] =	ssyncset.done $0x0  }
0x1a7: {  	[sflag:s10] =	ssyncadd.s32 $0xFFFFC000  }
0x1a8: {  	[hbm4b:s16+s3] =	stream.linear.scatter [tilespmem:s7], [sflag:$0x4], $0x4000, $0x38;
	[tilespmem:$0x1A000] =	vst v63  }
0x1a9: {  	_ =	swait.ge [sflag:s11], $0x4000  }
0x1aa: {  	s17 =	sld [smem:$0x7D2]  }
0x1ab: {  	[sflag:s11] =	ssyncset.done $0x0  }
0x1ac: {  	[sflag:s11] =	ssyncadd.s32 $0xFFFFC000  }
0x1ad: {  	[tilespmem:s7], [sflag:$0x2] =	stream.indirect.gather [spmem:s2], $0x80, s17, s5, $0xb8;
	[tilespmem:$0x1A000] =	vst v63  }
0x1ae: {  	_ =	swait.ge [sflag:s8], $0x4000  }
0x1af: {  	s18 =	sld [smem:$0x7D3]  }
0x1b0: {  	[sflag:s8] =	ssyncset.done $0x0  }
0x1b1: {  	[sflag:s8] =	ssyncadd.s32 $0xFFFFC000  }
0x1b2: {  	[hbm4b:s18+s3] =	stream.linear.scatter [tilespmem:s6], [sflag:$0x3], $0x4000, $0x38;
	[tilespmem:$0x1A000] =	vst v63  }
0x1b3: {  	_ =	swait.ge [sflag:s9], $0x4000  }
0x1b4: {  	s19 =	sld [smem:$0x7D4]  }
0x1b5: {  	[sflag:s9] =	ssyncset.done $0x0  }
0x1b6: {  	[sflag:s9] =	ssyncadd.s32 $0xFFFFC000  }
0x1b7: {  	[tilespmem:s6], [sflag:$0x1] =	stream.indirect.gather [spmem:s2], $0x80, s19, s5, $0xb8;
	[tilespmem:$0x1A000] =	vst v63  }
0x1b8: {  	_ =	swait.ge [sflag:s10], $0x4000  }
0x1b9: {  	s20 =	sld [smem:$0x7D5]  }
0x1ba: {  	[sflag:s10] =	ssyncset.done $0x0  }
0x1bb: {  	[sflag:s10] =	ssyncadd.s32 $0xFFFFC000  }
0x1bc: {  	[hbm4b:s20+s3] =	stream.linear.scatter [tilespmem:s7], [sflag:$0x4], $0x4000, $0x38;
	[tilespmem:$0x1A000] =	vst v63  }
0x1bd: {  	_ =	swait.ge [sflag:s11], $0x4000  }
0x1be: {  	s21 =	sld [smem:$0x7D6]  }
0x1bf: {  	[sflag:s11] =	ssyncset.done $0x0  }
0x1c0: {  	[sflag:s11] =	ssyncadd.s32 $0xFFFFC000  }
0x1c1: {  	[tilespmem:s7], [sflag:$0x2] =	stream.indirect.gather [spmem:s2], $0x80, s21, s5, $0xb8;
	[tilespmem:$0x1A000] =	vst v63  }
0x1c2: {  	_ =	swait.ge [sflag:s8], $0x4000  }
0x1c3: {  	s22 =	sld [smem:$0x7D7]  }
0x1c4: {  	[sflag:s8] =	ssyncset.done $0x0  }
0x1c5: {  	[sflag:s8] =	ssyncadd.s32 $0xFFFFC000  }
0x1c6: {  	[hbm4b:s22+s3] =	stream.linear.scatter [tilespmem:s6], [sflag:$0x3], $0x4000, $0x38;
	[tilespmem:$0x1A000] =	vst v63  }
0x1c7: {  	_ =	swait.ge [sflag:s9], $0x4000  }
0x1c8: {  	s23 =	sld [smem:$0x7D8]  }
0x1c9: {  	[sflag:s9] =	ssyncset.done $0x0  }
0x1ca: {  	[sflag:s9] =	ssyncadd.s32 $0xFFFFC000  }
0x1cb: {  	[tilespmem:s6], [sflag:$0x1] =	stream.indirect.gather [spmem:s2], $0x80, s23, s5, $0xb8;
	[tilespmem:$0x1A000] =	vst v63  }
0x1cc: {  	_ =	swait.ge [sflag:s10], $0x4000  }
0x1cd: {  	s24 =	sld [smem:$0x7D9]  }
0x1ce: {  	[sflag:s10] =	ssyncset.done $0x0  }
0x1cf: {  	[sflag:s10] =	ssyncadd.s32 $0xFFFFC000  }
0x1d0: {  	[hbm4b:s24+s3] =	stream.linear.scatter [tilespmem:s7], [sflag:$0x4], $0x4000, $0x38;
	[tilespmem:$0x1A000] =	vst v63  }
0x1d1: {  	_ =	swait.ge [sflag:s11], $0x4000  }
0x1d2: {  	s25 =	sld [smem:$0x7DA]  }
0x1d3: {  	[sflag:s11] =	ssyncset.done $0x0  }
0x1d4: {  	[sflag:s11] =	ssyncadd.s32 $0xFFFFC000  }
0x1d5: {  	[tilespmem:s7], [sflag:$0x2] =	stream.indirect.gather [spmem:s2], $0x80, s25, s5, $0xb8;
	[tilespmem:$0x1A000] =	vst v63  }
0x1d6: {  	_ =	swait.ge [sflag:s8], $0x4000  }
0x1d7: {  	s26 =	sld [smem:$0x7DB]  }
0x1d8: {  	[sflag:s8] =	ssyncset.done $0x0  }
0x1d9: {  	[sflag:s8] =	ssyncadd.s32 $0xFFFFC000  }
0x1da: {  	[hbm4b:s26+s3] =	stream.linear.scatter [tilespmem:s6], [sflag:$0x3], $0x4000, $0x38;
	[tilespmem:$0x1A000] =	vst v63  }
0x1db: {  	_ =	swait.ge [sflag:s9], $0x4000  }
0x1dc: {  	s1 =	sld [smem:$0x7DC]  }
0x1dd: {  	[sflag:s9] =	ssyncset.done $0x0  }
0x1de: {  	[sflag:s9] =	ssyncadd.s32 $0xFFFFC000  }
0x1df: {  	[tilespmem:s6], [sflag:$0x1] =	stream.indirect.gather [spmem:s2], $0x80, s1, s5, $0xb8;
	[tilespmem:$0x1A000] =	vst v63  }
0x1e0: {  	_ =	swait.ge [sflag:s10], $0x4000  }
0x1e1: {  	s13 =	sld [smem:$0x7DD]  }
0x1e2: {  	[sflag:s10] =	ssyncset.done $0x0  }
0x1e3: {  	[sflag:s10] =	ssyncadd.s32 $0xFFFFC000  }
0x1e4: {  	[hbm4b:s13+s3] =	stream.linear.scatter [tilespmem:s7], [sflag:$0x4], $0x4000, $0x38;
	[tilespmem:$0x1A000] =	vst v63  }
0x1e5: {  	_ =	swait.ge [sflag:s11], $0x4000  }
0x1e6: {  	s14 =	sld [smem:$0x7DE]  }
0x1e7: {  	[sflag:s11] =	ssyncset.done $0x0  }
0x1e8: {  	[sflag:s11] =	ssyncadd.s32 $0xFFFFC000  }
0x1e9: {  	[tilespmem:s7], [sflag:$0x2] =	stream.indirect.gather [spmem:s2], $0x80, s14, s5, $0xb8;
	[tilespmem:$0x1A000] =	vst v63  }
0x1ea: {  	_ =	swait.ge [sflag:s8], $0x4000  }
0x1eb: {  	s15 =	sld [smem:$0x7DF]  }
0x1ec: {  	[sflag:s8] =	ssyncset.done $0x0  }
0x1ed: {  	[sflag:s8] =	ssyncadd.s32 $0xFFFFC000  }
0x1ee: {  	[hbm4b:s15+s3] =	stream.linear.scatter [tilespmem:s6], [sflag:$0x3], $0x4000, $0x38;
	[tilespmem:$0x1A000] =	vst v63  }
0x1ef: {  	_ =	swait.ge [sflag:s9], $0x4000  }
0x1f0: {  	s16 =	sld [smem:$0x7E0]  }
0x1f1: {  	[sflag:s9] =	ssyncset.done $0x0  }
0x1f2: {  	[sflag:s9] =	ssyncadd.s32 $0xFFFFC000  }
0x1f3: {  	[tilespmem:s6], [sflag:$0x1] =	stream.indirect.gather [spmem:s2], $0x80, s16, s5, $0xb8;
	[tilespmem:$0x1A000] =	vst v63  }
0x1f4: {  	_ =	swait.ge [sflag:s10], $0x4000  }
0x1f5: {  	s17 =	sld [smem:$0x7E1]  }
0x1f6: {  	[sflag:s10] =	ssyncset.done $0x0  }
0x1f7: {  	[sflag:s10] =	ssyncadd.s32 $0xFFFFC000  }
0x1f8: {  	[hbm4b:s17+s3] =	stream.linear.scatter [tilespmem:s7], [sflag:$0x4], $0x4000, $0x38;
	[tilespmem:$0x1A000] =	vst v63  }
0x1f9: {  	_ =	swait.ge [sflag:s11], $0x4000  }
0x1fa: {  	s18 =	sld [smem:$0x7E2]  }
0x1fb: {  	[sflag:s11] =	ssyncset.done $0x0  }
0x1fc: {  	[sflag:s11] =	ssyncadd.s32 $0xFFFFC000  }
0x1fd: {  	[tilespmem:s7], [sflag:$0x2] =	stream.indirect.gather [spmem:s2], $0x80, s18, s5, $0xb8;
	[tilespmem:$0x1A000] =	vst v63  }
0x1fe: {  	_ =	swait.ge [sflag:s8], $0x4000  }
0x1ff: {  	s19 =	sld [smem:$0x7E3]  }
0x200: {  	[sflag:s8] =	ssyncset.done $0x0  }
0x201: {  	[sflag:s8] =	ssyncadd.s32 $0xFFFFC000  }
0x202: {  	[hbm4b:s19+s3] =	stream.linear.scatter [tilespmem:s6], [sflag:$0x3], $0x4000, $0x38;
	[tilespmem:$0x1A000] =	vst v63  }
0x203: {  	_ =	swait.ge [sflag:s9], $0x4000  }
0x204: {  	s20 =	sld [smem:$0x7E4]  }
0x205: {  	[sflag:s9] =	ssyncset.done $0x0  }
0x206: {  	[sflag:s9] =	ssyncadd.s32 $0xFFFFC000  }
0x207: {  	[tilespmem:s6], [sflag:$0x1] =	stream.indirect.gather [spmem:s2], $0x80, s20, s5, $0xb8;
	[tilespmem:$0x1A000] =	vst v63  }
0x208: {  	_ =	swait.ge [sflag:s10], $0x4000  }
0x209: {  	s21 =	sld [smem:$0x7E5]  }
0x20a: {  	[sflag:s10] =	ssyncset.done $0x0  }
0x20b: {  	[sflag:s10] =	ssyncadd.s32 $0xFFFFC000  }
0x20c: {  	[hbm4b:s21+s3] =	stream.linear.scatter [tilespmem:s7], [sflag:$0x4], $0x4000, $0x38;
	[tilespmem:$0x1A000] =	vst v63  }
0x20d: {  	_ =	swait.ge [sflag:s11], $0x4000  }
0x20e: {  	s22 =	sld [smem:$0x7E6]  }
0x20f: {  	[sflag:s11] =	ssyncset.done $0x0  }
0x210: {  	[sflag:s11] =	ssyncadd.s32 $0xFFFFC000  }
0x211: {  	[tilespmem:s7], [sflag:$0x2] =	stream.indirect.gather [spmem:s2], $0x80, s22, s5, $0xb8;
	[tilespmem:$0x1A000] =	vst v63  }
0x212: {  	_ =	swait.ge [sflag:s8], $0x4000  }
0x213: {  	s23 =	sld [smem:$0x7E7]  }
0x214: {  	[sflag:s8] =	ssyncset.done $0x0  }
0x215: {  	[sflag:s8] =	ssyncadd.s32 $0xFFFFC000  }
0x216: {  	[hbm4b:s23+s3] =	stream.linear.scatter [tilespmem:s6], [sflag:$0x3], $0x4000, $0x38;
	[tilespmem:$0x1A000] =	vst v63  }
0x217: {  	_ =	swait.ge [sflag:s9], $0x4000  }
0x218: {  	s24 =	sld [smem:$0x7E8]  }
0x219: {  	[sflag:s9] =	ssyncset.done $0x0  }
0x21a: {  	[sflag:s9] =	ssyncadd.s32 $0xFFFFC000  }
0x21b: {  	[tilespmem:s6], [sflag:$0x1] =	stream.indirect.gather [spmem:s2], $0x80, s24, s5, $0xb8;
	[tilespmem:$0x1A000] =	vst v63  }
0x21c: {  	_ =	swait.ge [sflag:s10], $0x4000  }
0x21d: {  	s25 =	sld [smem:$0x7E9]  }
0x21e: {  	[sflag:s10] =	ssyncset.done $0x0  }
0x21f: {  	[sflag:s10] =	ssyncadd.s32 $0xFFFFC000  }
0x220: {  	[hbm4b:s25+s3] =	stream.linear.scatter [tilespmem:s7], [sflag:$0x4], $0x4000, $0x38;
	[tilespmem:$0x1A000] =	vst v63  }
0x221: {  	_ =	swait.ge [sflag:s11], $0x4000  }
0x222: {  	[sflag:s11] =	ssyncset.done $0x0  }
0x223: {  	s26 =	simm.s32 $0x1680;
	[sflag:s11] =	ssyncadd.s32 $0xFFFFC000  }
0x224: {  	[tilespmem:s7], [sflag:$0x2] =	stream.indirect.gather [spmem:s2], $0x80, s26, s5, $0xb8;
	[tilespmem:$0x1A000] =	vst v63  }
0x225: {  	_ =	swait.ge [sflag:s8], $0x4000  }
0x226: {  	s13 =	sld [smem:$0x7EA]  }
0x227: {  	[sflag:s8] =	ssyncset.done $0x0  }
0x228: {  	[sflag:s8] =	ssyncadd.s32 $0xFFFFC000  }
0x229: {  	[hbm4b:s13+s3] =	stream.linear.scatter [tilespmem:s6], [sflag:$0x3], $0x4000, $0x38;
	[tilespmem:$0x1A000] =	vst v63  }
0x22a: {  	_ =	swait.ge [sflag:s9], $0x4000  }
0x22b: {  	[sflag:s9] =	ssyncset.done $0x0  }
0x22c: {  	s12 =	simm.s32 $0x1700;
	[sflag:s9] =	ssyncadd.s32 $0xFFFFC000  }
0x22d: {  	[tilespmem:s6], [sflag:$0x1] =	stream.indirect.gather [spmem:s2], $0x80, s12, s5, $0xb8;
	[tilespmem:$0x1A000] =	vst v63  }
0x22e: {  	_ =	swait.ge [sflag:s10], $0x4000  }
0x22f: {  	s14 =	sld [smem:$0x7EB]  }
0x230: {  	[sflag:s10] =	ssyncset.done $0x0  }
0x231: {  	[sflag:s10] =	ssyncadd.s32 $0xFFFFC000  }
0x232: {  	[hbm4b:s14+s3] =	stream.linear.scatter [tilespmem:s7], [sflag:$0x4], $0x4000, $0x38;
	[tilespmem:$0x1A000] =	vst v63  }
0x233: {  	_ =	swait.ge [sflag:s11], $0x4000  }
0x234: {  	[sflag:s11] =	ssyncset.done $0x0  }
0x235: {  	s14 =	simm.s32 $0x1780;
	[sflag:s11] =	ssyncadd.s32 $0xFFFFC000  }
0x236: {  	[tilespmem:s7], [sflag:$0x2] =	stream.indirect.gather [spmem:s2], $0x80, s14, s5, $0xb8;
	[tilespmem:$0x1A000] =	vst v63  }
0x237: {  	_ =	swait.ge [sflag:s8], $0x4000  }
0x238: {  	s15 =	sld [smem:$0x7EC]  }
0x239: {  	[sflag:s8] =	ssyncset.done $0x0  }
0x23a: {  	[sflag:s8] =	ssyncadd.s32 $0xFFFFC000  }
0x23b: {  	[hbm4b:s15+s3] =	stream.linear.scatter [tilespmem:s6], [sflag:$0x3], $0x4000, $0x38;
	[tilespmem:$0x1A000] =	vst v63  }
0x23c: {  	_ =	swait.ge [sflag:s9], $0x4000  }
0x23d: {  	[sflag:s9] =	ssyncset.done $0x0  }
0x23e: {  	s15 =	simm.s32 $0x1800;
	[sflag:s9] =	ssyncadd.s32 $0xFFFFC000  }
0x23f: {  	[tilespmem:s6], [sflag:$0x1] =	stream.indirect.gather [spmem:s2], $0x80, s15, s5, $0xb8;
	[tilespmem:$0x1A000] =	vst v63  }
0x240: {  	_ =	swait.ge [sflag:s10], $0x4000  }
0x241: {  	s16 =	sld [smem:$0x7ED]  }
0x242: {  	[sflag:s10] =	ssyncset.done $0x0  }
0x243: {  	[sflag:s10] =	ssyncadd.s32 $0xFFFFC000  }
0x244: {  	[hbm4b:s16+s3] =	stream.linear.scatter [tilespmem:s7], [sflag:$0x4], $0x4000, $0x38;
	[tilespmem:$0x1A000] =	vst v63  }
0x245: {  	_ =	swait.ge [sflag:s11], $0x4000  }
0x246: {  	[sflag:s11] =	ssyncset.done $0x0  }
0x247: {  	s16 =	simm.s32 $0x1880;
	[sflag:s11] =	ssyncadd.s32 $0xFFFFC000  }
0x248: {  	[tilespmem:s7], [sflag:$0x2] =	stream.indirect.gather [spmem:s2], $0x80, s16, s5, $0xb8;
	[tilespmem:$0x1A000] =	vst v63  }
0x249: {  	_ =	swait.ge [sflag:s8], $0x4000  }
0x24a: {  	s17 =	sld [smem:$0x7EE]  }
0x24b: {  	[sflag:s8] =	ssyncset.done $0x0  }
0x24c: {  	[sflag:s8] =	ssyncadd.s32 $0xFFFFC000  }
0x24d: {  	[hbm4b:s17+s3] =	stream.linear.scatter [tilespmem:s6], [sflag:$0x3], $0x4000, $0x38;
	[tilespmem:$0x1A000] =	vst v63  }
0x24e: {  	_ =	swait.ge [sflag:s9], $0x4000  }
0x24f: {  	[sflag:s9] =	ssyncset.done $0x0  }
0x250: {  	s17 =	simm.s32 $0x1900;
	[sflag:s9] =	ssyncadd.s32 $0xFFFFC000  }
0x251: {  	[tilespmem:s6], [sflag:$0x1] =	stream.indirect.gather [spmem:s2], $0x80, s17, s5, $0xb8;
	[tilespmem:$0x1A000] =	vst v63  }
0x252: {  	_ =	swait.ge [sflag:s10], $0x4000  }
0x253: {  	s18 =	sld [smem:$0x7EF]  }
0x254: {  	[sflag:s10] =	ssyncset.done $0x0  }
0x255: {  	[sflag:s10] =	ssyncadd.s32 $0xFFFFC000  }
0x256: {  	[hbm4b:s18+s3] =	stream.linear.scatter [tilespmem:s7], [sflag:$0x4], $0x4000, $0x38;
	[tilespmem:$0x1A000] =	vst v63  }
0x257: {  	_ =	swait.ge [sflag:s11], $0x4000  }
0x258: {  	[sflag:s11] =	ssyncset.done $0x0  }
0x259: {  	s18 =	simm.s32 $0x1980;
	[sflag:s11] =	ssyncadd.s32 $0xFFFFC000  }
0x25a: {  	[tilespmem:s7], [sflag:$0x2] =	stream.indirect.gather [spmem:s2], $0x80, s18, s5, $0xb8;
	[tilespmem:$0x1A000] =	vst v63  }
0x25b: {  	_ =	swait.ge [sflag:s8], $0x4000  }
0x25c: {  	s19 =	sld [smem:$0x7F0]  }
0x25d: {  	[sflag:s8] =	ssyncset.done $0x0  }
0x25e: {  	[sflag:s8] =	ssyncadd.s32 $0xFFFFC000  }
0x25f: {  	[hbm4b:s19+s3] =	stream.linear.scatter [tilespmem:s6], [sflag:$0x3], $0x4000, $0x38;
	[tilespmem:$0x1A000] =	vst v63  }
0x260: {  	_ =	swait.ge [sflag:s9], $0x4000  }
0x261: {  	[sflag:s9] =	ssyncset.done $0x0  }
0x262: {  	s19 =	simm.s32 $0x1A00;
	[sflag:s9] =	ssyncadd.s32 $0xFFFFC000  }
0x263: {  	[tilespmem:s6], [sflag:$0x1] =	stream.indirect.gather [spmem:s2], $0x80, s19, s5, $0xb8;
	[tilespmem:$0x1A000] =	vst v63  }
0x264: {  	_ =	swait.ge [sflag:s10], $0x4000  }
0x265: {  	s20 =	sld [smem:$0x7F1]  }
0x266: {  	[sflag:s10] =	ssyncset.done $0x0  }
0x267: {  	[sflag:s10] =	ssyncadd.s32 $0xFFFFC000  }
0x268: {  	[hbm4b:s20+s3] =	stream.linear.scatter [tilespmem:s7], [sflag:$0x4], $0x4000, $0x38;
	[tilespmem:$0x1A000] =	vst v63  }
0x269: {  	_ =	swait.ge [sflag:s11], $0x4000  }
0x26a: {  	[sflag:s11] =	ssyncset.done $0x0  }
0x26b: {  	s20 =	simm.s32 $0x1A80;
	[sflag:s11] =	ssyncadd.s32 $0xFFFFC000  }
0x26c: {  	[tilespmem:s7], [sflag:$0x2] =	stream.indirect.gather [spmem:s2], $0x80, s20, s5, $0xb8;
	[tilespmem:$0x1A000] =	vst v63  }
0x26d: {  	_ =	swait.ge [sflag:s8], $0x4000  }
0x26e: {  	s21 =	sld [smem:$0x7F2]  }
0x26f: {  	[sflag:s8] =	ssyncset.done $0x0  }
0x270: {  	[sflag:s8] =	ssyncadd.s32 $0xFFFFC000  }
0x271: {  	[hbm4b:s21+s3] =	stream.linear.scatter [tilespmem:s6], [sflag:$0x3], $0x4000, $0x38;
	[tilespmem:$0x1A000] =	vst v63  }
0x272: {  	_ =	swait.ge [sflag:s9], $0x4000  }
0x273: {  	[sflag:s9] =	ssyncset.done $0x0  }
0x274: {  	s21 =	simm.s32 $0x1B00;
	[sflag:s9] =	ssyncadd.s32 $0xFFFFC000  }
0x275: {  	[tilespmem:s6], [sflag:$0x1] =	stream.indirect.gather [spmem:s2], $0x80, s21, s5, $0xb8;
	[tilespmem:$0x1A000] =	vst v63  }
0x276: {  	_ =	swait.ge [sflag:s10], $0x4000  }
0x277: {  	s22 =	sld [smem:$0x7F3]  }
0x278: {  	[sflag:s10] =	ssyncset.done $0x0  }
0x279: {  	[sflag:s10] =	ssyncadd.s32 $0xFFFFC000  }
0x27a: {  	[hbm4b:s22+s3] =	stream.linear.scatter [tilespmem:s7], [sflag:$0x4], $0x4000, $0x38;
	[tilespmem:$0x1A000] =	vst v63  }
0x27b: {  	_ =	swait.ge [sflag:s11], $0x4000  }
0x27c: {  	[sflag:s11] =	ssyncset.done $0x0  }
0x27d: {  	s22 =	simm.s32 $0x1B80;
	[sflag:s11] =	ssyncadd.s32 $0xFFFFC000  }
0x27e: {  	[tilespmem:s7], [sflag:$0x2] =	stream.indirect.gather [spmem:s2], $0x80, s22, s5, $0xb8;
	[tilespmem:$0x1A000] =	vst v63  }
0x27f: {  	_ =	swait.ge [sflag:s8], $0x4000  }
0x280: {  	s23 =	sld [smem:$0x7F4]  }
0x281: {  	[sflag:s8] =	ssyncset.done $0x0  }
0x282: {  	[sflag:s8] =	ssyncadd.s32 $0xFFFFC000  }
0x283: {  	[hbm4b:s23+s3] =	stream.linear.scatter [tilespmem:s6], [sflag:$0x3], $0x4000, $0x38;
	[tilespmem:$0x1A000] =	vst v63  }
0x284: {  	_ =	swait.ge [sflag:s9], $0x4000  }
0x285: {  	[sflag:s9] =	ssyncset.done $0x0  }
0x286: {  	s23 =	simm.s32 $0x1C00;
	[sflag:s9] =	ssyncadd.s32 $0xFFFFC000  }
0x287: {  	[tilespmem:s6], [sflag:$0x1] =	stream.indirect.gather [spmem:s2], $0x80, s23, s5, $0xb8;
	[tilespmem:$0x1A000] =	vst v63  }
0x288: {  	_ =	swait.ge [sflag:s10], $0x4000  }
0x289: {  	s24 =	sld [smem:$0x7F5]  }
0x28a: {  	[sflag:s10] =	ssyncset.done $0x0  }
0x28b: {  	[sflag:s10] =	ssyncadd.s32 $0xFFFFC000  }
0x28c: {  	[hbm4b:s24+s3] =	stream.linear.scatter [tilespmem:s7], [sflag:$0x4], $0x4000, $0x38;
	[tilespmem:$0x1A000] =	vst v63  }
0x28d: {  	_ =	swait.ge [sflag:s11], $0x4000  }
0x28e: {  	[sflag:s11] =	ssyncset.done $0x0  }
0x28f: {  	s24 =	simm.s32 $0x1C80;
	[sflag:s11] =	ssyncadd.s32 $0xFFFFC000  }
0x290: {  	[tilespmem:s7], [sflag:$0x2] =	stream.indirect.gather [spmem:s2], $0x80, s24, s5, $0xb8;
	[tilespmem:$0x1A000] =	vst v63  }
0x291: {  	_ =	swait.ge [sflag:s8], $0x4000  }
0x292: {  	s25 =	sld [smem:$0x7F6]  }
0x293: {  	[sflag:s8] =	ssyncset.done $0x0  }
0x294: {  	[sflag:s8] =	ssyncadd.s32 $0xFFFFC000  }
0x295: {  	[hbm4b:s25+s3] =	stream.linear.scatter [tilespmem:s6], [sflag:$0x3], $0x4000, $0x38;
	[tilespmem:$0x1A000] =	vst v63  }
0x296: {  	_ =	swait.ge [sflag:s9], $0x4000  }
0x297: {  	[sflag:s9] =	ssyncset.done $0x0  }
0x298: {  	s25 =	simm.s32 $0x1D00;
	[sflag:s9] =	ssyncadd.s32 $0xFFFFC000  }
0x299: {  	[tilespmem:s6], [sflag:$0x1] =	stream.indirect.gather [spmem:s2], $0x80, s25, s5, $0xb8;
	[tilespmem:$0x1A000] =	vst v63  }
0x29a: {  	_ =	swait.ge [sflag:s10], $0x4000  }
0x29b: {  	s26 =	sld [smem:$0x7F7]  }
0x29c: {  	[sflag:s10] =	ssyncset.done $0x0  }
0x29d: {  	[sflag:s10] =	ssyncadd.s32 $0xFFFFC000  }
0x29e: {  	[hbm4b:s26+s3] =	stream.linear.scatter [tilespmem:s7], [sflag:$0x4], $0x4000, $0x38;
	[tilespmem:$0x1A000] =	vst v63  }
0x29f: {  	_ =	swait.ge [sflag:s11], $0x4000  }
0x2a0: {  	[sflag:s11] =	ssyncset.done $0x0  }
0x2a1: {  	s26 =	simm.s32 $0x1D80;
	[sflag:s11] =	ssyncadd.s32 $0xFFFFC000  }
0x2a2: {  	[tilespmem:s7], [sflag:$0x2] =	stream.indirect.gather [spmem:s2], $0x80, s26, s5, $0xb8;
	[tilespmem:$0x1A000] =	vst v63  }
0x2a3: {  	_ =	swait.ge [sflag:s8], $0x4000  }
0x2a4: {  	s28 =	sld [smem:$0x7F8]  }
0x2a5: {  	[sflag:s8] =	ssyncset.done $0x0  }
0x2a6: {  	[sflag:s8] =	ssyncadd.s32 $0xFFFFC000  }
0x2a7: {  	[hbm4b:s28+s3] =	stream.linear.scatter [tilespmem:s6], [sflag:$0x3], $0x4000, $0x38;
	[tilespmem:$0x1A000] =	vst v63  }
0x2a8: {  	_ =	swait.ge [sflag:s9], $0x4000  }
0x2a9: {  	[sflag:s9] =	ssyncset.done $0x0  }
0x2aa: {  	s28 =	simm.s32 $0x1E00;
	[sflag:s9] =	ssyncadd.s32 $0xFFFFC000  }
0x2ab: {  	[tilespmem:s6], [sflag:$0x1] =	stream.indirect.gather [spmem:s2], $0x80, s28, s5, $0xb8;
	[tilespmem:$0x1A000] =	vst v63  }
0x2ac: {  	_ =	swait.ge [sflag:s10], $0x4000  }
0x2ad: {  	s29 =	sld [smem:$0x7F9]  }
0x2ae: {  	[sflag:s10] =	ssyncset.done $0x0  }
0x2af: {  	[sflag:s10] =	ssyncadd.s32 $0xFFFFC000  }
0x2b0: {  	[hbm4b:s29+s3] =	stream.linear.scatter [tilespmem:s7], [sflag:$0x4], $0x4000, $0x38;
	[tilespmem:$0x1A000] =	vst v63  }
0x2b1: {  	_ =	swait.ge [sflag:s11], $0x4000  }
0x2b2: {  	[sflag:s11] =	ssyncset.done $0x0  }
0x2b3: {  	s29 =	simm.s32 $0x1E80;
	[sflag:s11] =	ssyncadd.s32 $0xFFFFC000  }
0x2b4: {  	[tilespmem:s7], [sflag:$0x2] =	stream.indirect.gather [spmem:s2], $0x80, s29, s5, $0xb8;
	[tilespmem:$0x1A000] =	vst v63  }
0x2b5: {  	_ =	swait.ge [sflag:s8], $0x4000  }
0x2b6: {  	s30 =	sld [smem:$0x7FA]  }
0x2b7: {  	[sflag:s8] =	ssyncset.done $0x0  }
0x2b8: {  	[sflag:s8] =	ssyncadd.s32 $0xFFFFC000  }
0x2b9: {  	[hbm4b:s30+s3] =	stream.linear.scatter [tilespmem:s6], [sflag:$0x3], $0x4000, $0x38;
	[tilespmem:$0x1A000] =	vst v63  }
0x2ba: {  	_ =	swait.ge [sflag:s9], $0x4000  }
0x2bb: {  	[sflag:s9] =	ssyncset.done $0x0  }
0x2bc: {  	s30 =	simm.s32 $0x1F00;
	[sflag:s9] =	ssyncadd.s32 $0xFFFFC000  }
0x2bd: {  	[tilespmem:s6], [sflag:$0x1] =	stream.indirect.gather [spmem:s2], $0x80, s30, s5, $0xb8;
	[tilespmem:$0x1A000] =	vst v63  }
0x2be: {  	_ =	swait.ge [sflag:s10], $0x4000  }
0x2bf: {  	s31 =	sld [smem:$0x7FB]  }
0x2c0: {  	[sflag:s10] =	ssyncset.done $0x0  }
0x2c1: {  	[sflag:s10] =	ssyncadd.s32 $0xFFFFC000  }
0x2c2: {  	[hbm4b:s31+s3] =	stream.linear.scatter [tilespmem:s7], [sflag:$0x4], $0x4000, $0x38;
	[tilespmem:$0x1A000] =	vst v63  }
0x2c3: {  	_ =	swait.ge [sflag:s11], $0x4000  }
0x2c4: {  	[sflag:s11] =	ssyncset.done $0x0  }
0x2c5: {  	s31 =	simm.s32 $0x1F80;
	[sflag:s11] =	ssyncadd.s32 $0xFFFFC000  }
0x2c6: {  	[tilespmem:s7], [sflag:$0x2] =	stream.indirect.gather [spmem:s2], $0x80, s31, s5, $0xb8;
	[tilespmem:$0x1A000] =	vst v63  }
0x2c7: {  	_ =	swait.ge [sflag:s8], $0x4000  }
0x2c8: {  	s13 =	sld [smem:$0x7FC]  }
0x2c9: {  	[sflag:s8] =	ssyncset.done $0x0  }
0x2ca: {  	s0 =	ssub.s32 $0x2, s0;
	[sflag:s8] =	ssyncadd.s32 $0xFFFFC000  }
0x2cb: {  	[hbm4b:s13+s3] =	stream.linear.scatter [tilespmem:s6], [sflag:$0x3], $0x4000, $0x38;
	[tilespmem:$0x1A000] =	vst v63  }
0x2cc: {  	s13 =	sshrl.u32 s0, $0x1;
	_ =	swait.ge [sflag:s10], $0x4000  }
0x2cd: {  	s0 =	ssub.s32 s0, s13;
	s12 =	sld [smem:$0x7FD]  }
0x2ce: {  	[sflag:s10] =	ssyncset.done $0x0;
	s0 =	smax.u32 s0, $0x1  }
0x2cf: {  	[sflag:s10] =	ssyncadd.s32 $0xFFFFC000;
	p0 =	sne.s32 s0, $0x1  }
0x2d0: {  	[hbm4b:s12+s3] =	stream.linear.scatter [tilespmem:s7], [sflag:$0x4], $0x4000, $0x38;
	[tilespmem:$0x1A000] =	vst v63  }
.Ltmp0:
0x2d1: {  	_ = 	snop;
	(pc) =	sbr.rel @!p0 .LBB2_2-.Ltmp0, $4  }
0x2d2: {  	_ =	swait.ge [sflag:s9], $0x4000  }
0x2d3: {  	[sflag:s9] =	ssyncset.done $0x0  }
0x2d4: {  	[sflag:s9] =	ssyncadd.s32 $0xFFFFC000  }
0x2d5: {  	s0 =	sadd.s32 $0xFFFFFFFF, s0;
	_ =	swait.ge [sflag:s11], $0x4000  }
.LBB2_1:
0x2d6: {  	[sflag:s11] =	ssyncset.done $0x0  }
0x2d7: {  	s13 =	sld [smem:$0x7AB]  }
0x2d8: {  	s1 =	rddreg [dreg:$0x4]  }
0x2d9: {  	[sflag:s11] =	ssyncadd.s32 $0xFFFFC000;
	s12 =	rddreg [dreg:$0x5]  }
0x2da: {  	[spmem:s13], [sflag:s12] =	dma.local [hbm:s1], $0x2000  }
0x2db: {  	_ =	swait.ge [sflag:s4], $0x2000  }
0x2dc: {  	[sflag:s4] =	ssyncset.done $0x0  }
0x2dd: {  	s12 =	rddreg [dreg:$0x6];
	[sflag:s4] =	ssyncadd.s32 $0xFFFFE000  }
0x2de: {  	[tilespmem:s3], [sflag:$0x5] =	stream.linear.gather [hbm4b:s12+s3], $0x2000, $0x38;
	[tilespmem:$0x1A000] =	vst v63  }
0x2df: {  	_ =	swait.ge [sflag:s4], $0x2000  }
0x2e0: {  	[sflag:s4] =	ssyncset.done $0x0  }
0x2e1: {  	[sflag:s4] =	ssyncadd.s32 $0xFFFFE000  }
0x2e2: {  	[bflag:$0x0] =	sbarrier.arrive $0xFFFF  }
0x2e3: {  	[tilespmem:s6], [sflag:$0x1] =	stream.indirect.gather [spmem:s2], $0x80, s3, s5, $0xb8;
	[tilespmem:$0x1A000] =	vst v63  }
0x2e4: {  	_ = 	snop  }
0x2e5: {  	[tilespmem:s7], [sflag:$0x2] =	stream.indirect.gather [spmem:s2], $0x80, s5, s5, $0xb8;
	[tilespmem:$0x1A000] =	vst v63  }
0x2e6: {  	_ =	swait.ge [sflag:s8], $0x4000  }
0x2e7: {  	[sflag:s8] =	ssyncset.done $0x0  }
0x2e8: {  	s13 =	rddreg [dreg:$0x7];
	[sflag:s8] =	ssyncadd.s32 $0xFFFFC000  }
0x2e9: {  	[hbm4b:s13+s3] =	stream.linear.scatter [tilespmem:s6], [sflag:$0x3], $0x4000, $0x38;
	[tilespmem:$0x1A000] =	vst v63  }
0x2ea: {  	_ =	swait.ge [sflag:s9], $0x4000  }
0x2eb: {  	s12 =	sld [smem:$0x7AC]  }
0x2ec: {  	[sflag:s9] =	ssyncset.done $0x0  }
0x2ed: {  	[sflag:s9] =	ssyncadd.s32 $0xFFFFC000  }
0x2ee: {  	[tilespmem:s6], [sflag:$0x1] =	stream.indirect.gather [spmem:s2], $0x80, s12, s5, $0xb8;
	[tilespmem:$0x1A000] =	vst v63  }
0x2ef: {  	_ =	swait.ge [sflag:s10], $0x4000  }
0x2f0: {  	[sflag:s10] =	ssyncset.done $0x0  }
0x2f1: {  	s13 =	rddreg [dreg:$0x8];
	[sflag:s10] =	ssyncadd.s32 $0xFFFFC000  }
0x2f2: {  	[hbm4b:s13+s3] =	stream.linear.scatter [tilespmem:s7], [sflag:$0x4], $0x4000, $0x38;
	[tilespmem:$0x1A000] =	vst v63  }
0x2f3: {  	_ =	swait.ge [sflag:s11], $0x4000  }
0x2f4: {  	s12 =	sld [smem:$0x7AD]  }
0x2f5: {  	[sflag:s11] =	ssyncset.done $0x0  }
0x2f6: {  	[sflag:s11] =	ssyncadd.s32 $0xFFFFC000  }
0x2f7: {  	[tilespmem:s7], [sflag:$0x2] =	stream.indirect.gather [spmem:s2], $0x80, s12, s5, $0xb8;
	[tilespmem:$0x1A000] =	vst v63  }
0x2f8: {  	_ =	swait.ge [sflag:s8], $0x4000  }
0x2f9: {  	[sflag:s8] =	ssyncset.done $0x0  }
0x2fa: {  	s13 =	rddreg [dreg:$0x9];
	[sflag:s8] =	ssyncadd.s32 $0xFFFFC000  }
0x2fb: {  	[hbm4b:s13+s3] =	stream.linear.scatter [tilespmem:s6], [sflag:$0x3], $0x4000, $0x38;
	[tilespmem:$0x1A000] =	vst v63  }
0x2fc: {  	_ =	swait.ge [sflag:s9], $0x4000  }
0x2fd: {  	s12 =	sld [smem:$0x7AE]  }
0x2fe: {  	[sflag:s9] =	ssyncset.done $0x0  }
0x2ff: {  	[sflag:s9] =	ssyncadd.s32 $0xFFFFC000  }
0x300: {  	[tilespmem:s6], [sflag:$0x1] =	stream.indirect.gather [spmem:s2], $0x80, s12, s5, $0xb8;
	[tilespmem:$0x1A000] =	vst v63  }
0x301: {  	_ =	swait.ge [sflag:s10], $0x4000  }
0x302: {  	[sflag:s10] =	ssyncset.done $0x0  }
0x303: {  	s13 =	rddreg [dreg:$0xa];
	[sflag:s10] =	ssyncadd.s32 $0xFFFFC000  }
0x304: {  	[hbm4b:s13+s3] =	stream.linear.scatter [tilespmem:s7], [sflag:$0x4], $0x4000, $0x38;
	[tilespmem:$0x1A000] =	vst v63  }
0x305: {  	_ =	swait.ge [sflag:s11], $0x4000  }
0x306: {  	s12 =	sld [smem:$0x7AF]  }
0x307: {  	[sflag:s11] =	ssyncset.done $0x0  }
0x308: {  	[sflag:s11] =	ssyncadd.s32 $0xFFFFC000  }
0x309: {  	[tilespmem:s7], [sflag:$0x2] =	stream.indirect.gather [spmem:s2], $0x80, s12, s5, $0xb8;
	[tilespmem:$0x1A000] =	vst v63  }
0x30a: {  	_ =	swait.ge [sflag:s8], $0x4000  }
0x30b: {  	[sflag:s8] =	ssyncset.done $0x0  }
0x30c: {  	s13 =	rddreg [dreg:$0xb];
	[sflag:s8] =	ssyncadd.s32 $0xFFFFC000  }
0x30d: {  	[hbm4b:s13+s3] =	stream.linear.scatter [tilespmem:s6], [sflag:$0x3], $0x4000, $0x38;
	[tilespmem:$0x1A000] =	vst v63  }
0x30e: {  	_ =	swait.ge [sflag:s9], $0x4000  }
0x30f: {  	s12 =	sld [smem:$0x7B0]  }
0x310: {  	[sflag:s9] =	ssyncset.done $0x0  }
0x311: {  	[sflag:s9] =	ssyncadd.s32 $0xFFFFC000  }
0x312: {  	[tilespmem:s6], [sflag:$0x1] =	stream.indirect.gather [spmem:s2], $0x80, s12, s5, $0xb8;
	[tilespmem:$0x1A000] =	vst v63  }
0x313: {  	_ =	swait.ge [sflag:s10], $0x4000  }
0x314: {  	[sflag:s10] =	ssyncset.done $0x0  }
0x315: {  	s13 =	rddreg [dreg:$0xc];
	[sflag:s10] =	ssyncadd.s32 $0xFFFFC000  }
0x316: {  	[hbm4b:s13+s3] =	stream.linear.scatter [tilespmem:s7], [sflag:$0x4], $0x4000, $0x38;
	[tilespmem:$0x1A000] =	vst v63  }
0x317: {  	_ =	swait.ge [sflag:s11], $0x4000  }
0x318: {  	s12 =	sld [smem:$0x7B1]  }
0x319: {  	[sflag:s11] =	ssyncset.done $0x0  }
0x31a: {  	[sflag:s11] =	ssyncadd.s32 $0xFFFFC000  }
0x31b: {  	[tilespmem:s7], [sflag:$0x2] =	stream.indirect.gather [spmem:s2], $0x80, s12, s5, $0xb8;
	[tilespmem:$0x1A000] =	vst v63  }
0x31c: {  	_ =	swait.ge [sflag:s8], $0x4000  }
0x31d: {  	[sflag:s8] =	ssyncset.done $0x0  }
0x31e: {  	s13 =	rddreg [dreg:$0xd];
	[sflag:s8] =	ssyncadd.s32 $0xFFFFC000  }
0x31f: {  	[hbm4b:s13+s3] =	stream.linear.scatter [tilespmem:s6], [sflag:$0x3], $0x4000, $0x38;
	[tilespmem:$0x1A000] =	vst v63  }
0x320: {  	_ =	swait.ge [sflag:s9], $0x4000  }
0x321: {  	s12 =	sld [smem:$0x7B2]  }
0x322: {  	[sflag:s9] =	ssyncset.done $0x0  }
0x323: {  	[sflag:s9] =	ssyncadd.s32 $0xFFFFC000  }
0x324: {  	[tilespmem:s6], [sflag:$0x1] =	stream.indirect.gather [spmem:s2], $0x80, s12, s5, $0xb8;
	[tilespmem:$0x1A000] =	vst v63  }
0x325: {  	_ =	swait.ge [sflag:s10], $0x4000  }
0x326: {  	[sflag:s10] =	ssyncset.done $0x0  }
0x327: {  	s13 =	rddreg [dreg:$0xe];
	[sflag:s10] =	ssyncadd.s32 $0xFFFFC000  }
0x328: {  	[hbm4b:s13+s3] =	stream.linear.scatter [tilespmem:s7], [sflag:$0x4], $0x4000, $0x38;
	[tilespmem:$0x1A000] =	vst v63  }
0x329: {  	_ =	swait.ge [sflag:s11], $0x4000  }
0x32a: {  	s12 =	sld [smem:$0x7B3]  }
0x32b: {  	[sflag:s11] =	ssyncset.done $0x0  }
0x32c: {  	[sflag:s11] =	ssyncadd.s32 $0xFFFFC000  }
0x32d: {  	[tilespmem:s7], [sflag:$0x2] =	stream.indirect.gather [spmem:s2], $0x80, s12, s5, $0xb8;
	[tilespmem:$0x1A000] =	vst v63  }
0x32e: {  	_ =	swait.ge [sflag:s8], $0x4000  }
0x32f: {  	[sflag:s8] =	ssyncset.done $0x0  }
0x330: {  	s13 =	rddreg [dreg:$0xf];
	[sflag:s8] =	ssyncadd.s32 $0xFFFFC000  }
0x331: {  	[hbm4b:s13+s3] =	stream.linear.scatter [tilespmem:s6], [sflag:$0x3], $0x4000, $0x38;
	[tilespmem:$0x1A000] =	vst v63  }
0x332: {  	_ =	swait.ge [sflag:s9], $0x4000  }
0x333: {  	s12 =	sld [smem:$0x7B4]  }
0x334: {  	[sflag:s9] =	ssyncset.done $0x0  }
0x335: {  	[sflag:s9] =	ssyncadd.s32 $0xFFFFC000  }
0x336: {  	[tilespmem:s6], [sflag:$0x1] =	stream.indirect.gather [spmem:s2], $0x80, s12, s5, $0xb8;
	[tilespmem:$0x1A000] =	vst v63  }
0x337: {  	_ =	swait.ge [sflag:s10], $0x4000  }
0x338: {  	[sflag:s10] =	ssyncset.done $0x0  }
0x339: {  	s13 =	rddreg [dreg:$0x10];
	[sflag:s10] =	ssyncadd.s32 $0xFFFFC000  }
0x33a: {  	[hbm4b:s13+s3] =	stream.linear.scatter [tilespmem:s7], [sflag:$0x4], $0x4000, $0x38;
	[tilespmem:$0x1A000] =	vst v63  }
0x33b: {  	_ =	swait.ge [sflag:s11], $0x4000  }
0x33c: {  	s12 =	sld [smem:$0x7B5]  }
0x33d: {  	[sflag:s11] =	ssyncset.done $0x0  }
0x33e: {  	[sflag:s11] =	ssyncadd.s32 $0xFFFFC000  }
0x33f: {  	[tilespmem:s7], [sflag:$0x2] =	stream.indirect.gather [spmem:s2], $0x80, s12, s5, $0xb8;
	[tilespmem:$0x1A000] =	vst v63  }
0x340: {  	_ =	swait.ge [sflag:s8], $0x4000  }
0x341: {  	[sflag:s8] =	ssyncset.done $0x0  }
0x342: {  	s13 =	rddreg [dreg:$0x11];
	[sflag:s8] =	ssyncadd.s32 $0xFFFFC000  }
0x343: {  	[hbm4b:s13+s3] =	stream.linear.scatter [tilespmem:s6], [sflag:$0x3], $0x4000, $0x38;
	[tilespmem:$0x1A000] =	vst v63  }
0x344: {  	_ =	swait.ge [sflag:s9], $0x4000  }
0x345: {  	s12 =	sld [smem:$0x7B6]  }
0x346: {  	[sflag:s9] =	ssyncset.done $0x0  }
0x347: {  	[sflag:s9] =	ssyncadd.s32 $0xFFFFC000  }
0x348: {  	[tilespmem:s6], [sflag:$0x1] =	stream.indirect.gather [spmem:s2], $0x80, s12, s5, $0xb8;
	[tilespmem:$0x1A000] =	vst v63  }
0x349: {  	_ =	swait.ge [sflag:s10], $0x4000  }
0x34a: {  	[sflag:s10] =	ssyncset.done $0x0  }
0x34b: {  	s13 =	rddreg [dreg:$0x12];
	[sflag:s10] =	ssyncadd.s32 $0xFFFFC000  }
0x34c: {  	[hbm4b:s13+s3] =	stream.linear.scatter [tilespmem:s7], [sflag:$0x4], $0x4000, $0x38;
	[tilespmem:$0x1A000] =	vst v63  }
0x34d: {  	_ =	swait.ge [sflag:s11], $0x4000  }
0x34e: {  	s12 =	sld [smem:$0x7B7]  }
0x34f: {  	[sflag:s11] =	ssyncset.done $0x0  }
0x350: {  	[sflag:s11] =	ssyncadd.s32 $0xFFFFC000  }
0x351: {  	[tilespmem:s7], [sflag:$0x2] =	stream.indirect.gather [spmem:s2], $0x80, s12, s5, $0xb8;
	[tilespmem:$0x1A000] =	vst v63  }
0x352: {  	_ =	swait.ge [sflag:s8], $0x4000  }
0x353: {  	[sflag:s8] =	ssyncset.done $0x0  }
0x354: {  	s13 =	rddreg [dreg:$0x13];
	[sflag:s8] =	ssyncadd.s32 $0xFFFFC000  }
0x355: {  	[hbm4b:s13+s3] =	stream.linear.scatter [tilespmem:s6], [sflag:$0x3], $0x4000, $0x38;
	[tilespmem:$0x1A000] =	vst v63  }
0x356: {  	_ =	swait.ge [sflag:s9], $0x4000  }
0x357: {  	s12 =	sld [smem:$0x7B8]  }
0x358: {  	[sflag:s9] =	ssyncset.done $0x0  }
0x359: {  	[sflag:s9] =	ssyncadd.s32 $0xFFFFC000  }
0x35a: {  	[tilespmem:s6], [sflag:$0x1] =	stream.indirect.gather [spmem:s2], $0x80, s12, s5, $0xb8;
	[tilespmem:$0x1A000] =	vst v63  }
0x35b: {  	_ =	swait.ge [sflag:s10], $0x4000  }
0x35c: {  	[sflag:s10] =	ssyncset.done $0x0  }
0x35d: {  	s13 =	rddreg [dreg:$0x14];
	[sflag:s10] =	ssyncadd.s32 $0xFFFFC000  }
0x35e: {  	[hbm4b:s13+s3] =	stream.linear.scatter [tilespmem:s7], [sflag:$0x4], $0x4000, $0x38;
	[tilespmem:$0x1A000] =	vst v63  }
0x35f: {  	_ =	swait.ge [sflag:s11], $0x4000  }
0x360: {  	s12 =	sld [smem:$0x7B9]  }
0x361: {  	[sflag:s11] =	ssyncset.done $0x0  }
0x362: {  	[sflag:s11] =	ssyncadd.s32 $0xFFFFC000  }
0x363: {  	[tilespmem:s7], [sflag:$0x2] =	stream.indirect.gather [spmem:s2], $0x80, s12, s5, $0xb8;
	[tilespmem:$0x1A000] =	vst v63  }
0x364: {  	_ =	swait.ge [sflag:s8], $0x4000  }
0x365: {  	[sflag:s8] =	ssyncset.done $0x0  }
0x366: {  	s13 =	rddreg [dreg:$0x15];
	[sflag:s8] =	ssyncadd.s32 $0xFFFFC000  }
0x367: {  	[hbm4b:s13+s3] =	stream.linear.scatter [tilespmem:s6], [sflag:$0x3], $0x4000, $0x38;
	[tilespmem:$0x1A000] =	vst v63  }
0x368: {  	_ =	swait.ge [sflag:s9], $0x4000  }
0x369: {  	s12 =	sld [smem:$0x7BA]  }
0x36a: {  	[sflag:s9] =	ssyncset.done $0x0  }
0x36b: {  	[sflag:s9] =	ssyncadd.s32 $0xFFFFC000  }
0x36c: {  	[tilespmem:s6], [sflag:$0x1] =	stream.indirect.gather [spmem:s2], $0x80, s12, s5, $0xb8;
	[tilespmem:$0x1A000] =	vst v63  }
0x36d: {  	_ =	swait.ge [sflag:s10], $0x4000  }
0x36e: {  	[sflag:s10] =	ssyncset.done $0x0  }
0x36f: {  	s13 =	rddreg [dreg:$0x16];
	[sflag:s10] =	ssyncadd.s32 $0xFFFFC000  }
0x370: {  	[hbm4b:s13+s3] =	stream.linear.scatter [tilespmem:s7], [sflag:$0x4], $0x4000, $0x38;
	[tilespmem:$0x1A000] =	vst v63  }
0x371: {  	_ =	swait.ge [sflag:s11], $0x4000  }
0x372: {  	s12 =	sld [smem:$0x7BB]  }
0x373: {  	[sflag:s11] =	ssyncset.done $0x0  }
0x374: {  	[sflag:s11] =	ssyncadd.s32 $0xFFFFC000  }
0x375: {  	[tilespmem:s7], [sflag:$0x2] =	stream.indirect.gather [spmem:s2], $0x80, s12, s5, $0xb8;
	[tilespmem:$0x1A000] =	vst v63  }
0x376: {  	_ =	swait.ge [sflag:s8], $0x4000  }
0x377: {  	[sflag:s8] =	ssyncset.done $0x0  }
0x378: {  	s13 =	rddreg [dreg:$0x17];
	[sflag:s8] =	ssyncadd.s32 $0xFFFFC000  }
0x379: {  	[hbm4b:s13+s3] =	stream.linear.scatter [tilespmem:s6], [sflag:$0x3], $0x4000, $0x38;
	[tilespmem:$0x1A000] =	vst v63  }
0x37a: {  	_ =	swait.ge [sflag:s9], $0x4000  }
0x37b: {  	s12 =	sld [smem:$0x7BC]  }
0x37c: {  	[sflag:s9] =	ssyncset.done $0x0  }
0x37d: {  	[sflag:s9] =	ssyncadd.s32 $0xFFFFC000  }
0x37e: {  	[tilespmem:s6], [sflag:$0x1] =	stream.indirect.gather [spmem:s2], $0x80, s12, s5, $0xb8;
	[tilespmem:$0x1A000] =	vst v63  }
0x37f: {  	_ =	swait.ge [sflag:s10], $0x4000  }
0x380: {  	[sflag:s10] =	ssyncset.done $0x0  }
0x381: {  	s13 =	rddreg [dreg:$0x18];
	[sflag:s10] =	ssyncadd.s32 $0xFFFFC000  }
0x382: {  	[hbm4b:s13+s3] =	stream.linear.scatter [tilespmem:s7], [sflag:$0x4], $0x4000, $0x38;
	[tilespmem:$0x1A000] =	vst v63  }
0x383: {  	_ =	swait.ge [sflag:s11], $0x4000  }
0x384: {  	s12 =	sld [smem:$0x7BD]  }
0x385: {  	[sflag:s11] =	ssyncset.done $0x0  }
0x386: {  	[sflag:s11] =	ssyncadd.s32 $0xFFFFC000  }
0x387: {  	[tilespmem:s7], [sflag:$0x2] =	stream.indirect.gather [spmem:s2], $0x80, s12, s5, $0xb8;
	[tilespmem:$0x1A000] =	vst v63  }
0x388: {  	_ =	swait.ge [sflag:s8], $0x4000  }
0x389: {  	[sflag:s8] =	ssyncset.done $0x0  }
0x38a: {  	s13 =	rddreg [dreg:$0x19];
	[sflag:s8] =	ssyncadd.s32 $0xFFFFC000  }
0x38b: {  	[hbm4b:s13+s3] =	stream.linear.scatter [tilespmem:s6], [sflag:$0x3], $0x4000, $0x38;
	[tilespmem:$0x1A000] =	vst v63  }
0x38c: {  	_ =	swait.ge [sflag:s9], $0x4000  }
0x38d: {  	s12 =	sld [smem:$0x7BE]  }
0x38e: {  	[sflag:s9] =	ssyncset.done $0x0  }
0x38f: {  	[sflag:s9] =	ssyncadd.s32 $0xFFFFC000  }
0x390: {  	[tilespmem:s6], [sflag:$0x1] =	stream.indirect.gather [spmem:s2], $0x80, s12, s5, $0xb8;
	[tilespmem:$0x1A000] =	vst v63  }
0x391: {  	_ =	swait.ge [sflag:s10], $0x4000  }
0x392: {  	[sflag:s10] =	ssyncset.done $0x0  }
0x393: {  	s13 =	rddreg [dreg:$0x1a];
	[sflag:s10] =	ssyncadd.s32 $0xFFFFC000  }
0x394: {  	[hbm4b:s13+s3] =	stream.linear.scatter [tilespmem:s7], [sflag:$0x4], $0x4000, $0x38;
	[tilespmem:$0x1A000] =	vst v63  }
0x395: {  	_ =	swait.ge [sflag:s11], $0x4000  }
0x396: {  	s12 =	sld [smem:$0x7BF]  }
0x397: {  	[sflag:s11] =	ssyncset.done $0x0  }
0x398: {  	[sflag:s11] =	ssyncadd.s32 $0xFFFFC000  }
0x399: {  	[tilespmem:s7], [sflag:$0x2] =	stream.indirect.gather [spmem:s2], $0x80, s12, s5, $0xb8;
	[tilespmem:$0x1A000] =	vst v63  }
0x39a: {  	_ =	swait.ge [sflag:s8], $0x4000  }
0x39b: {  	[sflag:s8] =	ssyncset.done $0x0  }
0x39c: {  	s13 =	rddreg [dreg:$0x1b];
	[sflag:s8] =	ssyncadd.s32 $0xFFFFC000  }
0x39d: {  	[hbm4b:s13+s3] =	stream.linear.scatter [tilespmem:s6], [sflag:$0x3], $0x4000, $0x38;
	[tilespmem:$0x1A000] =	vst v63  }
0x39e: {  	_ =	swait.ge [sflag:s9], $0x4000  }
0x39f: {  	s12 =	sld [smem:$0x7C0]  }
0x3a0: {  	[sflag:s9] =	ssyncset.done $0x0  }
0x3a1: {  	[sflag:s9] =	ssyncadd.s32 $0xFFFFC000  }
0x3a2: {  	[tilespmem:s6], [sflag:$0x1] =	stream.indirect.gather [spmem:s2], $0x80, s12, s5, $0xb8;
	[tilespmem:$0x1A000] =	vst v63  }
0x3a3: {  	_ =	swait.ge [sflag:s10], $0x4000  }
0x3a4: {  	[sflag:s10] =	ssyncset.done $0x0  }
0x3a5: {  	s13 =	rddreg [dreg:$0x1c];
	[sflag:s10] =	ssyncadd.s32 $0xFFFFC000  }
0x3a6: {  	[hbm4b:s13+s3] =	stream.linear.scatter [tilespmem:s7], [sflag:$0x4], $0x4000, $0x38;
	[tilespmem:$0x1A000] =	vst v63  }
0x3a7: {  	_ =	swait.ge [sflag:s11], $0x4000  }
0x3a8: {  	s12 =	sld [smem:$0x7C1]  }
0x3a9: {  	[sflag:s11] =	ssyncset.done $0x0  }
0x3aa: {  	[sflag:s11] =	ssyncadd.s32 $0xFFFFC000  }
0x3ab: {  	[tilespmem:s7], [sflag:$0x2] =	stream.indirect.gather [spmem:s2], $0x80, s12, s5, $0xb8;
	[tilespmem:$0x1A000] =	vst v63  }
0x3ac: {  	_ =	swait.ge [sflag:s8], $0x4000  }
0x3ad: {  	[sflag:s8] =	ssyncset.done $0x0  }
0x3ae: {  	s13 =	rddreg [dreg:$0x1d];
	[sflag:s8] =	ssyncadd.s32 $0xFFFFC000  }
0x3af: {  	[hbm4b:s13+s3] =	stream.linear.scatter [tilespmem:s6], [sflag:$0x3], $0x4000, $0x38;
	[tilespmem:$0x1A000] =	vst v63  }
0x3b0: {  	_ =	swait.ge [sflag:s9], $0x4000  }
0x3b1: {  	s12 =	sld [smem:$0x7C2]  }
0x3b2: {  	[sflag:s9] =	ssyncset.done $0x0  }
0x3b3: {  	[sflag:s9] =	ssyncadd.s32 $0xFFFFC000  }
0x3b4: {  	[tilespmem:s6], [sflag:$0x1] =	stream.indirect.gather [spmem:s2], $0x80, s12, s5, $0xb8;
	[tilespmem:$0x1A000] =	vst v63  }
0x3b5: {  	_ =	swait.ge [sflag:s10], $0x4000  }
0x3b6: {  	[sflag:s10] =	ssyncset.done $0x0  }
0x3b7: {  	s13 =	rddreg [dreg:$0x1e];
	[sflag:s10] =	ssyncadd.s32 $0xFFFFC000  }
0x3b8: {  	[hbm4b:s13+s3] =	stream.linear.scatter [tilespmem:s7], [sflag:$0x4], $0x4000, $0x38;
	[tilespmem:$0x1A000] =	vst v63  }
0x3b9: {  	_ =	swait.ge [sflag:s11], $0x4000  }
0x3ba: {  	s12 =	sld [smem:$0x7C3]  }
0x3bb: {  	[sflag:s11] =	ssyncset.done $0x0  }
0x3bc: {  	[sflag:s11] =	ssyncadd.s32 $0xFFFFC000  }
0x3bd: {  	[tilespmem:s7], [sflag:$0x2] =	stream.indirect.gather [spmem:s2], $0x80, s12, s5, $0xb8;
	[tilespmem:$0x1A000] =	vst v63  }
0x3be: {  	_ =	swait.ge [sflag:s8], $0x4000  }
0x3bf: {  	[sflag:s8] =	ssyncset.done $0x0  }
0x3c0: {  	s13 =	rddreg [dreg:$0x1f];
	[sflag:s8] =	ssyncadd.s32 $0xFFFFC000  }
0x3c1: {  	[hbm4b:s13+s3] =	stream.linear.scatter [tilespmem:s6], [sflag:$0x3], $0x4000, $0x38;
	[tilespmem:$0x1A000] =	vst v63  }
0x3c2: {  	_ =	swait.ge [sflag:s9], $0x4000  }
0x3c3: {  	s12 =	sld [smem:$0x7C4]  }
0x3c4: {  	[sflag:s9] =	ssyncset.done $0x0  }
0x3c5: {  	[sflag:s9] =	ssyncadd.s32 $0xFFFFC000  }
0x3c6: {  	[tilespmem:s6], [sflag:$0x1] =	stream.indirect.gather [spmem:s2], $0x80, s12, s5, $0xb8;
	[tilespmem:$0x1A000] =	vst v63  }
0x3c7: {  	_ =	swait.ge [sflag:s10], $0x4000  }
0x3c8: {  	s13 =	sld [smem:$0x7C5]  }
0x3c9: {  	[sflag:s10] =	ssyncset.done $0x0  }
0x3ca: {  	[sflag:s10] =	ssyncadd.s32 $0xFFFFC000  }
0x3cb: {  	[hbm4b:s13+s3] =	stream.linear.scatter [tilespmem:s7], [sflag:$0x4], $0x4000, $0x38;
	[tilespmem:$0x1A000] =	vst v63  }
0x3cc: {  	_ =	swait.ge [sflag:s11], $0x4000  }
0x3cd: {  	s12 =	sld [smem:$0x7C6]  }
0x3ce: {  	[sflag:s11] =	ssyncset.done $0x0  }
0x3cf: {  	[sflag:s11] =	ssyncadd.s32 $0xFFFFC000  }
0x3d0: {  	[tilespmem:s7], [sflag:$0x2] =	stream.indirect.gather [spmem:s2], $0x80, s12, s5, $0xb8;
	[tilespmem:$0x1A000] =	vst v63  }
0x3d1: {  	_ =	swait.ge [sflag:s8], $0x4000  }
0x3d2: {  	s13 =	sld [smem:$0x7C7]  }
0x3d3: {  	[sflag:s8] =	ssyncset.done $0x0  }
0x3d4: {  	[sflag:s8] =	ssyncadd.s32 $0xFFFFC000  }
0x3d5: {  	[hbm4b:s13+s3] =	stream.linear.scatter [tilespmem:s6], [sflag:$0x3], $0x4000, $0x38;
	[tilespmem:$0x1A000] =	vst v63  }
0x3d6: {  	_ =	swait.ge [sflag:s9], $0x4000  }
0x3d7: {  	s12 =	sld [smem:$0x7C8]  }
0x3d8: {  	[sflag:s9] =	ssyncset.done $0x0  }
0x3d9: {  	[sflag:s9] =	ssyncadd.s32 $0xFFFFC000  }
0x3da: {  	[tilespmem:s6], [sflag:$0x1] =	stream.indirect.gather [spmem:s2], $0x80, s12, s5, $0xb8;
	[tilespmem:$0x1A000] =	vst v63  }
0x3db: {  	_ =	swait.ge [sflag:s10], $0x4000  }
0x3dc: {  	s13 =	sld [smem:$0x7C9]  }
0x3dd: {  	[sflag:s10] =	ssyncset.done $0x0  }
0x3de: {  	[sflag:s10] =	ssyncadd.s32 $0xFFFFC000  }
0x3df: {  	[hbm4b:s13+s3] =	stream.linear.scatter [tilespmem:s7], [sflag:$0x4], $0x4000, $0x38;
	[tilespmem:$0x1A000] =	vst v63  }
0x3e0: {  	_ =	swait.ge [sflag:s11], $0x4000  }
0x3e1: {  	s12 =	sld [smem:$0x7CA]  }
0x3e2: {  	[sflag:s11] =	ssyncset.done $0x0  }
0x3e3: {  	[sflag:s11] =	ssyncadd.s32 $0xFFFFC000  }
0x3e4: {  	[tilespmem:s7], [sflag:$0x2] =	stream.indirect.gather [spmem:s2], $0x80, s12, s5, $0xb8;
	[tilespmem:$0x1A000] =	vst v63  }
0x3e5: {  	_ =	swait.ge [sflag:s8], $0x4000  }
0x3e6: {  	s13 =	sld [smem:$0x7CB]  }
0x3e7: {  	[sflag:s8] =	ssyncset.done $0x0  }
0x3e8: {  	[sflag:s8] =	ssyncadd.s32 $0xFFFFC000  }
0x3e9: {  	[hbm4b:s13+s3] =	stream.linear.scatter [tilespmem:s6], [sflag:$0x3], $0x4000, $0x38;
	[tilespmem:$0x1A000] =	vst v63  }
0x3ea: {  	_ =	swait.ge [sflag:s9], $0x4000  }
0x3eb: {  	s12 =	sld [smem:$0x7CC]  }
0x3ec: {  	[sflag:s9] =	ssyncset.done $0x0  }
0x3ed: {  	[sflag:s9] =	ssyncadd.s32 $0xFFFFC000  }
0x3ee: {  	[tilespmem:s6], [sflag:$0x1] =	stream.indirect.gather [spmem:s2], $0x80, s12, s5, $0xb8;
	[tilespmem:$0x1A000] =	vst v63  }
0x3ef: {  	_ =	swait.ge [sflag:s10], $0x4000  }
0x3f0: {  	s13 =	sld [smem:$0x7CD]  }
0x3f1: {  	[sflag:s10] =	ssyncset.done $0x0  }
0x3f2: {  	[sflag:s10] =	ssyncadd.s32 $0xFFFFC000  }
0x3f3: {  	[hbm4b:s13+s3] =	stream.linear.scatter [tilespmem:s7], [sflag:$0x4], $0x4000, $0x38;
	[tilespmem:$0x1A000] =	vst v63  }
0x3f4: {  	_ =	swait.ge [sflag:s11], $0x4000  }
0x3f5: {  	s12 =	sld [smem:$0x7CE]  }
0x3f6: {  	[sflag:s11] =	ssyncset.done $0x0  }
0x3f7: {  	[sflag:s11] =	ssyncadd.s32 $0xFFFFC000  }
0x3f8: {  	[tilespmem:s7], [sflag:$0x2] =	stream.indirect.gather [spmem:s2], $0x80, s12, s5, $0xb8;
	[tilespmem:$0x1A000] =	vst v63  }
0x3f9: {  	_ =	swait.ge [sflag:s8], $0x4000  }
0x3fa: {  	s13 =	sld [smem:$0x7CF]  }
0x3fb: {  	[sflag:s8] =	ssyncset.done $0x0  }
0x3fc: {  	[sflag:s8] =	ssyncadd.s32 $0xFFFFC000  }
0x3fd: {  	[hbm4b:s13+s3] =	stream.linear.scatter [tilespmem:s6], [sflag:$0x3], $0x4000, $0x38;
	[tilespmem:$0x1A000] =	vst v63  }
0x3fe: {  	_ =	swait.ge [sflag:s9], $0x4000  }
0x3ff: {  	s12 =	sld [smem:$0x7D0]  }
0x400: {  	[sflag:s9] =	ssyncset.done $0x0  }
0x401: {  	[sflag:s9] =	ssyncadd.s32 $0xFFFFC000  }
0x402: {  	[tilespmem:s6], [sflag:$0x1] =	stream.indirect.gather [spmem:s2], $0x80, s12, s5, $0xb8;
	[tilespmem:$0x1A000] =	vst v63  }
0x403: {  	_ =	swait.ge [sflag:s10], $0x4000  }
0x404: {  	s13 =	sld [smem:$0x7D1]  }
0x405: {  	[sflag:s10] =	ssyncset.done $0x0  }
0x406: {  	[sflag:s10] =	ssyncadd.s32 $0xFFFFC000  }
0x407: {  	[hbm4b:s13+s3] =	stream.linear.scatter [tilespmem:s7], [sflag:$0x4], $0x4000, $0x38;
	[tilespmem:$0x1A000] =	vst v63  }
0x408: {  	_ =	swait.ge [sflag:s11], $0x4000  }
0x409: {  	s12 =	sld [smem:$0x7D2]  }
0x40a: {  	[sflag:s11] =	ssyncset.done $0x0  }
0x40b: {  	[sflag:s11] =	ssyncadd.s32 $0xFFFFC000  }
0x40c: {  	[tilespmem:s7], [sflag:$0x2] =	stream.indirect.gather [spmem:s2], $0x80, s12, s5, $0xb8;
	[tilespmem:$0x1A000] =	vst v63  }
0x40d: {  	_ =	swait.ge [sflag:s8], $0x4000  }
0x40e: {  	s13 =	sld [smem:$0x7D3]  }
0x40f: {  	[sflag:s8] =	ssyncset.done $0x0  }
0x410: {  	[sflag:s8] =	ssyncadd.s32 $0xFFFFC000  }
0x411: {  	[hbm4b:s13+s3] =	stream.linear.scatter [tilespmem:s6], [sflag:$0x3], $0x4000, $0x38;
	[tilespmem:$0x1A000] =	vst v63  }
0x412: {  	_ =	swait.ge [sflag:s9], $0x4000  }
0x413: {  	s12 =	sld [smem:$0x7D4]  }
0x414: {  	[sflag:s9] =	ssyncset.done $0x0  }
0x415: {  	[sflag:s9] =	ssyncadd.s32 $0xFFFFC000  }
0x416: {  	[tilespmem:s6], [sflag:$0x1] =	stream.indirect.gather [spmem:s2], $0x80, s12, s5, $0xb8;
	[tilespmem:$0x1A000] =	vst v63  }
0x417: {  	_ =	swait.ge [sflag:s10], $0x4000  }
0x418: {  	s13 =	sld [smem:$0x7D5]  }
0x419: {  	[sflag:s10] =	ssyncset.done $0x0  }
0x41a: {  	[sflag:s10] =	ssyncadd.s32 $0xFFFFC000  }
0x41b: {  	[hbm4b:s13+s3] =	stream.linear.scatter [tilespmem:s7], [sflag:$0x4], $0x4000, $0x38;
	[tilespmem:$0x1A000] =	vst v63  }
0x41c: {  	_ =	swait.ge [sflag:s11], $0x4000  }
0x41d: {  	s12 =	sld [smem:$0x7D6]  }
0x41e: {  	[sflag:s11] =	ssyncset.done $0x0  }
0x41f: {  	[sflag:s11] =	ssyncadd.s32 $0xFFFFC000  }
0x420: {  	[tilespmem:s7], [sflag:$0x2] =	stream.indirect.gather [spmem:s2], $0x80, s12, s5, $0xb8;
	[tilespmem:$0x1A000] =	vst v63  }
0x421: {  	_ =	swait.ge [sflag:s8], $0x4000  }
0x422: {  	s13 =	sld [smem:$0x7D7]  }
0x423: {  	[sflag:s8] =	ssyncset.done $0x0  }
0x424: {  	[sflag:s8] =	ssyncadd.s32 $0xFFFFC000  }
0x425: {  	[hbm4b:s13+s3] =	stream.linear.scatter [tilespmem:s6], [sflag:$0x3], $0x4000, $0x38;
	[tilespmem:$0x1A000] =	vst v63  }
0x426: {  	_ =	swait.ge [sflag:s9], $0x4000  }
0x427: {  	s12 =	sld [smem:$0x7D8]  }
0x428: {  	[sflag:s9] =	ssyncset.done $0x0  }
0x429: {  	[sflag:s9] =	ssyncadd.s32 $0xFFFFC000  }
0x42a: {  	[tilespmem:s6], [sflag:$0x1] =	stream.indirect.gather [spmem:s2], $0x80, s12, s5, $0xb8;
	[tilespmem:$0x1A000] =	vst v63  }
0x42b: {  	_ =	swait.ge [sflag:s10], $0x4000  }
0x42c: {  	s13 =	sld [smem:$0x7D9]  }
0x42d: {  	[sflag:s10] =	ssyncset.done $0x0  }
0x42e: {  	[sflag:s10] =	ssyncadd.s32 $0xFFFFC000  }
0x42f: {  	[hbm4b:s13+s3] =	stream.linear.scatter [tilespmem:s7], [sflag:$0x4], $0x4000, $0x38;
	[tilespmem:$0x1A000] =	vst v63  }
0x430: {  	_ =	swait.ge [sflag:s11], $0x4000  }
0x431: {  	s12 =	sld [smem:$0x7DA]  }
0x432: {  	[sflag:s11] =	ssyncset.done $0x0  }
0x433: {  	[sflag:s11] =	ssyncadd.s32 $0xFFFFC000  }
0x434: {  	[tilespmem:s7], [sflag:$0x2] =	stream.indirect.gather [spmem:s2], $0x80, s12, s5, $0xb8;
	[tilespmem:$0x1A000] =	vst v63  }
0x435: {  	_ =	swait.ge [sflag:s8], $0x4000  }
0x436: {  	s13 =	sld [smem:$0x7DB]  }
0x437: {  	[sflag:s8] =	ssyncset.done $0x0  }
0x438: {  	[sflag:s8] =	ssyncadd.s32 $0xFFFFC000  }
0x439: {  	[hbm4b:s13+s3] =	stream.linear.scatter [tilespmem:s6], [sflag:$0x3], $0x4000, $0x38;
	[tilespmem:$0x1A000] =	vst v63  }
0x43a: {  	_ =	swait.ge [sflag:s9], $0x4000  }
0x43b: {  	s12 =	sld [smem:$0x7DC]  }
0x43c: {  	[sflag:s9] =	ssyncset.done $0x0  }
0x43d: {  	[sflag:s9] =	ssyncadd.s32 $0xFFFFC000  }
0x43e: {  	[tilespmem:s6], [sflag:$0x1] =	stream.indirect.gather [spmem:s2], $0x80, s12, s5, $0xb8;
	[tilespmem:$0x1A000] =	vst v63  }
0x43f: {  	_ =	swait.ge [sflag:s10], $0x4000  }
0x440: {  	s13 =	sld [smem:$0x7DD]  }
0x441: {  	[sflag:s10] =	ssyncset.done $0x0  }
0x442: {  	[sflag:s10] =	ssyncadd.s32 $0xFFFFC000  }
0x443: {  	[hbm4b:s13+s3] =	stream.linear.scatter [tilespmem:s7], [sflag:$0x4], $0x4000, $0x38;
	[tilespmem:$0x1A000] =	vst v63  }
0x444: {  	_ =	swait.ge [sflag:s11], $0x4000  }
0x445: {  	s12 =	sld [smem:$0x7DE]  }
0x446: {  	[sflag:s11] =	ssyncset.done $0x0  }
0x447: {  	[sflag:s11] =	ssyncadd.s32 $0xFFFFC000  }
0x448: {  	[tilespmem:s7], [sflag:$0x2] =	stream.indirect.gather [spmem:s2], $0x80, s12, s5, $0xb8;
	[tilespmem:$0x1A000] =	vst v63  }
0x449: {  	_ =	swait.ge [sflag:s8], $0x4000  }
0x44a: {  	s13 =	sld [smem:$0x7DF]  }
0x44b: {  	[sflag:s8] =	ssyncset.done $0x0  }
0x44c: {  	[sflag:s8] =	ssyncadd.s32 $0xFFFFC000  }
0x44d: {  	[hbm4b:s13+s3] =	stream.linear.scatter [tilespmem:s6], [sflag:$0x3], $0x4000, $0x38;
	[tilespmem:$0x1A000] =	vst v63  }
0x44e: {  	_ =	swait.ge [sflag:s9], $0x4000  }
0x44f: {  	s12 =	sld [smem:$0x7E0]  }
0x450: {  	[sflag:s9] =	ssyncset.done $0x0  }
0x451: {  	[sflag:s9] =	ssyncadd.s32 $0xFFFFC000  }
0x452: {  	[tilespmem:s6], [sflag:$0x1] =	stream.indirect.gather [spmem:s2], $0x80, s12, s5, $0xb8;
	[tilespmem:$0x1A000] =	vst v63  }
0x453: {  	_ =	swait.ge [sflag:s10], $0x4000  }
0x454: {  	s13 =	sld [smem:$0x7E1]  }
0x455: {  	[sflag:s10] =	ssyncset.done $0x0  }
0x456: {  	[sflag:s10] =	ssyncadd.s32 $0xFFFFC000  }
0x457: {  	[hbm4b:s13+s3] =	stream.linear.scatter [tilespmem:s7], [sflag:$0x4], $0x4000, $0x38;
	[tilespmem:$0x1A000] =	vst v63  }
0x458: {  	_ =	swait.ge [sflag:s11], $0x4000  }
0x459: {  	s12 =	sld [smem:$0x7E2]  }
0x45a: {  	[sflag:s11] =	ssyncset.done $0x0  }
0x45b: {  	[sflag:s11] =	ssyncadd.s32 $0xFFFFC000  }
0x45c: {  	[tilespmem:s7], [sflag:$0x2] =	stream.indirect.gather [spmem:s2], $0x80, s12, s5, $0xb8;
	[tilespmem:$0x1A000] =	vst v63  }
0x45d: {  	_ =	swait.ge [sflag:s8], $0x4000  }
0x45e: {  	s13 =	sld [smem:$0x7E3]  }
0x45f: {  	[sflag:s8] =	ssyncset.done $0x0  }
0x460: {  	[sflag:s8] =	ssyncadd.s32 $0xFFFFC000  }
0x461: {  	[hbm4b:s13+s3] =	stream.linear.scatter [tilespmem:s6], [sflag:$0x3], $0x4000, $0x38;
	[tilespmem:$0x1A000] =	vst v63  }
0x462: {  	_ =	swait.ge [sflag:s9], $0x4000  }
0x463: {  	s12 =	sld [smem:$0x7E4]  }
0x464: {  	[sflag:s9] =	ssyncset.done $0x0  }
0x465: {  	[sflag:s9] =	ssyncadd.s32 $0xFFFFC000  }
0x466: {  	[tilespmem:s6], [sflag:$0x1] =	stream.indirect.gather [spmem:s2], $0x80, s12, s5, $0xb8;
	[tilespmem:$0x1A000] =	vst v63  }
0x467: {  	_ =	swait.ge [sflag:s10], $0x4000  }
0x468: {  	s13 =	sld [smem:$0x7E5]  }
0x469: {  	[sflag:s10] =	ssyncset.done $0x0  }
0x46a: {  	[sflag:s10] =	ssyncadd.s32 $0xFFFFC000  }
0x46b: {  	[hbm4b:s13+s3] =	stream.linear.scatter [tilespmem:s7], [sflag:$0x4], $0x4000, $0x38;
	[tilespmem:$0x1A000] =	vst v63  }
0x46c: {  	_ =	swait.ge [sflag:s11], $0x4000  }
0x46d: {  	s12 =	sld [smem:$0x7E6]  }
0x46e: {  	[sflag:s11] =	ssyncset.done $0x0  }
0x46f: {  	[sflag:s11] =	ssyncadd.s32 $0xFFFFC000  }
0x470: {  	[tilespmem:s7], [sflag:$0x2] =	stream.indirect.gather [spmem:s2], $0x80, s12, s5, $0xb8;
	[tilespmem:$0x1A000] =	vst v63  }
0x471: {  	_ =	swait.ge [sflag:s8], $0x4000  }
0x472: {  	s13 =	sld [smem:$0x7E7]  }
0x473: {  	[sflag:s8] =	ssyncset.done $0x0  }
0x474: {  	[sflag:s8] =	ssyncadd.s32 $0xFFFFC000  }
0x475: {  	[hbm4b:s13+s3] =	stream.linear.scatter [tilespmem:s6], [sflag:$0x3], $0x4000, $0x38;
	[tilespmem:$0x1A000] =	vst v63  }
0x476: {  	_ =	swait.ge [sflag:s9], $0x4000  }
0x477: {  	s12 =	sld [smem:$0x7E8]  }
0x478: {  	[sflag:s9] =	ssyncset.done $0x0  }
0x479: {  	[sflag:s9] =	ssyncadd.s32 $0xFFFFC000  }
0x47a: {  	[tilespmem:s6], [sflag:$0x1] =	stream.indirect.gather [spmem:s2], $0x80, s12, s5, $0xb8;
	[tilespmem:$0x1A000] =	vst v63  }
0x47b: {  	_ =	swait.ge [sflag:s10], $0x4000  }
0x47c: {  	s13 =	sld [smem:$0x7E9]  }
0x47d: {  	[sflag:s10] =	ssyncset.done $0x0  }
0x47e: {  	[sflag:s10] =	ssyncadd.s32 $0xFFFFC000  }
0x47f: {  	[hbm4b:s13+s3] =	stream.linear.scatter [tilespmem:s7], [sflag:$0x4], $0x4000, $0x38;
	[tilespmem:$0x1A000] =	vst v63  }
0x480: {  	_ =	swait.ge [sflag:s11], $0x4000  }
0x481: {  	[sflag:s11] =	ssyncset.done $0x0  }
0x482: {  	s12 =	simm.s32 $0x1680;
	[sflag:s11] =	ssyncadd.s32 $0xFFFFC000  }
0x483: {  	[tilespmem:s7], [sflag:$0x2] =	stream.indirect.gather [spmem:s2], $0x80, s12, s5, $0xb8;
	[tilespmem:$0x1A000] =	vst v63  }
0x484: {  	_ =	swait.ge [sflag:s8], $0x4000  }
0x485: {  	s13 =	sld [smem:$0x7EA]  }
0x486: {  	[sflag:s8] =	ssyncset.done $0x0  }
0x487: {  	[sflag:s8] =	ssyncadd.s32 $0xFFFFC000  }
0x488: {  	[hbm4b:s13+s3] =	stream.linear.scatter [tilespmem:s6], [sflag:$0x3], $0x4000, $0x38;
	[tilespmem:$0x1A000] =	vst v63  }
0x489: {  	_ =	swait.ge [sflag:s9], $0x4000  }
0x48a: {  	[sflag:s9] =	ssyncset.done $0x0  }
0x48b: {  	s12 =	simm.s32 $0x1700;
	[sflag:s9] =	ssyncadd.s32 $0xFFFFC000  }
0x48c: {  	[tilespmem:s6], [sflag:$0x1] =	stream.indirect.gather [spmem:s2], $0x80, s12, s5, $0xb8;
	[tilespmem:$0x1A000] =	vst v63  }
0x48d: {  	_ =	swait.ge [sflag:s10], $0x4000  }
0x48e: {  	s13 =	sld [smem:$0x7EB]  }
0x48f: {  	[sflag:s10] =	ssyncset.done $0x0  }
0x490: {  	[sflag:s10] =	ssyncadd.s32 $0xFFFFC000  }
0x491: {  	[hbm4b:s13+s3] =	stream.linear.scatter [tilespmem:s7], [sflag:$0x4], $0x4000, $0x38;
	[tilespmem:$0x1A000] =	vst v63  }
0x492: {  	_ =	swait.ge [sflag:s11], $0x4000  }
0x493: {  	[sflag:s11] =	ssyncset.done $0x0  }
0x494: {  	[sflag:s11] =	ssyncadd.s32 $0xFFFFC000  }
0x495: {  	[tilespmem:s7], [sflag:$0x2] =	stream.indirect.gather [spmem:s2], $0x80, s14, s5, $0xb8;
	[tilespmem:$0x1A000] =	vst v63  }
0x496: {  	_ =	swait.ge [sflag:s8], $0x4000  }
0x497: {  	s12 =	sld [smem:$0x7EC]  }
0x498: {  	[sflag:s8] =	ssyncset.done $0x0  }
0x499: {  	[sflag:s8] =	ssyncadd.s32 $0xFFFFC000  }
0x49a: {  	[hbm4b:s12+s3] =	stream.linear.scatter [tilespmem:s6], [sflag:$0x3], $0x4000, $0x38;
	[tilespmem:$0x1A000] =	vst v63  }
0x49b: {  	_ =	swait.ge [sflag:s9], $0x4000  }
0x49c: {  	[sflag:s9] =	ssyncset.done $0x0  }
0x49d: {  	[sflag:s9] =	ssyncadd.s32 $0xFFFFC000  }
0x49e: {  	[tilespmem:s6], [sflag:$0x1] =	stream.indirect.gather [spmem:s2], $0x80, s15, s5, $0xb8;
	[tilespmem:$0x1A000] =	vst v63  }
0x49f: {  	_ =	swait.ge [sflag:s10], $0x4000  }
0x4a0: {  	s13 =	sld [smem:$0x7ED]  }
0x4a1: {  	[sflag:s10] =	ssyncset.done $0x0  }
0x4a2: {  	[sflag:s10] =	ssyncadd.s32 $0xFFFFC000  }
0x4a3: {  	[hbm4b:s13+s3] =	stream.linear.scatter [tilespmem:s7], [sflag:$0x4], $0x4000, $0x38;
	[tilespmem:$0x1A000] =	vst v63  }
0x4a4: {  	_ =	swait.ge [sflag:s11], $0x4000  }
0x4a5: {  	[sflag:s11] =	ssyncset.done $0x0  }
0x4a6: {  	[sflag:s11] =	ssyncadd.s32 $0xFFFFC000  }
0x4a7: {  	[tilespmem:s7], [sflag:$0x2] =	stream.indirect.gather [spmem:s2], $0x80, s16, s5, $0xb8;
	[tilespmem:$0x1A000] =	vst v63  }
0x4a8: {  	_ =	swait.ge [sflag:s8], $0x4000  }
0x4a9: {  	s12 =	sld [smem:$0x7EE]  }
0x4aa: {  	[sflag:s8] =	ssyncset.done $0x0  }
0x4ab: {  	[sflag:s8] =	ssyncadd.s32 $0xFFFFC000  }
0x4ac: {  	[hbm4b:s12+s3] =	stream.linear.scatter [tilespmem:s6], [sflag:$0x3], $0x4000, $0x38;
	[tilespmem:$0x1A000] =	vst v63  }
0x4ad: {  	_ =	swait.ge [sflag:s9], $0x4000  }
0x4ae: {  	[sflag:s9] =	ssyncset.done $0x0  }
0x4af: {  	[sflag:s9] =	ssyncadd.s32 $0xFFFFC000  }
0x4b0: {  	[tilespmem:s6], [sflag:$0x1] =	stream.indirect.gather [spmem:s2], $0x80, s17, s5, $0xb8;
	[tilespmem:$0x1A000] =	vst v63  }
0x4b1: {  	_ =	swait.ge [sflag:s10], $0x4000  }
0x4b2: {  	s13 =	sld [smem:$0x7EF]  }
0x4b3: {  	[sflag:s10] =	ssyncset.done $0x0  }
0x4b4: {  	[sflag:s10] =	ssyncadd.s32 $0xFFFFC000  }
0x4b5: {  	[hbm4b:s13+s3] =	stream.linear.scatter [tilespmem:s7], [sflag:$0x4], $0x4000, $0x38;
	[tilespmem:$0x1A000] =	vst v63  }
0x4b6: {  	_ =	swait.ge [sflag:s11], $0x4000  }
0x4b7: {  	[sflag:s11] =	ssyncset.done $0x0  }
0x4b8: {  	[sflag:s11] =	ssyncadd.s32 $0xFFFFC000  }
0x4b9: {  	[tilespmem:s7], [sflag:$0x2] =	stream.indirect.gather [spmem:s2], $0x80, s18, s5, $0xb8;
	[tilespmem:$0x1A000] =	vst v63  }
0x4ba: {  	_ =	swait.ge [sflag:s8], $0x4000  }
0x4bb: {  	s12 =	sld [smem:$0x7F0]  }
0x4bc: {  	[sflag:s8] =	ssyncset.done $0x0  }
0x4bd: {  	[sflag:s8] =	ssyncadd.s32 $0xFFFFC000  }
0x4be: {  	[hbm4b:s12+s3] =	stream.linear.scatter [tilespmem:s6], [sflag:$0x3], $0x4000, $0x38;
	[tilespmem:$0x1A000] =	vst v63  }
0x4bf: {  	_ =	swait.ge [sflag:s9], $0x4000  }
0x4c0: {  	[sflag:s9] =	ssyncset.done $0x0  }
0x4c1: {  	[sflag:s9] =	ssyncadd.s32 $0xFFFFC000  }
0x4c2: {  	[tilespmem:s6], [sflag:$0x1] =	stream.indirect.gather [spmem:s2], $0x80, s19, s5, $0xb8;
	[tilespmem:$0x1A000] =	vst v63  }
0x4c3: {  	_ =	swait.ge [sflag:s10], $0x4000  }
0x4c4: {  	s13 =	sld [smem:$0x7F1]  }
0x4c5: {  	[sflag:s10] =	ssyncset.done $0x0  }
0x4c6: {  	[sflag:s10] =	ssyncadd.s32 $0xFFFFC000  }
0x4c7: {  	[hbm4b:s13+s3] =	stream.linear.scatter [tilespmem:s7], [sflag:$0x4], $0x4000, $0x38;
	[tilespmem:$0x1A000] =	vst v63  }
0x4c8: {  	_ =	swait.ge [sflag:s11], $0x4000  }
0x4c9: {  	[sflag:s11] =	ssyncset.done $0x0  }
0x4ca: {  	[sflag:s11] =	ssyncadd.s32 $0xFFFFC000  }
0x4cb: {  	[tilespmem:s7], [sflag:$0x2] =	stream.indirect.gather [spmem:s2], $0x80, s20, s5, $0xb8;
	[tilespmem:$0x1A000] =	vst v63  }
0x4cc: {  	_ =	swait.ge [sflag:s8], $0x4000  }
0x4cd: {  	s12 =	sld [smem:$0x7F2]  }
0x4ce: {  	[sflag:s8] =	ssyncset.done $0x0  }
0x4cf: {  	[sflag:s8] =	ssyncadd.s32 $0xFFFFC000  }
0x4d0: {  	[hbm4b:s12+s3] =	stream.linear.scatter [tilespmem:s6], [sflag:$0x3], $0x4000, $0x38;
	[tilespmem:$0x1A000] =	vst v63  }
0x4d1: {  	_ =	swait.ge [sflag:s9], $0x4000  }
0x4d2: {  	[sflag:s9] =	ssyncset.done $0x0  }
0x4d3: {  	[sflag:s9] =	ssyncadd.s32 $0xFFFFC000  }
0x4d4: {  	[tilespmem:s6], [sflag:$0x1] =	stream.indirect.gather [spmem:s2], $0x80, s21, s5, $0xb8;
	[tilespmem:$0x1A000] =	vst v63  }
0x4d5: {  	_ =	swait.ge [sflag:s10], $0x4000  }
0x4d6: {  	s13 =	sld [smem:$0x7F3]  }
0x4d7: {  	[sflag:s10] =	ssyncset.done $0x0  }
0x4d8: {  	[sflag:s10] =	ssyncadd.s32 $0xFFFFC000  }
0x4d9: {  	[hbm4b:s13+s3] =	stream.linear.scatter [tilespmem:s7], [sflag:$0x4], $0x4000, $0x38;
	[tilespmem:$0x1A000] =	vst v63  }
0x4da: {  	_ =	swait.ge [sflag:s11], $0x4000  }
0x4db: {  	[sflag:s11] =	ssyncset.done $0x0  }
0x4dc: {  	[sflag:s11] =	ssyncadd.s32 $0xFFFFC000  }
0x4dd: {  	[tilespmem:s7], [sflag:$0x2] =	stream.indirect.gather [spmem:s2], $0x80, s22, s5, $0xb8;
	[tilespmem:$0x1A000] =	vst v63  }
0x4de: {  	_ =	swait.ge [sflag:s8], $0x4000  }
0x4df: {  	s12 =	sld [smem:$0x7F4]  }
0x4e0: {  	[sflag:s8] =	ssyncset.done $0x0  }
0x4e1: {  	[sflag:s8] =	ssyncadd.s32 $0xFFFFC000  }
0x4e2: {  	[hbm4b:s12+s3] =	stream.linear.scatter [tilespmem:s6], [sflag:$0x3], $0x4000, $0x38;
	[tilespmem:$0x1A000] =	vst v63  }
0x4e3: {  	_ =	swait.ge [sflag:s9], $0x4000  }
0x4e4: {  	[sflag:s9] =	ssyncset.done $0x0  }
0x4e5: {  	[sflag:s9] =	ssyncadd.s32 $0xFFFFC000  }
0x4e6: {  	[tilespmem:s6], [sflag:$0x1] =	stream.indirect.gather [spmem:s2], $0x80, s23, s5, $0xb8;
	[tilespmem:$0x1A000] =	vst v63  }
0x4e7: {  	_ =	swait.ge [sflag:s10], $0x4000  }
0x4e8: {  	s13 =	sld [smem:$0x7F5]  }
0x4e9: {  	[sflag:s10] =	ssyncset.done $0x0  }
0x4ea: {  	[sflag:s10] =	ssyncadd.s32 $0xFFFFC000  }
0x4eb: {  	[hbm4b:s13+s3] =	stream.linear.scatter [tilespmem:s7], [sflag:$0x4], $0x4000, $0x38;
	[tilespmem:$0x1A000] =	vst v63  }
0x4ec: {  	_ =	swait.ge [sflag:s11], $0x4000  }
0x4ed: {  	[sflag:s11] =	ssyncset.done $0x0  }
0x4ee: {  	[sflag:s11] =	ssyncadd.s32 $0xFFFFC000  }
0x4ef: {  	[tilespmem:s7], [sflag:$0x2] =	stream.indirect.gather [spmem:s2], $0x80, s24, s5, $0xb8;
	[tilespmem:$0x1A000] =	vst v63  }
0x4f0: {  	_ =	swait.ge [sflag:s8], $0x4000  }
0x4f1: {  	s12 =	sld [smem:$0x7F6]  }
0x4f2: {  	[sflag:s8] =	ssyncset.done $0x0  }
0x4f3: {  	[sflag:s8] =	ssyncadd.s32 $0xFFFFC000  }
0x4f4: {  	[hbm4b:s12+s3] =	stream.linear.scatter [tilespmem:s6], [sflag:$0x3], $0x4000, $0x38;
	[tilespmem:$0x1A000] =	vst v63  }
0x4f5: {  	_ =	swait.ge [sflag:s9], $0x4000  }
0x4f6: {  	[sflag:s9] =	ssyncset.done $0x0  }
0x4f7: {  	[sflag:s9] =	ssyncadd.s32 $0xFFFFC000  }
0x4f8: {  	[tilespmem:s6], [sflag:$0x1] =	stream.indirect.gather [spmem:s2], $0x80, s25, s5, $0xb8;
	[tilespmem:$0x1A000] =	vst v63  }
0x4f9: {  	_ =	swait.ge [sflag:s10], $0x4000  }
0x4fa: {  	s13 =	sld [smem:$0x7F7]  }
0x4fb: {  	[sflag:s10] =	ssyncset.done $0x0  }
0x4fc: {  	[sflag:s10] =	ssyncadd.s32 $0xFFFFC000  }
0x4fd: {  	[hbm4b:s13+s3] =	stream.linear.scatter [tilespmem:s7], [sflag:$0x4], $0x4000, $0x38;
	[tilespmem:$0x1A000] =	vst v63  }
0x4fe: {  	_ =	swait.ge [sflag:s11], $0x4000  }
0x4ff: {  	[sflag:s11] =	ssyncset.done $0x0  }
0x500: {  	[sflag:s11] =	ssyncadd.s32 $0xFFFFC000  }
0x501: {  	[tilespmem:s7], [sflag:$0x2] =	stream.indirect.gather [spmem:s2], $0x80, s26, s5, $0xb8;
	[tilespmem:$0x1A000] =	vst v63  }
0x502: {  	_ =	swait.ge [sflag:s8], $0x4000  }
0x503: {  	s12 =	sld [smem:$0x7F8]  }
0x504: {  	[sflag:s8] =	ssyncset.done $0x0  }
0x505: {  	[sflag:s8] =	ssyncadd.s32 $0xFFFFC000  }
0x506: {  	[hbm4b:s12+s3] =	stream.linear.scatter [tilespmem:s6], [sflag:$0x3], $0x4000, $0x38;
	[tilespmem:$0x1A000] =	vst v63  }
0x507: {  	_ =	swait.ge [sflag:s9], $0x4000  }
0x508: {  	[sflag:s9] =	ssyncset.done $0x0  }
0x509: {  	[sflag:s9] =	ssyncadd.s32 $0xFFFFC000  }
0x50a: {  	[tilespmem:s6], [sflag:$0x1] =	stream.indirect.gather [spmem:s2], $0x80, s28, s5, $0xb8;
	[tilespmem:$0x1A000] =	vst v63  }
0x50b: {  	_ =	swait.ge [sflag:s10], $0x4000  }
0x50c: {  	s13 =	sld [smem:$0x7F9]  }
0x50d: {  	[sflag:s10] =	ssyncset.done $0x0  }
0x50e: {  	[sflag:s10] =	ssyncadd.s32 $0xFFFFC000  }
0x50f: {  	[hbm4b:s13+s3] =	stream.linear.scatter [tilespmem:s7], [sflag:$0x4], $0x4000, $0x38;
	[tilespmem:$0x1A000] =	vst v63  }
0x510: {  	_ =	swait.ge [sflag:s11], $0x4000  }
0x511: {  	[sflag:s11] =	ssyncset.done $0x0  }
0x512: {  	[sflag:s11] =	ssyncadd.s32 $0xFFFFC000  }
0x513: {  	[tilespmem:s7], [sflag:$0x2] =	stream.indirect.gather [spmem:s2], $0x80, s29, s5, $0xb8;
	[tilespmem:$0x1A000] =	vst v63  }
0x514: {  	_ =	swait.ge [sflag:s8], $0x4000  }
0x515: {  	s12 =	sld [smem:$0x7FA]  }
0x516: {  	[sflag:s8] =	ssyncset.done $0x0  }
0x517: {  	[sflag:s8] =	ssyncadd.s32 $0xFFFFC000  }
0x518: {  	[hbm4b:s12+s3] =	stream.linear.scatter [tilespmem:s6], [sflag:$0x3], $0x4000, $0x38;
	[tilespmem:$0x1A000] =	vst v63  }
0x519: {  	_ =	swait.ge [sflag:s9], $0x4000  }
0x51a: {  	[sflag:s9] =	ssyncset.done $0x0  }
0x51b: {  	[sflag:s9] =	ssyncadd.s32 $0xFFFFC000  }
0x51c: {  	[tilespmem:s6], [sflag:$0x1] =	stream.indirect.gather [spmem:s2], $0x80, s30, s5, $0xb8;
	[tilespmem:$0x1A000] =	vst v63  }
0x51d: {  	_ =	swait.ge [sflag:s10], $0x4000  }
0x51e: {  	s13 =	sld [smem:$0x7FB]  }
0x51f: {  	[sflag:s10] =	ssyncset.done $0x0  }
0x520: {  	[sflag:s10] =	ssyncadd.s32 $0xFFFFC000  }
0x521: {  	[hbm4b:s13+s3] =	stream.linear.scatter [tilespmem:s7], [sflag:$0x4], $0x4000, $0x38;
	[tilespmem:$0x1A000] =	vst v63  }
0x522: {  	_ =	swait.ge [sflag:s11], $0x4000  }
0x523: {  	[sflag:s11] =	ssyncset.done $0x0  }
0x524: {  	[sflag:s11] =	ssyncadd.s32 $0xFFFFC000  }
0x525: {  	[tilespmem:s7], [sflag:$0x2] =	stream.indirect.gather [spmem:s2], $0x80, s31, s5, $0xb8;
	[tilespmem:$0x1A000] =	vst v63  }
0x526: {  	_ =	swait.ge [sflag:s8], $0x4000  }
0x527: {  	s12 =	sld [smem:$0x7FC]  }
0x528: {  	[sflag:s8] =	ssyncset.done $0x0  }
0x529: {  	[sflag:s8] =	ssyncadd.s32 $0xFFFFC000  }
0x52a: {  	[hbm4b:s12+s3] =	stream.linear.scatter [tilespmem:s6], [sflag:$0x3], $0x4000, $0x38;
	[tilespmem:$0x1A000] =	vst v63  }
0x52b: {  	_ =	swait.ge [sflag:s10], $0x4000  }
0x52c: {  	s13 =	sld [smem:$0x7FD]  }
0x52d: {  	[sflag:s10] =	ssyncset.done $0x0  }
0x52e: {  	p0 =	sne.s32 s0, $0x1;
	[sflag:s10] =	ssyncadd.s32 $0xFFFFC000  }
0x52f: {  	[hbm4b:s13+s3] =	stream.linear.scatter [tilespmem:s7], [sflag:$0x4], $0x4000, $0x38;
	[tilespmem:$0x1A000] =	vst v63  }
.Ltmp1:
0x530: {  	_ = 	snop;
	(pc) =	sbr.rel @p0 .LBB2_1-.Ltmp1, $4  }
0x531: {  	_ =	swait.ge [sflag:s9], $0x4000  }
0x532: {  	[sflag:s9] =	ssyncset.done $0x0  }
0x533: {  	[sflag:s9] =	ssyncadd.s32 $0xFFFFC000  }
0x534: {  	s0 =	sadd.s32 $0xFFFFFFFF, s0;
	_ =	swait.ge [sflag:s11], $0x4000  }
.LBB2_2:
0x535: {  	[sflag:s11] =	ssyncset.done $0x0  }
0x536: {  	[sflag:s11] =	ssyncadd.s32 $0xFFFFC000  }
0x537: {  	_ =	sfence.sel $0x180000  }
0x538: {  	[bflag:$0x0] =	sbarrier.arrive $0xFFFF  }
0x539: {  	_ =	strace $0x90000047  }
0x53a: {  	s0 =	stileid.u32;
	[bflag:$0x2] =	sbarrier.arrive $0xFFFF  }
0x53b: {  	p0 =	sne.s32 s0, $0x0;
	s0 =	rddreg [dreg:$0x3]  }
0x53c: {  	s0 =	sadd.s32 @!p0 $0x100000, s0  }
0x53d: {  	[sflag:s0] =	ssyncadd.tile.s32 @!p0 $0x1;
	_ =	shalt  }
.Lfunc_end2:
_tile_overlayer_lowered:
.L_overlay_start_2:
0x53e: {  	(tag) =	ssettag $0x2  }
0x53f: {  	s0 =	rddreg [dreg:$0x0];
	s2 =	stileid.u32  }
0x540: {  	s1 =	rddreg [dreg:$0x1];
	p0 =	sne.s32 s2, $0x0  }
0x541: {  	s3 =	rddreg [dreg:$0x2];
	[bflag:$0x3] =	sbarrier.arrive $0xFFFF;
	s2 =	simm.s32 @!p0 $0x1C05  }
0x542: {  	[timem:s3], [sflag:s2] =	dma.local @!p0 [hbm:s0], s1  }
0x543: {  	s0 =	simm.s32 @!p0 $0x5  }
0x544: {  	_ =	swait.ge @!p0 [sflag:s0], s1  }
0x545: {  	s1 =	ssub.s32 @!p0 $0x0, s1;
	[sflag:s0] =	ssyncset.done @!p0 $0x0  }
0x546: {  	[sflag:s0] =	ssyncadd.s32 @!p0 s1  }
0x547: {  	[bflag:$0x3] =	sbarrier.arrive $0xFFFF  }
0x548: {  	_ =	shalt  }

// kernel: sparse-core-data-format-call.cloned.1.call-start
scs
called_computation_lowered:
.L_overlay_start_0:
0x0: {  	s2 =	sld [smem:$0x3FD9]  }
0x1: {  	s3 =	sld [smem:$0x3FFE];
	_ =	sdelay $0x1  }
0x2: {  	s1 =	srdreg.scid  }
0x3: {  	s0 =	sand.u32 $0x1, s1  }
0x4: {  	s18 =	sshll.u32 s0, $0xA;
	s2 =	sadd.s32 s3, s2  }
0x5: {  	s2 =	sadd.s32 s2, s18  }
0x6: {  	[smem:$0x3FC6] =	sst s2  }
0x7: {  	_ = 	snop  }
0x8: {  	s2 =	sld [smem:$0x3FD0];
	(tm) =	ssettm $0x1  }
0x9: {  	s19 =	sld [smem:$0x3FFB];
	_ =	sdelay $0x3  }
0xa: {  	_ =	strace s19  }
0xb: {  	s3 =	sld [smem:$0x3FFC];
	_ =	sdelay $0x3  }
0xc: {  	_ =	strace s3  }
0xd: {  	s3 =	sld [smem:$0x3FFD];
	_ =	sdelay $0x3  }
0xe: {  	_ =	strace s3  }
0xf: {  	_ =	strace $0x8FFFFFFF  }
0x10: {  	s20 =	sld [smem:$0x3FDB];
	_ =	sdelay $0x1  }
0x11: {  	s4 =	simm.s32 $_scs_section_size  }
0x12: {  	s5 =	simm.s32 $_size__tile_overlayer_lowered;
	s6 =	simm.s32 $_tile_overlayer_lowered  }
0x13: {  	s23 =	simm.s32 $0x1BFF;
	s22 =	sshll.u32 s6, $0x1;
	s3 =	sadd.s32 s4, s20  }
0x14: {  	s7 =	simm.s32 $0x0;
	s21 =	sshll.u32 s5, $0x1;
	s5 =	sadd.s32 s22, s3  }
0x15: {  	[timem:s7], [sflag:s23] =	dma.local [hbm:s5], s21  }
0x16: {  	_ =	swait.ge [sflag:s23], s21  }
0x17: {  	s4 =	ssub.s32 $0x0, s21;
	[sflag:s23] =	ssyncset.done $0x0  }
0x18: {  	[sflag:s23] =	ssyncadd.s32 s4;
	_ =	sdelay $0x1  }
0x19: {  	s24 =	simm.s32 $0x1B8B  }
0x1a: {  	_ =	swait.ge [sflag:s24], $0x1  }
0x1b: {  	[sflag:s24] =	ssyncset.done $0x0  }
0x1c: {  	s26 =	simm.s32 $0x1B8E;
	s25 =	sld [smem:$0x3FFE];
	[sflag:s24] =	ssyncadd.s32 $0xFFFFFFFF  }
0x1d: {  	s27 =	simm.s32 $execute0_lowered;
	[smem:$0x3FD2] =	sst s26  }
0x1e: {  	s5 =	sshll.u32 s27, $0x1;
	_ =	strace $0x80000049;
	[dreg:$0x1] =	wrdreg $0xFFFFFFFF  }
0x1f: {  	s28 =	simm.s32 $_size_execute0_lowered;
	s3 =	sadd.s32 s3, s5;
	[dreg:$0x0] =	wrdreg $0x0  }
0x20: {  	s5 =	sshll.u32 s28, $0x1;
	[dreg:$0x2] =	wrdreg s3  }
0x21: {  	[dreg:$0x3] =	wrdreg s5  }
0x22: {  	[dreg:$0x4] =	wrdreg $0xC0  }
0x23: {  	_ =	task [dreg:s7], $0x5FFFF  }
0x24: {  	[dreg:$0x1] =	wrdreg $0xFFFFFFFF  }
0x25: {  	[dreg:$0x0] =	wrdreg $0x60  }
0x26: {  	[dreg:$0x2] =	wrdreg s25  }
0x27: {  	[dreg:$0x3] =	wrdreg s2  }
0x28: {  	[dreg:$0x4] =	wrdreg $0x9  }
0x29: {  	_ =	task.clear_ibuf [dreg:s7], $0x5FFFF;
	_ =	strace $0x90000049  }
0x2a: {  	s29 =	simm.s32 $0x9;
	_ =	strace $0x8000004B  }
0x2b: {  	_ =	swait.ge [sflag:s29], $0x1  }
0x2c: {  	[sflag:s29] =	ssyncadd.s32 $0xFFFFFFFF  }
0x2d: {  	_ =	strace $0x9000004B  }
0x2e: {  	_ =	sfence  }
0x2f: {  	s30 =	sld [smem:$0x0];
	_ =	sdelay $0x2  }
0x30: {  	s31 =	sshll.u32 s1, $0xD;
	s1 =	sshrl.u32 s1, $0x2  }
0x31: {  	s3 =	sand.u32 $0x4000, s31;
	s1 =	sadd.s32 s1, s30  }
0x32: {  	s0 =	sor.u32 s3, s0;
	s1 =	sshll.u32 s1, $0x11  }
0x33: {  	s0 =	sor.u32 s1, s0  }
0x34: {  	s0 =	sadd.s32 $0x8F2B, s0  }
0x35: {  	[sflag:s0] =	ssyncadd.remote.s32 $0x1  }
0x36: {  	_ =	sfence.sel $0xFFFF  }
0x37: {  	[dreg:$0x0] =	wrdreg $0xFFFFFFFF;
	(pc) =	sbr.abs _section_cstart, $3  }
0x38: {  	[dreg:$0x1] =	wrdreg $0xFFFFFFFF  }
0x39: {  	_ =	task.clear_ibuf [dreg:s7], $0x2FFFF;
	_ =	strace $0x9FFFFFFF  }
0x3a: {  	(tm) =	ssettm $0x7FFFFFFF  }
0x3b: {  	_ =	shalt  }
tec
execute0_lowered:
.L_overlay_start_1:
0x0: {  	(tag) =	ssettag $0x1  }
0x1: {  	s4 =	rddreg [dreg:$0x0]  }
0x2: {  	s2 =	rddreg [dreg:$0x1]  }
0x3: {  	s0 =	stileid.u32;
	s1 =	rddreg [dreg:$0x2]  }
0x4: {  	s5 =	srdreg.scid;
	_ =	strace $0x8000004A;
	s31 =	simm.s32 $0x2  }
0x5: {  	s14 =	simm.s32 $0x0;
	p0 =	por $0x0, $0x0;
	s9 =	simm.s32 $0x800  }
0x6: {  	s16 =	simm.s32 $0x0;
	s15 =	simm.s32 $0x0;
	s3 =	sshll.u32 s0, $0x7  }
0x7: {  	s10 =	simm.s32 $0x0;
	s13 =	simm.s32 $0x0;
	s3 =	sand.u32 $0x80, s3  }
0x8: {  	s5 =	sshll.u32 s5, $0x4;
	s4 =	sadd.s32 $0x8A00, s4;
	s6 =	ssub.s32 $0x100, s3  }
.Ltmp0:
0x9: {  	s5 =	sand.u32 $0x10, s5;
	s7 =	sshrl.u32 s6, $0x7;
	(pc) =	sbr.rel .LBB1_1-.Ltmp0, $4  }
0xa: {  	s5 =	sor.u32 s0, s5;
	s8 =	sshrl.u32 s6, $0x8;
	s7 =	sand.u32 $0x1, s7  }
0xb: {  	s12 =	smov.u32 s3;
	s6 =	simm.s32 $0x1;
	s7 =	sadd.s32 s8, s7  }
0xc: {  	s5 =	sshrl.u32 s5, $0x1;
	[sflag:s6] =	ssyncpa.u1 $0x0;
	s7 =	sshll.u32 s7, $0x6  }
0xd: {  	s11 =	smov.u32 s5;
	[sflag:s31] =	ssyncpa.u1 $0x0;
	s8 =	sor.u32 $0x1, s7  }
.LBB1_4:
0xe: {  	s19 =	sand.u32 $0x780, s15  }
0xf: {  	s16 =	sshll.u32 s16, $0x10;
	s20 =	sshrl.u32 s15, $0x3;
	s19 =	sadd.s32 s2, s19  }
0x10: {  	[tilespmem:s18+$0x810 ss:$0x81] =	vst.msk $0xffff, v2;
	s31 =	sand.u32 $0x7, s15;
	s20 =	sand.u32 $0xF, s20;
	s16 =	sadd.s32 s16, s19  }
0x11: {  	[tilespmem:s18+$0x1020 ss:$0x81] =	vst.msk $0xffff, v0;
	s14 =	sshll.u32 s14, $0xB;
	s15 =	sshll.u32 s31, $0x12;
	s16 =	sadd.s32 s20, s16  }
0x12: {  	[tilespmem:s18+$0x0 ss:$0x81] =	vst.msk $0xffff, v1;
	s15 =	sor.u32 $0x400, s15;
	s14 =	sadd.s32 s14, s16  }
0x13: {  	[hbm4b:s14+s15] =	stream.strided.scatter [tilespmem:s17], [sflag:$0x2], $0x2000, s9, s15, $0x20;
	[tilespmem:$0x8080] =	vst v63  }
.LBB1_5:
0x14: {  	s17 =	sadd.s32 $0x1, s10  }
0x15: {  	s14 =	sadd.s32 $0x10, s11;
	s18 =	smov.u32 s11;
	p2 =	sgt.s32 s17, $0x1F  }
0x16: {  	s18 =	smov.u32 @p2 s14  }
0x17: {  	s20 =	smov.u32 s12;
	s14 =	sadd.s32 $0x100, s12;
	p3 =	sgt.s32 s18, $0x1F  }
0x18: {  	s20 =	smov.u32 @p3 s14  }
0x19: {  	s17 =	simm.s32 @p2 $0x0;
	p2 =	sgt.s32 s20, $0xFF  }
0x1a: {  	p1 =	slt.u32 s13, $0x2;
	s20 =	smov.u32 @p2 s3;
	p2 =	sne.s32 s13, s8  }
.Ltmp1:
0x1b: {  	s19 =	simm.s32 @!p1 $0x2;
	(pc) =	sbr.rel @!p2 .LBB1_6-.Ltmp1, $4  }
0x1c: {  	s16 =	smov.u32 s11;
	s15 =	smov.u32 s12;
	_ =	swait.ge @!p1 [sflag:s19], $0x2000  }
0x1d: {  	p0 =	por !p0, !p0;
	[sflag:s19] =	ssyncset.done @!p1 $0x0;
	s18 =	smov.u32 @p3 s5  }
0x1e: {  	s14 =	smov.u32 s10;
	[sflag:s19] =	ssyncadd.s32 @!p1 $0xFFFFE000;
	s10 =	smov.u32 s17  }
0x1f: {  	s11 =	smov.u32 s18;
	s13 =	sadd.s32 $0x1, s13;
	s12 =	smov.u32 s20  }
.LBB1_1:
0x20: {  	p1 =	sge.u32 s13, s7;
	s31 =	sadd.s32 $0xFFFFFFFF, s13  }
0x21: {  	s17 =	sxor.u32 @!p1 $0xFFFFFFFF, s13;
	s18 =	sshll.u32 @!p1 s12, $0xE;
	s19 =	sshll.u32 @!p1 s11, $0x9  }
0x22: {  	s20 =	sshll.u32 @!p1 s10, $0x4;
	s17 =	sshll.u32 @!p1 s17, $0xD;
	s18 =	sadd.s32 @!p1 s4, s18  }
0x23: {  	s20 =	sand.u32 @!p1 $0x1F0, s20;
	s17 =	sand.u32 @!p1 $0x2000, s17;
	s18 =	sadd.s32 @!p1 s19, s18  }
0x24: {  	s19 =	simm.s32 @!p1 $0x40;
	s18 =	sadd.s32 @!p1 s20, s18;
	s20 =	simm.s32 @!p1 $0x20000  }
0x25: {  	[tilespmem:s17], [sflag:$0x1] =	stream.strided.gather @!p1 [hbm4b:s18+s19], $0x2000, s20, s19, $0x38;
	[tilespmem:$0x8080] =	vst v63  }
0x26: {  	p1 =	sge.u32 s31, s7  }
.Ltmp2:
0x27: {  	_ = 	snop;
	(pc) =	sbr.rel @p1 .LBB1_5-.Ltmp2, $1  }
0x28: {  	_ =	sdelay $0x3  }
0x29: {  	s17 =	simm.s32 $0x1  }
0x2a: {  	_ =	swait.ge [sflag:s6], $0x2000;
	s17 =	simm.s32 @!p0 $0x0  }
0x2b: {  	[sflag:s6] =	ssyncset.done $0x0;
	s18 =	sshll.u32 s17, $0xD  }
0x2c: {  	[sflag:s6] =	ssyncadd.s32 $0xFFFFE000;
	s21 =	sor.u32 $0x20, s18  }
0x2d: {  	s17 =	smul.u32 $0x8100, s17;
	v3 =	vld [tilespmem:s21+$0x10]  }
0x2e: {  	s30 =	sand.u32 $0x1, s13;
	v2 =	vld [tilespmem:s21+$0xFFFFFFF0]  }
0x2f: {  	s18 =	smul.u32 $0x8100, s30;
	s17 =	sshrl.u32 s17, $0x2;
	v0 =	vld [tilespmem:s21+$0x0]  }
0x30: {  	v1 =	vld [tilespmem:s21+$0xFFFFFFE0];
	s19 =	sor.u32 $0x4000, s17  }
0x31: {  	s31 =	sshrl.u32 s18, $0x2;
	s18 =	sadd.s32 $0x0, s19  }
0x32: {  	s20 =	simm.s32 $0x4;
	s21 =	sadd.s32 $0x40, s21;
	s17 =	sor.u32 $0x4000, s31;
	[tilespmem:s18+$0x1830 ss:$0x81] =	vst.msk $0xffff, v3  }
.LBB1_3:
0x33: {  	v3 =	vld [tilespmem:s21+$0x10];
	p1 =	sne.s32 s20, $0x1FC;
	[tilespmem:s18+$0x810 ss:$0x81] =	vst.msk $0xffff, v2;
	s22 =	smov.u32 s20;
	s20 =	sadd.s32 $0x4, s20  }
.Ltmp3:
0x34: {  	v2 =	vld [tilespmem:s21+$0xFFFFFFF0];
	[tilespmem:s18+$0x1020 ss:$0x81] =	vst.msk $0xffff, v0;
	(pc) =	sbr.rel @p1 .LBB1_3-.Ltmp3, $4  }
0x35: {  	v0 =	vld [tilespmem:s21+$0x0];
	[tilespmem:s18+$0x0 ss:$0x81] =	vst.msk $0xffff, v1  }
0x36: {  	s18 =	sshra.s32 s22, $0x2;
	v1 =	vld [tilespmem:s21+$0xFFFFFFE0]  }
0x37: {  	s18 =	sadd.s32 s18, s19  }
0x38: {  	s21 =	sadd.s32 $0x40, s21;
	[tilespmem:s18+$0x1830 ss:$0x81] =	vst.msk $0xffff, v3  }
.Ltmp4:
0x39: {  	_ = 	snop;
	(pc) =	sbr.rel .LBB1_4-.Ltmp4, $1  }
0x3a: {  	_ =	sdelay $0x3  }
.LBB1_6:
0x3b: {  	_ =	sfence.sel $0x180000  }
0x3c: {  	s2 =	simm.s32 $0x1;
	[bflag:$0x0] =	sbarrier.arrive $0xFFFF  }
0x3d: {  	s31 =	simm.s32 $0x2;
	[sflag:s2] =	ssyncpa.u1 $0x1  }
0x3e: {  	[sflag:s31] =	ssyncpa.u1 $0x1  }
0x3f: {  	p0 =	sne.s32 s0, $0x0;
	_ =	strace $0x9000004A  }
0x40: {  	s0 =	sadd.s32 @!p0 $0x100000, s1;
	[bflag:$0x2] =	sbarrier.arrive $0xFFFF  }
0x41: {  	[sflag:s0] =	ssyncadd.tile.s32 @!p0 $0x1;
	_ =	shalt  }
.Lfunc_end1:
_tile_overlayer_lowered:
.L_overlay_start_2:
0x42: {  	(tag) =	ssettag $0x2  }
0x43: {  	s0 =	rddreg [dreg:$0x0];
	s2 =	stileid.u32  }
0x44: {  	s1 =	rddreg [dreg:$0x1];
	p0 =	sne.s32 s2, $0x0  }
0x45: {  	s3 =	rddreg [dreg:$0x2];
	[bflag:$0x3] =	sbarrier.arrive $0xFFFF;
	s2 =	simm.s32 @!p0 $0x1C01  }
0x46: {  	[timem:s3], [sflag:s2] =	dma.local @!p0 [hbm:s0], s1  }
0x47: {  	s0 =	simm.s32 @!p0 $0x1  }
0x48: {  	_ =	swait.ge @!p0 [sflag:s0], s1  }
0x49: {  	s1 =	ssub.s32 @!p0 $0x0, s1;
	[sflag:s0] =	ssyncset.done @!p0 $0x0  }
0x4a: {  	[sflag:s0] =	ssyncadd.s32 @!p0 s1  }
0x4b: {  	[bflag:$0x3] =	sbarrier.arrive $0xFFFF  }
0x4c: {  	_ =	shalt  }

</sc_bundles>
